<compile_context>
chip_gen: v7x
topology: tpu7x:2x2x1
jax: 0.10.2.dev20260603
libtpu: 0.0.44.dev20260713+nightly
codegen_flags: <defaults>
</compile_context>

<pallas_src>
import functools

import jax
import jax.numpy as jnp
from jax import lax
from jax.experimental import pallas as pl
from jax.experimental.pallas import tpu as pltpu
from jax.experimental.pallas import tpu_sc as plsc

S = 1024
TOKEN_BITS = 32
H = 4
P = 11
RP = 2 * P
VB = 10
OB = 12
L = 16
NW = 32
TPH = NW // H
QPT = S // TPH
WKEYS = 16
NWIN = S // WKEYS
NG = QPT // L


def _bcast(ref, i):
    return plsc.load_gather(ref, [jnp.full((L,), i, jnp.int32)])


def _ctz16(m):
    low = m & (-m)
    f = low.astype(jnp.float32)
    return (lax.bitcast_convert_type(f, jnp.int32) >> 23) - 127


def _k1_body(memr, aqh, ak, vlo, vhi, connv, memv,
             firstj, projw,
             ak_v, aqh_v, idx_v, vals_v, fj_v, mx_v, vlo_v, vhi_v, connv_v,
             memv_v, pw_v, sem, sem2):
    wid = lax.axis_index("s") * 2 + lax.axis_index("c")
    h = wid // TPH
    part = wid % TPH
    q0 = h * S + part * QPT
    j0 = part * QPT

    stage = [
        pltpu.async_copy(vlo.at[pl.ds(j0, QPT)], vlo_v, sem2),
        pltpu.async_copy(vhi.at[pl.ds(j0, QPT)], vhi_v, sem2),
        pltpu.async_copy(
            connv.at[pl.ds(h * TOKEN_BITS * L, TOKEN_BITS * L)], connv_v,
            sem2),
        pltpu.async_copy(memv.at[h], memv_v, sem2),
    ]

    pltpu.sync_copy(ak.at[pl.ds(h * S, S)], ak_v)
    pltpu.sync_copy(aqh.at[pl.ds(q0, QPT)], aqh_v)

    for g in range(NG):
        fj_v[pl.ds(g * L, L)] = jnp.full((L,), S, jnp.int32)

    def scan_window(w):
        aqg = [aqh_v[pl.ds(g * L, L)] for g in range(NG)]
        for j in range(WKEYS):
            akj = _bcast(ak_v, w * WKEYS + j)
            for g in range(NG):
                idx_v[pl.ds(j * QPT + g * L, L)] = aqg[g] + akj
        copies = [
            pltpu.async_copy(memr.at[h].at[idx_v.at[pl.ds(j * QPT, QPT)]],
                             vals_v.at[pl.ds(j * QPT, QPT)], sem)
            for j in range(WKEYS)
        ]
        for cp in copies:
            cp.wait()
        mx = jnp.zeros((L,), jnp.int32)
        for g in range(NG):
            fj = fj_v[pl.ds(g * L, L)]
            m = jnp.zeros((L,), jnp.int32)
            for j in range(WKEYS):
                v = vals_v[pl.ds(j * QPT + g * L, L)]
                m = m | jnp.where(v > 0.5, jnp.int32(1 << j), jnp.int32(0))
            upd = (fj >= S) & (m != 0)
            fj = jnp.where(upd, w * WKEYS + _ctz16(m), fj)
            fj_v[pl.ds(g * L, L)] = fj
            mx = jnp.maximum(mx, fj)
        mx_v[pl.ds(0, L)] = mx

    def win_body(w, mx):
        @pl.when(mx >= S)
        def _():
            scan_window(w)

        return jnp.max(mx_v[pl.ds(0, L)])

    lax.fori_loop(0, NWIN, win_body, jnp.int32(S))
    pltpu.sync_copy(fj_v, firstj.at[pl.ds(q0, QPT)])

    for cp in stage:
        cp.wait()

    for g in range(NG):
        pw_v[pl.ds(g * L, L)] = jnp.zeros((L,), jnp.int32)

    def t_body(t, carry):
        cbs = [_bcast(connv_v, t * L + b) for b in range(VB)]
        mbs = [cb < TOKEN_BITS for cb in cbs]
        sbs = [jnp.where(m, cb, cb - TOKEN_BITS)
               for cb, m in zip(cbs, mbs)]
        bit_t = jnp.full((L,), 1, jnp.int32) << t
        tful = jnp.full((L,), t, jnp.int32)
        for g in range(NG):
            lo = vlo_v[pl.ds(g * L, L)]
            hi = vhi_v[pl.ds(g * L, L)]
            acc = jnp.zeros((L,), jnp.int32)
            for b in range(VB):
                src = jnp.where(mbs[b], lo, hi)
                acc = acc | (((src >> sbs[b]) & 1) << b)
            pv = plsc.load_gather(memv_v, [tful, acc])
            word = pw_v[pl.ds(g * L, L)]
            pw_v[pl.ds(g * L, L)] = word | jnp.where(pv > 0.5, bit_t,
                                                     jnp.int32(0))
        return carry

    lax.fori_loop(0, TOKEN_BITS, t_body, jnp.int32(0))
    pltpu.sync_copy(pw_v, projw.at[pl.ds(q0, QPT)])


def _k2_body(firstj, projw, conno, memo, outt,
             fj_all, pw_all, conno_v, memo_v, out_v):
    t = lax.axis_index("s") * 2 + lax.axis_index("c")
    pltpu.sync_copy(firstj, fj_all)
    pltpu.sync_copy(projw, pw_all)
    pltpu.sync_copy(conno, conno_v)
    pltpu.sync_copy(memo.at[t], memo_v)

    cbs = [_bcast(conno_v, t * L + b) for b in range(OB)]
    hbs = [cb >> 5 for cb in cbs]
    bps = [cb & 31 for cb in cbs]

    def g_body(g, carry):
        ws = []
        for h in range(H):
            fj = fj_all[pl.ds(h * S + g * L, L)]
            ex = fj < S
            idx = jnp.where(ex, fj, jnp.int32(0))
            w = plsc.load_gather(pw_all, [jnp.full((L,), h, jnp.int32), idx])
            ws.append(jnp.where(ex, w, jnp.int32(0)))
        acc = jnp.zeros((L,), jnp.int32)
        for b in range(OB):
            hb = hbs[b]
            w01 = jnp.where(hb < 1, ws[0], ws[1])
            w23 = jnp.where(hb < 3, ws[2], ws[3])
            wsel = jnp.where(hb < 2, w01, w23)
            acc = acc | (((wsel >> bps[b]) & 1) << b)
        out_v[pl.ds(g * L, L)] = plsc.load_gather(memo_v, [acc])
        return carry

    lax.fori_loop(0, S // L, g_body, jnp.int32(0))
    pltpu.sync_copy(out_v, outt.at[pl.ds(t * S, S)])


@jax.jit
def kernel(tokens, memory_r, memory_v, memory_o, conn_r, conn_v, conn_o):
    pos = jnp.arange(S)
    shifts = jnp.arange(P - 1, -1, -1)
    pb = ((pos[:, None] >> shifts[None, :]) & 1).astype(jnp.int32)
    wr = (jnp.int32(1) << jnp.arange(RP, dtype=jnp.int32))

    is_q = conn_r < P
    qg = jnp.take(pb, jnp.where(is_q, conn_r, 0), axis=1)
    kg = jnp.take(pb, jnp.where(is_q, 0, conn_r - P), axis=1)
    aq = jnp.sum(qg * (is_q.astype(jnp.int32) * wr)[None], axis=2)
    ak = jnp.sum(kg * ((1 - is_q.astype(jnp.int32)) * wr)[None], axis=2)
    aqh = aq.T.reshape(-1).astype(jnp.int32)
    ak = ak.T.reshape(-1).astype(jnp.int32)

    wtok = jnp.int32(1) << jnp.arange(TOKEN_BITS, dtype=jnp.int32)
    vlo = jnp.sum(tokens * wtok[None, :], axis=1).astype(jnp.int32)
    vhi = jnp.sum(pb * (jnp.int32(1) << jnp.arange(P, dtype=jnp.int32))[None, :],
                  axis=1).astype(jnp.int32)

    connv = jnp.pad(conn_v, ((0, 0), (0, 0), (0, L - VB))).reshape(-1)
    conno = jnp.pad(conn_o, ((0, 0), (0, L - OB))).reshape(-1)

    mesh = plsc.VectorSubcoreMesh(core_axis_name="c", subcore_axis_name="s")

    cparams = pltpu.CompilerParams(needs_layout_passes=False,
                                   use_tc_tiling_on_sc=False)

    k1 = functools.partial(
        pl.kernel, mesh=mesh, compiler_params=cparams,
        out_type=(jax.ShapeDtypeStruct((H * S,), jnp.int32),
                  jax.ShapeDtypeStruct((H * S,), jnp.int32)),
        scratch_types=[
            pltpu.VMEM((S,), jnp.int32),
            pltpu.VMEM((QPT,), jnp.int32),
            pltpu.VMEM((WKEYS * QPT,), jnp.int32),
            pltpu.VMEM((WKEYS * QPT,), jnp.float32),
            pltpu.VMEM((QPT,), jnp.int32),
            pltpu.VMEM((L,), jnp.int32),
            pltpu.VMEM((QPT,), jnp.int32),
            pltpu.VMEM((QPT,), jnp.int32),
            pltpu.VMEM((TOKEN_BITS * L,), jnp.int32),
            pltpu.VMEM((TOKEN_BITS, 1 << VB), jnp.float32),
            pltpu.VMEM((QPT,), jnp.int32),
            pltpu.SemaphoreType.DMA,
            pltpu.SemaphoreType.DMA,
        ],
    )(_k1_body)
    firstj, projw = k1(memory_r, aqh, ak, vlo, vhi, connv, memory_v)

    k2 = functools.partial(
        pl.kernel, mesh=mesh, compiler_params=cparams,
        out_type=jax.ShapeDtypeStruct((TOKEN_BITS * S,), jnp.float32),
        scratch_types=[
            pltpu.VMEM((H * S,), jnp.int32),
            pltpu.VMEM((H, S), jnp.int32),
            pltpu.VMEM((TOKEN_BITS * L,), jnp.int32),
            pltpu.VMEM((1 << OB,), jnp.float32),
            pltpu.VMEM((S,), jnp.float32),
        ],
    )(_k2_body)
    outt = k2(firstj, projw.reshape(H, S), conno, memory_o)

    return outt.reshape(TOKEN_BITS, S).T

# --- scband reference (transcript-rebuilt; emitter-appended) ---
"""Pipeline reference for scband-position-only-attention-87771951661446 (READ-ONLY COPY).

The authoritative reference and input builder live on the scoring server;
editing this copy changes nothing except your own understanding.
"""

import jax, jax.numpy as jnp
import numpy as np

S = 1024
TOKEN_BITS = 32
MAX_SEQ_LEN = 1024
H = 4
P = MAX_SEQ_LEN.bit_length()          # 11 position bits
RP = 2 * P                            # routing input bits = 22
VIN = TOKEN_BITS + P                  # value head input bits = 43
VB = min(VIN, 10)                     # value n_bits_per_neuron = 10
OIN = H * TOKEN_BITS                  # output layer input bits = 128
OB = min(OIN, 12)                     # output n_bits_per_neuron = 12


def setup_inputs(seed: int = 0) -> dict:
    key = jax.random.key(seed)
    ks = jax.random.split(key, 8)
    tokens = jax.random.randint(ks[0], (S, TOKEN_BITS), 0, 2, dtype=jnp.int32)
    # routing heads: n_bits_per_neuron == total_input_bits -> a permutation of all bits per head
    conn_r = jnp.stack([jax.random.permutation(jax.random.fold_in(ks[1], h), RP) for h in range(H)]).astype(jnp.int32)
    memory_r = jax.random.randint(ks[2], (H, 1 << RP), 0, 2).astype(jnp.float32)
    conn_v = jax.random.randint(ks[3], (H, TOKEN_BITS, VB), 0, VIN, dtype=jnp.int32)
    memory_v = jax.random.randint(ks[4], (H, TOKEN_BITS, 1 << VB), 0, 2).astype(jnp.float32)
    conn_o = jax.random.randint(ks[5], (TOKEN_BITS, OB), 0, OIN, dtype=jnp.int32)
    memory_o = jax.random.randint(ks[6], (TOKEN_BITS, 1 << OB), 0, 2).astype(jnp.float32)
    return {"tokens": tokens, "memory_r": memory_r, "memory_v": memory_v,
            "memory_o": memory_o, "conn_r": conn_r, "conn_v": conn_v, "conn_o": conn_o}


def _pos_bits():
    # pos_bits[i, P-1-b] = (i >> b) & 1  (MSB first), matching _encode_position
    pos = jnp.arange(S)
    shifts = jnp.arange(P - 1, -1, -1)
    return ((pos[:, None] >> shifts[None, :]) & 1).astype(jnp.int32)


def _forward(tokens, memory_r, memory_v, memory_o, conn_r, conn_v, conn_o):
    pb = _pos_bits()                                      # [S, P]
    wr = (2 ** jnp.arange(RP)).astype(jnp.int32)          # routing address weights
    wv = (2 ** jnp.arange(VB)).astype(jnp.int32)
    wo = (2 ** jnp.arange(OB)).astype(jnp.int32)
    val_in = jnp.concatenate([tokens, pb], axis=1)        # [S, VIN]
    head_outs = []
    for h in range(H):
        conn = conn_r[h]                                  # [RP]
        is_q = conn < P
        # routing address splits into query-position and key-position contributions
        qg = pb[:, jnp.where(is_q, conn, 0)]              # [S, RP]
        kg = pb[:, jnp.where(is_q, 0, conn - P)]          # [S, RP]
        Aq = jnp.sum(qg * (is_q.astype(jnp.int32) * wr)[None, :], axis=1)          # [S]
        Ak = jnp.sum(kg * ((1 - is_q.astype(jnp.int32)) * wr)[None, :], axis=1)    # [S]
        addr = Aq[:, None] + Ak[None, :]                  # [S, S] RAM addresses
        r = memory_r[h][addr]                             # [S, S] gather from 2^22-entry table
        # value head: projected token for every key position j
        sel = val_in[:, conn_v[h]]                        # [S, TOKEN_BITS, VB]
        vaddr = jnp.sum(sel * wv[None, None, :], axis=-1) # [S, TOKEN_BITS]
        proj = memory_v[h][jnp.arange(TOKEN_BITS)[None, :], vaddr]  # [S, TOKEN_BITS]
        # original loop takes the FIRST attended value (attended_values[0])
        mask = r > 0.5
        first_j = jnp.argmax(mask, axis=1)                # [S]
        exists = jnp.any(mask, axis=1)                    # [S]
        rv = jnp.take_along_axis(r, first_j[:, None], axis=1)  # [S, 1]
        sel_proj = proj[first_j]                          # [S, TOKEN_BITS]
        head_out = jnp.where(exists[:, None], rv * sel_proj, 0.0)
        head_outs.append(head_out)
    combined = jnp.concatenate(head_outs, axis=1)         # [S, H*TOKEN_BITS]
    bits = jax.lax.stop_gradient(jnp.round(combined)).astype(jnp.int32)
    osel = bits[:, conn_o]                                # [S, TOKEN_BITS, OB]
    oaddr = jnp.sum(osel * wo[None, None, :], axis=-1)    # [S, TOKEN_BITS]
    out = memory_o[jnp.arange(TOKEN_BITS)[None, :], oaddr]  # [S, TOKEN_BITS]
    return out


def reference(tokens, memory_r, memory_v, memory_o, conn_r, conn_v, conn_o):
    return _forward(tokens, memory_r, memory_v, memory_o, conn_r, conn_v, conn_o)

if __name__ == "__main__":
    import jax
    _d = setup_inputs()
    print(jax.jit(kernel)(*tuple(_d.values())))

</pallas_src>

<mosaic_0001>
#map = affine_map<(d0, d1) -> (0, 0)>
#map1 = affine_map<(d0, d1) -> (0)>
#map2 = affine_map<(d0, d1) -> (0, 0, 0)>
module attributes {stable_mosaic.version = 14 : i64} {
  func.func @_k1_body(%arg0: i32, %arg1: i32, %arg2: memref<4x4194304xf32, #tpu.memory_space<hbm>>, %arg3: memref<4096xi32, #tpu.memory_space<hbm>>, %arg4: memref<4096xi32, #tpu.memory_space<hbm>>, %arg5: memref<1024xi32, #tpu.memory_space<hbm>>, %arg6: memref<1024xi32, #tpu.memory_space<hbm>>, %arg7: memref<2048xi32, #tpu.memory_space<hbm>>, %arg8: memref<4x32x1024xf32, #tpu.memory_space<hbm>>, %arg9: memref<4096xi32, #tpu.memory_space<hbm>>, %arg10: memref<4096xi32, #tpu.memory_space<hbm>>, %arg11: memref<1024xi32, #tpu.memory_space<vmem>>, %arg12: memref<128xi32, #tpu.memory_space<vmem>>, %arg13: memref<2048xi32, #tpu.memory_space<vmem>>, %arg14: memref<2048xf32, #tpu.memory_space<vmem>>, %arg15: memref<128xi32, #tpu.memory_space<vmem>>, %arg16: memref<16xi32, #tpu.memory_space<vmem>>, %arg17: memref<128xi32, #tpu.memory_space<vmem>>, %arg18: memref<128xi32, #tpu.memory_space<vmem>>, %arg19: memref<512xi32, #tpu.memory_space<vmem>>, %arg20: memref<32x1024xf32, #tpu.memory_space<vmem>>, %arg21: memref<128xi32, #tpu.memory_space<vmem>>, %arg22: memref<!tpu.dma_semaphore, #tpu.memory_space<semaphore_mem>>, %arg23: memref<!tpu.dma_semaphore, #tpu.memory_space<semaphore_mem>>) attributes {dimension_semantics = [#tpu.dimension_semantics<core_parallel>, #tpu.dimension_semantics<subcore_parallel>], iteration_bounds = array<i64: 2, 16>, scalar_prefetch = 0 : i64, scratch_operands = 13 : i64, tpu.core_type = #tpu.core_type<sc_vector_subcore>, window_params = [{transform_indices = #map}, {transform_indices = #map1}, {transform_indices = #map1}, {transform_indices = #map1}, {transform_indices = #map1}, {transform_indices = #map1}, {transform_indices = #map2}, {transform_indices = #map1}, {transform_indices = #map1}]} {
    %mul3A = arith.constant 2 : i32
    %mul3A_0 = arith.muli %arg1, %mul3A : i32
    %add3A = arith.addi %mul3A_0, %arg0 : i32
    %jit3A = arith.constant 8 : i32
    %div3A = arith.divsi %add3A, %jit3A : i32
    %sign3A = arith.constant 0 : i32
    %sign3A_1 = arith.cmpi sgt, %add3A, %sign3A : i32
    %sign3A_2 = arith.extui %sign3A_1 : i1 to i32
    %sign3A_3 = arith.constant 0 : i32
    %sign3A_4 = arith.cmpi slt, %add3A, %sign3A_3 : i32
    %sign3A_5 = arith.extui %sign3A_4 : i1 to i32
    %sign3A_6 = arith.subi %sign3A_2, %sign3A_5 : i32
    %sign3A_7 = arith.constant 0 : i32
    %sign3A_8 = arith.cmpi sgt, %jit3A, %sign3A_7 : i32
    %sign3A_9 = arith.extui %sign3A_8 : i1 to i32
    %sign3A_10 = arith.constant 0 : i32
    %sign3A_11 = arith.cmpi slt, %jit3A, %sign3A_10 : i32
    %sign3A_12 = arith.extui %sign3A_11 : i1 to i32
    %sign3A_13 = arith.subi %sign3A_9, %sign3A_12 : i32
    %ne3A = arith.cmpi ne, %sign3A_6, %sign3A_13 : i32
    %rem3A = arith.remsi %add3A, %jit3A : i32
    %ne3A_14 = arith.constant 0 : i32
    %ne3A_15 = arith.cmpi ne, %rem3A, %ne3A_14 : i32
    %and3A = arith.andi %ne3A, %ne3A_15 : i1
    %sub3A = arith.constant 1 : i32
    %sub3A_16 = arith.subi %div3A, %sub3A : i32
    %select_n3A = arith.select %and3A, %sub3A_16, %div3A : i32
    %jit3A_17 = arith.constant 8 : i32
    %eq3A = arith.constant 0 : i32
    %eq3A_18 = arith.cmpi eq, %jit3A_17, %eq3A : i32
    %jit3A_19 = arith.constant 1 : i32
    %select_n3A_20 = arith.select %eq3A_18, %jit3A_19, %jit3A_17 : i32
    %rem3A_21 = arith.remsi %add3A, %select_n3A_20 : i32
    %ne3A_22 = arith.constant 0 : i32
    %ne3A_23 = arith.cmpi ne, %rem3A_21, %ne3A_22 : i32
    %lt3A = arith.constant 0 : i32
    %lt3A_24 = arith.cmpi slt, %rem3A_21, %lt3A : i32
    %lt3A_25 = arith.constant 0 : i32
    %lt3A_26 = arith.cmpi slt, %select_n3A_20, %lt3A_25 : i32
    %ne3A_27 = arith.xori %lt3A_24, %lt3A_26 : i1
    %and3A_28 = arith.andi %ne3A_27, %ne3A_23 : i1
    %add3A_29 = arith.addi %rem3A_21, %select_n3A_20 : i32
    %select_n3A_30 = arith.select %and3A_28, %add3A_29, %rem3A_21 : i32
    %mul3A_31 = arith.constant 1024 : i32
    %mul3A_32 = arith.muli %select_n3A, %mul3A_31 : i32
    %mul3A_33 = arith.constant 128 : i32
    %mul3A_34 = arith.muli %select_n3A_30, %mul3A_33 : i32
    %add3A_35 = arith.addi %mul3A_32, %mul3A_34 : i32
    %mul3A_36 = arith.constant 128 : i32
    %mul3A_37 = arith.muli %select_n3A_30, %mul3A_36 : i32
    %dma_start3A = tpu.memref_slice %arg5[%mul3A_37] : memref<1024xi32, #tpu.memory_space<hbm>> -> memref<128xi32, #tpu.memory_space<hbm>>
    %dma_start3A_38 = tpu.memref_slice %arg5[%mul3A_37] : memref<1024xi32, #tpu.memory_space<hbm>> -> memref<128xi32, #tpu.memory_space<hbm>>
    tpu.enqueue_dma source(%dma_start3A_38 : memref<128xi32, #tpu.memory_space<hbm>>) target(%arg17 : memref<128xi32, #tpu.memory_space<vmem>>) target_semaphore(%arg23 : memref<!tpu.dma_semaphore, #tpu.memory_space<semaphore_mem>>)
    %dma_start3A_39 = tpu.memref_slice %arg6[%mul3A_37] : memref<1024xi32, #tpu.memory_space<hbm>> -> memref<128xi32, #tpu.memory_space<hbm>>
    %dma_start3A_40 = tpu.memref_slice %arg6[%mul3A_37] : memref<1024xi32, #tpu.memory_space<hbm>> -> memref<128xi32, #tpu.memory_space<hbm>>
    tpu.enqueue_dma source(%dma_start3A_40 : memref<128xi32, #tpu.memory_space<hbm>>) target(%arg18 : memref<128xi32, #tpu.memory_space<vmem>>) target_semaphore(%arg23 : memref<!tpu.dma_semaphore, #tpu.memory_space<semaphore_mem>>)
    %mul3A_41 = arith.constant 32 : i32
    %mul3A_42 = arith.muli %select_n3A, %mul3A_41 : i32
    %mul3A_43 = arith.constant 16 : i32
    %mul3A_44 = arith.muli %mul3A_42, %mul3A_43 : i32
    %dma_start3A_45 = tpu.memref_slice %arg7[%mul3A_44] : memref<2048xi32, #tpu.memory_space<hbm>> -> memref<512xi32, #tpu.memory_space<hbm>>
    %dma_start3A_46 = tpu.memref_slice %arg7[%mul3A_44] : memref<2048xi32, #tpu.memory_space<hbm>> -> memref<512xi32, #tpu.memory_space<hbm>>
    tpu.enqueue_dma source(%dma_start3A_46 : memref<512xi32, #tpu.memory_space<hbm>>) target(%arg19 : memref<512xi32, #tpu.memory_space<vmem>>) target_semaphore(%arg23 : memref<!tpu.dma_semaphore, #tpu.memory_space<semaphore_mem>>)
    %dma_start3A_47 = arith.constant 0 : i32
    %dma_start3A_48 = arith.constant 0 : i32
    %dma_start3A_49 = tpu.memref_slice %arg8[%select_n3A, %dma_start3A_47, %dma_start3A_48] : memref<4x32x1024xf32, #tpu.memory_space<hbm>> -> memref<1x32x1024xf32, #tpu.memory_space<hbm>>
    %dma_start3A_50 = tpu.memref_squeeze %dma_start3A_49 : memref<1x32x1024xf32, #tpu.memory_space<hbm>> -> memref<32x1024xf32, #tpu.memory_space<hbm>>
    %dma_start3A_51 = arith.constant 0 : i32
    %dma_start3A_52 = arith.constant 0 : i32
    %dma_start3A_53 = tpu.memref_slice %arg8[%select_n3A, %dma_start3A_51, %dma_start3A_52] : memref<4x32x1024xf32, #tpu.memory_space<hbm>> -> memref<1x32x1024xf32, #tpu.memory_space<hbm>>
    %dma_start3A_54 = tpu.memref_squeeze %dma_start3A_53 : memref<1x32x1024xf32, #tpu.memory_space<hbm>> -> memref<32x1024xf32, #tpu.memory_space<hbm>>
    tpu.enqueue_dma source(%dma_start3A_54 : memref<32x1024xf32, #tpu.memory_space<hbm>>) target(%arg20 : memref<32x1024xf32, #tpu.memory_space<vmem>>) target_semaphore(%arg23 : memref<!tpu.dma_semaphore, #tpu.memory_space<semaphore_mem>>)
    %mul3A_55 = arith.constant 1024 : i32
    %mul3A_56 = arith.muli %select_n3A, %mul3A_55 : i32
    "tpu.region"() ({
      %run_scoped3A = tpu.sem_alloc : memref<!tpu.dma_semaphore, #tpu.memory_space<semaphore_mem>>
      %dma_start3A_144 = tpu.memref_slice %arg4[%mul3A_56] : memref<4096xi32, #tpu.memory_space<hbm>> -> memref<1024xi32, #tpu.memory_space<hbm>>
      %dma_start3A_145 = tpu.memref_slice %arg4[%mul3A_56] : memref<4096xi32, #tpu.memory_space<hbm>> -> memref<1024xi32, #tpu.memory_space<hbm>>
      tpu.enqueue_dma source(%dma_start3A_145 : memref<1024xi32, #tpu.memory_space<hbm>>) target(%arg11 : memref<1024xi32, #tpu.memory_space<vmem>>) target_semaphore(%run_scoped3A : memref<!tpu.dma_semaphore, #tpu.memory_space<semaphore_mem>>)
      %dma_wait3A_146 = tpu.memref_slice %arg4[%mul3A_56] : memref<4096xi32, #tpu.memory_space<hbm>> -> memref<1024xi32, #tpu.memory_space<hbm>>
      %dma_wait3A_147 = tpu.memref_slice %arg4[%mul3A_56] : memref<4096xi32, #tpu.memory_space<hbm>> -> memref<1024xi32, #tpu.memory_space<hbm>>
      tpu.wait_dma2 semaphore(%run_scoped3A : memref<!tpu.dma_semaphore, #tpu.memory_space<semaphore_mem>>) src(%dma_wait3A_147 : memref<1024xi32, #tpu.memory_space<hbm>>) dst(%arg11 : memref<1024xi32, #tpu.memory_space<vmem>>)
      tpu.yield
    }) : () -> ()
    "tpu.region"() ({
      %run_scoped3A = tpu.sem_alloc : memref<!tpu.dma_semaphore, #tpu.memory_space<semaphore_mem>>
      %dma_start3A_144 = tpu.memref_slice %arg3[%add3A_35] : memref<4096xi32, #tpu.memory_space<hbm>> -> memref<128xi32, #tpu.memory_space<hbm>>
      %dma_start3A_145 = tpu.memref_slice %arg3[%add3A_35] : memref<4096xi32, #tpu.memory_space<hbm>> -> memref<128xi32, #tpu.memory_space<hbm>>
      tpu.enqueue_dma source(%dma_start3A_145 : memref<128xi32, #tpu.memory_space<hbm>>) target(%arg12 : memref<128xi32, #tpu.memory_space<vmem>>) target_semaphore(%run_scoped3A : memref<!tpu.dma_semaphore, #tpu.memory_space<semaphore_mem>>)
      %dma_wait3A_146 = tpu.memref_slice %arg3[%add3A_35] : memref<4096xi32, #tpu.memory_space<hbm>> -> memref<128xi32, #tpu.memory_space<hbm>>
      %dma_wait3A_147 = tpu.memref_slice %arg3[%add3A_35] : memref<4096xi32, #tpu.memory_space<hbm>> -> memref<128xi32, #tpu.memory_space<hbm>>
      tpu.wait_dma2 semaphore(%run_scoped3A : memref<!tpu.dma_semaphore, #tpu.memory_space<semaphore_mem>>) src(%dma_wait3A_147 : memref<128xi32, #tpu.memory_space<hbm>>) dst(%arg12 : memref<128xi32, #tpu.memory_space<vmem>>)
      tpu.yield
    }) : () -> ()
    %broadcast_in_dim3A = arith.constant 1024 : i32
    %broadcast_in_dim3A_57 = vector.broadcast %broadcast_in_dim3A : i32 to vector<16xi32>
    %swap3A = arith.constant 0 : index
    %swap3A_58 = tpu.vector_load %arg15[%swap3A] {strides = array<i32>} : memref<128xi32, #tpu.memory_space<vmem>>, vector<16xi32>,
    tpu.vector_store %arg15[%swap3A], %broadcast_in_dim3A_57 {strides = array<i32>} : memref<128xi32, #tpu.memory_space<vmem>>, vector<16xi32>,
    %broadcast_in_dim3A_59 = arith.constant 1024 : i32
    %broadcast_in_dim3A_60 = vector.broadcast %broadcast_in_dim3A_59 : i32 to vector<16xi32>
    %swap3A_61 = arith.constant 16 : index
    %swap3A_62 = tpu.vector_load %arg15[%swap3A_61] {strides = array<i32>} : memref<128xi32, #tpu.memory_space<vmem>>, vector<16xi32>,
    tpu.vector_store %arg15[%swap3A_61], %broadcast_in_dim3A_60 {strides = array<i32>} : memref<128xi32, #tpu.memory_space<vmem>>, vector<16xi32>,
    %broadcast_in_dim3A_63 = arith.constant 1024 : i32
    %broadcast_in_dim3A_64 = vector.broadcast %broadcast_in_dim3A_63 : i32 to vector<16xi32>
    %swap3A_65 = arith.constant 32 : index
    %swap3A_66 = tpu.vector_load %arg15[%swap3A_65] {strides = array<i32>} : memref<128xi32, #tpu.memory_space<vmem>>, vector<16xi32>,
    tpu.vector_store %arg15[%swap3A_65], %broadcast_in_dim3A_64 {strides = array<i32>} : memref<128xi32, #tpu.memory_space<vmem>>, vector<16xi32>,
    %broadcast_in_dim3A_67 = arith.constant 1024 : i32
    %broadcast_in_dim3A_68 = vector.broadcast %broadcast_in_dim3A_67 : i32 to vector<16xi32>
    %swap3A_69 = arith.constant 48 : index
    %swap3A_70 = tpu.vector_load %arg15[%swap3A_69] {strides = array<i32>} : memref<128xi32, #tpu.memory_space<vmem>>, vector<16xi32>,
    tpu.vector_store %arg15[%swap3A_69], %broadcast_in_dim3A_68 {strides = array<i32>} : memref<128xi32, #tpu.memory_space<vmem>>, vector<16xi32>,
    %broadcast_in_dim3A_71 = arith.constant 1024 : i32
    %broadcast_in_dim3A_72 = vector.broadcast %broadcast_in_dim3A_71 : i32 to vector<16xi32>
    %swap3A_73 = arith.constant 64 : index
    %swap3A_74 = tpu.vector_load %arg15[%swap3A_73] {strides = array<i32>} : memref<128xi32, #tpu.memory_space<vmem>>, vector<16xi32>,
    tpu.vector_store %arg15[%swap3A_73], %broadcast_in_dim3A_72 {strides = array<i32>} : memref<128xi32, #tpu.memory_space<vmem>>, vector<16xi32>,
    %broadcast_in_dim3A_75 = arith.constant 1024 : i32
    %broadcast_in_dim3A_76 = vector.broadcast %broadcast_in_dim3A_75 : i32 to vector<16xi32>
    %swap3A_77 = arith.constant 80 : index
    %swap3A_78 = tpu.vector_load %arg15[%swap3A_77] {strides = array<i32>} : memref<128xi32, #tpu.memory_space<vmem>>, vector<16xi32>,
    tpu.vector_store %arg15[%swap3A_77], %broadcast_in_dim3A_76 {strides = array<i32>} : memref<128xi32, #tpu.memory_space<vmem>>, vector<16xi32>,
    %broadcast_in_dim3A_79 = arith.constant 1024 : i32
    %broadcast_in_dim3A_80 = vector.broadcast %broadcast_in_dim3A_79 : i32 to vector<16xi32>
    %swap3A_81 = arith.constant 96 : index
    %swap3A_82 = tpu.vector_load %arg15[%swap3A_81] {strides = array<i32>} : memref<128xi32, #tpu.memory_space<vmem>>, vector<16xi32>,
    tpu.vector_store %arg15[%swap3A_81], %broadcast_in_dim3A_80 {strides = array<i32>} : memref<128xi32, #tpu.memory_space<vmem>>, vector<16xi32>,
    %broadcast_in_dim3A_83 = arith.constant 1024 : i32
    %broadcast_in_dim3A_84 = vector.broadcast %broadcast_in_dim3A_83 : i32 to vector<16xi32>
    %swap3A_85 = arith.constant 112 : index
    %swap3A_86 = tpu.vector_load %arg15[%swap3A_85] {strides = array<i32>} : memref<128xi32, #tpu.memory_space<vmem>>, vector<16xi32>,
    tpu.vector_store %arg15[%swap3A_85], %broadcast_in_dim3A_84 {strides = array<i32>} : memref<128xi32, #tpu.memory_space<vmem>>, vector<16xi32>,
    %scan3A = arith.constant 1024 : i32
    %scan3A_87 = arith.constant 0 : i32
    %scan3A_88 = arith.constant 64 : i32
    %scan3A_89 = arith.addi %scan3A_87, %scan3A_88 : i32
    %scan3A_90 = arith.constant 1 : i32
    %scan3A_91 = scf.for %scan3A_144 = %scan3A_87 to %scan3A_89 step %scan3A_90 iter_args(%scan3A_145 = %scan3A) -> (i32)  : i32 {
      %ge3A = arith.constant 1024 : i32
      %ge3A_146 = arith.cmpi sge, %scan3A_145, %ge3A : i32
      %convert_element_type3A = arith.extui %ge3A_146 : i1 to i32
      %cond3A = arith.constant 0 : i32
      %cond3A_147 = arith.cmpi ne, %convert_element_type3A, %cond3A : i32
      scf.if %cond3A_147 {
        %get3A_156 = arith.constant 0 : index
        %get3A_157 = tpu.vector_load %arg12[%get3A_156] {strides = array<i32>} : memref<128xi32, #tpu.memory_space<vmem>>, vector<16xi32>,
        %get3A_158 = arith.constant 16 : index
        %get3A_159 = tpu.vector_load %arg12[%get3A_158] {strides = array<i32>} : memref<128xi32, #tpu.memory_space<vmem>>, vector<16xi32>,
        %get3A_160 = arith.constant 32 : index
        %get3A_161 = tpu.vector_load %arg12[%get3A_160] {strides = array<i32>} : memref<128xi32, #tpu.memory_space<vmem>>, vector<16xi32>,
        %get3A_162 = arith.constant 48 : index
        %get3A_163 = tpu.vector_load %arg12[%get3A_162] {strides = array<i32>} : memref<128xi32, #tpu.memory_space<vmem>>, vector<16xi32>,
        %get3A_164 = arith.constant 64 : index
        %get3A_165 = tpu.vector_load %arg12[%get3A_164] {strides = array<i32>} : memref<128xi32, #tpu.memory_space<vmem>>, vector<16xi32>,
        %get3A_166 = arith.constant 80 : index
        %get3A_167 = tpu.vector_load %arg12[%get3A_166] {strides = array<i32>} : memref<128xi32, #tpu.memory_space<vmem>>, vector<16xi32>,
        %get3A_168 = arith.constant 96 : index
        %get3A_169 = tpu.vector_load %arg12[%get3A_168] {strides = array<i32>} : memref<128xi32, #tpu.memory_space<vmem>>, vector<16xi32>,
        %get3A_170 = arith.constant 112 : index
        %get3A_171 = tpu.vector_load %arg12[%get3A_170] {strides = array<i32>} : memref<128xi32, #tpu.memory_space<vmem>>, vector<16xi32>,
        %mul3A_172 = arith.constant 16 : i32
        %mul3A_173 = arith.muli %scan3A_144, %mul3A_172 : i32
        %add3A_174 = arith.constant 0 : i32
        %add3A_175 = arith.addi %mul3A_173, %add3A_174 : i32
        %broadcast_in_dim3A_176 = vector.broadcast %add3A_175 : i32 to vector<16xi32>
        %gather3A = tpu.vector_load_idx %arg11[%broadcast_in_dim3A_176] : memref<1024xi32, #tpu.memory_space<vmem>>[vector<16xi32>], vector<16xi32>,
        %add3A_177 = arith.addi %get3A_157, %gather3A : vector<16xi32>
        %swap3A_178 = arith.constant 0 : index
        %swap3A_179 = tpu.vector_load %arg13[%swap3A_178] {strides = array<i32>} : memref<2048xi32, #tpu.memory_space<vmem>>, vector<16xi32>,
        tpu.vector_store %arg13[%swap3A_178], %add3A_177 {strides = array<i32>} : memref<2048xi32, #tpu.memory_space<vmem>>, vector<16xi32>,
        %add3A_180 = arith.addi %get3A_159, %gather3A : vector<16xi32>
        %swap3A_181 = arith.constant 16 : index
        %swap3A_182 = tpu.vector_load %arg13[%swap3A_181] {strides = array<i32>} : memref<2048xi32, #tpu.memory_space<vmem>>, vector<16xi32>,
        tpu.vector_store %arg13[%swap3A_181], %add3A_180 {strides = array<i32>} : memref<2048xi32, #tpu.memory_space<vmem>>, vector<16xi32>,
        %add3A_183 = arith.addi %get3A_161, %gather3A : vector<16xi32>
        %swap3A_184 = arith.constant 32 : index
        %swap3A_185 = tpu.vector_load %arg13[%swap3A_184] {strides = array<i32>} : memref<2048xi32, #tpu.memory_space<vmem>>, vector<16xi32>,
        tpu.vector_store %arg13[%swap3A_184], %add3A_183 {strides = array<i32>} : memref<2048xi32, #tpu.memory_space<vmem>>, vector<16xi32>,
        %add3A_186 = arith.addi %get3A_163, %gather3A : vector<16xi32>
        %swap3A_187 = arith.constant 48 : index
        %swap3A_188 = tpu.vector_load %arg13[%swap3A_187] {strides = array<i32>} : memref<2048xi32, #tpu.memory_space<vmem>>, vector<16xi32>,
        tpu.vector_store %arg13[%swap3A_187], %add3A_186 {strides = array<i32>} : memref<2048xi32, #tpu.memory_space<vmem>>, vector<16xi32>,
        %add3A_189 = arith.addi %get3A_165, %gather3A : vector<16xi32>
        %swap3A_190 = arith.constant 64 : index
        %swap3A_191 = tpu.vector_load %arg13[%swap3A_190] {strides = array<i32>} : memref<2048xi32, #tpu.memory_space<vmem>>, vector<16xi32>,
        tpu.vector_store %arg13[%swap3A_190], %add3A_189 {strides = array<i32>} : memref<2048xi32, #tpu.memory_space<vmem>>, vector<16xi32>,
        %add3A_192 = arith.addi %get3A_167, %gather3A : vector<16xi32>
        %swap3A_193 = arith.constant 80 : index
        %swap3A_194 = tpu.vector_load %arg13[%swap3A_193] {strides = array<i32>} : memref<2048xi32, #tpu.memory_space<vmem>>, vector<16xi32>,
        tpu.vector_store %arg13[%swap3A_193], %add3A_192 {strides = array<i32>} : memref<2048xi32, #tpu.memory_space<vmem>>, vector<16xi32>,
        %add3A_195 = arith.addi %get3A_169, %gather3A : vector<16xi32>
        %swap3A_196 = arith.constant 96 : index
        %swap3A_197 = tpu.vector_load %arg13[%swap3A_196] {strides = array<i32>} : memref<2048xi32, #tpu.memory_space<vmem>>, vector<16xi32>,
        tpu.vector_store %arg13[%swap3A_196], %add3A_195 {strides = array<i32>} : memref<2048xi32, #tpu.memory_space<vmem>>, vector<16xi32>,
        %add3A_198 = arith.addi %get3A_171, %gather3A : vector<16xi32>
        %swap3A_199 = arith.constant 112 : index
        %swap3A_200 = tpu.vector_load %arg13[%swap3A_199] {strides = array<i32>} : memref<2048xi32, #tpu.memory_space<vmem>>, vector<16xi32>,
        tpu.vector_store %arg13[%swap3A_199], %add3A_198 {strides = array<i32>} : memref<2048xi32, #tpu.memory_space<vmem>>, vector<16xi32>,
        %mul3A_201 = arith.constant 16 : i32
        %mul3A_202 = arith.muli %scan3A_144, %mul3A_201 : i32
        %add3A_203 = arith.constant 1 : i32
        %add3A_204 = arith.addi %mul3A_202, %add3A_203 : i32
        %broadcast_in_dim3A_205 = vector.broadcast %add3A_204 : i32 to vector<16xi32>
        %gather3A_206 = tpu.vector_load_idx %arg11[%broadcast_in_dim3A_205] : memref<1024xi32, #tpu.memory_space<vmem>>[vector<16xi32>], vector<16xi32>,
        %add3A_207 = arith.addi %get3A_157, %gather3A_206 : vector<16xi32>
        %swap3A_208 = arith.constant 128 : index
        %swap3A_209 = tpu.vector_load %arg13[%swap3A_208] {strides = array<i32>} : memref<2048xi32, #tpu.memory_space<vmem>>, vector<16xi32>,
        tpu.vector_store %arg13[%swap3A_208], %add3A_207 {strides = array<i32>} : memref<2048xi32, #tpu.memory_space<vmem>>, vector<16xi32>,
        %add3A_210 = arith.addi %get3A_159, %gather3A_206 : vector<16xi32>
        %swap3A_211 = arith.constant 144 : index
        %swap3A_212 = tpu.vector_load %arg13[%swap3A_211] {strides = array<i32>} : memref<2048xi32, #tpu.memory_space<vmem>>, vector<16xi32>,
        tpu.vector_store %arg13[%swap3A_211], %add3A_210 {strides = array<i32>} : memref<2048xi32, #tpu.memory_space<vmem>>, vector<16xi32>,
        %add3A_213 = arith.addi %get3A_161, %gather3A_206 : vector<16xi32>
        %swap3A_214 = arith.constant 160 : index
        %swap3A_215 = tpu.vector_load %arg13[%swap3A_214] {strides = array<i32>} : memref<2048xi32, #tpu.memory_space<vmem>>, vector<16xi32>,
        tpu.vector_store %arg13[%swap3A_214], %add3A_213 {strides = array<i32>} : memref<2048xi32, #tpu.memory_space<vmem>>, vector<16xi32>,
        %add3A_216 = arith.addi %get3A_163, %gather3A_206 : vector<16xi32>
        %swap3A_217 = arith.constant 176 : index
        %swap3A_218 = tpu.vector_load %arg13[%swap3A_217] {strides = array<i32>} : memref<2048xi32, #tpu.memory_space<vmem>>, vector<16xi32>,
        tpu.vector_store %arg13[%swap3A_217], %add3A_216 {strides = array<i32>} : memref<2048xi32, #tpu.memory_space<vmem>>, vector<16xi32>,
        %add3A_219 = arith.addi %get3A_165, %gather3A_206 : vector<16xi32>
        %swap3A_220 = arith.constant 192 : index
        %swap3A_221 = tpu.vector_load %arg13[%swap3A_220] {strides = array<i32>} : memref<2048xi32, #tpu.memory_space<vmem>>, vector<16xi32>,
        tpu.vector_store %arg13[%swap3A_220], %add3A_219 {strides = array<i32>} : memref<2048xi32, #tpu.memory_space<vmem>>, vector<16xi32>,
        %add3A_222 = arith.addi %get3A_167, %gather3A_206 : vector<16xi32>
        %swap3A_223 = arith.constant 208 : index
        %swap3A_224 = tpu.vector_load %arg13[%swap3A_223] {strides = array<i32>} : memref<2048xi32, #tpu.memory_space<vmem>>, vector<16xi32>,
        tpu.vector_store %arg13[%swap3A_223], %add3A_222 {strides = array<i32>} : memref<2048xi32, #tpu.memory_space<vmem>>, vector<16xi32>,
        %add3A_225 = arith.addi %get3A_169, %gather3A_206 : vector<16xi32>
        %swap3A_226 = arith.constant 224 : index
        %swap3A_227 = tpu.vector_load %arg13[%swap3A_226] {strides = array<i32>} : memref<2048xi32, #tpu.memory_space<vmem>>, vector<16xi32>,
        tpu.vector_store %arg13[%swap3A_226], %add3A_225 {strides = array<i32>} : memref<2048xi32, #tpu.memory_space<vmem>>, vector<16xi32>,
        %add3A_228 = arith.addi %get3A_171, %gather3A_206 : vector<16xi32>
        %swap3A_229 = arith.constant 240 : index
        %swap3A_230 = tpu.vector_load %arg13[%swap3A_229] {strides = array<i32>} : memref<2048xi32, #tpu.memory_space<vmem>>, vector<16xi32>,
        tpu.vector_store %arg13[%swap3A_229], %add3A_228 {strides = array<i32>} : memref<2048xi32, #tpu.memory_space<vmem>>, vector<16xi32>,
        %mul3A_231 = arith.constant 16 : i32
        %mul3A_232 = arith.muli %scan3A_144, %mul3A_231 : i32
        %add3A_233 = arith.constant 2 : i32
        %add3A_234 = arith.addi %mul3A_232, %add3A_233 : i32
        %broadcast_in_dim3A_235 = vector.broadcast %add3A_234 : i32 to vector<16xi32>
        %gather3A_236 = tpu.vector_load_idx %arg11[%broadcast_in_dim3A_235] : memref<1024xi32, #tpu.memory_space<vmem>>[vector<16xi32>], vector<16xi32>,
        %add3A_237 = arith.addi %get3A_157, %gather3A_236 : vector<16xi32>
        %swap3A_238 = arith.constant 256 : index
        %swap3A_239 = tpu.vector_load %arg13[%swap3A_238] {strides = array<i32>} : memref<2048xi32, #tpu.memory_space<vmem>>, vector<16xi32>,
        tpu.vector_store %arg13[%swap3A_238], %add3A_237 {strides = array<i32>} : memref<2048xi32, #tpu.memory_space<vmem>>, vector<16xi32>,
        %add3A_240 = arith.addi %get3A_159, %gather3A_236 : vector<16xi32>
        %swap3A_241 = arith.constant 272 : index
        %swap3A_242 = tpu.vector_load %arg13[%swap3A_241] {strides = array<i32>} : memref<2048xi32, #tpu.memory_space<vmem>>, vector<16xi32>,
        tpu.vector_store %arg13[%swap3A_241], %add3A_240 {strides = array<i32>} : memref<2048xi32, #tpu.memory_space<vmem>>, vector<16xi32>,
        %add3A_243 = arith.addi %get3A_161, %gather3A_236 : vector<16xi32>
        %swap3A_244 = arith.constant 288 : index
        %swap3A_245 = tpu.vector_load %arg13[%swap3A_244] {strides = array<i32>} : memref<2048xi32, #tpu.memory_space<vmem>>, vector<16xi32>,
        tpu.vector_store %arg13[%swap3A_244], %add3A_243 {strides = array<i32>} : memref<2048xi32, #tpu.memory_space<vmem>>, vector<16xi32>,
        %add3A_246 = arith.addi %get3A_163, %gather3A_236 : vector<16xi32>
        %swap3A_247 = arith.constant 304 : index
        %swap3A_248 = tpu.vector_load %arg13[%swap3A_247] {strides = array<i32>} : memref<2048xi32, #tpu.memory_space<vmem>>, vector<16xi32>,
        tpu.vector_store %arg13[%swap3A_247], %add3A_246 {strides = array<i32>} : memref<2048xi32, #tpu.memory_space<vmem>>, vector<16xi32>,
        %add3A_249 = arith.addi %get3A_165, %gather3A_236 : vector<16xi32>
        %swap3A_250 = arith.constant 320 : index
        %swap3A_251 = tpu.vector_load %arg13[%swap3A_250] {strides = array<i32>} : memref<2048xi32, #tpu.memory_space<vmem>>, vector<16xi32>,
        tpu.vector_store %arg13[%swap3A_250], %add3A_249 {strides = array<i32>} : memref<2048xi32, #tpu.memory_space<vmem>>, vector<16xi32>,
        %add3A_252 = arith.addi %get3A_167, %gather3A_236 : vector<16xi32>
        %swap3A_253 = arith.constant 336 : index
        %swap3A_254 = tpu.vector_load %arg13[%swap3A_253] {strides = array<i32>} : memref<2048xi32, #tpu.memory_space<vmem>>, vector<16xi32>,
        tpu.vector_store %arg13[%swap3A_253], %add3A_252 {strides = array<i32>} : memref<2048xi32, #tpu.memory_space<vmem>>, vector<16xi32>,
        %add3A_255 = arith.addi %get3A_169, %gather3A_236 : vector<16xi32>
        %swap3A_256 = arith.constant 352 : index
        %swap3A_257 = tpu.vector_load %arg13[%swap3A_256] {strides = array<i32>} : memref<2048xi32, #tpu.memory_space<vmem>>, vector<16xi32>,
        tpu.vector_store %arg13[%swap3A_256], %add3A_255 {strides = array<i32>} : memref<2048xi32, #tpu.memory_space<vmem>>, vector<16xi32>,
        %add3A_258 = arith.addi %get3A_171, %gather3A_236 : vector<16xi32>
        %swap3A_259 = arith.constant 368 : index
        %swap3A_260 = tpu.vector_load %arg13[%swap3A_259] {strides = array<i32>} : memref<2048xi32, #tpu.memory_space<vmem>>, vector<16xi32>,
        tpu.vector_store %arg13[%swap3A_259], %add3A_258 {strides = array<i32>} : memref<2048xi32, #tpu.memory_space<vmem>>, vector<16xi32>,
        %mul3A_261 = arith.constant 16 : i32
        %mul3A_262 = arith.muli %scan3A_144, %mul3A_261 : i32
        %add3A_263 = arith.constant 3 : i32
        %add3A_264 = arith.addi %mul3A_262, %add3A_263 : i32
        %broadcast_in_dim3A_265 = vector.broadcast %add3A_264 : i32 to vector<16xi32>
        %gather3A_266 = tpu.vector_load_idx %arg11[%broadcast_in_dim3A_265] : memref<1024xi32, #tpu.memory_space<vmem>>[vector<16xi32>], vector<16xi32>,
        %add3A_267 = arith.addi %get3A_157, %gather3A_266 : vector<16xi32>
        %swap3A_268 = arith.constant 384 : index
        %swap3A_269 = tpu.vector_load %arg13[%swap3A_268] {strides = array<i32>} : memref<2048xi32, #tpu.memory_space<vmem>>, vector<16xi32>,
        tpu.vector_store %arg13[%swap3A_268], %add3A_267 {strides = array<i32>} : memref<2048xi32, #tpu.memory_space<vmem>>, vector<16xi32>,
        %add3A_270 = arith.addi %get3A_159, %gather3A_266 : vector<16xi32>
        %swap3A_271 = arith.constant 400 : index
        %swap3A_272 = tpu.vector_load %arg13[%swap3A_271] {strides = array<i32>} : memref<2048xi32, #tpu.memory_space<vmem>>, vector<16xi32>,
        tpu.vector_store %arg13[%swap3A_271], %add3A_270 {strides = array<i32>} : memref<2048xi32, #tpu.memory_space<vmem>>, vector<16xi32>,
        %add3A_273 = arith.addi %get3A_161, %gather3A_266 : vector<16xi32>
        %swap3A_274 = arith.constant 416 : index
        %swap3A_275 = tpu.vector_load %arg13[%swap3A_274] {strides = array<i32>} : memref<2048xi32, #tpu.memory_space<vmem>>, vector<16xi32>,
        tpu.vector_store %arg13[%swap3A_274], %add3A_273 {strides = array<i32>} : memref<2048xi32, #tpu.memory_space<vmem>>, vector<16xi32>,
        %add3A_276 = arith.addi %get3A_163, %gather3A_266 : vector<16xi32>
        %swap3A_277 = arith.constant 432 : index
        %swap3A_278 = tpu.vector_load %arg13[%swap3A_277] {strides = array<i32>} : memref<2048xi32, #tpu.memory_space<vmem>>, vector<16xi32>,
        tpu.vector_store %arg13[%swap3A_277], %add3A_276 {strides = array<i32>} : memref<2048xi32, #tpu.memory_space<vmem>>, vector<16xi32>,
        %add3A_279 = arith.addi %get3A_165, %gather3A_266 : vector<16xi32>
        %swap3A_280 = arith.constant 448 : index
        %swap3A_281 = tpu.vector_load %arg13[%swap3A_280] {strides = array<i32>} : memref<2048xi32, #tpu.memory_space<vmem>>, vector<16xi32>,
        tpu.vector_store %arg13[%swap3A_280], %add3A_279 {strides = array<i32>} : memref<2048xi32, #tpu.memory_space<vmem>>, vector<16xi32>,
        %add3A_282 = arith.addi %get3A_167, %gather3A_266 : vector<16xi32>
        %swap3A_283 = arith.constant 464 : index
        %swap3A_284 = tpu.vector_load %arg13[%swap3A_283] {strides = array<i32>} : memref<2048xi32, #tpu.memory_space<vmem>>, vector<16xi32>,
        tpu.vector_store %arg13[%swap3A_283], %add3A_282 {strides = array<i32>} : memref<2048xi32, #tpu.memory_space<vmem>>, vector<16xi32>,
        %add3A_285 = arith.addi %get3A_169, %gather3A_266 : vector<16xi32>
        %swap3A_286 = arith.constant 480 : index
        %swap3A_287 = tpu.vector_load %arg13[%swap3A_286] {strides = array<i32>} : memref<2048xi32, #tpu.memory_space<vmem>>, vector<16xi32>,
        tpu.vector_store %arg13[%swap3A_286], %add3A_285 {strides = array<i32>} : memref<2048xi32, #tpu.memory_space<vmem>>, vector<16xi32>,
        %add3A_288 = arith.addi %get3A_171, %gather3A_266 : vector<16xi32>
        %swap3A_289 = arith.constant 496 : index
        %swap3A_290 = tpu.vector_load %arg13[%swap3A_289] {strides = array<i32>} : memref<2048xi32, #tpu.memory_space<vmem>>, vector<16xi32>,
        tpu.vector_store %arg13[%swap3A_289], %add3A_288 {strides = array<i32>} : memref<2048xi32, #tpu.memory_space<vmem>>, vector<16xi32>,
        %mul3A_291 = arith.constant 16 : i32
        %mul3A_292 = arith.muli %scan3A_144, %mul3A_291 : i32
        %add3A_293 = arith.constant 4 : i32
        %add3A_294 = arith.addi %mul3A_292, %add3A_293 : i32
        %broadcast_in_dim3A_295 = vector.broadcast %add3A_294 : i32 to vector<16xi32>
        %gather3A_296 = tpu.vector_load_idx %arg11[%broadcast_in_dim3A_295] : memref<1024xi32, #tpu.memory_space<vmem>>[vector<16xi32>], vector<16xi32>,
        %add3A_297 = arith.addi %get3A_157, %gather3A_296 : vector<16xi32>
        %swap3A_298 = arith.constant 512 : index
        %swap3A_299 = tpu.vector_load %arg13[%swap3A_298] {strides = array<i32>} : memref<2048xi32, #tpu.memory_space<vmem>>, vector<16xi32>,
        tpu.vector_store %arg13[%swap3A_298], %add3A_297 {strides = array<i32>} : memref<2048xi32, #tpu.memory_space<vmem>>, vector<16xi32>,
        %add3A_300 = arith.addi %get3A_159, %gather3A_296 : vector<16xi32>
        %swap3A_301 = arith.constant 528 : index
        %swap3A_302 = tpu.vector_load %arg13[%swap3A_301] {strides = array<i32>} : memref<2048xi32, #tpu.memory_space<vmem>>, vector<16xi32>,
        tpu.vector_store %arg13[%swap3A_301], %add3A_300 {strides = array<i32>} : memref<2048xi32, #tpu.memory_space<vmem>>, vector<16xi32>,
        %add3A_303 = arith.addi %get3A_161, %gather3A_296 : vector<16xi32>
        %swap3A_304 = arith.constant 544 : index
        %swap3A_305 = tpu.vector_load %arg13[%swap3A_304] {strides = array<i32>} : memref<2048xi32, #tpu.memory_space<vmem>>, vector<16xi32>,
        tpu.vector_store %arg13[%swap3A_304], %add3A_303 {strides = array<i32>} : memref<2048xi32, #tpu.memory_space<vmem>>, vector<16xi32>,
        %add3A_306 = arith.addi %get3A_163, %gather3A_296 : vector<16xi32>
        %swap3A_307 = arith.constant 560 : index
        %swap3A_308 = tpu.vector_load %arg13[%swap3A_307] {strides = array<i32>} : memref<2048xi32, #tpu.memory_space<vmem>>, vector<16xi32>,
        tpu.vector_store %arg13[%swap3A_307], %add3A_306 {strides = array<i32>} : memref<2048xi32, #tpu.memory_space<vmem>>, vector<16xi32>,
        %add3A_309 = arith.addi %get3A_165, %gather3A_296 : vector<16xi32>
        %swap3A_310 = arith.constant 576 : index
        %swap3A_311 = tpu.vector_load %arg13[%swap3A_310] {strides = array<i32>} : memref<2048xi32, #tpu.memory_space<vmem>>, vector<16xi32>,
        tpu.vector_store %arg13[%swap3A_310], %add3A_309 {strides = array<i32>} : memref<2048xi32, #tpu.memory_space<vmem>>, vector<16xi32>,
        %add3A_312 = arith.addi %get3A_167, %gather3A_296 : vector<16xi32>
        %swap3A_313 = arith.constant 592 : index
        %swap3A_314 = tpu.vector_load %arg13[%swap3A_313] {strides = array<i32>} : memref<2048xi32, #tpu.memory_space<vmem>>, vector<16xi32>,
        tpu.vector_store %arg13[%swap3A_313], %add3A_312 {strides = array<i32>} : memref<2048xi32, #tpu.memory_space<vmem>>, vector<16xi32>,
        %add3A_315 = arith.addi %get3A_169, %gather3A_296 : vector<16xi32>
        %swap3A_316 = arith.constant 608 : index
        %swap3A_317 = tpu.vector_load %arg13[%swap3A_316] {strides = array<i32>} : memref<2048xi32, #tpu.memory_space<vmem>>, vector<16xi32>,
        tpu.vector_store %arg13[%swap3A_316], %add3A_315 {strides = array<i32>} : memref<2048xi32, #tpu.memory_space<vmem>>, vector<16xi32>,
        %add3A_318 = arith.addi %get3A_171, %gather3A_296 : vector<16xi32>
        %swap3A_319 = arith.constant 624 : index
        %swap3A_320 = tpu.vector_load %arg13[%swap3A_319] {strides = array<i32>} : memref<2048xi32, #tpu.memory_space<vmem>>, vector<16xi32>,
        tpu.vector_store %arg13[%swap3A_319], %add3A_318 {strides = array<i32>} : memref<2048xi32, #tpu.memory_space<vmem>>, vector<16xi32>,
        %mul3A_321 = arith.constant 16 : i32
        %mul3A_322 = arith.muli %scan3A_144, %mul3A_321 : i32
        %add3A_323 = arith.constant 5 : i32
        %add3A_324 = arith.addi %mul3A_322, %add3A_323 : i32
        %broadcast_in_dim3A_325 = vector.broadcast %add3A_324 : i32 to vector<16xi32>
        %gather3A_326 = tpu.vector_load_idx %arg11[%broadcast_in_dim3A_325] : memref<1024xi32, #tpu.memory_space<vmem>>[vector<16xi32>], vector<16xi32>,
        %add3A_327 = arith.addi %get3A_157, %gather3A_326 : vector<16xi32>
        %swap3A_328 = arith.constant 640 : index
        %swap3A_329 = tpu.vector_load %arg13[%swap3A_328] {strides = array<i32>} : memref<2048xi32, #tpu.memory_space<vmem>>, vector<16xi32>,
        tpu.vector_store %arg13[%swap3A_328], %add3A_327 {strides = array<i32>} : memref<2048xi32, #tpu.memory_space<vmem>>, vector<16xi32>,
        %add3A_330 = arith.addi %get3A_159, %gather3A_326 : vector<16xi32>
        %swap3A_331 = arith.constant 656 : index
        %swap3A_332 = tpu.vector_load %arg13[%swap3A_331] {strides = array<i32>} : memref<2048xi32, #tpu.memory_space<vmem>>, vector<16xi32>,
        tpu.vector_store %arg13[%swap3A_331], %add3A_330 {strides = array<i32>} : memref<2048xi32, #tpu.memory_space<vmem>>, vector<16xi32>,
        %add3A_333 = arith.addi %get3A_161, %gather3A_326 : vector<16xi32>
        %swap3A_334 = arith.constant 672 : index
        %swap3A_335 = tpu.vector_load %arg13[%swap3A_334] {strides = array<i32>} : memref<2048xi32, #tpu.memory_space<vmem>>, vector<16xi32>,
        tpu.vector_store %arg13[%swap3A_334], %add3A_333 {strides = array<i32>} : memref<2048xi32, #tpu.memory_space<vmem>>, vector<16xi32>,
        %add3A_336 = arith.addi %get3A_163, %gather3A_326 : vector<16xi32>
        %swap3A_337 = arith.constant 688 : index
        %swap3A_338 = tpu.vector_load %arg13[%swap3A_337] {strides = array<i32>} : memref<2048xi32, #tpu.memory_space<vmem>>, vector<16xi32>,
        tpu.vector_store %arg13[%swap3A_337], %add3A_336 {strides = array<i32>} : memref<2048xi32, #tpu.memory_space<vmem>>, vector<16xi32>,
        %add3A_339 = arith.addi %get3A_165, %gather3A_326 : vector<16xi32>
        %swap3A_340 = arith.constant 704 : index
        %swap3A_341 = tpu.vector_load %arg13[%swap3A_340] {strides = array<i32>} : memref<2048xi32, #tpu.memory_space<vmem>>, vector<16xi32>,
        tpu.vector_store %arg13[%swap3A_340], %add3A_339 {strides = array<i32>} : memref<2048xi32, #tpu.memory_space<vmem>>, vector<16xi32>,
        %add3A_342 = arith.addi %get3A_167, %gather3A_326 : vector<16xi32>
        %swap3A_343 = arith.constant 720 : index
        %swap3A_344 = tpu.vector_load %arg13[%swap3A_343] {strides = array<i32>} : memref<2048xi32, #tpu.memory_space<vmem>>, vector<16xi32>,
        tpu.vector_store %arg13[%swap3A_343], %add3A_342 {strides = array<i32>} : memref<2048xi32, #tpu.memory_space<vmem>>, vector<16xi32>,
        %add3A_345 = arith.addi %get3A_169, %gather3A_326 : vector<16xi32>
        %swap3A_346 = arith.constant 736 : index
        %swap3A_347 = tpu.vector_load %arg13[%swap3A_346] {strides = array<i32>} : memref<2048xi32, #tpu.memory_space<vmem>>, vector<16xi32>,
        tpu.vector_store %arg13[%swap3A_346], %add3A_345 {strides = array<i32>} : memref<2048xi32, #tpu.memory_space<vmem>>, vector<16xi32>,
        %add3A_348 = arith.addi %get3A_171, %gather3A_326 : vector<16xi32>
        %swap3A_349 = arith.constant 752 : index
        %swap3A_350 = tpu.vector_load %arg13[%swap3A_349] {strides = array<i32>} : memref<2048xi32, #tpu.memory_space<vmem>>, vector<16xi32>,
        tpu.vector_store %arg13[%swap3A_349], %add3A_348 {strides = array<i32>} : memref<2048xi32, #tpu.memory_space<vmem>>, vector<16xi32>,
        %mul3A_351 = arith.constant 16 : i32
        %mul3A_352 = arith.muli %scan3A_144, %mul3A_351 : i32
        %add3A_353 = arith.constant 6 : i32
        %add3A_354 = arith.addi %mul3A_352, %add3A_353 : i32
        %broadcast_in_dim3A_355 = vector.broadcast %add3A_354 : i32 to vector<16xi32>
        %gather3A_356 = tpu.vector_load_idx %arg11[%broadcast_in_dim3A_355] : memref<1024xi32, #tpu.memory_space<vmem>>[vector<16xi32>], vector<16xi32>,
        %add3A_357 = arith.addi %get3A_157, %gather3A_356 : vector<16xi32>
        %swap3A_358 = arith.constant 768 : index
        %swap3A_359 = tpu.vector_load %arg13[%swap3A_358] {strides = array<i32>} : memref<2048xi32, #tpu.memory_space<vmem>>, vector<16xi32>,
        tpu.vector_store %arg13[%swap3A_358], %add3A_357 {strides = array<i32>} : memref<2048xi32, #tpu.memory_space<vmem>>, vector<16xi32>,
        %add3A_360 = arith.addi %get3A_159, %gather3A_356 : vector<16xi32>
        %swap3A_361 = arith.constant 784 : index
        %swap3A_362 = tpu.vector_load %arg13[%swap3A_361] {strides = array<i32>} : memref<2048xi32, #tpu.memory_space<vmem>>, vector<16xi32>,
        tpu.vector_store %arg13[%swap3A_361], %add3A_360 {strides = array<i32>} : memref<2048xi32, #tpu.memory_space<vmem>>, vector<16xi32>,
        %add3A_363 = arith.addi %get3A_161, %gather3A_356 : vector<16xi32>
        %swap3A_364 = arith.constant 800 : index
        %swap3A_365 = tpu.vector_load %arg13[%swap3A_364] {strides = array<i32>} : memref<2048xi32, #tpu.memory_space<vmem>>, vector<16xi32>,
        tpu.vector_store %arg13[%swap3A_364], %add3A_363 {strides = array<i32>} : memref<2048xi32, #tpu.memory_space<vmem>>, vector<16xi32>,
        %add3A_366 = arith.addi %get3A_163, %gather3A_356 : vector<16xi32>
        %swap3A_367 = arith.constant 816 : index
        %swap3A_368 = tpu.vector_load %arg13[%swap3A_367] {strides = array<i32>} : memref<2048xi32, #tpu.memory_space<vmem>>, vector<16xi32>,
        tpu.vector_store %arg13[%swap3A_367], %add3A_366 {strides = array<i32>} : memref<2048xi32, #tpu.memory_space<vmem>>, vector<16xi32>,
        %add3A_369 = arith.addi %get3A_165, %gather3A_356 : vector<16xi32>
        %swap3A_370 = arith.constant 832 : index
        %swap3A_371 = tpu.vector_load %arg13[%swap3A_370] {strides = array<i32>} : memref<2048xi32, #tpu.memory_space<vmem>>, vector<16xi32>,
        tpu.vector_store %arg13[%swap3A_370], %add3A_369 {strides = array<i32>} : memref<2048xi32, #tpu.memory_space<vmem>>, vector<16xi32>,
        %add3A_372 = arith.addi %get3A_167, %gather3A_356 : vector<16xi32>
        %swap3A_373 = arith.constant 848 : index
        %swap3A_374 = tpu.vector_load %arg13[%swap3A_373] {strides = array<i32>} : memref<2048xi32, #tpu.memory_space<vmem>>, vector<16xi32>,
        tpu.vector_store %arg13[%swap3A_373], %add3A_372 {strides = array<i32>} : memref<2048xi32, #tpu.memory_space<vmem>>, vector<16xi32>,
        %add3A_375 = arith.addi %get3A_169, %gather3A_356 : vector<16xi32>
        %swap3A_376 = arith.constant 864 : index
        %swap3A_377 = tpu.vector_load %arg13[%swap3A_376] {strides = array<i32>} : memref<2048xi32, #tpu.memory_space<vmem>>, vector<16xi32>,
        tpu.vector_store %arg13[%swap3A_376], %add3A_375 {strides = array<i32>} : memref<2048xi32, #tpu.memory_space<vmem>>, vector<16xi32>,
        %add3A_378 = arith.addi %get3A_171, %gather3A_356 : vector<16xi32>
        %swap3A_379 = arith.constant 880 : index
        %swap3A_380 = tpu.vector_load %arg13[%swap3A_379] {strides = array<i32>} : memref<2048xi32, #tpu.memory_space<vmem>>, vector<16xi32>,
        tpu.vector_store %arg13[%swap3A_379], %add3A_378 {strides = array<i32>} : memref<2048xi32, #tpu.memory_space<vmem>>, vector<16xi32>,
        %mul3A_381 = arith.constant 16 : i32
        %mul3A_382 = arith.muli %scan3A_144, %mul3A_381 : i32
        %add3A_383 = arith.constant 7 : i32
        %add3A_384 = arith.addi %mul3A_382, %add3A_383 : i32
        %broadcast_in_dim3A_385 = vector.broadcast %add3A_384 : i32 to vector<16xi32>
        %gather3A_386 = tpu.vector_load_idx %arg11[%broadcast_in_dim3A_385] : memref<1024xi32, #tpu.memory_space<vmem>>[vector<16xi32>], vector<16xi32>,
        %add3A_387 = arith.addi %get3A_157, %gather3A_386 : vector<16xi32>
        %swap3A_388 = arith.constant 896 : index
        %swap3A_389 = tpu.vector_load %arg13[%swap3A_388] {strides = array<i32>} : memref<2048xi32, #tpu.memory_space<vmem>>, vector<16xi32>,
        tpu.vector_store %arg13[%swap3A_388], %add3A_387 {strides = array<i32>} : memref<2048xi32, #tpu.memory_space<vmem>>, vector<16xi32>,
        %add3A_390 = arith.addi %get3A_159, %gather3A_386 : vector<16xi32>
        %swap3A_391 = arith.constant 912 : index
        %swap3A_392 = tpu.vector_load %arg13[%swap3A_391] {strides = array<i32>} : memref<2048xi32, #tpu.memory_space<vmem>>, vector<16xi32>,
        tpu.vector_store %arg13[%swap3A_391], %add3A_390 {strides = array<i32>} : memref<2048xi32, #tpu.memory_space<vmem>>, vector<16xi32>,
        %add3A_393 = arith.addi %get3A_161, %gather3A_386 : vector<16xi32>
        %swap3A_394 = arith.constant 928 : index
        %swap3A_395 = tpu.vector_load %arg13[%swap3A_394] {strides = array<i32>} : memref<2048xi32, #tpu.memory_space<vmem>>, vector<16xi32>,
        tpu.vector_store %arg13[%swap3A_394], %add3A_393 {strides = array<i32>} : memref<2048xi32, #tpu.memory_space<vmem>>, vector<16xi32>,
        %add3A_396 = arith.addi %get3A_163, %gather3A_386 : vector<16xi32>
        %swap3A_397 = arith.constant 944 : index
        %swap3A_398 = tpu.vector_load %arg13[%swap3A_397] {strides = array<i32>} : memref<2048xi32, #tpu.memory_space<vmem>>, vector<16xi32>,
        tpu.vector_store %arg13[%swap3A_397], %add3A_396 {strides = array<i32>} : memref<2048xi32, #tpu.memory_space<vmem>>, vector<16xi32>,
        %add3A_399 = arith.addi %get3A_165, %gather3A_386 : vector<16xi32>
        %swap3A_400 = arith.constant 960 : index
        %swap3A_401 = tpu.vector_load %arg13[%swap3A_400] {strides = array<i32>} : memref<2048xi32, #tpu.memory_space<vmem>>, vector<16xi32>,
        tpu.vector_store %arg13[%swap3A_400], %add3A_399 {strides = array<i32>} : memref<2048xi32, #tpu.memory_space<vmem>>, vector<16xi32>,
        %add3A_402 = arith.addi %get3A_167, %gather3A_386 : vector<16xi32>
        %swap3A_403 = arith.constant 976 : index
        %swap3A_404 = tpu.vector_load %arg13[%swap3A_403] {strides = array<i32>} : memref<2048xi32, #tpu.memory_space<vmem>>, vector<16xi32>,
        tpu.vector_store %arg13[%swap3A_403], %add3A_402 {strides = array<i32>} : memref<2048xi32, #tpu.memory_space<vmem>>, vector<16xi32>,
        %add3A_405 = arith.addi %get3A_169, %gather3A_386 : vector<16xi32>
        %swap3A_406 = arith.constant 992 : index
        %swap3A_407 = tpu.vector_load %arg13[%swap3A_406] {strides = array<i32>} : memref<2048xi32, #tpu.memory_space<vmem>>, vector<16xi32>,
        tpu.vector_store %arg13[%swap3A_406], %add3A_405 {strides = array<i32>} : memref<2048xi32, #tpu.memory_space<vmem>>, vector<16xi32>,
        %add3A_408 = arith.addi %get3A_171, %gather3A_386 : vector<16xi32>
        %swap3A_409 = arith.constant 1008 : index
        %swap3A_410 = tpu.vector_load %arg13[%swap3A_409] {strides = array<i32>} : memref<2048xi32, #tpu.memory_space<vmem>>, vector<16xi32>,
        tpu.vector_store %arg13[%swap3A_409], %add3A_408 {strides = array<i32>} : memref<2048xi32, #tpu.memory_space<vmem>>, vector<16xi32>,
        %mul3A_411 = arith.constant 16 : i32
        %mul3A_412 = arith.muli %scan3A_144, %mul3A_411 : i32
        %add3A_413 = arith.constant 8 : i32
        %add3A_414 = arith.addi %mul3A_412, %add3A_413 : i32
        %broadcast_in_dim3A_415 = vector.broadcast %add3A_414 : i32 to vector<16xi32>
        %gather3A_416 = tpu.vector_load_idx %arg11[%broadcast_in_dim3A_415] : memref<1024xi32, #tpu.memory_space<vmem>>[vector<16xi32>], vector<16xi32>,
        %add3A_417 = arith.addi %get3A_157, %gather3A_416 : vector<16xi32>
        %swap3A_418 = arith.constant 1024 : index
        %swap3A_419 = tpu.vector_load %arg13[%swap3A_418] {strides = array<i32>} : memref<2048xi32, #tpu.memory_space<vmem>>, vector<16xi32>,
        tpu.vector_store %arg13[%swap3A_418], %add3A_417 {strides = array<i32>} : memref<2048xi32, #tpu.memory_space<vmem>>, vector<16xi32>,
        %add3A_420 = arith.addi %get3A_159, %gather3A_416 : vector<16xi32>
        %swap3A_421 = arith.constant 1040 : index
        %swap3A_422 = tpu.vector_load %arg13[%swap3A_421] {strides = array<i32>} : memref<2048xi32, #tpu.memory_space<vmem>>, vector<16xi32>,
        tpu.vector_store %arg13[%swap3A_421], %add3A_420 {strides = array<i32>} : memref<2048xi32, #tpu.memory_space<vmem>>, vector<16xi32>,
        %add3A_423 = arith.addi %get3A_161, %gather3A_416 : vector<16xi32>
        %swap3A_424 = arith.constant 1056 : index
        %swap3A_425 = tpu.vector_load %arg13[%swap3A_424] {strides = array<i32>} : memref<2048xi32, #tpu.memory_space<vmem>>, vector<16xi32>,
        tpu.vector_store %arg13[%swap3A_424], %add3A_423 {strides = array<i32>} : memref<2048xi32, #tpu.memory_space<vmem>>, vector<16xi32>,
        %add3A_426 = arith.addi %get3A_163, %gather3A_416 : vector<16xi32>
        %swap3A_427 = arith.constant 1072 : index
        %swap3A_428 = tpu.vector_load %arg13[%swap3A_427] {strides = array<i32>} : memref<2048xi32, #tpu.memory_space<vmem>>, vector<16xi32>,
        tpu.vector_store %arg13[%swap3A_427], %add3A_426 {strides = array<i32>} : memref<2048xi32, #tpu.memory_space<vmem>>, vector<16xi32>,
        %add3A_429 = arith.addi %get3A_165, %gather3A_416 : vector<16xi32>
        %swap3A_430 = arith.constant 1088 : index
        %swap3A_431 = tpu.vector_load %arg13[%swap3A_430] {strides = array<i32>} : memref<2048xi32, #tpu.memory_space<vmem>>, vector<16xi32>,
        tpu.vector_store %arg13[%swap3A_430], %add3A_429 {strides = array<i32>} : memref<2048xi32, #tpu.memory_space<vmem>>, vector<16xi32>,
        %add3A_432 = arith.addi %get3A_167, %gather3A_416 : vector<16xi32>
        %swap3A_433 = arith.constant 1104 : index
        %swap3A_434 = tpu.vector_load %arg13[%swap3A_433] {strides = array<i32>} : memref<2048xi32, #tpu.memory_space<vmem>>, vector<16xi32>,
        tpu.vector_store %arg13[%swap3A_433], %add3A_432 {strides = array<i32>} : memref<2048xi32, #tpu.memory_space<vmem>>, vector<16xi32>,
        %add3A_435 = arith.addi %get3A_169, %gather3A_416 : vector<16xi32>
        %swap3A_436 = arith.constant 1120 : index
        %swap3A_437 = tpu.vector_load %arg13[%swap3A_436] {strides = array<i32>} : memref<2048xi32, #tpu.memory_space<vmem>>, vector<16xi32>,
        tpu.vector_store %arg13[%swap3A_436], %add3A_435 {strides = array<i32>} : memref<2048xi32, #tpu.memory_space<vmem>>, vector<16xi32>,
        %add3A_438 = arith.addi %get3A_171, %gather3A_416 : vector<16xi32>
        %swap3A_439 = arith.constant 1136 : index
        %swap3A_440 = tpu.vector_load %arg13[%swap3A_439] {strides = array<i32>} : memref<2048xi32, #tpu.memory_space<vmem>>, vector<16xi32>,
        tpu.vector_store %arg13[%swap3A_439], %add3A_438 {strides = array<i32>} : memref<2048xi32, #tpu.memory_space<vmem>>, vector<16xi32>,
        %mul3A_441 = arith.constant 16 : i32
        %mul3A_442 = arith.muli %scan3A_144, %mul3A_441 : i32
        %add3A_443 = arith.constant 9 : i32
        %add3A_444 = arith.addi %mul3A_442, %add3A_443 : i32
        %broadcast_in_dim3A_445 = vector.broadcast %add3A_444 : i32 to vector<16xi32>
        %gather3A_446 = tpu.vector_load_idx %arg11[%broadcast_in_dim3A_445] : memref<1024xi32, #tpu.memory_space<vmem>>[vector<16xi32>], vector<16xi32>,
        %add3A_447 = arith.addi %get3A_157, %gather3A_446 : vector<16xi32>
        %swap3A_448 = arith.constant 1152 : index
        %swap3A_449 = tpu.vector_load %arg13[%swap3A_448] {strides = array<i32>} : memref<2048xi32, #tpu.memory_space<vmem>>, vector<16xi32>,
        tpu.vector_store %arg13[%swap3A_448], %add3A_447 {strides = array<i32>} : memref<2048xi32, #tpu.memory_space<vmem>>, vector<16xi32>,
        %add3A_450 = arith.addi %get3A_159, %gather3A_446 : vector<16xi32>
        %swap3A_451 = arith.constant 1168 : index
        %swap3A_452 = tpu.vector_load %arg13[%swap3A_451] {strides = array<i32>} : memref<2048xi32, #tpu.memory_space<vmem>>, vector<16xi32>,
        tpu.vector_store %arg13[%swap3A_451], %add3A_450 {strides = array<i32>} : memref<2048xi32, #tpu.memory_space<vmem>>, vector<16xi32>,
        %add3A_453 = arith.addi %get3A_161, %gather3A_446 : vector<16xi32>
        %swap3A_454 = arith.constant 1184 : index
        %swap3A_455 = tpu.vector_load %arg13[%swap3A_454] {strides = array<i32>} : memref<2048xi32, #tpu.memory_space<vmem>>, vector<16xi32>,
        tpu.vector_store %arg13[%swap3A_454], %add3A_453 {strides = array<i32>} : memref<2048xi32, #tpu.memory_space<vmem>>, vector<16xi32>,
        %add3A_456 = arith.addi %get3A_163, %gather3A_446 : vector<16xi32>
        %swap3A_457 = arith.constant 1200 : index
        %swap3A_458 = tpu.vector_load %arg13[%swap3A_457] {strides = array<i32>} : memref<2048xi32, #tpu.memory_space<vmem>>, vector<16xi32>,
        tpu.vector_store %arg13[%swap3A_457], %add3A_456 {strides = array<i32>} : memref<2048xi32, #tpu.memory_space<vmem>>, vector<16xi32>,
        %add3A_459 = arith.addi %get3A_165, %gather3A_446 : vector<16xi32>
        %swap3A_460 = arith.constant 1216 : index
        %swap3A_461 = tpu.vector_load %arg13[%swap3A_460] {strides = array<i32>} : memref<2048xi32, #tpu.memory_space<vmem>>, vector<16xi32>,
        tpu.vector_store %arg13[%swap3A_460], %add3A_459 {strides = array<i32>} : memref<2048xi32, #tpu.memory_space<vmem>>, vector<16xi32>,
        %add3A_462 = arith.addi %get3A_167, %gather3A_446 : vector<16xi32>
        %swap3A_463 = arith.constant 1232 : index
        %swap3A_464 = tpu.vector_load %arg13[%swap3A_463] {strides = array<i32>} : memref<2048xi32, #tpu.memory_space<vmem>>, vector<16xi32>,
        tpu.vector_store %arg13[%swap3A_463], %add3A_462 {strides = array<i32>} : memref<2048xi32, #tpu.memory_space<vmem>>, vector<16xi32>,
        %add3A_465 = arith.addi %get3A_169, %gather3A_446 : vector<16xi32>
        %swap3A_466 = arith.constant 1248 : index
        %swap3A_467 = tpu.vector_load %arg13[%swap3A_466] {strides = array<i32>} : memref<2048xi32, #tpu.memory_space<vmem>>, vector<16xi32>,
        tpu.vector_store %arg13[%swap3A_466], %add3A_465 {strides = array<i32>} : memref<2048xi32, #tpu.memory_space<vmem>>, vector<16xi32>,
        %add3A_468 = arith.addi %get3A_171, %gather3A_446 : vector<16xi32>
        %swap3A_469 = arith.constant 1264 : index
        %swap3A_470 = tpu.vector_load %arg13[%swap3A_469] {strides = array<i32>} : memref<2048xi32, #tpu.memory_space<vmem>>, vector<16xi32>,
        tpu.vector_store %arg13[%swap3A_469], %add3A_468 {strides = array<i32>} : memref<2048xi32, #tpu.memory_space<vmem>>, vector<16xi32>,
        %mul3A_471 = arith.constant 16 : i32
        %mul3A_472 = arith.muli %scan3A_144, %mul3A_471 : i32
        %add3A_473 = arith.constant 10 : i32
        %add3A_474 = arith.addi %mul3A_472, %add3A_473 : i32
        %broadcast_in_dim3A_475 = vector.broadcast %add3A_474 : i32 to vector<16xi32>
        %gather3A_476 = tpu.vector_load_idx %arg11[%broadcast_in_dim3A_475] : memref<1024xi32, #tpu.memory_space<vmem>>[vector<16xi32>], vector<16xi32>,
        %add3A_477 = arith.addi %get3A_157, %gather3A_476 : vector<16xi32>
        %swap3A_478 = arith.constant 1280 : index
        %swap3A_479 = tpu.vector_load %arg13[%swap3A_478] {strides = array<i32>} : memref<2048xi32, #tpu.memory_space<vmem>>, vector<16xi32>,
        tpu.vector_store %arg13[%swap3A_478], %add3A_477 {strides = array<i32>} : memref<2048xi32, #tpu.memory_space<vmem>>, vector<16xi32>,
        %add3A_480 = arith.addi %get3A_159, %gather3A_476 : vector<16xi32>
        %swap3A_481 = arith.constant 1296 : index
        %swap3A_482 = tpu.vector_load %arg13[%swap3A_481] {strides = array<i32>} : memref<2048xi32, #tpu.memory_space<vmem>>, vector<16xi32>,
        tpu.vector_store %arg13[%swap3A_481], %add3A_480 {strides = array<i32>} : memref<2048xi32, #tpu.memory_space<vmem>>, vector<16xi32>,
        %add3A_483 = arith.addi %get3A_161, %gather3A_476 : vector<16xi32>
        %swap3A_484 = arith.constant 1312 : index
        %swap3A_485 = tpu.vector_load %arg13[%swap3A_484] {strides = array<i32>} : memref<2048xi32, #tpu.memory_space<vmem>>, vector<16xi32>,
        tpu.vector_store %arg13[%swap3A_484], %add3A_483 {strides = array<i32>} : memref<2048xi32, #tpu.memory_space<vmem>>, vector<16xi32>,
        %add3A_486 = arith.addi %get3A_163, %gather3A_476 : vector<16xi32>
        %swap3A_487 = arith.constant 1328 : index
        %swap3A_488 = tpu.vector_load %arg13[%swap3A_487] {strides = array<i32>} : memref<2048xi32, #tpu.memory_space<vmem>>, vector<16xi32>,
        tpu.vector_store %arg13[%swap3A_487], %add3A_486 {strides = array<i32>} : memref<2048xi32, #tpu.memory_space<vmem>>, vector<16xi32>,
        %add3A_489 = arith.addi %get3A_165, %gather3A_476 : vector<16xi32>
        %swap3A_490 = arith.constant 1344 : index
        %swap3A_491 = tpu.vector_load %arg13[%swap3A_490] {strides = array<i32>} : memref<2048xi32, #tpu.memory_space<vmem>>, vector<16xi32>,
        tpu.vector_store %arg13[%swap3A_490], %add3A_489 {strides = array<i32>} : memref<2048xi32, #tpu.memory_space<vmem>>, vector<16xi32>,
        %add3A_492 = arith.addi %get3A_167, %gather3A_476 : vector<16xi32>
        %swap3A_493 = arith.constant 1360 : index
        %swap3A_494 = tpu.vector_load %arg13[%swap3A_493] {strides = array<i32>} : memref<2048xi32, #tpu.memory_space<vmem>>, vector<16xi32>,
        tpu.vector_store %arg13[%swap3A_493], %add3A_492 {strides = array<i32>} : memref<2048xi32, #tpu.memory_space<vmem>>, vector<16xi32>,
        %add3A_495 = arith.addi %get3A_169, %gather3A_476 : vector<16xi32>
        %swap3A_496 = arith.constant 1376 : index
        %swap3A_497 = tpu.vector_load %arg13[%swap3A_496] {strides = array<i32>} : memref<2048xi32, #tpu.memory_space<vmem>>, vector<16xi32>,
        tpu.vector_store %arg13[%swap3A_496], %add3A_495 {strides = array<i32>} : memref<2048xi32, #tpu.memory_space<vmem>>, vector<16xi32>,
        %add3A_498 = arith.addi %get3A_171, %gather3A_476 : vector<16xi32>
        %swap3A_499 = arith.constant 1392 : index
        %swap3A_500 = tpu.vector_load %arg13[%swap3A_499] {strides = array<i32>} : memref<2048xi32, #tpu.memory_space<vmem>>, vector<16xi32>,
        tpu.vector_store %arg13[%swap3A_499], %add3A_498 {strides = array<i32>} : memref<2048xi32, #tpu.memory_space<vmem>>, vector<16xi32>,
        %mul3A_501 = arith.constant 16 : i32
        %mul3A_502 = arith.muli %scan3A_144, %mul3A_501 : i32
        %add3A_503 = arith.constant 11 : i32
        %add3A_504 = arith.addi %mul3A_502, %add3A_503 : i32
        %broadcast_in_dim3A_505 = vector.broadcast %add3A_504 : i32 to vector<16xi32>
        %gather3A_506 = tpu.vector_load_idx %arg11[%broadcast_in_dim3A_505] : memref<1024xi32, #tpu.memory_space<vmem>>[vector<16xi32>], vector<16xi32>,
        %add3A_507 = arith.addi %get3A_157, %gather3A_506 : vector<16xi32>
        %swap3A_508 = arith.constant 1408 : index
        %swap3A_509 = tpu.vector_load %arg13[%swap3A_508] {strides = array<i32>} : memref<2048xi32, #tpu.memory_space<vmem>>, vector<16xi32>,
        tpu.vector_store %arg13[%swap3A_508], %add3A_507 {strides = array<i32>} : memref<2048xi32, #tpu.memory_space<vmem>>, vector<16xi32>,
        %add3A_510 = arith.addi %get3A_159, %gather3A_506 : vector<16xi32>
        %swap3A_511 = arith.constant 1424 : index
        %swap3A_512 = tpu.vector_load %arg13[%swap3A_511] {strides = array<i32>} : memref<2048xi32, #tpu.memory_space<vmem>>, vector<16xi32>,
        tpu.vector_store %arg13[%swap3A_511], %add3A_510 {strides = array<i32>} : memref<2048xi32, #tpu.memory_space<vmem>>, vector<16xi32>,
        %add3A_513 = arith.addi %get3A_161, %gather3A_506 : vector<16xi32>
        %swap3A_514 = arith.constant 1440 : index
        %swap3A_515 = tpu.vector_load %arg13[%swap3A_514] {strides = array<i32>} : memref<2048xi32, #tpu.memory_space<vmem>>, vector<16xi32>,
        tpu.vector_store %arg13[%swap3A_514], %add3A_513 {strides = array<i32>} : memref<2048xi32, #tpu.memory_space<vmem>>, vector<16xi32>,
        %add3A_516 = arith.addi %get3A_163, %gather3A_506 : vector<16xi32>
        %swap3A_517 = arith.constant 1456 : index
        %swap3A_518 = tpu.vector_load %arg13[%swap3A_517] {strides = array<i32>} : memref<2048xi32, #tpu.memory_space<vmem>>, vector<16xi32>,
        tpu.vector_store %arg13[%swap3A_517], %add3A_516 {strides = array<i32>} : memref<2048xi32, #tpu.memory_space<vmem>>, vector<16xi32>,
        %add3A_519 = arith.addi %get3A_165, %gather3A_506 : vector<16xi32>
        %swap3A_520 = arith.constant 1472 : index
        %swap3A_521 = tpu.vector_load %arg13[%swap3A_520] {strides = array<i32>} : memref<2048xi32, #tpu.memory_space<vmem>>, vector<16xi32>,
        tpu.vector_store %arg13[%swap3A_520], %add3A_519 {strides = array<i32>} : memref<2048xi32, #tpu.memory_space<vmem>>, vector<16xi32>,
        %add3A_522 = arith.addi %get3A_167, %gather3A_506 : vector<16xi32>
        %swap3A_523 = arith.constant 1488 : index
        %swap3A_524 = tpu.vector_load %arg13[%swap3A_523] {strides = array<i32>} : memref<2048xi32, #tpu.memory_space<vmem>>, vector<16xi32>,
        tpu.vector_store %arg13[%swap3A_523], %add3A_522 {strides = array<i32>} : memref<2048xi32, #tpu.memory_space<vmem>>, vector<16xi32>,
        %add3A_525 = arith.addi %get3A_169, %gather3A_506 : vector<16xi32>
        %swap3A_526 = arith.constant 1504 : index
        %swap3A_527 = tpu.vector_load %arg13[%swap3A_526] {strides = array<i32>} : memref<2048xi32, #tpu.memory_space<vmem>>, vector<16xi32>,
        tpu.vector_store %arg13[%swap3A_526], %add3A_525 {strides = array<i32>} : memref<2048xi32, #tpu.memory_space<vmem>>, vector<16xi32>,
        %add3A_528 = arith.addi %get3A_171, %gather3A_506 : vector<16xi32>
        %swap3A_529 = arith.constant 1520 : index
        %swap3A_530 = tpu.vector_load %arg13[%swap3A_529] {strides = array<i32>} : memref<2048xi32, #tpu.memory_space<vmem>>, vector<16xi32>,
        tpu.vector_store %arg13[%swap3A_529], %add3A_528 {strides = array<i32>} : memref<2048xi32, #tpu.memory_space<vmem>>, vector<16xi32>,
        %mul3A_531 = arith.constant 16 : i32
        %mul3A_532 = arith.muli %scan3A_144, %mul3A_531 : i32
        %add3A_533 = arith.constant 12 : i32
        %add3A_534 = arith.addi %mul3A_532, %add3A_533 : i32
        %broadcast_in_dim3A_535 = vector.broadcast %add3A_534 : i32 to vector<16xi32>
        %gather3A_536 = tpu.vector_load_idx %arg11[%broadcast_in_dim3A_535] : memref<1024xi32, #tpu.memory_space<vmem>>[vector<16xi32>], vector<16xi32>,
        %add3A_537 = arith.addi %get3A_157, %gather3A_536 : vector<16xi32>
        %swap3A_538 = arith.constant 1536 : index
        %swap3A_539 = tpu.vector_load %arg13[%swap3A_538] {strides = array<i32>} : memref<2048xi32, #tpu.memory_space<vmem>>, vector<16xi32>,
        tpu.vector_store %arg13[%swap3A_538], %add3A_537 {strides = array<i32>} : memref<2048xi32, #tpu.memory_space<vmem>>, vector<16xi32>,
        %add3A_540 = arith.addi %get3A_159, %gather3A_536 : vector<16xi32>
        %swap3A_541 = arith.constant 1552 : index
        %swap3A_542 = tpu.vector_load %arg13[%swap3A_541] {strides = array<i32>} : memref<2048xi32, #tpu.memory_space<vmem>>, vector<16xi32>,
        tpu.vector_store %arg13[%swap3A_541], %add3A_540 {strides = array<i32>} : memref<2048xi32, #tpu.memory_space<vmem>>, vector<16xi32>,
        %add3A_543 = arith.addi %get3A_161, %gather3A_536 : vector<16xi32>
        %swap3A_544 = arith.constant 1568 : index
        %swap3A_545 = tpu.vector_load %arg13[%swap3A_544] {strides = array<i32>} : memref<2048xi32, #tpu.memory_space<vmem>>, vector<16xi32>,
        tpu.vector_store %arg13[%swap3A_544], %add3A_543 {strides = array<i32>} : memref<2048xi32, #tpu.memory_space<vmem>>, vector<16xi32>,
        %add3A_546 = arith.addi %get3A_163, %gather3A_536 : vector<16xi32>
        %swap3A_547 = arith.constant 1584 : index
        %swap3A_548 = tpu.vector_load %arg13[%swap3A_547] {strides = array<i32>} : memref<2048xi32, #tpu.memory_space<vmem>>, vector<16xi32>,
        tpu.vector_store %arg13[%swap3A_547], %add3A_546 {strides = array<i32>} : memref<2048xi32, #tpu.memory_space<vmem>>, vector<16xi32>,
        %add3A_549 = arith.addi %get3A_165, %gather3A_536 : vector<16xi32>
        %swap3A_550 = arith.constant 1600 : index
        %swap3A_551 = tpu.vector_load %arg13[%swap3A_550] {strides = array<i32>} : memref<2048xi32, #tpu.memory_space<vmem>>, vector<16xi32>,
        tpu.vector_store %arg13[%swap3A_550], %add3A_549 {strides = array<i32>} : memref<2048xi32, #tpu.memory_space<vmem>>, vector<16xi32>,
        %add3A_552 = arith.addi %get3A_167, %gather3A_536 : vector<16xi32>
        %swap3A_553 = arith.constant 1616 : index
        %swap3A_554 = tpu.vector_load %arg13[%swap3A_553] {strides = array<i32>} : memref<2048xi32, #tpu.memory_space<vmem>>, vector<16xi32>,
        tpu.vector_store %arg13[%swap3A_553], %add3A_552 {strides = array<i32>} : memref<2048xi32, #tpu.memory_space<vmem>>, vector<16xi32>,
        %add3A_555 = arith.addi %get3A_169, %gather3A_536 : vector<16xi32>
        %swap3A_556 = arith.constant 1632 : index
        %swap3A_557 = tpu.vector_load %arg13[%swap3A_556] {strides = array<i32>} : memref<2048xi32, #tpu.memory_space<vmem>>, vector<16xi32>,
        tpu.vector_store %arg13[%swap3A_556], %add3A_555 {strides = array<i32>} : memref<2048xi32, #tpu.memory_space<vmem>>, vector<16xi32>,
        %add3A_558 = arith.addi %get3A_171, %gather3A_536 : vector<16xi32>
        %swap3A_559 = arith.constant 1648 : index
        %swap3A_560 = tpu.vector_load %arg13[%swap3A_559] {strides = array<i32>} : memref<2048xi32, #tpu.memory_space<vmem>>, vector<16xi32>,
        tpu.vector_store %arg13[%swap3A_559], %add3A_558 {strides = array<i32>} : memref<2048xi32, #tpu.memory_space<vmem>>, vector<16xi32>,
        %mul3A_561 = arith.constant 16 : i32
        %mul3A_562 = arith.muli %scan3A_144, %mul3A_561 : i32
        %add3A_563 = arith.constant 13 : i32
        %add3A_564 = arith.addi %mul3A_562, %add3A_563 : i32
        %broadcast_in_dim3A_565 = vector.broadcast %add3A_564 : i32 to vector<16xi32>
        %gather3A_566 = tpu.vector_load_idx %arg11[%broadcast_in_dim3A_565] : memref<1024xi32, #tpu.memory_space<vmem>>[vector<16xi32>], vector<16xi32>,
        %add3A_567 = arith.addi %get3A_157, %gather3A_566 : vector<16xi32>
        %swap3A_568 = arith.constant 1664 : index
        %swap3A_569 = tpu.vector_load %arg13[%swap3A_568] {strides = array<i32>} : memref<2048xi32, #tpu.memory_space<vmem>>, vector<16xi32>,
        tpu.vector_store %arg13[%swap3A_568], %add3A_567 {strides = array<i32>} : memref<2048xi32, #tpu.memory_space<vmem>>, vector<16xi32>,
        %add3A_570 = arith.addi %get3A_159, %gather3A_566 : vector<16xi32>
        %swap3A_571 = arith.constant 1680 : index
        %swap3A_572 = tpu.vector_load %arg13[%swap3A_571] {strides = array<i32>} : memref<2048xi32, #tpu.memory_space<vmem>>, vector<16xi32>,
        tpu.vector_store %arg13[%swap3A_571], %add3A_570 {strides = array<i32>} : memref<2048xi32, #tpu.memory_space<vmem>>, vector<16xi32>,
        %add3A_573 = arith.addi %get3A_161, %gather3A_566 : vector<16xi32>
        %swap3A_574 = arith.constant 1696 : index
        %swap3A_575 = tpu.vector_load %arg13[%swap3A_574] {strides = array<i32>} : memref<2048xi32, #tpu.memory_space<vmem>>, vector<16xi32>,
        tpu.vector_store %arg13[%swap3A_574], %add3A_573 {strides = array<i32>} : memref<2048xi32, #tpu.memory_space<vmem>>, vector<16xi32>,
        %add3A_576 = arith.addi %get3A_163, %gather3A_566 : vector<16xi32>
        %swap3A_577 = arith.constant 1712 : index
        %swap3A_578 = tpu.vector_load %arg13[%swap3A_577] {strides = array<i32>} : memref<2048xi32, #tpu.memory_space<vmem>>, vector<16xi32>,
        tpu.vector_store %arg13[%swap3A_577], %add3A_576 {strides = array<i32>} : memref<2048xi32, #tpu.memory_space<vmem>>, vector<16xi32>,
        %add3A_579 = arith.addi %get3A_165, %gather3A_566 : vector<16xi32>
        %swap3A_580 = arith.constant 1728 : index
        %swap3A_581 = tpu.vector_load %arg13[%swap3A_580] {strides = array<i32>} : memref<2048xi32, #tpu.memory_space<vmem>>, vector<16xi32>,
        tpu.vector_store %arg13[%swap3A_580], %add3A_579 {strides = array<i32>} : memref<2048xi32, #tpu.memory_space<vmem>>, vector<16xi32>,
        %add3A_582 = arith.addi %get3A_167, %gather3A_566 : vector<16xi32>
        %swap3A_583 = arith.constant 1744 : index
        %swap3A_584 = tpu.vector_load %arg13[%swap3A_583] {strides = array<i32>} : memref<2048xi32, #tpu.memory_space<vmem>>, vector<16xi32>,
        tpu.vector_store %arg13[%swap3A_583], %add3A_582 {strides = array<i32>} : memref<2048xi32, #tpu.memory_space<vmem>>, vector<16xi32>,
        %add3A_585 = arith.addi %get3A_169, %gather3A_566 : vector<16xi32>
        %swap3A_586 = arith.constant 1760 : index
        %swap3A_587 = tpu.vector_load %arg13[%swap3A_586] {strides = array<i32>} : memref<2048xi32, #tpu.memory_space<vmem>>, vector<16xi32>,
        tpu.vector_store %arg13[%swap3A_586], %add3A_585 {strides = array<i32>} : memref<2048xi32, #tpu.memory_space<vmem>>, vector<16xi32>,
        %add3A_588 = arith.addi %get3A_171, %gather3A_566 : vector<16xi32>
        %swap3A_589 = arith.constant 1776 : index
        %swap3A_590 = tpu.vector_load %arg13[%swap3A_589] {strides = array<i32>} : memref<2048xi32, #tpu.memory_space<vmem>>, vector<16xi32>,
        tpu.vector_store %arg13[%swap3A_589], %add3A_588 {strides = array<i32>} : memref<2048xi32, #tpu.memory_space<vmem>>, vector<16xi32>,
        %mul3A_591 = arith.constant 16 : i32
        %mul3A_592 = arith.muli %scan3A_144, %mul3A_591 : i32
        %add3A_593 = arith.constant 14 : i32
        %add3A_594 = arith.addi %mul3A_592, %add3A_593 : i32
        %broadcast_in_dim3A_595 = vector.broadcast %add3A_594 : i32 to vector<16xi32>
        %gather3A_596 = tpu.vector_load_idx %arg11[%broadcast_in_dim3A_595] : memref<1024xi32, #tpu.memory_space<vmem>>[vector<16xi32>], vector<16xi32>,
        %add3A_597 = arith.addi %get3A_157, %gather3A_596 : vector<16xi32>
        %swap3A_598 = arith.constant 1792 : index
        %swap3A_599 = tpu.vector_load %arg13[%swap3A_598] {strides = array<i32>} : memref<2048xi32, #tpu.memory_space<vmem>>, vector<16xi32>,
        tpu.vector_store %arg13[%swap3A_598], %add3A_597 {strides = array<i32>} : memref<2048xi32, #tpu.memory_space<vmem>>, vector<16xi32>,
        %add3A_600 = arith.addi %get3A_159, %gather3A_596 : vector<16xi32>
        %swap3A_601 = arith.constant 1808 : index
        %swap3A_602 = tpu.vector_load %arg13[%swap3A_601] {strides = array<i32>} : memref<2048xi32, #tpu.memory_space<vmem>>, vector<16xi32>,
        tpu.vector_store %arg13[%swap3A_601], %add3A_600 {strides = array<i32>} : memref<2048xi32, #tpu.memory_space<vmem>>, vector<16xi32>,
        %add3A_603 = arith.addi %get3A_161, %gather3A_596 : vector<16xi32>
        %swap3A_604 = arith.constant 1824 : index
        %swap3A_605 = tpu.vector_load %arg13[%swap3A_604] {strides = array<i32>} : memref<2048xi32, #tpu.memory_space<vmem>>, vector<16xi32>,
        tpu.vector_store %arg13[%swap3A_604], %add3A_603 {strides = array<i32>} : memref<2048xi32, #tpu.memory_space<vmem>>, vector<16xi32>,
        %add3A_606 = arith.addi %get3A_163, %gather3A_596 : vector<16xi32>
        %swap3A_607 = arith.constant 1840 : index
        %swap3A_608 = tpu.vector_load %arg13[%swap3A_607] {strides = array<i32>} : memref<2048xi32, #tpu.memory_space<vmem>>, vector<16xi32>,
        tpu.vector_store %arg13[%swap3A_607], %add3A_606 {strides = array<i32>} : memref<2048xi32, #tpu.memory_space<vmem>>, vector<16xi32>,
        %add3A_609 = arith.addi %get3A_165, %gather3A_596 : vector<16xi32>
        %swap3A_610 = arith.constant 1856 : index
        %swap3A_611 = tpu.vector_load %arg13[%swap3A_610] {strides = array<i32>} : memref<2048xi32, #tpu.memory_space<vmem>>, vector<16xi32>,
        tpu.vector_store %arg13[%swap3A_610], %add3A_609 {strides = array<i32>} : memref<2048xi32, #tpu.memory_space<vmem>>, vector<16xi32>,
        %add3A_612 = arith.addi %get3A_167, %gather3A_596 : vector<16xi32>
        %swap3A_613 = arith.constant 1872 : index
        %swap3A_614 = tpu.vector_load %arg13[%swap3A_613] {strides = array<i32>} : memref<2048xi32, #tpu.memory_space<vmem>>, vector<16xi32>,
        tpu.vector_store %arg13[%swap3A_613], %add3A_612 {strides = array<i32>} : memref<2048xi32, #tpu.memory_space<vmem>>, vector<16xi32>,
        %add3A_615 = arith.addi %get3A_169, %gather3A_596 : vector<16xi32>
        %swap3A_616 = arith.constant 1888 : index
        %swap3A_617 = tpu.vector_load %arg13[%swap3A_616] {strides = array<i32>} : memref<2048xi32, #tpu.memory_space<vmem>>, vector<16xi32>,
        tpu.vector_store %arg13[%swap3A_616], %add3A_615 {strides = array<i32>} : memref<2048xi32, #tpu.memory_space<vmem>>, vector<16xi32>,
        %add3A_618 = arith.addi %get3A_171, %gather3A_596 : vector<16xi32>
        %swap3A_619 = arith.constant 1904 : index
        %swap3A_620 = tpu.vector_load %arg13[%swap3A_619] {strides = array<i32>} : memref<2048xi32, #tpu.memory_space<vmem>>, vector<16xi32>,
        tpu.vector_store %arg13[%swap3A_619], %add3A_618 {strides = array<i32>} : memref<2048xi32, #tpu.memory_space<vmem>>, vector<16xi32>,
        %mul3A_621 = arith.constant 16 : i32
        %mul3A_622 = arith.muli %scan3A_144, %mul3A_621 : i32
        %add3A_623 = arith.constant 15 : i32
        %add3A_624 = arith.addi %mul3A_622, %add3A_623 : i32
        %broadcast_in_dim3A_625 = vector.broadcast %add3A_624 : i32 to vector<16xi32>
        %gather3A_626 = tpu.vector_load_idx %arg11[%broadcast_in_dim3A_625] : memref<1024xi32, #tpu.memory_space<vmem>>[vector<16xi32>], vector<16xi32>,
        %add3A_627 = arith.addi %get3A_157, %gather3A_626 : vector<16xi32>
        %swap3A_628 = arith.constant 1920 : index
        %swap3A_629 = tpu.vector_load %arg13[%swap3A_628] {strides = array<i32>} : memref<2048xi32, #tpu.memory_space<vmem>>, vector<16xi32>,
        tpu.vector_store %arg13[%swap3A_628], %add3A_627 {strides = array<i32>} : memref<2048xi32, #tpu.memory_space<vmem>>, vector<16xi32>,
        %add3A_630 = arith.addi %get3A_159, %gather3A_626 : vector<16xi32>
        %swap3A_631 = arith.constant 1936 : index
        %swap3A_632 = tpu.vector_load %arg13[%swap3A_631] {strides = array<i32>} : memref<2048xi32, #tpu.memory_space<vmem>>, vector<16xi32>,
        tpu.vector_store %arg13[%swap3A_631], %add3A_630 {strides = array<i32>} : memref<2048xi32, #tpu.memory_space<vmem>>, vector<16xi32>,
        %add3A_633 = arith.addi %get3A_161, %gather3A_626 : vector<16xi32>
        %swap3A_634 = arith.constant 1952 : index
        %swap3A_635 = tpu.vector_load %arg13[%swap3A_634] {strides = array<i32>} : memref<2048xi32, #tpu.memory_space<vmem>>, vector<16xi32>,
        tpu.vector_store %arg13[%swap3A_634], %add3A_633 {strides = array<i32>} : memref<2048xi32, #tpu.memory_space<vmem>>, vector<16xi32>,
        %add3A_636 = arith.addi %get3A_163, %gather3A_626 : vector<16xi32>
        %swap3A_637 = arith.constant 1968 : index
        %swap3A_638 = tpu.vector_load %arg13[%swap3A_637] {strides = array<i32>} : memref<2048xi32, #tpu.memory_space<vmem>>, vector<16xi32>,
        tpu.vector_store %arg13[%swap3A_637], %add3A_636 {strides = array<i32>} : memref<2048xi32, #tpu.memory_space<vmem>>, vector<16xi32>,
        %add3A_639 = arith.addi %get3A_165, %gather3A_626 : vector<16xi32>
        %swap3A_640 = arith.constant 1984 : index
        %swap3A_641 = tpu.vector_load %arg13[%swap3A_640] {strides = array<i32>} : memref<2048xi32, #tpu.memory_space<vmem>>, vector<16xi32>,
        tpu.vector_store %arg13[%swap3A_640], %add3A_639 {strides = array<i32>} : memref<2048xi32, #tpu.memory_space<vmem>>, vector<16xi32>,
        %add3A_642 = arith.addi %get3A_167, %gather3A_626 : vector<16xi32>
        %swap3A_643 = arith.constant 2000 : index
        %swap3A_644 = tpu.vector_load %arg13[%swap3A_643] {strides = array<i32>} : memref<2048xi32, #tpu.memory_space<vmem>>, vector<16xi32>,
        tpu.vector_store %arg13[%swap3A_643], %add3A_642 {strides = array<i32>} : memref<2048xi32, #tpu.memory_space<vmem>>, vector<16xi32>,
        %add3A_645 = arith.addi %get3A_169, %gather3A_626 : vector<16xi32>
        %swap3A_646 = arith.constant 2016 : index
        %swap3A_647 = tpu.vector_load %arg13[%swap3A_646] {strides = array<i32>} : memref<2048xi32, #tpu.memory_space<vmem>>, vector<16xi32>,
        tpu.vector_store %arg13[%swap3A_646], %add3A_645 {strides = array<i32>} : memref<2048xi32, #tpu.memory_space<vmem>>, vector<16xi32>,
        %add3A_648 = arith.addi %get3A_171, %gather3A_626 : vector<16xi32>
        %swap3A_649 = arith.constant 2032 : index
        %swap3A_650 = tpu.vector_load %arg13[%swap3A_649] {strides = array<i32>} : memref<2048xi32, #tpu.memory_space<vmem>>, vector<16xi32>,
        tpu.vector_store %arg13[%swap3A_649], %add3A_648 {strides = array<i32>} : memref<2048xi32, #tpu.memory_space<vmem>>, vector<16xi32>,
        %dma_start3A_651 = arith.constant 0 : i32
        %dma_start3A_652 = tpu.memref_slice %arg14[%dma_start3A_651] : memref<2048xf32, #tpu.memory_space<vmem>> -> memref<128xf32, #tpu.memory_space<vmem>>
        %dma_start3A_653 = arith.constant 0 : i32
        %dma_start3A_654 = tpu.memref_slice %arg13[%dma_start3A_653] : memref<2048xi32, #tpu.memory_space<vmem>> -> memref<128xi32, #tpu.memory_space<vmem>>
        %dma_start3A_655 = arith.constant 0 : i32
        %dma_start3A_656 = tpu.memref_slice %arg2[%select_n3A, %dma_start3A_655] : memref<4x4194304xf32, #tpu.memory_space<hbm>> -> memref<1x4194304xf32, #tpu.memory_space<hbm>>
        %dma_start3A_657 = tpu.memref_squeeze %dma_start3A_656 : memref<1x4194304xf32, #tpu.memory_space<hbm>> -> memref<4194304xf32, #tpu.memory_space<hbm>>
        %dma_start3A_658 = arith.constant 0 : i32
        %dma_start3A_659 = tpu.memref_slice %dma_start3A_657[%dma_start3A_658] : memref<4194304xf32, #tpu.memory_space<hbm>> -> memref<4194304xf32, #tpu.memory_space<hbm>>
        tpu.enqueue_indirect_dma source(%dma_start3A_659 : memref<4194304xf32, #tpu.memory_space<hbm>>) target(%dma_start3A_652 : memref<128xf32, #tpu.memory_space<vmem>>) offsets(%dma_start3A_654 : memref<128xi32, #tpu.memory_space<vmem>>) semaphore(%arg22 : memref<!tpu.dma_semaphore, #tpu.memory_space<semaphore_mem>>)
        %dma_start3A_660 = arith.constant 128 : i32
        %dma_start3A_661 = tpu.memref_slice %arg14[%dma_start3A_660] : memref<2048xf32, #tpu.memory_space<vmem>> -> memref<128xf32, #tpu.memory_space<vmem>>
        %dma_start3A_662 = arith.constant 128 : i32
        %dma_start3A_663 = tpu.memref_slice %arg13[%dma_start3A_662] : memref<2048xi32, #tpu.memory_space<vmem>> -> memref<128xi32, #tpu.memory_space<vmem>>
        %dma_start3A_664 = arith.constant 0 : i32
        %dma_start3A_665 = tpu.memref_slice %arg2[%select_n3A, %dma_start3A_664] : memref<4x4194304xf32, #tpu.memory_space<hbm>> -> memref<1x4194304xf32, #tpu.memory_space<hbm>>
        %dma_start3A_666 = tpu.memref_squeeze %dma_start3A_665 : memref<1x4194304xf32, #tpu.memory_space<hbm>> -> memref<4194304xf32, #tpu.memory_space<hbm>>
        %dma_start3A_667 = arith.constant 0 : i32
        %dma_start3A_668 = tpu.memref_slice %dma_start3A_666[%dma_start3A_667] : memref<4194304xf32, #tpu.memory_space<hbm>> -> memref<4194304xf32, #tpu.memory_space<hbm>>
        tpu.enqueue_indirect_dma source(%dma_start3A_668 : memref<4194304xf32, #tpu.memory_space<hbm>>) target(%dma_start3A_661 : memref<128xf32, #tpu.memory_space<vmem>>) offsets(%dma_start3A_663 : memref<128xi32, #tpu.memory_space<vmem>>) semaphore(%arg22 : memref<!tpu.dma_semaphore, #tpu.memory_space<semaphore_mem>>)
        %dma_start3A_669 = arith.constant 256 : i32
        %dma_start3A_670 = tpu.memref_slice %arg14[%dma_start3A_669] : memref<2048xf32, #tpu.memory_space<vmem>> -> memref<128xf32, #tpu.memory_space<vmem>>
        %dma_start3A_671 = arith.constant 256 : i32
        %dma_start3A_672 = tpu.memref_slice %arg13[%dma_start3A_671] : memref<2048xi32, #tpu.memory_space<vmem>> -> memref<128xi32, #tpu.memory_space<vmem>>
        %dma_start3A_673 = arith.constant 0 : i32
        %dma_start3A_674 = tpu.memref_slice %arg2[%select_n3A, %dma_start3A_673] : memref<4x4194304xf32, #tpu.memory_space<hbm>> -> memref<1x4194304xf32, #tpu.memory_space<hbm>>
        %dma_start3A_675 = tpu.memref_squeeze %dma_start3A_674 : memref<1x4194304xf32, #tpu.memory_space<hbm>> -> memref<4194304xf32, #tpu.memory_space<hbm>>
        %dma_start3A_676 = arith.constant 0 : i32
        %dma_start3A_677 = tpu.memref_slice %dma_start3A_675[%dma_start3A_676] : memref<4194304xf32, #tpu.memory_space<hbm>> -> memref<4194304xf32, #tpu.memory_space<hbm>>
        tpu.enqueue_indirect_dma source(%dma_start3A_677 : memref<4194304xf32, #tpu.memory_space<hbm>>) target(%dma_start3A_670 : memref<128xf32, #tpu.memory_space<vmem>>) offsets(%dma_start3A_672 : memref<128xi32, #tpu.memory_space<vmem>>) semaphore(%arg22 : memref<!tpu.dma_semaphore, #tpu.memory_space<semaphore_mem>>)
        %dma_start3A_678 = arith.constant 384 : i32
        %dma_start3A_679 = tpu.memref_slice %arg14[%dma_start3A_678] : memref<2048xf32, #tpu.memory_space<vmem>> -> memref<128xf32, #tpu.memory_space<vmem>>
        %dma_start3A_680 = arith.constant 384 : i32
        %dma_start3A_681 = tpu.memref_slice %arg13[%dma_start3A_680] : memref<2048xi32, #tpu.memory_space<vmem>> -> memref<128xi32, #tpu.memory_space<vmem>>
        %dma_start3A_682 = arith.constant 0 : i32
        %dma_start3A_683 = tpu.memref_slice %arg2[%select_n3A, %dma_start3A_682] : memref<4x4194304xf32, #tpu.memory_space<hbm>> -> memref<1x4194304xf32, #tpu.memory_space<hbm>>
        %dma_start3A_684 = tpu.memref_squeeze %dma_start3A_683 : memref<1x4194304xf32, #tpu.memory_space<hbm>> -> memref<4194304xf32, #tpu.memory_space<hbm>>
        %dma_start3A_685 = arith.constant 0 : i32
        %dma_start3A_686 = tpu.memref_slice %dma_start3A_684[%dma_start3A_685] : memref<4194304xf32, #tpu.memory_space<hbm>> -> memref<4194304xf32, #tpu.memory_space<hbm>>
        tpu.enqueue_indirect_dma source(%dma_start3A_686 : memref<4194304xf32, #tpu.memory_space<hbm>>) target(%dma_start3A_679 : memref<128xf32, #tpu.memory_space<vmem>>) offsets(%dma_start3A_681 : memref<128xi32, #tpu.memory_space<vmem>>) semaphore(%arg22 : memref<!tpu.dma_semaphore, #tpu.memory_space<semaphore_mem>>)
        %dma_start3A_687 = arith.constant 512 : i32
        %dma_start3A_688 = tpu.memref_slice %arg14[%dma_start3A_687] : memref<2048xf32, #tpu.memory_space<vmem>> -> memref<128xf32, #tpu.memory_space<vmem>>
        %dma_start3A_689 = arith.constant 512 : i32
        %dma_start3A_690 = tpu.memref_slice %arg13[%dma_start3A_689] : memref<2048xi32, #tpu.memory_space<vmem>> -> memref<128xi32, #tpu.memory_space<vmem>>
        %dma_start3A_691 = arith.constant 0 : i32
        %dma_start3A_692 = tpu.memref_slice %arg2[%select_n3A, %dma_start3A_691] : memref<4x4194304xf32, #tpu.memory_space<hbm>> -> memref<1x4194304xf32, #tpu.memory_space<hbm>>
        %dma_start3A_693 = tpu.memref_squeeze %dma_start3A_692 : memref<1x4194304xf32, #tpu.memory_space<hbm>> -> memref<4194304xf32, #tpu.memory_space<hbm>>
        %dma_start3A_694 = arith.constant 0 : i32
        %dma_start3A_695 = tpu.memref_slice %dma_start3A_693[%dma_start3A_694] : memref<4194304xf32, #tpu.memory_space<hbm>> -> memref<4194304xf32, #tpu.memory_space<hbm>>
        tpu.enqueue_indirect_dma source(%dma_start3A_695 : memref<4194304xf32, #tpu.memory_space<hbm>>) target(%dma_start3A_688 : memref<128xf32, #tpu.memory_space<vmem>>) offsets(%dma_start3A_690 : memref<128xi32, #tpu.memory_space<vmem>>) semaphore(%arg22 : memref<!tpu.dma_semaphore, #tpu.memory_space<semaphore_mem>>)
        %dma_start3A_696 = arith.constant 640 : i32
        %dma_start3A_697 = tpu.memref_slice %arg14[%dma_start3A_696] : memref<2048xf32, #tpu.memory_space<vmem>> -> memref<128xf32, #tpu.memory_space<vmem>>
        %dma_start3A_698 = arith.constant 640 : i32
        %dma_start3A_699 = tpu.memref_slice %arg13[%dma_start3A_698] : memref<2048xi32, #tpu.memory_space<vmem>> -> memref<128xi32, #tpu.memory_space<vmem>>
        %dma_start3A_700 = arith.constant 0 : i32
        %dma_start3A_701 = tpu.memref_slice %arg2[%select_n3A, %dma_start3A_700] : memref<4x4194304xf32, #tpu.memory_space<hbm>> -> memref<1x4194304xf32, #tpu.memory_space<hbm>>
        %dma_start3A_702 = tpu.memref_squeeze %dma_start3A_701 : memref<1x4194304xf32, #tpu.memory_space<hbm>> -> memref<4194304xf32, #tpu.memory_space<hbm>>
        %dma_start3A_703 = arith.constant 0 : i32
        %dma_start3A_704 = tpu.memref_slice %dma_start3A_702[%dma_start3A_703] : memref<4194304xf32, #tpu.memory_space<hbm>> -> memref<4194304xf32, #tpu.memory_space<hbm>>
        tpu.enqueue_indirect_dma source(%dma_start3A_704 : memref<4194304xf32, #tpu.memory_space<hbm>>) target(%dma_start3A_697 : memref<128xf32, #tpu.memory_space<vmem>>) offsets(%dma_start3A_699 : memref<128xi32, #tpu.memory_space<vmem>>) semaphore(%arg22 : memref<!tpu.dma_semaphore, #tpu.memory_space<semaphore_mem>>)
        %dma_start3A_705 = arith.constant 768 : i32
        %dma_start3A_706 = tpu.memref_slice %arg14[%dma_start3A_705] : memref<2048xf32, #tpu.memory_space<vmem>> -> memref<128xf32, #tpu.memory_space<vmem>>
        %dma_start3A_707 = arith.constant 768 : i32
        %dma_start3A_708 = tpu.memref_slice %arg13[%dma_start3A_707] : memref<2048xi32, #tpu.memory_space<vmem>> -> memref<128xi32, #tpu.memory_space<vmem>>
        %dma_start3A_709 = arith.constant 0 : i32
        %dma_start3A_710 = tpu.memref_slice %arg2[%select_n3A, %dma_start3A_709] : memref<4x4194304xf32, #tpu.memory_space<hbm>> -> memref<1x4194304xf32, #tpu.memory_space<hbm>>
        %dma_start3A_711 = tpu.memref_squeeze %dma_start3A_710 : memref<1x4194304xf32, #tpu.memory_space<hbm>> -> memref<4194304xf32, #tpu.memory_space<hbm>>
        %dma_start3A_712 = arith.constant 0 : i32
        %dma_start3A_713 = tpu.memref_slice %dma_start3A_711[%dma_start3A_712] : memref<4194304xf32, #tpu.memory_space<hbm>> -> memref<4194304xf32, #tpu.memory_space<hbm>>
        tpu.enqueue_indirect_dma source(%dma_start3A_713 : memref<4194304xf32, #tpu.memory_space<hbm>>) target(%dma_start3A_706 : memref<128xf32, #tpu.memory_space<vmem>>) offsets(%dma_start3A_708 : memref<128xi32, #tpu.memory_space<vmem>>) semaphore(%arg22 : memref<!tpu.dma_semaphore, #tpu.memory_space<semaphore_mem>>)
        %dma_start3A_714 = arith.constant 896 : i32
        %dma_start3A_715 = tpu.memref_slice %arg14[%dma_start3A_714] : memref<2048xf32, #tpu.memory_space<vmem>> -> memref<128xf32, #tpu.memory_space<vmem>>
        %dma_start3A_716 = arith.constant 896 : i32
        %dma_start3A_717 = tpu.memref_slice %arg13[%dma_start3A_716] : memref<2048xi32, #tpu.memory_space<vmem>> -> memref<128xi32, #tpu.memory_space<vmem>>
        %dma_start3A_718 = arith.constant 0 : i32
        %dma_start3A_719 = tpu.memref_slice %arg2[%select_n3A, %dma_start3A_718] : memref<4x4194304xf32, #tpu.memory_space<hbm>> -> memref<1x4194304xf32, #tpu.memory_space<hbm>>
        %dma_start3A_720 = tpu.memref_squeeze %dma_start3A_719 : memref<1x4194304xf32, #tpu.memory_space<hbm>> -> memref<4194304xf32, #tpu.memory_space<hbm>>
        %dma_start3A_721 = arith.constant 0 : i32
        %dma_start3A_722 = tpu.memref_slice %dma_start3A_720[%dma_start3A_721] : memref<4194304xf32, #tpu.memory_space<hbm>> -> memref<4194304xf32, #tpu.memory_space<hbm>>
        tpu.enqueue_indirect_dma source(%dma_start3A_722 : memref<4194304xf32, #tpu.memory_space<hbm>>) target(%dma_start3A_715 : memref<128xf32, #tpu.memory_space<vmem>>) offsets(%dma_start3A_717 : memref<128xi32, #tpu.memory_space<vmem>>) semaphore(%arg22 : memref<!tpu.dma_semaphore, #tpu.memory_space<semaphore_mem>>)
        %dma_start3A_723 = arith.constant 1024 : i32
        %dma_start3A_724 = tpu.memref_slice %arg14[%dma_start3A_723] : memref<2048xf32, #tpu.memory_space<vmem>> -> memref<128xf32, #tpu.memory_space<vmem>>
        %dma_start3A_725 = arith.constant 1024 : i32
        %dma_start3A_726 = tpu.memref_slice %arg13[%dma_start3A_725] : memref<2048xi32, #tpu.memory_space<vmem>> -> memref<128xi32, #tpu.memory_space<vmem>>
        %dma_start3A_727 = arith.constant 0 : i32
        %dma_start3A_728 = tpu.memref_slice %arg2[%select_n3A, %dma_start3A_727] : memref<4x4194304xf32, #tpu.memory_space<hbm>> -> memref<1x4194304xf32, #tpu.memory_space<hbm>>
        %dma_start3A_729 = tpu.memref_squeeze %dma_start3A_728 : memref<1x4194304xf32, #tpu.memory_space<hbm>> -> memref<4194304xf32, #tpu.memory_space<hbm>>
        %dma_start3A_730 = arith.constant 0 : i32
        %dma_start3A_731 = tpu.memref_slice %dma_start3A_729[%dma_start3A_730] : memref<4194304xf32, #tpu.memory_space<hbm>> -> memref<4194304xf32, #tpu.memory_space<hbm>>
        tpu.enqueue_indirect_dma source(%dma_start3A_731 : memref<4194304xf32, #tpu.memory_space<hbm>>) target(%dma_start3A_724 : memref<128xf32, #tpu.memory_space<vmem>>) offsets(%dma_start3A_726 : memref<128xi32, #tpu.memory_space<vmem>>) semaphore(%arg22 : memref<!tpu.dma_semaphore, #tpu.memory_space<semaphore_mem>>)
        %dma_start3A_732 = arith.constant 1152 : i32
        %dma_start3A_733 = tpu.memref_slice %arg14[%dma_start3A_732] : memref<2048xf32, #tpu.memory_space<vmem>> -> memref<128xf32, #tpu.memory_space<vmem>>
        %dma_start3A_734 = arith.constant 1152 : i32
        %dma_start3A_735 = tpu.memref_slice %arg13[%dma_start3A_734] : memref<2048xi32, #tpu.memory_space<vmem>> -> memref<128xi32, #tpu.memory_space<vmem>>
        %dma_start3A_736 = arith.constant 0 : i32
        %dma_start3A_737 = tpu.memref_slice %arg2[%select_n3A, %dma_start3A_736] : memref<4x4194304xf32, #tpu.memory_space<hbm>> -> memref<1x4194304xf32, #tpu.memory_space<hbm>>
        %dma_start3A_738 = tpu.memref_squeeze %dma_start3A_737 : memref<1x4194304xf32, #tpu.memory_space<hbm>> -> memref<4194304xf32, #tpu.memory_space<hbm>>
        %dma_start3A_739 = arith.constant 0 : i32
        %dma_start3A_740 = tpu.memref_slice %dma_start3A_738[%dma_start3A_739] : memref<4194304xf32, #tpu.memory_space<hbm>> -> memref<4194304xf32, #tpu.memory_space<hbm>>
        tpu.enqueue_indirect_dma source(%dma_start3A_740 : memref<4194304xf32, #tpu.memory_space<hbm>>) target(%dma_start3A_733 : memref<128xf32, #tpu.memory_space<vmem>>) offsets(%dma_start3A_735 : memref<128xi32, #tpu.memory_space<vmem>>) semaphore(%arg22 : memref<!tpu.dma_semaphore, #tpu.memory_space<semaphore_mem>>)
        %dma_start3A_741 = arith.constant 1280 : i32
        %dma_start3A_742 = tpu.memref_slice %arg14[%dma_start3A_741] : memref<2048xf32, #tpu.memory_space<vmem>> -> memref<128xf32, #tpu.memory_space<vmem>>
        %dma_start3A_743 = arith.constant 1280 : i32
        %dma_start3A_744 = tpu.memref_slice %arg13[%dma_start3A_743] : memref<2048xi32, #tpu.memory_space<vmem>> -> memref<128xi32, #tpu.memory_space<vmem>>
        %dma_start3A_745 = arith.constant 0 : i32
        %dma_start3A_746 = tpu.memref_slice %arg2[%select_n3A, %dma_start3A_745] : memref<4x4194304xf32, #tpu.memory_space<hbm>> -> memref<1x4194304xf32, #tpu.memory_space<hbm>>
        %dma_start3A_747 = tpu.memref_squeeze %dma_start3A_746 : memref<1x4194304xf32, #tpu.memory_space<hbm>> -> memref<4194304xf32, #tpu.memory_space<hbm>>
        %dma_start3A_748 = arith.constant 0 : i32
        %dma_start3A_749 = tpu.memref_slice %dma_start3A_747[%dma_start3A_748] : memref<4194304xf32, #tpu.memory_space<hbm>> -> memref<4194304xf32, #tpu.memory_space<hbm>>
        tpu.enqueue_indirect_dma source(%dma_start3A_749 : memref<4194304xf32, #tpu.memory_space<hbm>>) target(%dma_start3A_742 : memref<128xf32, #tpu.memory_space<vmem>>) offsets(%dma_start3A_744 : memref<128xi32, #tpu.memory_space<vmem>>) semaphore(%arg22 : memref<!tpu.dma_semaphore, #tpu.memory_space<semaphore_mem>>)
        %dma_start3A_750 = arith.constant 1408 : i32
        %dma_start3A_751 = tpu.memref_slice %arg14[%dma_start3A_750] : memref<2048xf32, #tpu.memory_space<vmem>> -> memref<128xf32, #tpu.memory_space<vmem>>
        %dma_start3A_752 = arith.constant 1408 : i32
        %dma_start3A_753 = tpu.memref_slice %arg13[%dma_start3A_752] : memref<2048xi32, #tpu.memory_space<vmem>> -> memref<128xi32, #tpu.memory_space<vmem>>
        %dma_start3A_754 = arith.constant 0 : i32
        %dma_start3A_755 = tpu.memref_slice %arg2[%select_n3A, %dma_start3A_754] : memref<4x4194304xf32, #tpu.memory_space<hbm>> -> memref<1x4194304xf32, #tpu.memory_space<hbm>>
        %dma_start3A_756 = tpu.memref_squeeze %dma_start3A_755 : memref<1x4194304xf32, #tpu.memory_space<hbm>> -> memref<4194304xf32, #tpu.memory_space<hbm>>
        %dma_start3A_757 = arith.constant 0 : i32
        %dma_start3A_758 = tpu.memref_slice %dma_start3A_756[%dma_start3A_757] : memref<4194304xf32, #tpu.memory_space<hbm>> -> memref<4194304xf32, #tpu.memory_space<hbm>>
        tpu.enqueue_indirect_dma source(%dma_start3A_758 : memref<4194304xf32, #tpu.memory_space<hbm>>) target(%dma_start3A_751 : memref<128xf32, #tpu.memory_space<vmem>>) offsets(%dma_start3A_753 : memref<128xi32, #tpu.memory_space<vmem>>) semaphore(%arg22 : memref<!tpu.dma_semaphore, #tpu.memory_space<semaphore_mem>>)
        %dma_start3A_759 = arith.constant 1536 : i32
        %dma_start3A_760 = tpu.memref_slice %arg14[%dma_start3A_759] : memref<2048xf32, #tpu.memory_space<vmem>> -> memref<128xf32, #tpu.memory_space<vmem>>
        %dma_start3A_761 = arith.constant 1536 : i32
        %dma_start3A_762 = tpu.memref_slice %arg13[%dma_start3A_761] : memref<2048xi32, #tpu.memory_space<vmem>> -> memref<128xi32, #tpu.memory_space<vmem>>
        %dma_start3A_763 = arith.constant 0 : i32
        %dma_start3A_764 = tpu.memref_slice %arg2[%select_n3A, %dma_start3A_763] : memref<4x4194304xf32, #tpu.memory_space<hbm>> -> memref<1x4194304xf32, #tpu.memory_space<hbm>>
        %dma_start3A_765 = tpu.memref_squeeze %dma_start3A_764 : memref<1x4194304xf32, #tpu.memory_space<hbm>> -> memref<4194304xf32, #tpu.memory_space<hbm>>
        %dma_start3A_766 = arith.constant 0 : i32
        %dma_start3A_767 = tpu.memref_slice %dma_start3A_765[%dma_start3A_766] : memref<4194304xf32, #tpu.memory_space<hbm>> -> memref<4194304xf32, #tpu.memory_space<hbm>>
        tpu.enqueue_indirect_dma source(%dma_start3A_767 : memref<4194304xf32, #tpu.memory_space<hbm>>) target(%dma_start3A_760 : memref<128xf32, #tpu.memory_space<vmem>>) offsets(%dma_start3A_762 : memref<128xi32, #tpu.memory_space<vmem>>) semaphore(%arg22 : memref<!tpu.dma_semaphore, #tpu.memory_space<semaphore_mem>>)
        %dma_start3A_768 = arith.constant 1664 : i32
        %dma_start3A_769 = tpu.memref_slice %arg14[%dma_start3A_768] : memref<2048xf32, #tpu.memory_space<vmem>> -> memref<128xf32, #tpu.memory_space<vmem>>
        %dma_start3A_770 = arith.constant 1664 : i32
        %dma_start3A_771 = tpu.memref_slice %arg13[%dma_start3A_770] : memref<2048xi32, #tpu.memory_space<vmem>> -> memref<128xi32, #tpu.memory_space<vmem>>
        %dma_start3A_772 = arith.constant 0 : i32
        %dma_start3A_773 = tpu.memref_slice %arg2[%select_n3A, %dma_start3A_772] : memref<4x4194304xf32, #tpu.memory_space<hbm>> -> memref<1x4194304xf32, #tpu.memory_space<hbm>>
        %dma_start3A_774 = tpu.memref_squeeze %dma_start3A_773 : memref<1x4194304xf32, #tpu.memory_space<hbm>> -> memref<4194304xf32, #tpu.memory_space<hbm>>
        %dma_start3A_775 = arith.constant 0 : i32
        %dma_start3A_776 = tpu.memref_slice %dma_start3A_774[%dma_start3A_775] : memref<4194304xf32, #tpu.memory_space<hbm>> -> memref<4194304xf32, #tpu.memory_space<hbm>>
        tpu.enqueue_indirect_dma source(%dma_start3A_776 : memref<4194304xf32, #tpu.memory_space<hbm>>) target(%dma_start3A_769 : memref<128xf32, #tpu.memory_space<vmem>>) offsets(%dma_start3A_771 : memref<128xi32, #tpu.memory_space<vmem>>) semaphore(%arg22 : memref<!tpu.dma_semaphore, #tpu.memory_space<semaphore_mem>>)
        %dma_start3A_777 = arith.constant 1792 : i32
        %dma_start3A_778 = tpu.memref_slice %arg14[%dma_start3A_777] : memref<2048xf32, #tpu.memory_space<vmem>> -> memref<128xf32, #tpu.memory_space<vmem>>
        %dma_start3A_779 = arith.constant 1792 : i32
        %dma_start3A_780 = tpu.memref_slice %arg13[%dma_start3A_779] : memref<2048xi32, #tpu.memory_space<vmem>> -> memref<128xi32, #tpu.memory_space<vmem>>
        %dma_start3A_781 = arith.constant 0 : i32
        %dma_start3A_782 = tpu.memref_slice %arg2[%select_n3A, %dma_start3A_781] : memref<4x4194304xf32, #tpu.memory_space<hbm>> -> memref<1x4194304xf32, #tpu.memory_space<hbm>>
        %dma_start3A_783 = tpu.memref_squeeze %dma_start3A_782 : memref<1x4194304xf32, #tpu.memory_space<hbm>> -> memref<4194304xf32, #tpu.memory_space<hbm>>
        %dma_start3A_784 = arith.constant 0 : i32
        %dma_start3A_785 = tpu.memref_slice %dma_start3A_783[%dma_start3A_784] : memref<4194304xf32, #tpu.memory_space<hbm>> -> memref<4194304xf32, #tpu.memory_space<hbm>>
        tpu.enqueue_indirect_dma source(%dma_start3A_785 : memref<4194304xf32, #tpu.memory_space<hbm>>) target(%dma_start3A_778 : memref<128xf32, #tpu.memory_space<vmem>>) offsets(%dma_start3A_780 : memref<128xi32, #tpu.memory_space<vmem>>) semaphore(%arg22 : memref<!tpu.dma_semaphore, #tpu.memory_space<semaphore_mem>>)
        %dma_start3A_786 = arith.constant 1920 : i32
        %dma_start3A_787 = tpu.memref_slice %arg14[%dma_start3A_786] : memref<2048xf32, #tpu.memory_space<vmem>> -> memref<128xf32, #tpu.memory_space<vmem>>
        %dma_start3A_788 = arith.constant 1920 : i32
        %dma_start3A_789 = tpu.memref_slice %arg13[%dma_start3A_788] : memref<2048xi32, #tpu.memory_space<vmem>> -> memref<128xi32, #tpu.memory_space<vmem>>
        %dma_start3A_790 = arith.constant 0 : i32
        %dma_start3A_791 = tpu.memref_slice %arg2[%select_n3A, %dma_start3A_790] : memref<4x4194304xf32, #tpu.memory_space<hbm>> -> memref<1x4194304xf32, #tpu.memory_space<hbm>>
        %dma_start3A_792 = tpu.memref_squeeze %dma_start3A_791 : memref<1x4194304xf32, #tpu.memory_space<hbm>> -> memref<4194304xf32, #tpu.memory_space<hbm>>
        %dma_start3A_793 = arith.constant 0 : i32
        %dma_start3A_794 = tpu.memref_slice %dma_start3A_792[%dma_start3A_793] : memref<4194304xf32, #tpu.memory_space<hbm>> -> memref<4194304xf32, #tpu.memory_space<hbm>>
        tpu.enqueue_indirect_dma source(%dma_start3A_794 : memref<4194304xf32, #tpu.memory_space<hbm>>) target(%dma_start3A_787 : memref<128xf32, #tpu.memory_space<vmem>>) offsets(%dma_start3A_789 : memref<128xi32, #tpu.memory_space<vmem>>) semaphore(%arg22 : memref<!tpu.dma_semaphore, #tpu.memory_space<semaphore_mem>>)
        %dma_wait3A_795 = arith.constant 0 : i32
        %dma_wait3A_796 = tpu.memref_slice %arg14[%dma_wait3A_795] : memref<2048xf32, #tpu.memory_space<vmem>> -> memref<128xf32, #tpu.memory_space<vmem>>
        %dma_wait3A_797 = arith.constant 0 : i32
        %dma_wait3A_798 = tpu.memref_slice %arg13[%dma_wait3A_797] : memref<2048xi32, #tpu.memory_space<vmem>> -> memref<128xi32, #tpu.memory_space<vmem>>
        %dma_wait3A_799 = arith.constant 0 : i32
        %dma_wait3A_800 = tpu.memref_slice %arg2[%select_n3A, %dma_wait3A_799] : memref<4x4194304xf32, #tpu.memory_space<hbm>> -> memref<1x4194304xf32, #tpu.memory_space<hbm>>
        %dma_wait3A_801 = tpu.memref_squeeze %dma_wait3A_800 : memref<1x4194304xf32, #tpu.memory_space<hbm>> -> memref<4194304xf32, #tpu.memory_space<hbm>>
        %dma_wait3A_802 = arith.constant 0 : i32
        %dma_wait3A_803 = tpu.memref_slice %dma_wait3A_801[%dma_wait3A_802] : memref<4194304xf32, #tpu.memory_space<hbm>> -> memref<4194304xf32, #tpu.memory_space<hbm>>
        tpu.wait_indirect_dma semaphore(%arg22 : memref<!tpu.dma_semaphore, #tpu.memory_space<semaphore_mem>>) src(%dma_wait3A_803 : memref<4194304xf32, #tpu.memory_space<hbm>>) dst(%dma_wait3A_796 : memref<128xf32, #tpu.memory_space<vmem>>)
        %dma_wait3A_804 = arith.constant 128 : i32
        %dma_wait3A_805 = tpu.memref_slice %arg14[%dma_wait3A_804] : memref<2048xf32, #tpu.memory_space<vmem>> -> memref<128xf32, #tpu.memory_space<vmem>>
        %dma_wait3A_806 = arith.constant 128 : i32
        %dma_wait3A_807 = tpu.memref_slice %arg13[%dma_wait3A_806] : memref<2048xi32, #tpu.memory_space<vmem>> -> memref<128xi32, #tpu.memory_space<vmem>>
        %dma_wait3A_808 = arith.constant 0 : i32
        %dma_wait3A_809 = tpu.memref_slice %arg2[%select_n3A, %dma_wait3A_808] : memref<4x4194304xf32, #tpu.memory_space<hbm>> -> memref<1x4194304xf32, #tpu.memory_space<hbm>>
        %dma_wait3A_810 = tpu.memref_squeeze %dma_wait3A_809 : memref<1x4194304xf32, #tpu.memory_space<hbm>> -> memref<4194304xf32, #tpu.memory_space<hbm>>
        %dma_wait3A_811 = arith.constant 0 : i32
        %dma_wait3A_812 = tpu.memref_slice %dma_wait3A_810[%dma_wait3A_811] : memref<4194304xf32, #tpu.memory_space<hbm>> -> memref<4194304xf32, #tpu.memory_space<hbm>>
        tpu.wait_indirect_dma semaphore(%arg22 : memref<!tpu.dma_semaphore, #tpu.memory_space<semaphore_mem>>) src(%dma_wait3A_812 : memref<4194304xf32, #tpu.memory_space<hbm>>) dst(%dma_wait3A_805 : memref<128xf32, #tpu.memory_space<vmem>>)
        %dma_wait3A_813 = arith.constant 256 : i32
        %dma_wait3A_814 = tpu.memref_slice %arg14[%dma_wait3A_813] : memref<2048xf32, #tpu.memory_space<vmem>> -> memref<128xf32, #tpu.memory_space<vmem>>
        %dma_wait3A_815 = arith.constant 256 : i32
        %dma_wait3A_816 = tpu.memref_slice %arg13[%dma_wait3A_815] : memref<2048xi32, #tpu.memory_space<vmem>> -> memref<128xi32, #tpu.memory_space<vmem>>
        %dma_wait3A_817 = arith.constant 0 : i32
        %dma_wait3A_818 = tpu.memref_slice %arg2[%select_n3A, %dma_wait3A_817] : memref<4x4194304xf32, #tpu.memory_space<hbm>> -> memref<1x4194304xf32, #tpu.memory_space<hbm>>
        %dma_wait3A_819 = tpu.memref_squeeze %dma_wait3A_818 : memref<1x4194304xf32, #tpu.memory_space<hbm>> -> memref<4194304xf32, #tpu.memory_space<hbm>>
        %dma_wait3A_820 = arith.constant 0 : i32
        %dma_wait3A_821 = tpu.memref_slice %dma_wait3A_819[%dma_wait3A_820] : memref<4194304xf32, #tpu.memory_space<hbm>> -> memref<4194304xf32, #tpu.memory_space<hbm>>
        tpu.wait_indirect_dma semaphore(%arg22 : memref<!tpu.dma_semaphore, #tpu.memory_space<semaphore_mem>>) src(%dma_wait3A_821 : memref<4194304xf32, #tpu.memory_space<hbm>>) dst(%dma_wait3A_814 : memref<128xf32, #tpu.memory_space<vmem>>)
        %dma_wait3A_822 = arith.constant 384 : i32
        %dma_wait3A_823 = tpu.memref_slice %arg14[%dma_wait3A_822] : memref<2048xf32, #tpu.memory_space<vmem>> -> memref<128xf32, #tpu.memory_space<vmem>>
        %dma_wait3A_824 = arith.constant 384 : i32
        %dma_wait3A_825 = tpu.memref_slice %arg13[%dma_wait3A_824] : memref<2048xi32, #tpu.memory_space<vmem>> -> memref<128xi32, #tpu.memory_space<vmem>>
        %dma_wait3A_826 = arith.constant 0 : i32
        %dma_wait3A_827 = tpu.memref_slice %arg2[%select_n3A, %dma_wait3A_826] : memref<4x4194304xf32, #tpu.memory_space<hbm>> -> memref<1x4194304xf32, #tpu.memory_space<hbm>>
        %dma_wait3A_828 = tpu.memref_squeeze %dma_wait3A_827 : memref<1x4194304xf32, #tpu.memory_space<hbm>> -> memref<4194304xf32, #tpu.memory_space<hbm>>
        %dma_wait3A_829 = arith.constant 0 : i32
        %dma_wait3A_830 = tpu.memref_slice %dma_wait3A_828[%dma_wait3A_829] : memref<4194304xf32, #tpu.memory_space<hbm>> -> memref<4194304xf32, #tpu.memory_space<hbm>>
        tpu.wait_indirect_dma semaphore(%arg22 : memref<!tpu.dma_semaphore, #tpu.memory_space<semaphore_mem>>) src(%dma_wait3A_830 : memref<4194304xf32, #tpu.memory_space<hbm>>) dst(%dma_wait3A_823 : memref<128xf32, #tpu.memory_space<vmem>>)
        %dma_wait3A_831 = arith.constant 512 : i32
        %dma_wait3A_832 = tpu.memref_slice %arg14[%dma_wait3A_831] : memref<2048xf32, #tpu.memory_space<vmem>> -> memref<128xf32, #tpu.memory_space<vmem>>
        %dma_wait3A_833 = arith.constant 512 : i32
        %dma_wait3A_834 = tpu.memref_slice %arg13[%dma_wait3A_833] : memref<2048xi32, #tpu.memory_space<vmem>> -> memref<128xi32, #tpu.memory_space<vmem>>
        %dma_wait3A_835 = arith.constant 0 : i32
        %dma_wait3A_836 = tpu.memref_slice %arg2[%select_n3A, %dma_wait3A_835] : memref<4x4194304xf32, #tpu.memory_space<hbm>> -> memref<1x4194304xf32, #tpu.memory_space<hbm>>
        %dma_wait3A_837 = tpu.memref_squeeze %dma_wait3A_836 : memref<1x4194304xf32, #tpu.memory_space<hbm>> -> memref<4194304xf32, #tpu.memory_space<hbm>>
        %dma_wait3A_838 = arith.constant 0 : i32
        %dma_wait3A_839 = tpu.memref_slice %dma_wait3A_837[%dma_wait3A_838] : memref<4194304xf32, #tpu.memory_space<hbm>> -> memref<4194304xf32, #tpu.memory_space<hbm>>
        tpu.wait_indirect_dma semaphore(%arg22 : memref<!tpu.dma_semaphore, #tpu.memory_space<semaphore_mem>>) src(%dma_wait3A_839 : memref<4194304xf32, #tpu.memory_space<hbm>>) dst(%dma_wait3A_832 : memref<128xf32, #tpu.memory_space<vmem>>)
        %dma_wait3A_840 = arith.constant 640 : i32
        %dma_wait3A_841 = tpu.memref_slice %arg14[%dma_wait3A_840] : memref<2048xf32, #tpu.memory_space<vmem>> -> memref<128xf32, #tpu.memory_space<vmem>>
        %dma_wait3A_842 = arith.constant 640 : i32
        %dma_wait3A_843 = tpu.memref_slice %arg13[%dma_wait3A_842] : memref<2048xi32, #tpu.memory_space<vmem>> -> memref<128xi32, #tpu.memory_space<vmem>>
        %dma_wait3A_844 = arith.constant 0 : i32
        %dma_wait3A_845 = tpu.memref_slice %arg2[%select_n3A, %dma_wait3A_844] : memref<4x4194304xf32, #tpu.memory_space<hbm>> -> memref<1x4194304xf32, #tpu.memory_space<hbm>>
        %dma_wait3A_846 = tpu.memref_squeeze %dma_wait3A_845 : memref<1x4194304xf32, #tpu.memory_space<hbm>> -> memref<4194304xf32, #tpu.memory_space<hbm>>
        %dma_wait3A_847 = arith.constant 0 : i32
        %dma_wait3A_848 = tpu.memref_slice %dma_wait3A_846[%dma_wait3A_847] : memref<4194304xf32, #tpu.memory_space<hbm>> -> memref<4194304xf32, #tpu.memory_space<hbm>>
        tpu.wait_indirect_dma semaphore(%arg22 : memref<!tpu.dma_semaphore, #tpu.memory_space<semaphore_mem>>) src(%dma_wait3A_848 : memref<4194304xf32, #tpu.memory_space<hbm>>) dst(%dma_wait3A_841 : memref<128xf32, #tpu.memory_space<vmem>>)
        %dma_wait3A_849 = arith.constant 768 : i32
        %dma_wait3A_850 = tpu.memref_slice %arg14[%dma_wait3A_849] : memref<2048xf32, #tpu.memory_space<vmem>> -> memref<128xf32, #tpu.memory_space<vmem>>
        %dma_wait3A_851 = arith.constant 768 : i32
        %dma_wait3A_852 = tpu.memref_slice %arg13[%dma_wait3A_851] : memref<2048xi32, #tpu.memory_space<vmem>> -> memref<128xi32, #tpu.memory_space<vmem>>
        %dma_wait3A_853 = arith.constant 0 : i32
        %dma_wait3A_854 = tpu.memref_slice %arg2[%select_n3A, %dma_wait3A_853] : memref<4x4194304xf32, #tpu.memory_space<hbm>> -> memref<1x4194304xf32, #tpu.memory_space<hbm>>
        %dma_wait3A_855 = tpu.memref_squeeze %dma_wait3A_854 : memref<1x4194304xf32, #tpu.memory_space<hbm>> -> memref<4194304xf32, #tpu.memory_space<hbm>>
        %dma_wait3A_856 = arith.constant 0 : i32
        %dma_wait3A_857 = tpu.memref_slice %dma_wait3A_855[%dma_wait3A_856] : memref<4194304xf32, #tpu.memory_space<hbm>> -> memref<4194304xf32, #tpu.memory_space<hbm>>
        tpu.wait_indirect_dma semaphore(%arg22 : memref<!tpu.dma_semaphore, #tpu.memory_space<semaphore_mem>>) src(%dma_wait3A_857 : memref<4194304xf32, #tpu.memory_space<hbm>>) dst(%dma_wait3A_850 : memref<128xf32, #tpu.memory_space<vmem>>)
        %dma_wait3A_858 = arith.constant 896 : i32
        %dma_wait3A_859 = tpu.memref_slice %arg14[%dma_wait3A_858] : memref<2048xf32, #tpu.memory_space<vmem>> -> memref<128xf32, #tpu.memory_space<vmem>>
        %dma_wait3A_860 = arith.constant 896 : i32
        %dma_wait3A_861 = tpu.memref_slice %arg13[%dma_wait3A_860] : memref<2048xi32, #tpu.memory_space<vmem>> -> memref<128xi32, #tpu.memory_space<vmem>>
        %dma_wait3A_862 = arith.constant 0 : i32
        %dma_wait3A_863 = tpu.memref_slice %arg2[%select_n3A, %dma_wait3A_862] : memref<4x4194304xf32, #tpu.memory_space<hbm>> -> memref<1x4194304xf32, #tpu.memory_space<hbm>>
        %dma_wait3A_864 = tpu.memref_squeeze %dma_wait3A_863 : memref<1x4194304xf32, #tpu.memory_space<hbm>> -> memref<4194304xf32, #tpu.memory_space<hbm>>
        %dma_wait3A_865 = arith.constant 0 : i32
        %dma_wait3A_866 = tpu.memref_slice %dma_wait3A_864[%dma_wait3A_865] : memref<4194304xf32, #tpu.memory_space<hbm>> -> memref<4194304xf32, #tpu.memory_space<hbm>>
        tpu.wait_indirect_dma semaphore(%arg22 : memref<!tpu.dma_semaphore, #tpu.memory_space<semaphore_mem>>) src(%dma_wait3A_866 : memref<4194304xf32, #tpu.memory_space<hbm>>) dst(%dma_wait3A_859 : memref<128xf32, #tpu.memory_space<vmem>>)
        %dma_wait3A_867 = arith.constant 1024 : i32
        %dma_wait3A_868 = tpu.memref_slice %arg14[%dma_wait3A_867] : memref<2048xf32, #tpu.memory_space<vmem>> -> memref<128xf32, #tpu.memory_space<vmem>>
        %dma_wait3A_869 = arith.constant 1024 : i32
        %dma_wait3A_870 = tpu.memref_slice %arg13[%dma_wait3A_869] : memref<2048xi32, #tpu.memory_space<vmem>> -> memref<128xi32, #tpu.memory_space<vmem>>
        %dma_wait3A_871 = arith.constant 0 : i32
        %dma_wait3A_872 = tpu.memref_slice %arg2[%select_n3A, %dma_wait3A_871] : memref<4x4194304xf32, #tpu.memory_space<hbm>> -> memref<1x4194304xf32, #tpu.memory_space<hbm>>
        %dma_wait3A_873 = tpu.memref_squeeze %dma_wait3A_872 : memref<1x4194304xf32, #tpu.memory_space<hbm>> -> memref<4194304xf32, #tpu.memory_space<hbm>>
        %dma_wait3A_874 = arith.constant 0 : i32
        %dma_wait3A_875 = tpu.memref_slice %dma_wait3A_873[%dma_wait3A_874] : memref<4194304xf32, #tpu.memory_space<hbm>> -> memref<4194304xf32, #tpu.memory_space<hbm>>
        tpu.wait_indirect_dma semaphore(%arg22 : memref<!tpu.dma_semaphore, #tpu.memory_space<semaphore_mem>>) src(%dma_wait3A_875 : memref<4194304xf32, #tpu.memory_space<hbm>>) dst(%dma_wait3A_868 : memref<128xf32, #tpu.memory_space<vmem>>)
        %dma_wait3A_876 = arith.constant 1152 : i32
        %dma_wait3A_877 = tpu.memref_slice %arg14[%dma_wait3A_876] : memref<2048xf32, #tpu.memory_space<vmem>> -> memref<128xf32, #tpu.memory_space<vmem>>
        %dma_wait3A_878 = arith.constant 1152 : i32
        %dma_wait3A_879 = tpu.memref_slice %arg13[%dma_wait3A_878] : memref<2048xi32, #tpu.memory_space<vmem>> -> memref<128xi32, #tpu.memory_space<vmem>>
        %dma_wait3A_880 = arith.constant 0 : i32
        %dma_wait3A_881 = tpu.memref_slice %arg2[%select_n3A, %dma_wait3A_880] : memref<4x4194304xf32, #tpu.memory_space<hbm>> -> memref<1x4194304xf32, #tpu.memory_space<hbm>>
        %dma_wait3A_882 = tpu.memref_squeeze %dma_wait3A_881 : memref<1x4194304xf32, #tpu.memory_space<hbm>> -> memref<4194304xf32, #tpu.memory_space<hbm>>
        %dma_wait3A_883 = arith.constant 0 : i32
        %dma_wait3A_884 = tpu.memref_slice %dma_wait3A_882[%dma_wait3A_883] : memref<4194304xf32, #tpu.memory_space<hbm>> -> memref<4194304xf32, #tpu.memory_space<hbm>>
        tpu.wait_indirect_dma semaphore(%arg22 : memref<!tpu.dma_semaphore, #tpu.memory_space<semaphore_mem>>) src(%dma_wait3A_884 : memref<4194304xf32, #tpu.memory_space<hbm>>) dst(%dma_wait3A_877 : memref<128xf32, #tpu.memory_space<vmem>>)
        %dma_wait3A_885 = arith.constant 1280 : i32
        %dma_wait3A_886 = tpu.memref_slice %arg14[%dma_wait3A_885] : memref<2048xf32, #tpu.memory_space<vmem>> -> memref<128xf32, #tpu.memory_space<vmem>>
        %dma_wait3A_887 = arith.constant 1280 : i32
        %dma_wait3A_888 = tpu.memref_slice %arg13[%dma_wait3A_887] : memref<2048xi32, #tpu.memory_space<vmem>> -> memref<128xi32, #tpu.memory_space<vmem>>
        %dma_wait3A_889 = arith.constant 0 : i32
        %dma_wait3A_890 = tpu.memref_slice %arg2[%select_n3A, %dma_wait3A_889] : memref<4x4194304xf32, #tpu.memory_space<hbm>> -> memref<1x4194304xf32, #tpu.memory_space<hbm>>
        %dma_wait3A_891 = tpu.memref_squeeze %dma_wait3A_890 : memref<1x4194304xf32, #tpu.memory_space<hbm>> -> memref<4194304xf32, #tpu.memory_space<hbm>>
        %dma_wait3A_892 = arith.constant 0 : i32
        %dma_wait3A_893 = tpu.memref_slice %dma_wait3A_891[%dma_wait3A_892] : memref<4194304xf32, #tpu.memory_space<hbm>> -> memref<4194304xf32, #tpu.memory_space<hbm>>
        tpu.wait_indirect_dma semaphore(%arg22 : memref<!tpu.dma_semaphore, #tpu.memory_space<semaphore_mem>>) src(%dma_wait3A_893 : memref<4194304xf32, #tpu.memory_space<hbm>>) dst(%dma_wait3A_886 : memref<128xf32, #tpu.memory_space<vmem>>)
        %dma_wait3A_894 = arith.constant 1408 : i32
        %dma_wait3A_895 = tpu.memref_slice %arg14[%dma_wait3A_894] : memref<2048xf32, #tpu.memory_space<vmem>> -> memref<128xf32, #tpu.memory_space<vmem>>
        %dma_wait3A_896 = arith.constant 1408 : i32
        %dma_wait3A_897 = tpu.memref_slice %arg13[%dma_wait3A_896] : memref<2048xi32, #tpu.memory_space<vmem>> -> memref<128xi32, #tpu.memory_space<vmem>>
        %dma_wait3A_898 = arith.constant 0 : i32
        %dma_wait3A_899 = tpu.memref_slice %arg2[%select_n3A, %dma_wait3A_898] : memref<4x4194304xf32, #tpu.memory_space<hbm>> -> memref<1x4194304xf32, #tpu.memory_space<hbm>>
        %dma_wait3A_900 = tpu.memref_squeeze %dma_wait3A_899 : memref<1x4194304xf32, #tpu.memory_space<hbm>> -> memref<4194304xf32, #tpu.memory_space<hbm>>
        %dma_wait3A_901 = arith.constant 0 : i32
        %dma_wait3A_902 = tpu.memref_slice %dma_wait3A_900[%dma_wait3A_901] : memref<4194304xf32, #tpu.memory_space<hbm>> -> memref<4194304xf32, #tpu.memory_space<hbm>>
        tpu.wait_indirect_dma semaphore(%arg22 : memref<!tpu.dma_semaphore, #tpu.memory_space<semaphore_mem>>) src(%dma_wait3A_902 : memref<4194304xf32, #tpu.memory_space<hbm>>) dst(%dma_wait3A_895 : memref<128xf32, #tpu.memory_space<vmem>>)
        %dma_wait3A_903 = arith.constant 1536 : i32
        %dma_wait3A_904 = tpu.memref_slice %arg14[%dma_wait3A_903] : memref<2048xf32, #tpu.memory_space<vmem>> -> memref<128xf32, #tpu.memory_space<vmem>>
        %dma_wait3A_905 = arith.constant 1536 : i32
        %dma_wait3A_906 = tpu.memref_slice %arg13[%dma_wait3A_905] : memref<2048xi32, #tpu.memory_space<vmem>> -> memref<128xi32, #tpu.memory_space<vmem>>
        %dma_wait3A_907 = arith.constant 0 : i32
        %dma_wait3A_908 = tpu.memref_slice %arg2[%select_n3A, %dma_wait3A_907] : memref<4x4194304xf32, #tpu.memory_space<hbm>> -> memref<1x4194304xf32, #tpu.memory_space<hbm>>
        %dma_wait3A_909 = tpu.memref_squeeze %dma_wait3A_908 : memref<1x4194304xf32, #tpu.memory_space<hbm>> -> memref<4194304xf32, #tpu.memory_space<hbm>>
        %dma_wait3A_910 = arith.constant 0 : i32
        %dma_wait3A_911 = tpu.memref_slice %dma_wait3A_909[%dma_wait3A_910] : memref<4194304xf32, #tpu.memory_space<hbm>> -> memref<4194304xf32, #tpu.memory_space<hbm>>
        tpu.wait_indirect_dma semaphore(%arg22 : memref<!tpu.dma_semaphore, #tpu.memory_space<semaphore_mem>>) src(%dma_wait3A_911 : memref<4194304xf32, #tpu.memory_space<hbm>>) dst(%dma_wait3A_904 : memref<128xf32, #tpu.memory_space<vmem>>)
        %dma_wait3A_912 = arith.constant 1664 : i32
        %dma_wait3A_913 = tpu.memref_slice %arg14[%dma_wait3A_912] : memref<2048xf32, #tpu.memory_space<vmem>> -> memref<128xf32, #tpu.memory_space<vmem>>
        %dma_wait3A_914 = arith.constant 1664 : i32
        %dma_wait3A_915 = tpu.memref_slice %arg13[%dma_wait3A_914] : memref<2048xi32, #tpu.memory_space<vmem>> -> memref<128xi32, #tpu.memory_space<vmem>>
        %dma_wait3A_916 = arith.constant 0 : i32
        %dma_wait3A_917 = tpu.memref_slice %arg2[%select_n3A, %dma_wait3A_916] : memref<4x4194304xf32, #tpu.memory_space<hbm>> -> memref<1x4194304xf32, #tpu.memory_space<hbm>>
        %dma_wait3A_918 = tpu.memref_squeeze %dma_wait3A_917 : memref<1x4194304xf32, #tpu.memory_space<hbm>> -> memref<4194304xf32, #tpu.memory_space<hbm>>
        %dma_wait3A_919 = arith.constant 0 : i32
        %dma_wait3A_920 = tpu.memref_slice %dma_wait3A_918[%dma_wait3A_919] : memref<4194304xf32, #tpu.memory_space<hbm>> -> memref<4194304xf32, #tpu.memory_space<hbm>>
        tpu.wait_indirect_dma semaphore(%arg22 : memref<!tpu.dma_semaphore, #tpu.memory_space<semaphore_mem>>) src(%dma_wait3A_920 : memref<4194304xf32, #tpu.memory_space<hbm>>) dst(%dma_wait3A_913 : memref<128xf32, #tpu.memory_space<vmem>>)
        %dma_wait3A_921 = arith.constant 1792 : i32
        %dma_wait3A_922 = tpu.memref_slice %arg14[%dma_wait3A_921] : memref<2048xf32, #tpu.memory_space<vmem>> -> memref<128xf32, #tpu.memory_space<vmem>>
        %dma_wait3A_923 = arith.constant 1792 : i32
        %dma_wait3A_924 = tpu.memref_slice %arg13[%dma_wait3A_923] : memref<2048xi32, #tpu.memory_space<vmem>> -> memref<128xi32, #tpu.memory_space<vmem>>
        %dma_wait3A_925 = arith.constant 0 : i32
        %dma_wait3A_926 = tpu.memref_slice %arg2[%select_n3A, %dma_wait3A_925] : memref<4x4194304xf32, #tpu.memory_space<hbm>> -> memref<1x4194304xf32, #tpu.memory_space<hbm>>
        %dma_wait3A_927 = tpu.memref_squeeze %dma_wait3A_926 : memref<1x4194304xf32, #tpu.memory_space<hbm>> -> memref<4194304xf32, #tpu.memory_space<hbm>>
        %dma_wait3A_928 = arith.constant 0 : i32
        %dma_wait3A_929 = tpu.memref_slice %dma_wait3A_927[%dma_wait3A_928] : memref<4194304xf32, #tpu.memory_space<hbm>> -> memref<4194304xf32, #tpu.memory_space<hbm>>
        tpu.wait_indirect_dma semaphore(%arg22 : memref<!tpu.dma_semaphore, #tpu.memory_space<semaphore_mem>>) src(%dma_wait3A_929 : memref<4194304xf32, #tpu.memory_space<hbm>>) dst(%dma_wait3A_922 : memref<128xf32, #tpu.memory_space<vmem>>)
        %dma_wait3A_930 = arith.constant 1920 : i32
        %dma_wait3A_931 = tpu.memref_slice %arg14[%dma_wait3A_930] : memref<2048xf32, #tpu.memory_space<vmem>> -> memref<128xf32, #tpu.memory_space<vmem>>
        %dma_wait3A_932 = arith.constant 1920 : i32
        %dma_wait3A_933 = tpu.memref_slice %arg13[%dma_wait3A_932] : memref<2048xi32, #tpu.memory_space<vmem>> -> memref<128xi32, #tpu.memory_space<vmem>>
        %dma_wait3A_934 = arith.constant 0 : i32
        %dma_wait3A_935 = tpu.memref_slice %arg2[%select_n3A, %dma_wait3A_934] : memref<4x4194304xf32, #tpu.memory_space<hbm>> -> memref<1x4194304xf32, #tpu.memory_space<hbm>>
        %dma_wait3A_936 = tpu.memref_squeeze %dma_wait3A_935 : memref<1x4194304xf32, #tpu.memory_space<hbm>> -> memref<4194304xf32, #tpu.memory_space<hbm>>
        %dma_wait3A_937 = arith.constant 0 : i32
        %dma_wait3A_938 = tpu.memref_slice %dma_wait3A_936[%dma_wait3A_937] : memref<4194304xf32, #tpu.memory_space<hbm>> -> memref<4194304xf32, #tpu.memory_space<hbm>>
        tpu.wait_indirect_dma semaphore(%arg22 : memref<!tpu.dma_semaphore, #tpu.memory_space<semaphore_mem>>) src(%dma_wait3A_938 : memref<4194304xf32, #tpu.memory_space<hbm>>) dst(%dma_wait3A_931 : memref<128xf32, #tpu.memory_space<vmem>>)
        %broadcast_in_dim3A_939 = arith.constant 0 : i32
        %broadcast_in_dim3A_940 = vector.broadcast %broadcast_in_dim3A_939 : i32 to vector<16xi32>
        %get3A_941 = arith.constant 0 : index
        %get3A_942 = tpu.vector_load %arg15[%get3A_941] {strides = array<i32>} : memref<128xi32, #tpu.memory_space<vmem>>, vector<16xi32>,
        %broadcast_in_dim3A_943 = arith.constant 0 : i32
        %broadcast_in_dim3A_944 = vector.broadcast %broadcast_in_dim3A_943 : i32 to vector<16xi32>
        %get3A_945 = arith.constant 0 : index
        %get3A_946 = tpu.vector_load %arg14[%get3A_945] {strides = array<i32>} : memref<2048xf32, #tpu.memory_space<vmem>>, vector<16xf32>,
        %gt3A = arith.constant 5.000000e-01 : f32
        %gt3A_947 = vector.broadcast %gt3A : f32 to vector<16xf32>
        %gt3A_948 = arith.cmpf ogt, %get3A_946, %gt3A_947 : vector<16xf32>
        %jit3A_949 = arith.constant 1 : i32
        %jit3A_950 = arith.constant 0 : i32
        %broadcast_in_dim3A_951 = vector.broadcast %jit3A_949 : i32 to vector<16xi32>
        %broadcast_in_dim3A_952 = vector.broadcast %jit3A_950 : i32 to vector<16xi32>
        %select_n3A_953 = arith.select %gt3A_948, %broadcast_in_dim3A_951, %broadcast_in_dim3A_952 : vector<16xi1>, vector<16xi32>
        %or3A = arith.ori %broadcast_in_dim3A_944, %select_n3A_953 : vector<16xi32>
        %get3A_954 = arith.constant 128 : index
        %get3A_955 = tpu.vector_load %arg14[%get3A_954] {strides = array<i32>} : memref<2048xf32, #tpu.memory_space<vmem>>, vector<16xf32>,
        %gt3A_956 = arith.constant 5.000000e-01 : f32
        %gt3A_957 = vector.broadcast %gt3A_956 : f32 to vector<16xf32>
        %gt3A_958 = arith.cmpf ogt, %get3A_955, %gt3A_957 : vector<16xf32>
        %jit3A_959 = arith.constant 2 : i32
        %jit3A_960 = arith.constant 0 : i32
        %broadcast_in_dim3A_961 = vector.broadcast %jit3A_959 : i32 to vector<16xi32>
        %broadcast_in_dim3A_962 = vector.broadcast %jit3A_960 : i32 to vector<16xi32>
        %select_n3A_963 = arith.select %gt3A_958, %broadcast_in_dim3A_961, %broadcast_in_dim3A_962 : vector<16xi1>, vector<16xi32>
        %or3A_964 = arith.ori %or3A, %select_n3A_963 : vector<16xi32>
        %get3A_965 = arith.constant 256 : index
        %get3A_966 = tpu.vector_load %arg14[%get3A_965] {strides = array<i32>} : memref<2048xf32, #tpu.memory_space<vmem>>, vector<16xf32>,
        %gt3A_967 = arith.constant 5.000000e-01 : f32
        %gt3A_968 = vector.broadcast %gt3A_967 : f32 to vector<16xf32>
        %gt3A_969 = arith.cmpf ogt, %get3A_966, %gt3A_968 : vector<16xf32>
        %jit3A_970 = arith.constant 4 : i32
        %jit3A_971 = arith.constant 0 : i32
        %broadcast_in_dim3A_972 = vector.broadcast %jit3A_970 : i32 to vector<16xi32>
        %broadcast_in_dim3A_973 = vector.broadcast %jit3A_971 : i32 to vector<16xi32>
        %select_n3A_974 = arith.select %gt3A_969, %broadcast_in_dim3A_972, %broadcast_in_dim3A_973 : vector<16xi1>, vector<16xi32>
        %or3A_975 = arith.ori %or3A_964, %select_n3A_974 : vector<16xi32>
        %get3A_976 = arith.constant 384 : index
        %get3A_977 = tpu.vector_load %arg14[%get3A_976] {strides = array<i32>} : memref<2048xf32, #tpu.memory_space<vmem>>, vector<16xf32>,
        %gt3A_978 = arith.constant 5.000000e-01 : f32
        %gt3A_979 = vector.broadcast %gt3A_978 : f32 to vector<16xf32>
        %gt3A_980 = arith.cmpf ogt, %get3A_977, %gt3A_979 : vector<16xf32>
        %jit3A_981 = arith.constant 8 : i32
        %jit3A_982 = arith.constant 0 : i32
        %broadcast_in_dim3A_983 = vector.broadcast %jit3A_981 : i32 to vector<16xi32>
        %broadcast_in_dim3A_984 = vector.broadcast %jit3A_982 : i32 to vector<16xi32>
        %select_n3A_985 = arith.select %gt3A_980, %broadcast_in_dim3A_983, %broadcast_in_dim3A_984 : vector<16xi1>, vector<16xi32>
        %or3A_986 = arith.ori %or3A_975, %select_n3A_985 : vector<16xi32>
        %get3A_987 = arith.constant 512 : index
        %get3A_988 = tpu.vector_load %arg14[%get3A_987] {strides = array<i32>} : memref<2048xf32, #tpu.memory_space<vmem>>, vector<16xf32>,
        %gt3A_989 = arith.constant 5.000000e-01 : f32
        %gt3A_990 = vector.broadcast %gt3A_989 : f32 to vector<16xf32>
        %gt3A_991 = arith.cmpf ogt, %get3A_988, %gt3A_990 : vector<16xf32>
        %jit3A_992 = arith.constant 16 : i32
        %jit3A_993 = arith.constant 0 : i32
        %broadcast_in_dim3A_994 = vector.broadcast %jit3A_992 : i32 to vector<16xi32>
        %broadcast_in_dim3A_995 = vector.broadcast %jit3A_993 : i32 to vector<16xi32>
        %select_n3A_996 = arith.select %gt3A_991, %broadcast_in_dim3A_994, %broadcast_in_dim3A_995 : vector<16xi1>, vector<16xi32>
        %or3A_997 = arith.ori %or3A_986, %select_n3A_996 : vector<16xi32>
        %get3A_998 = arith.constant 640 : index
        %get3A_999 = tpu.vector_load %arg14[%get3A_998] {strides = array<i32>} : memref<2048xf32, #tpu.memory_space<vmem>>, vector<16xf32>,
        %gt3A_1000 = arith.constant 5.000000e-01 : f32
        %gt3A_1001 = vector.broadcast %gt3A_1000 : f32 to vector<16xf32>
        %gt3A_1002 = arith.cmpf ogt, %get3A_999, %gt3A_1001 : vector<16xf32>
        %jit3A_1003 = arith.constant 32 : i32
        %jit3A_1004 = arith.constant 0 : i32
        %broadcast_in_dim3A_1005 = vector.broadcast %jit3A_1003 : i32 to vector<16xi32>
        %broadcast_in_dim3A_1006 = vector.broadcast %jit3A_1004 : i32 to vector<16xi32>
        %select_n3A_1007 = arith.select %gt3A_1002, %broadcast_in_dim3A_1005, %broadcast_in_dim3A_1006 : vector<16xi1>, vector<16xi32>
        %or3A_1008 = arith.ori %or3A_997, %select_n3A_1007 : vector<16xi32>
        %get3A_1009 = arith.constant 768 : index
        %get3A_1010 = tpu.vector_load %arg14[%get3A_1009] {strides = array<i32>} : memref<2048xf32, #tpu.memory_space<vmem>>, vector<16xf32>,
        %gt3A_1011 = arith.constant 5.000000e-01 : f32
        %gt3A_1012 = vector.broadcast %gt3A_1011 : f32 to vector<16xf32>
        %gt3A_1013 = arith.cmpf ogt, %get3A_1010, %gt3A_1012 : vector<16xf32>
        %jit3A_1014 = arith.constant 64 : i32
        %jit3A_1015 = arith.constant 0 : i32
        %broadcast_in_dim3A_1016 = vector.broadcast %jit3A_1014 : i32 to vector<16xi32>
        %broadcast_in_dim3A_1017 = vector.broadcast %jit3A_1015 : i32 to vector<16xi32>
        %select_n3A_1018 = arith.select %gt3A_1013, %broadcast_in_dim3A_1016, %broadcast_in_dim3A_1017 : vector<16xi1>, vector<16xi32>
        %or3A_1019 = arith.ori %or3A_1008, %select_n3A_1018 : vector<16xi32>
        %get3A_1020 = arith.constant 896 : index
        %get3A_1021 = tpu.vector_load %arg14[%get3A_1020] {strides = array<i32>} : memref<2048xf32, #tpu.memory_space<vmem>>, vector<16xf32>,
        %gt3A_1022 = arith.constant 5.000000e-01 : f32
        %gt3A_1023 = vector.broadcast %gt3A_1022 : f32 to vector<16xf32>
        %gt3A_1024 = arith.cmpf ogt, %get3A_1021, %gt3A_1023 : vector<16xf32>
        %jit3A_1025 = arith.constant 128 : i32
        %jit3A_1026 = arith.constant 0 : i32
        %broadcast_in_dim3A_1027 = vector.broadcast %jit3A_1025 : i32 to vector<16xi32>
        %broadcast_in_dim3A_1028 = vector.broadcast %jit3A_1026 : i32 to vector<16xi32>
        %select_n3A_1029 = arith.select %gt3A_1024, %broadcast_in_dim3A_1027, %broadcast_in_dim3A_1028 : vector<16xi1>, vector<16xi32>
        %or3A_1030 = arith.ori %or3A_1019, %select_n3A_1029 : vector<16xi32>
        %get3A_1031 = arith.constant 1024 : index
        %get3A_1032 = tpu.vector_load %arg14[%get3A_1031] {strides = array<i32>} : memref<2048xf32, #tpu.memory_space<vmem>>, vector<16xf32>,
        %gt3A_1033 = arith.constant 5.000000e-01 : f32
        %gt3A_1034 = vector.broadcast %gt3A_1033 : f32 to vector<16xf32>
        %gt3A_1035 = arith.cmpf ogt, %get3A_1032, %gt3A_1034 : vector<16xf32>
        %jit3A_1036 = arith.constant 256 : i32
        %jit3A_1037 = arith.constant 0 : i32
        %broadcast_in_dim3A_1038 = vector.broadcast %jit3A_1036 : i32 to vector<16xi32>
        %broadcast_in_dim3A_1039 = vector.broadcast %jit3A_1037 : i32 to vector<16xi32>
        %select_n3A_1040 = arith.select %gt3A_1035, %broadcast_in_dim3A_1038, %broadcast_in_dim3A_1039 : vector<16xi1>, vector<16xi32>
        %or3A_1041 = arith.ori %or3A_1030, %select_n3A_1040 : vector<16xi32>
        %get3A_1042 = arith.constant 1152 : index
        %get3A_1043 = tpu.vector_load %arg14[%get3A_1042] {strides = array<i32>} : memref<2048xf32, #tpu.memory_space<vmem>>, vector<16xf32>,
        %gt3A_1044 = arith.constant 5.000000e-01 : f32
        %gt3A_1045 = vector.broadcast %gt3A_1044 : f32 to vector<16xf32>
        %gt3A_1046 = arith.cmpf ogt, %get3A_1043, %gt3A_1045 : vector<16xf32>
        %jit3A_1047 = arith.constant 512 : i32
        %jit3A_1048 = arith.constant 0 : i32
        %broadcast_in_dim3A_1049 = vector.broadcast %jit3A_1047 : i32 to vector<16xi32>
        %broadcast_in_dim3A_1050 = vector.broadcast %jit3A_1048 : i32 to vector<16xi32>
        %select_n3A_1051 = arith.select %gt3A_1046, %broadcast_in_dim3A_1049, %broadcast_in_dim3A_1050 : vector<16xi1>, vector<16xi32>
        %or3A_1052 = arith.ori %or3A_1041, %select_n3A_1051 : vector<16xi32>
        %get3A_1053 = arith.constant 1280 : index
        %get3A_1054 = tpu.vector_load %arg14[%get3A_1053] {strides = array<i32>} : memref<2048xf32, #tpu.memory_space<vmem>>, vector<16xf32>,
        %gt3A_1055 = arith.constant 5.000000e-01 : f32
        %gt3A_1056 = vector.broadcast %gt3A_1055 : f32 to vector<16xf32>
        %gt3A_1057 = arith.cmpf ogt, %get3A_1054, %gt3A_1056 : vector<16xf32>
        %jit3A_1058 = arith.constant 1024 : i32
        %jit3A_1059 = arith.constant 0 : i32
        %broadcast_in_dim3A_1060 = vector.broadcast %jit3A_1058 : i32 to vector<16xi32>
        %broadcast_in_dim3A_1061 = vector.broadcast %jit3A_1059 : i32 to vector<16xi32>
        %select_n3A_1062 = arith.select %gt3A_1057, %broadcast_in_dim3A_1060, %broadcast_in_dim3A_1061 : vector<16xi1>, vector<16xi32>
        %or3A_1063 = arith.ori %or3A_1052, %select_n3A_1062 : vector<16xi32>
        %get3A_1064 = arith.constant 1408 : index
        %get3A_1065 = tpu.vector_load %arg14[%get3A_1064] {strides = array<i32>} : memref<2048xf32, #tpu.memory_space<vmem>>, vector<16xf32>,
        %gt3A_1066 = arith.constant 5.000000e-01 : f32
        %gt3A_1067 = vector.broadcast %gt3A_1066 : f32 to vector<16xf32>
        %gt3A_1068 = arith.cmpf ogt, %get3A_1065, %gt3A_1067 : vector<16xf32>
        %jit3A_1069 = arith.constant 2048 : i32
        %jit3A_1070 = arith.constant 0 : i32
        %broadcast_in_dim3A_1071 = vector.broadcast %jit3A_1069 : i32 to vector<16xi32>
        %broadcast_in_dim3A_1072 = vector.broadcast %jit3A_1070 : i32 to vector<16xi32>
        %select_n3A_1073 = arith.select %gt3A_1068, %broadcast_in_dim3A_1071, %broadcast_in_dim3A_1072 : vector<16xi1>, vector<16xi32>
        %or3A_1074 = arith.ori %or3A_1063, %select_n3A_1073 : vector<16xi32>
        %get3A_1075 = arith.constant 1536 : index
        %get3A_1076 = tpu.vector_load %arg14[%get3A_1075] {strides = array<i32>} : memref<2048xf32, #tpu.memory_space<vmem>>, vector<16xf32>,
        %gt3A_1077 = arith.constant 5.000000e-01 : f32
        %gt3A_1078 = vector.broadcast %gt3A_1077 : f32 to vector<16xf32>
        %gt3A_1079 = arith.cmpf ogt, %get3A_1076, %gt3A_1078 : vector<16xf32>
        %jit3A_1080 = arith.constant 4096 : i32
        %jit3A_1081 = arith.constant 0 : i32
        %broadcast_in_dim3A_1082 = vector.broadcast %jit3A_1080 : i32 to vector<16xi32>
        %broadcast_in_dim3A_1083 = vector.broadcast %jit3A_1081 : i32 to vector<16xi32>
        %select_n3A_1084 = arith.select %gt3A_1079, %broadcast_in_dim3A_1082, %broadcast_in_dim3A_1083 : vector<16xi1>, vector<16xi32>
        %or3A_1085 = arith.ori %or3A_1074, %select_n3A_1084 : vector<16xi32>
        %get3A_1086 = arith.constant 1664 : index
        %get3A_1087 = tpu.vector_load %arg14[%get3A_1086] {strides = array<i32>} : memref<2048xf32, #tpu.memory_space<vmem>>, vector<16xf32>,
        %gt3A_1088 = arith.constant 5.000000e-01 : f32
        %gt3A_1089 = vector.broadcast %gt3A_1088 : f32 to vector<16xf32>
        %gt3A_1090 = arith.cmpf ogt, %get3A_1087, %gt3A_1089 : vector<16xf32>
        %jit3A_1091 = arith.constant 8192 : i32
        %jit3A_1092 = arith.constant 0 : i32
        %broadcast_in_dim3A_1093 = vector.broadcast %jit3A_1091 : i32 to vector<16xi32>
        %broadcast_in_dim3A_1094 = vector.broadcast %jit3A_1092 : i32 to vector<16xi32>
        %select_n3A_1095 = arith.select %gt3A_1090, %broadcast_in_dim3A_1093, %broadcast_in_dim3A_1094 : vector<16xi1>, vector<16xi32>
        %or3A_1096 = arith.ori %or3A_1085, %select_n3A_1095 : vector<16xi32>
        %get3A_1097 = arith.constant 1792 : index
        %get3A_1098 = tpu.vector_load %arg14[%get3A_1097] {strides = array<i32>} : memref<2048xf32, #tpu.memory_space<vmem>>, vector<16xf32>,
        %gt3A_1099 = arith.constant 5.000000e-01 : f32
        %gt3A_1100 = vector.broadcast %gt3A_1099 : f32 to vector<16xf32>
        %gt3A_1101 = arith.cmpf ogt, %get3A_1098, %gt3A_1100 : vector<16xf32>
        %jit3A_1102 = arith.constant 16384 : i32
        %jit3A_1103 = arith.constant 0 : i32
        %broadcast_in_dim3A_1104 = vector.broadcast %jit3A_1102 : i32 to vector<16xi32>
        %broadcast_in_dim3A_1105 = vector.broadcast %jit3A_1103 : i32 to vector<16xi32>
        %select_n3A_1106 = arith.select %gt3A_1101, %broadcast_in_dim3A_1104, %broadcast_in_dim3A_1105 : vector<16xi1>, vector<16xi32>
        %or3A_1107 = arith.ori %or3A_1096, %select_n3A_1106 : vector<16xi32>
        %get3A_1108 = arith.constant 1920 : index
        %get3A_1109 = tpu.vector_load %arg14[%get3A_1108] {strides = array<i32>} : memref<2048xf32, #tpu.memory_space<vmem>>, vector<16xf32>,
        %gt3A_1110 = arith.constant 5.000000e-01 : f32
        %gt3A_1111 = vector.broadcast %gt3A_1110 : f32 to vector<16xf32>
        %gt3A_1112 = arith.cmpf ogt, %get3A_1109, %gt3A_1111 : vector<16xf32>
        %jit3A_1113 = arith.constant 32768 : i32
        %jit3A_1114 = arith.constant 0 : i32
        %broadcast_in_dim3A_1115 = vector.broadcast %jit3A_1113 : i32 to vector<16xi32>
        %broadcast_in_dim3A_1116 = vector.broadcast %jit3A_1114 : i32 to vector<16xi32>
        %select_n3A_1117 = arith.select %gt3A_1112, %broadcast_in_dim3A_1115, %broadcast_in_dim3A_1116 : vector<16xi1>, vector<16xi32>
        %or3A_1118 = arith.ori %or3A_1107, %select_n3A_1117 : vector<16xi32>
        %ge3A_1119 = arith.constant 1024 : i32
        %ge3A_1120 = vector.broadcast %ge3A_1119 : i32 to vector<16xi32>
        %ge3A_1121 = arith.cmpi sge, %get3A_942, %ge3A_1120 : vector<16xi32>
        %ne3A_1122 = arith.constant 0 : i32
        %ne3A_1123 = vector.broadcast %ne3A_1122 : i32 to vector<16xi32>
        %ne3A_1124 = arith.cmpi ne, %or3A_1118, %ne3A_1123 : vector<16xi32>
        %and3A_1125 = arith.andi %ge3A_1121, %ne3A_1124 : vector<16xi1>
        %mul3A_1126 = arith.constant 16 : i32
        %mul3A_1127 = arith.muli %scan3A_144, %mul3A_1126 : i32
        %neg3A = arith.constant 0 : i32
        %neg3A_1128 = vector.broadcast %neg3A : i32 to vector<16xi32>
        %neg3A_1129 = arith.subi %neg3A_1128, %or3A_1118 : vector<16xi32>
        %and3A_1130 = arith.andi %or3A_1118, %neg3A_1129 : vector<16xi32>
        %convert_element_type3A_1131 = arith.sitofp %and3A_1130 : vector<16xi32> to vector<16xf32>
        %bitcast_convert_type3A = tpu.bitcast %convert_element_type3A_1131 : vector<16xf32> -> vector<16xi32>
        %shift_right_arithmetic3A = arith.constant 23 : i32
        %shift_right_arithmetic3A_1132 = vector.broadcast %shift_right_arithmetic3A : i32 to vector<16xi32>
        %shift_right_arithmetic3A_1133 = arith.shrsi %bitcast_convert_type3A, %shift_right_arithmetic3A_1132 : vector<16xi32>
        %sub3A_1134 = arith.constant 127 : i32
        %sub3A_1135 = vector.broadcast %sub3A_1134 : i32 to vector<16xi32>
        %sub3A_1136 = arith.subi %shift_right_arithmetic3A_1133, %sub3A_1135 : vector<16xi32>
        %add3A_1137 = vector.broadcast %mul3A_1127 : i32 to vector<16xi32>
        %add3A_1138 = arith.addi %add3A_1137, %sub3A_1136 : vector<16xi32>
        %select_n3A_1139 = arith.select %and3A_1125, %add3A_1138, %get3A_942 : vector<16xi1>, vector<16xi32>
        %swap3A_1140 = arith.constant 0 : index
        %swap3A_1141 = tpu.vector_load %arg15[%swap3A_1140] {strides = array<i32>} : memref<128xi32, #tpu.memory_space<vmem>>, vector<16xi32>,
        tpu.vector_store %arg15[%swap3A_1140], %select_n3A_1139 {strides = array<i32>} : memref<128xi32, #tpu.memory_space<vmem>>, vector<16xi32>,
        %max3A = arith.maxsi %broadcast_in_dim3A_940, %select_n3A_1139 : vector<16xi32>
        %get3A_1142 = arith.constant 16 : index
        %get3A_1143 = tpu.vector_load %arg15[%get3A_1142] {strides = array<i32>} : memref<128xi32, #tpu.memory_space<vmem>>, vector<16xi32>,
        %broadcast_in_dim3A_1144 = arith.constant 0 : i32
        %broadcast_in_dim3A_1145 = vector.broadcast %broadcast_in_dim3A_1144 : i32 to vector<16xi32>
        %get3A_1146 = arith.constant 16 : index
        %get3A_1147 = tpu.vector_load %arg14[%get3A_1146] {strides = array<i32>} : memref<2048xf32, #tpu.memory_space<vmem>>, vector<16xf32>,
        %gt3A_1148 = arith.constant 5.000000e-01 : f32
        %gt3A_1149 = vector.broadcast %gt3A_1148 : f32 to vector<16xf32>
        %gt3A_1150 = arith.cmpf ogt, %get3A_1147, %gt3A_1149 : vector<16xf32>
        %jit3A_1151 = arith.constant 1 : i32
        %jit3A_1152 = arith.constant 0 : i32
        %broadcast_in_dim3A_1153 = vector.broadcast %jit3A_1151 : i32 to vector<16xi32>
        %broadcast_in_dim3A_1154 = vector.broadcast %jit3A_1152 : i32 to vector<16xi32>
        %select_n3A_1155 = arith.select %gt3A_1150, %broadcast_in_dim3A_1153, %broadcast_in_dim3A_1154 : vector<16xi1>, vector<16xi32>
        %or3A_1156 = arith.ori %broadcast_in_dim3A_1145, %select_n3A_1155 : vector<16xi32>
        %get3A_1157 = arith.constant 144 : index
        %get3A_1158 = tpu.vector_load %arg14[%get3A_1157] {strides = array<i32>} : memref<2048xf32, #tpu.memory_space<vmem>>, vector<16xf32>,
        %gt3A_1159 = arith.constant 5.000000e-01 : f32
        %gt3A_1160 = vector.broadcast %gt3A_1159 : f32 to vector<16xf32>
        %gt3A_1161 = arith.cmpf ogt, %get3A_1158, %gt3A_1160 : vector<16xf32>
        %jit3A_1162 = arith.constant 2 : i32
        %jit3A_1163 = arith.constant 0 : i32
        %broadcast_in_dim3A_1164 = vector.broadcast %jit3A_1162 : i32 to vector<16xi32>
        %broadcast_in_dim3A_1165 = vector.broadcast %jit3A_1163 : i32 to vector<16xi32>
        %select_n3A_1166 = arith.select %gt3A_1161, %broadcast_in_dim3A_1164, %broadcast_in_dim3A_1165 : vector<16xi1>, vector<16xi32>
        %or3A_1167 = arith.ori %or3A_1156, %select_n3A_1166 : vector<16xi32>
        %get3A_1168 = arith.constant 272 : index
        %get3A_1169 = tpu.vector_load %arg14[%get3A_1168] {strides = array<i32>} : memref<2048xf32, #tpu.memory_space<vmem>>, vector<16xf32>,
        %gt3A_1170 = arith.constant 5.000000e-01 : f32
        %gt3A_1171 = vector.broadcast %gt3A_1170 : f32 to vector<16xf32>
        %gt3A_1172 = arith.cmpf ogt, %get3A_1169, %gt3A_1171 : vector<16xf32>
        %jit3A_1173 = arith.constant 4 : i32
        %jit3A_1174 = arith.constant 0 : i32
        %broadcast_in_dim3A_1175 = vector.broadcast %jit3A_1173 : i32 to vector<16xi32>
        %broadcast_in_dim3A_1176 = vector.broadcast %jit3A_1174 : i32 to vector<16xi32>
        %select_n3A_1177 = arith.select %gt3A_1172, %broadcast_in_dim3A_1175, %broadcast_in_dim3A_1176 : vector<16xi1>, vector<16xi32>
        %or3A_1178 = arith.ori %or3A_1167, %select_n3A_1177 : vector<16xi32>
        %get3A_1179 = arith.constant 400 : index
        %get3A_1180 = tpu.vector_load %arg14[%get3A_1179] {strides = array<i32>} : memref<2048xf32, #tpu.memory_space<vmem>>, vector<16xf32>,
        %gt3A_1181 = arith.constant 5.000000e-01 : f32
        %gt3A_1182 = vector.broadcast %gt3A_1181 : f32 to vector<16xf32>
        %gt3A_1183 = arith.cmpf ogt, %get3A_1180, %gt3A_1182 : vector<16xf32>
        %jit3A_1184 = arith.constant 8 : i32
        %jit3A_1185 = arith.constant 0 : i32
        %broadcast_in_dim3A_1186 = vector.broadcast %jit3A_1184 : i32 to vector<16xi32>
        %broadcast_in_dim3A_1187 = vector.broadcast %jit3A_1185 : i32 to vector<16xi32>
        %select_n3A_1188 = arith.select %gt3A_1183, %broadcast_in_dim3A_1186, %broadcast_in_dim3A_1187 : vector<16xi1>, vector<16xi32>
        %or3A_1189 = arith.ori %or3A_1178, %select_n3A_1188 : vector<16xi32>
        %get3A_1190 = arith.constant 528 : index
        %get3A_1191 = tpu.vector_load %arg14[%get3A_1190] {strides = array<i32>} : memref<2048xf32, #tpu.memory_space<vmem>>, vector<16xf32>,
        %gt3A_1192 = arith.constant 5.000000e-01 : f32
        %gt3A_1193 = vector.broadcast %gt3A_1192 : f32 to vector<16xf32>
        %gt3A_1194 = arith.cmpf ogt, %get3A_1191, %gt3A_1193 : vector<16xf32>
        %jit3A_1195 = arith.constant 16 : i32
        %jit3A_1196 = arith.constant 0 : i32
        %broadcast_in_dim3A_1197 = vector.broadcast %jit3A_1195 : i32 to vector<16xi32>
        %broadcast_in_dim3A_1198 = vector.broadcast %jit3A_1196 : i32 to vector<16xi32>
        %select_n3A_1199 = arith.select %gt3A_1194, %broadcast_in_dim3A_1197, %broadcast_in_dim3A_1198 : vector<16xi1>, vector<16xi32>
        %or3A_1200 = arith.ori %or3A_1189, %select_n3A_1199 : vector<16xi32>
        %get3A_1201 = arith.constant 656 : index
        %get3A_1202 = tpu.vector_load %arg14[%get3A_1201] {strides = array<i32>} : memref<2048xf32, #tpu.memory_space<vmem>>, vector<16xf32>,
        %gt3A_1203 = arith.constant 5.000000e-01 : f32
        %gt3A_1204 = vector.broadcast %gt3A_1203 : f32 to vector<16xf32>
        %gt3A_1205 = arith.cmpf ogt, %get3A_1202, %gt3A_1204 : vector<16xf32>
        %jit3A_1206 = arith.constant 32 : i32
        %jit3A_1207 = arith.constant 0 : i32
        %broadcast_in_dim3A_1208 = vector.broadcast %jit3A_1206 : i32 to vector<16xi32>
        %broadcast_in_dim3A_1209 = vector.broadcast %jit3A_1207 : i32 to vector<16xi32>
        %select_n3A_1210 = arith.select %gt3A_1205, %broadcast_in_dim3A_1208, %broadcast_in_dim3A_1209 : vector<16xi1>, vector<16xi32>
        %or3A_1211 = arith.ori %or3A_1200, %select_n3A_1210 : vector<16xi32>
        %get3A_1212 = arith.constant 784 : index
        %get3A_1213 = tpu.vector_load %arg14[%get3A_1212] {strides = array<i32>} : memref<2048xf32, #tpu.memory_space<vmem>>, vector<16xf32>,
        %gt3A_1214 = arith.constant 5.000000e-01 : f32
        %gt3A_1215 = vector.broadcast %gt3A_1214 : f32 to vector<16xf32>
        %gt3A_1216 = arith.cmpf ogt, %get3A_1213, %gt3A_1215 : vector<16xf32>
        %jit3A_1217 = arith.constant 64 : i32
        %jit3A_1218 = arith.constant 0 : i32
        %broadcast_in_dim3A_1219 = vector.broadcast %jit3A_1217 : i32 to vector<16xi32>
        %broadcast_in_dim3A_1220 = vector.broadcast %jit3A_1218 : i32 to vector<16xi32>
        %select_n3A_1221 = arith.select %gt3A_1216, %broadcast_in_dim3A_1219, %broadcast_in_dim3A_1220 : vector<16xi1>, vector<16xi32>
        %or3A_1222 = arith.ori %or3A_1211, %select_n3A_1221 : vector<16xi32>
        %get3A_1223 = arith.constant 912 : index
        %get3A_1224 = tpu.vector_load %arg14[%get3A_1223] {strides = array<i32>} : memref<2048xf32, #tpu.memory_space<vmem>>, vector<16xf32>,
        %gt3A_1225 = arith.constant 5.000000e-01 : f32
        %gt3A_1226 = vector.broadcast %gt3A_1225 : f32 to vector<16xf32>
        %gt3A_1227 = arith.cmpf ogt, %get3A_1224, %gt3A_1226 : vector<16xf32>
        %jit3A_1228 = arith.constant 128 : i32
        %jit3A_1229 = arith.constant 0 : i32
        %broadcast_in_dim3A_1230 = vector.broadcast %jit3A_1228 : i32 to vector<16xi32>
        %broadcast_in_dim3A_1231 = vector.broadcast %jit3A_1229 : i32 to vector<16xi32>
        %select_n3A_1232 = arith.select %gt3A_1227, %broadcast_in_dim3A_1230, %broadcast_in_dim3A_1231 : vector<16xi1>, vector<16xi32>
        %or3A_1233 = arith.ori %or3A_1222, %select_n3A_1232 : vector<16xi32>
        %get3A_1234 = arith.constant 1040 : index
        %get3A_1235 = tpu.vector_load %arg14[%get3A_1234] {strides = array<i32>} : memref<2048xf32, #tpu.memory_space<vmem>>, vector<16xf32>,
        %gt3A_1236 = arith.constant 5.000000e-01 : f32
        %gt3A_1237 = vector.broadcast %gt3A_1236 : f32 to vector<16xf32>
        %gt3A_1238 = arith.cmpf ogt, %get3A_1235, %gt3A_1237 : vector<16xf32>
        %jit3A_1239 = arith.constant 256 : i32
        %jit3A_1240 = arith.constant 0 : i32
        %broadcast_in_dim3A_1241 = vector.broadcast %jit3A_1239 : i32 to vector<16xi32>
        %broadcast_in_dim3A_1242 = vector.broadcast %jit3A_1240 : i32 to vector<16xi32>
        %select_n3A_1243 = arith.select %gt3A_1238, %broadcast_in_dim3A_1241, %broadcast_in_dim3A_1242 : vector<16xi1>, vector<16xi32>
        %or3A_1244 = arith.ori %or3A_1233, %select_n3A_1243 : vector<16xi32>
        %get3A_1245 = arith.constant 1168 : index
        %get3A_1246 = tpu.vector_load %arg14[%get3A_1245] {strides = array<i32>} : memref<2048xf32, #tpu.memory_space<vmem>>, vector<16xf32>,
        %gt3A_1247 = arith.constant 5.000000e-01 : f32
        %gt3A_1248 = vector.broadcast %gt3A_1247 : f32 to vector<16xf32>
        %gt3A_1249 = arith.cmpf ogt, %get3A_1246, %gt3A_1248 : vector<16xf32>
        %jit3A_1250 = arith.constant 512 : i32
        %jit3A_1251 = arith.constant 0 : i32
        %broadcast_in_dim3A_1252 = vector.broadcast %jit3A_1250 : i32 to vector<16xi32>
        %broadcast_in_dim3A_1253 = vector.broadcast %jit3A_1251 : i32 to vector<16xi32>
        %select_n3A_1254 = arith.select %gt3A_1249, %broadcast_in_dim3A_1252, %broadcast_in_dim3A_1253 : vector<16xi1>, vector<16xi32>
        %or3A_1255 = arith.ori %or3A_1244, %select_n3A_1254 : vector<16xi32>
        %get3A_1256 = arith.constant 1296 : index
        %get3A_1257 = tpu.vector_load %arg14[%get3A_1256] {strides = array<i32>} : memref<2048xf32, #tpu.memory_space<vmem>>, vector<16xf32>,
        %gt3A_1258 = arith.constant 5.000000e-01 : f32
        %gt3A_1259 = vector.broadcast %gt3A_1258 : f32 to vector<16xf32>
        %gt3A_1260 = arith.cmpf ogt, %get3A_1257, %gt3A_1259 : vector<16xf32>
        %jit3A_1261 = arith.constant 1024 : i32
        %jit3A_1262 = arith.constant 0 : i32
        %broadcast_in_dim3A_1263 = vector.broadcast %jit3A_1261 : i32 to vector<16xi32>
        %broadcast_in_dim3A_1264 = vector.broadcast %jit3A_1262 : i32 to vector<16xi32>
        %select_n3A_1265 = arith.select %gt3A_1260, %broadcast_in_dim3A_1263, %broadcast_in_dim3A_1264 : vector<16xi1>, vector<16xi32>
        %or3A_1266 = arith.ori %or3A_1255, %select_n3A_1265 : vector<16xi32>
        %get3A_1267 = arith.constant 1424 : index
        %get3A_1268 = tpu.vector_load %arg14[%get3A_1267] {strides = array<i32>} : memref<2048xf32, #tpu.memory_space<vmem>>, vector<16xf32>,
        %gt3A_1269 = arith.constant 5.000000e-01 : f32
        %gt3A_1270 = vector.broadcast %gt3A_1269 : f32 to vector<16xf32>
        %gt3A_1271 = arith.cmpf ogt, %get3A_1268, %gt3A_1270 : vector<16xf32>
        %jit3A_1272 = arith.constant 2048 : i32
        %jit3A_1273 = arith.constant 0 : i32
        %broadcast_in_dim3A_1274 = vector.broadcast %jit3A_1272 : i32 to vector<16xi32>
        %broadcast_in_dim3A_1275 = vector.broadcast %jit3A_1273 : i32 to vector<16xi32>
        %select_n3A_1276 = arith.select %gt3A_1271, %broadcast_in_dim3A_1274, %broadcast_in_dim3A_1275 : vector<16xi1>, vector<16xi32>
        %or3A_1277 = arith.ori %or3A_1266, %select_n3A_1276 : vector<16xi32>
        %get3A_1278 = arith.constant 1552 : index
        %get3A_1279 = tpu.vector_load %arg14[%get3A_1278] {strides = array<i32>} : memref<2048xf32, #tpu.memory_space<vmem>>, vector<16xf32>,
        %gt3A_1280 = arith.constant 5.000000e-01 : f32
        %gt3A_1281 = vector.broadcast %gt3A_1280 : f32 to vector<16xf32>
        %gt3A_1282 = arith.cmpf ogt, %get3A_1279, %gt3A_1281 : vector<16xf32>
        %jit3A_1283 = arith.constant 4096 : i32
        %jit3A_1284 = arith.constant 0 : i32
        %broadcast_in_dim3A_1285 = vector.broadcast %jit3A_1283 : i32 to vector<16xi32>
        %broadcast_in_dim3A_1286 = vector.broadcast %jit3A_1284 : i32 to vector<16xi32>
        %select_n3A_1287 = arith.select %gt3A_1282, %broadcast_in_dim3A_1285, %broadcast_in_dim3A_1286 : vector<16xi1>, vector<16xi32>
        %or3A_1288 = arith.ori %or3A_1277, %select_n3A_1287 : vector<16xi32>
        %get3A_1289 = arith.constant 1680 : index
        %get3A_1290 = tpu.vector_load %arg14[%get3A_1289] {strides = array<i32>} : memref<2048xf32, #tpu.memory_space<vmem>>, vector<16xf32>,
        %gt3A_1291 = arith.constant 5.000000e-01 : f32
        %gt3A_1292 = vector.broadcast %gt3A_1291 : f32 to vector<16xf32>
        %gt3A_1293 = arith.cmpf ogt, %get3A_1290, %gt3A_1292 : vector<16xf32>
        %jit3A_1294 = arith.constant 8192 : i32
        %jit3A_1295 = arith.constant 0 : i32
        %broadcast_in_dim3A_1296 = vector.broadcast %jit3A_1294 : i32 to vector<16xi32>
        %broadcast_in_dim3A_1297 = vector.broadcast %jit3A_1295 : i32 to vector<16xi32>
        %select_n3A_1298 = arith.select %gt3A_1293, %broadcast_in_dim3A_1296, %broadcast_in_dim3A_1297 : vector<16xi1>, vector<16xi32>
        %or3A_1299 = arith.ori %or3A_1288, %select_n3A_1298 : vector<16xi32>
        %get3A_1300 = arith.constant 1808 : index
        %get3A_1301 = tpu.vector_load %arg14[%get3A_1300] {strides = array<i32>} : memref<2048xf32, #tpu.memory_space<vmem>>, vector<16xf32>,
        %gt3A_1302 = arith.constant 5.000000e-01 : f32
        %gt3A_1303 = vector.broadcast %gt3A_1302 : f32 to vector<16xf32>
        %gt3A_1304 = arith.cmpf ogt, %get3A_1301, %gt3A_1303 : vector<16xf32>
        %jit3A_1305 = arith.constant 16384 : i32
        %jit3A_1306 = arith.constant 0 : i32
        %broadcast_in_dim3A_1307 = vector.broadcast %jit3A_1305 : i32 to vector<16xi32>
        %broadcast_in_dim3A_1308 = vector.broadcast %jit3A_1306 : i32 to vector<16xi32>
        %select_n3A_1309 = arith.select %gt3A_1304, %broadcast_in_dim3A_1307, %broadcast_in_dim3A_1308 : vector<16xi1>, vector<16xi32>
        %or3A_1310 = arith.ori %or3A_1299, %select_n3A_1309 : vector<16xi32>
        %get3A_1311 = arith.constant 1936 : index
        %get3A_1312 = tpu.vector_load %arg14[%get3A_1311] {strides = array<i32>} : memref<2048xf32, #tpu.memory_space<vmem>>, vector<16xf32>,
        %gt3A_1313 = arith.constant 5.000000e-01 : f32
        %gt3A_1314 = vector.broadcast %gt3A_1313 : f32 to vector<16xf32>
        %gt3A_1315 = arith.cmpf ogt, %get3A_1312, %gt3A_1314 : vector<16xf32>
        %jit3A_1316 = arith.constant 32768 : i32
        %jit3A_1317 = arith.constant 0 : i32
        %broadcast_in_dim3A_1318 = vector.broadcast %jit3A_1316 : i32 to vector<16xi32>
        %broadcast_in_dim3A_1319 = vector.broadcast %jit3A_1317 : i32 to vector<16xi32>
        %select_n3A_1320 = arith.select %gt3A_1315, %broadcast_in_dim3A_1318, %broadcast_in_dim3A_1319 : vector<16xi1>, vector<16xi32>
        %or3A_1321 = arith.ori %or3A_1310, %select_n3A_1320 : vector<16xi32>
        %ge3A_1322 = arith.constant 1024 : i32
        %ge3A_1323 = vector.broadcast %ge3A_1322 : i32 to vector<16xi32>
        %ge3A_1324 = arith.cmpi sge, %get3A_1143, %ge3A_1323 : vector<16xi32>
        %ne3A_1325 = arith.constant 0 : i32
        %ne3A_1326 = vector.broadcast %ne3A_1325 : i32 to vector<16xi32>
        %ne3A_1327 = arith.cmpi ne, %or3A_1321, %ne3A_1326 : vector<16xi32>
        %and3A_1328 = arith.andi %ge3A_1324, %ne3A_1327 : vector<16xi1>
        %mul3A_1329 = arith.constant 16 : i32
        %mul3A_1330 = arith.muli %scan3A_144, %mul3A_1329 : i32
        %neg3A_1331 = arith.constant 0 : i32
        %neg3A_1332 = vector.broadcast %neg3A_1331 : i32 to vector<16xi32>
        %neg3A_1333 = arith.subi %neg3A_1332, %or3A_1321 : vector<16xi32>
        %and3A_1334 = arith.andi %or3A_1321, %neg3A_1333 : vector<16xi32>
        %convert_element_type3A_1335 = arith.sitofp %and3A_1334 : vector<16xi32> to vector<16xf32>
        %bitcast_convert_type3A_1336 = tpu.bitcast %convert_element_type3A_1335 : vector<16xf32> -> vector<16xi32>
        %shift_right_arithmetic3A_1337 = arith.constant 23 : i32
        %shift_right_arithmetic3A_1338 = vector.broadcast %shift_right_arithmetic3A_1337 : i32 to vector<16xi32>
        %shift_right_arithmetic3A_1339 = arith.shrsi %bitcast_convert_type3A_1336, %shift_right_arithmetic3A_1338 : vector<16xi32>
        %sub3A_1340 = arith.constant 127 : i32
        %sub3A_1341 = vector.broadcast %sub3A_1340 : i32 to vector<16xi32>
        %sub3A_1342 = arith.subi %shift_right_arithmetic3A_1339, %sub3A_1341 : vector<16xi32>
        %add3A_1343 = vector.broadcast %mul3A_1330 : i32 to vector<16xi32>
        %add3A_1344 = arith.addi %add3A_1343, %sub3A_1342 : vector<16xi32>
        %select_n3A_1345 = arith.select %and3A_1328, %add3A_1344, %get3A_1143 : vector<16xi1>, vector<16xi32>
        %swap3A_1346 = arith.constant 16 : index
        %swap3A_1347 = tpu.vector_load %arg15[%swap3A_1346] {strides = array<i32>} : memref<128xi32, #tpu.memory_space<vmem>>, vector<16xi32>,
        tpu.vector_store %arg15[%swap3A_1346], %select_n3A_1345 {strides = array<i32>} : memref<128xi32, #tpu.memory_space<vmem>>, vector<16xi32>,
        %max3A_1348 = arith.maxsi %max3A, %select_n3A_1345 : vector<16xi32>
        %get3A_1349 = arith.constant 32 : index
        %get3A_1350 = tpu.vector_load %arg15[%get3A_1349] {strides = array<i32>} : memref<128xi32, #tpu.memory_space<vmem>>, vector<16xi32>,
        %broadcast_in_dim3A_1351 = arith.constant 0 : i32
        %broadcast_in_dim3A_1352 = vector.broadcast %broadcast_in_dim3A_1351 : i32 to vector<16xi32>
        %get3A_1353 = arith.constant 32 : index
        %get3A_1354 = tpu.vector_load %arg14[%get3A_1353] {strides = array<i32>} : memref<2048xf32, #tpu.memory_space<vmem>>, vector<16xf32>,
        %gt3A_1355 = arith.constant 5.000000e-01 : f32
        %gt3A_1356 = vector.broadcast %gt3A_1355 : f32 to vector<16xf32>
        %gt3A_1357 = arith.cmpf ogt, %get3A_1354, %gt3A_1356 : vector<16xf32>
        %jit3A_1358 = arith.constant 1 : i32
        %jit3A_1359 = arith.constant 0 : i32
        %broadcast_in_dim3A_1360 = vector.broadcast %jit3A_1358 : i32 to vector<16xi32>
        %broadcast_in_dim3A_1361 = vector.broadcast %jit3A_1359 : i32 to vector<16xi32>
        %select_n3A_1362 = arith.select %gt3A_1357, %broadcast_in_dim3A_1360, %broadcast_in_dim3A_1361 : vector<16xi1>, vector<16xi32>
        %or3A_1363 = arith.ori %broadcast_in_dim3A_1352, %select_n3A_1362 : vector<16xi32>
        %get3A_1364 = arith.constant 160 : index
        %get3A_1365 = tpu.vector_load %arg14[%get3A_1364] {strides = array<i32>} : memref<2048xf32, #tpu.memory_space<vmem>>, vector<16xf32>,
        %gt3A_1366 = arith.constant 5.000000e-01 : f32
        %gt3A_1367 = vector.broadcast %gt3A_1366 : f32 to vector<16xf32>
        %gt3A_1368 = arith.cmpf ogt, %get3A_1365, %gt3A_1367 : vector<16xf32>
        %jit3A_1369 = arith.constant 2 : i32
        %jit3A_1370 = arith.constant 0 : i32
        %broadcast_in_dim3A_1371 = vector.broadcast %jit3A_1369 : i32 to vector<16xi32>
        %broadcast_in_dim3A_1372 = vector.broadcast %jit3A_1370 : i32 to vector<16xi32>
        %select_n3A_1373 = arith.select %gt3A_1368, %broadcast_in_dim3A_1371, %broadcast_in_dim3A_1372 : vector<16xi1>, vector<16xi32>
        %or3A_1374 = arith.ori %or3A_1363, %select_n3A_1373 : vector<16xi32>
        %get3A_1375 = arith.constant 288 : index
        %get3A_1376 = tpu.vector_load %arg14[%get3A_1375] {strides = array<i32>} : memref<2048xf32, #tpu.memory_space<vmem>>, vector<16xf32>,
        %gt3A_1377 = arith.constant 5.000000e-01 : f32
        %gt3A_1378 = vector.broadcast %gt3A_1377 : f32 to vector<16xf32>
        %gt3A_1379 = arith.cmpf ogt, %get3A_1376, %gt3A_1378 : vector<16xf32>
        %jit3A_1380 = arith.constant 4 : i32
        %jit3A_1381 = arith.constant 0 : i32
        %broadcast_in_dim3A_1382 = vector.broadcast %jit3A_1380 : i32 to vector<16xi32>
        %broadcast_in_dim3A_1383 = vector.broadcast %jit3A_1381 : i32 to vector<16xi32>
        %select_n3A_1384 = arith.select %gt3A_1379, %broadcast_in_dim3A_1382, %broadcast_in_dim3A_1383 : vector<16xi1>, vector<16xi32>
        %or3A_1385 = arith.ori %or3A_1374, %select_n3A_1384 : vector<16xi32>
        %get3A_1386 = arith.constant 416 : index
        %get3A_1387 = tpu.vector_load %arg14[%get3A_1386] {strides = array<i32>} : memref<2048xf32, #tpu.memory_space<vmem>>, vector<16xf32>,
        %gt3A_1388 = arith.constant 5.000000e-01 : f32
        %gt3A_1389 = vector.broadcast %gt3A_1388 : f32 to vector<16xf32>
        %gt3A_1390 = arith.cmpf ogt, %get3A_1387, %gt3A_1389 : vector<16xf32>
        %jit3A_1391 = arith.constant 8 : i32
        %jit3A_1392 = arith.constant 0 : i32
        %broadcast_in_dim3A_1393 = vector.broadcast %jit3A_1391 : i32 to vector<16xi32>
        %broadcast_in_dim3A_1394 = vector.broadcast %jit3A_1392 : i32 to vector<16xi32>
        %select_n3A_1395 = arith.select %gt3A_1390, %broadcast_in_dim3A_1393, %broadcast_in_dim3A_1394 : vector<16xi1>, vector<16xi32>
        %or3A_1396 = arith.ori %or3A_1385, %select_n3A_1395 : vector<16xi32>
        %get3A_1397 = arith.constant 544 : index
        %get3A_1398 = tpu.vector_load %arg14[%get3A_1397] {strides = array<i32>} : memref<2048xf32, #tpu.memory_space<vmem>>, vector<16xf32>,
        %gt3A_1399 = arith.constant 5.000000e-01 : f32
        %gt3A_1400 = vector.broadcast %gt3A_1399 : f32 to vector<16xf32>
        %gt3A_1401 = arith.cmpf ogt, %get3A_1398, %gt3A_1400 : vector<16xf32>
        %jit3A_1402 = arith.constant 16 : i32
        %jit3A_1403 = arith.constant 0 : i32
        %broadcast_in_dim3A_1404 = vector.broadcast %jit3A_1402 : i32 to vector<16xi32>
        %broadcast_in_dim3A_1405 = vector.broadcast %jit3A_1403 : i32 to vector<16xi32>
        %select_n3A_1406 = arith.select %gt3A_1401, %broadcast_in_dim3A_1404, %broadcast_in_dim3A_1405 : vector<16xi1>, vector<16xi32>
        %or3A_1407 = arith.ori %or3A_1396, %select_n3A_1406 : vector<16xi32>
        %get3A_1408 = arith.constant 672 : index
        %get3A_1409 = tpu.vector_load %arg14[%get3A_1408] {strides = array<i32>} : memref<2048xf32, #tpu.memory_space<vmem>>, vector<16xf32>,
        %gt3A_1410 = arith.constant 5.000000e-01 : f32
        %gt3A_1411 = vector.broadcast %gt3A_1410 : f32 to vector<16xf32>
        %gt3A_1412 = arith.cmpf ogt, %get3A_1409, %gt3A_1411 : vector<16xf32>
        %jit3A_1413 = arith.constant 32 : i32
        %jit3A_1414 = arith.constant 0 : i32
        %broadcast_in_dim3A_1415 = vector.broadcast %jit3A_1413 : i32 to vector<16xi32>
        %broadcast_in_dim3A_1416 = vector.broadcast %jit3A_1414 : i32 to vector<16xi32>
        %select_n3A_1417 = arith.select %gt3A_1412, %broadcast_in_dim3A_1415, %broadcast_in_dim3A_1416 : vector<16xi1>, vector<16xi32>
        %or3A_1418 = arith.ori %or3A_1407, %select_n3A_1417 : vector<16xi32>
        %get3A_1419 = arith.constant 800 : index
        %get3A_1420 = tpu.vector_load %arg14[%get3A_1419] {strides = array<i32>} : memref<2048xf32, #tpu.memory_space<vmem>>, vector<16xf32>,
        %gt3A_1421 = arith.constant 5.000000e-01 : f32
        %gt3A_1422 = vector.broadcast %gt3A_1421 : f32 to vector<16xf32>
        %gt3A_1423 = arith.cmpf ogt, %get3A_1420, %gt3A_1422 : vector<16xf32>
        %jit3A_1424 = arith.constant 64 : i32
        %jit3A_1425 = arith.constant 0 : i32
        %broadcast_in_dim3A_1426 = vector.broadcast %jit3A_1424 : i32 to vector<16xi32>
        %broadcast_in_dim3A_1427 = vector.broadcast %jit3A_1425 : i32 to vector<16xi32>
        %select_n3A_1428 = arith.select %gt3A_1423, %broadcast_in_dim3A_1426, %broadcast_in_dim3A_1427 : vector<16xi1>, vector<16xi32>
        %or3A_1429 = arith.ori %or3A_1418, %select_n3A_1428 : vector<16xi32>
        %get3A_1430 = arith.constant 928 : index
        %get3A_1431 = tpu.vector_load %arg14[%get3A_1430] {strides = array<i32>} : memref<2048xf32, #tpu.memory_space<vmem>>, vector<16xf32>,
        %gt3A_1432 = arith.constant 5.000000e-01 : f32
        %gt3A_1433 = vector.broadcast %gt3A_1432 : f32 to vector<16xf32>
        %gt3A_1434 = arith.cmpf ogt, %get3A_1431, %gt3A_1433 : vector<16xf32>
        %jit3A_1435 = arith.constant 128 : i32
        %jit3A_1436 = arith.constant 0 : i32
        %broadcast_in_dim3A_1437 = vector.broadcast %jit3A_1435 : i32 to vector<16xi32>
        %broadcast_in_dim3A_1438 = vector.broadcast %jit3A_1436 : i32 to vector<16xi32>
        %select_n3A_1439 = arith.select %gt3A_1434, %broadcast_in_dim3A_1437, %broadcast_in_dim3A_1438 : vector<16xi1>, vector<16xi32>
        %or3A_1440 = arith.ori %or3A_1429, %select_n3A_1439 : vector<16xi32>
        %get3A_1441 = arith.constant 1056 : index
        %get3A_1442 = tpu.vector_load %arg14[%get3A_1441] {strides = array<i32>} : memref<2048xf32, #tpu.memory_space<vmem>>, vector<16xf32>,
        %gt3A_1443 = arith.constant 5.000000e-01 : f32
        %gt3A_1444 = vector.broadcast %gt3A_1443 : f32 to vector<16xf32>
        %gt3A_1445 = arith.cmpf ogt, %get3A_1442, %gt3A_1444 : vector<16xf32>
        %jit3A_1446 = arith.constant 256 : i32
        %jit3A_1447 = arith.constant 0 : i32
        %broadcast_in_dim3A_1448 = vector.broadcast %jit3A_1446 : i32 to vector<16xi32>
        %broadcast_in_dim3A_1449 = vector.broadcast %jit3A_1447 : i32 to vector<16xi32>
        %select_n3A_1450 = arith.select %gt3A_1445, %broadcast_in_dim3A_1448, %broadcast_in_dim3A_1449 : vector<16xi1>, vector<16xi32>
        %or3A_1451 = arith.ori %or3A_1440, %select_n3A_1450 : vector<16xi32>
        %get3A_1452 = arith.constant 1184 : index
        %get3A_1453 = tpu.vector_load %arg14[%get3A_1452] {strides = array<i32>} : memref<2048xf32, #tpu.memory_space<vmem>>, vector<16xf32>,
        %gt3A_1454 = arith.constant 5.000000e-01 : f32
        %gt3A_1455 = vector.broadcast %gt3A_1454 : f32 to vector<16xf32>
        %gt3A_1456 = arith.cmpf ogt, %get3A_1453, %gt3A_1455 : vector<16xf32>
        %jit3A_1457 = arith.constant 512 : i32
        %jit3A_1458 = arith.constant 0 : i32
        %broadcast_in_dim3A_1459 = vector.broadcast %jit3A_1457 : i32 to vector<16xi32>
        %broadcast_in_dim3A_1460 = vector.broadcast %jit3A_1458 : i32 to vector<16xi32>
        %select_n3A_1461 = arith.select %gt3A_1456, %broadcast_in_dim3A_1459, %broadcast_in_dim3A_1460 : vector<16xi1>, vector<16xi32>
        %or3A_1462 = arith.ori %or3A_1451, %select_n3A_1461 : vector<16xi32>
        %get3A_1463 = arith.constant 1312 : index
        %get3A_1464 = tpu.vector_load %arg14[%get3A_1463] {strides = array<i32>} : memref<2048xf32, #tpu.memory_space<vmem>>, vector<16xf32>,
        %gt3A_1465 = arith.constant 5.000000e-01 : f32
        %gt3A_1466 = vector.broadcast %gt3A_1465 : f32 to vector<16xf32>
        %gt3A_1467 = arith.cmpf ogt, %get3A_1464, %gt3A_1466 : vector<16xf32>
        %jit3A_1468 = arith.constant 1024 : i32
        %jit3A_1469 = arith.constant 0 : i32
        %broadcast_in_dim3A_1470 = vector.broadcast %jit3A_1468 : i32 to vector<16xi32>
        %broadcast_in_dim3A_1471 = vector.broadcast %jit3A_1469 : i32 to vector<16xi32>
        %select_n3A_1472 = arith.select %gt3A_1467, %broadcast_in_dim3A_1470, %broadcast_in_dim3A_1471 : vector<16xi1>, vector<16xi32>
        %or3A_1473 = arith.ori %or3A_1462, %select_n3A_1472 : vector<16xi32>
        %get3A_1474 = arith.constant 1440 : index
        %get3A_1475 = tpu.vector_load %arg14[%get3A_1474] {strides = array<i32>} : memref<2048xf32, #tpu.memory_space<vmem>>, vector<16xf32>,
        %gt3A_1476 = arith.constant 5.000000e-01 : f32
        %gt3A_1477 = vector.broadcast %gt3A_1476 : f32 to vector<16xf32>
        %gt3A_1478 = arith.cmpf ogt, %get3A_1475, %gt3A_1477 : vector<16xf32>
        %jit3A_1479 = arith.constant 2048 : i32
        %jit3A_1480 = arith.constant 0 : i32
        %broadcast_in_dim3A_1481 = vector.broadcast %jit3A_1479 : i32 to vector<16xi32>
        %broadcast_in_dim3A_1482 = vector.broadcast %jit3A_1480 : i32 to vector<16xi32>
        %select_n3A_1483 = arith.select %gt3A_1478, %broadcast_in_dim3A_1481, %broadcast_in_dim3A_1482 : vector<16xi1>, vector<16xi32>
        %or3A_1484 = arith.ori %or3A_1473, %select_n3A_1483 : vector<16xi32>
        %get3A_1485 = arith.constant 1568 : index
        %get3A_1486 = tpu.vector_load %arg14[%get3A_1485] {strides = array<i32>} : memref<2048xf32, #tpu.memory_space<vmem>>, vector<16xf32>,
        %gt3A_1487 = arith.constant 5.000000e-01 : f32
        %gt3A_1488 = vector.broadcast %gt3A_1487 : f32 to vector<16xf32>
        %gt3A_1489 = arith.cmpf ogt, %get3A_1486, %gt3A_1488 : vector<16xf32>
        %jit3A_1490 = arith.constant 4096 : i32
        %jit3A_1491 = arith.constant 0 : i32
        %broadcast_in_dim3A_1492 = vector.broadcast %jit3A_1490 : i32 to vector<16xi32>
        %broadcast_in_dim3A_1493 = vector.broadcast %jit3A_1491 : i32 to vector<16xi32>
        %select_n3A_1494 = arith.select %gt3A_1489, %broadcast_in_dim3A_1492, %broadcast_in_dim3A_1493 : vector<16xi1>, vector<16xi32>
        %or3A_1495 = arith.ori %or3A_1484, %select_n3A_1494 : vector<16xi32>
        %get3A_1496 = arith.constant 1696 : index
        %get3A_1497 = tpu.vector_load %arg14[%get3A_1496] {strides = array<i32>} : memref<2048xf32, #tpu.memory_space<vmem>>, vector<16xf32>,
        %gt3A_1498 = arith.constant 5.000000e-01 : f32
        %gt3A_1499 = vector.broadcast %gt3A_1498 : f32 to vector<16xf32>
        %gt3A_1500 = arith.cmpf ogt, %get3A_1497, %gt3A_1499 : vector<16xf32>
        %jit3A_1501 = arith.constant 8192 : i32
        %jit3A_1502 = arith.constant 0 : i32
        %broadcast_in_dim3A_1503 = vector.broadcast %jit3A_1501 : i32 to vector<16xi32>
        %broadcast_in_dim3A_1504 = vector.broadcast %jit3A_1502 : i32 to vector<16xi32>
        %select_n3A_1505 = arith.select %gt3A_1500, %broadcast_in_dim3A_1503, %broadcast_in_dim3A_1504 : vector<16xi1>, vector<16xi32>
        %or3A_1506 = arith.ori %or3A_1495, %select_n3A_1505 : vector<16xi32>
        %get3A_1507 = arith.constant 1824 : index
        %get3A_1508 = tpu.vector_load %arg14[%get3A_1507] {strides = array<i32>} : memref<2048xf32, #tpu.memory_space<vmem>>, vector<16xf32>,
        %gt3A_1509 = arith.constant 5.000000e-01 : f32
        %gt3A_1510 = vector.broadcast %gt3A_1509 : f32 to vector<16xf32>
        %gt3A_1511 = arith.cmpf ogt, %get3A_1508, %gt3A_1510 : vector<16xf32>
        %jit3A_1512 = arith.constant 16384 : i32
        %jit3A_1513 = arith.constant 0 : i32
        %broadcast_in_dim3A_1514 = vector.broadcast %jit3A_1512 : i32 to vector<16xi32>
        %broadcast_in_dim3A_1515 = vector.broadcast %jit3A_1513 : i32 to vector<16xi32>
        %select_n3A_1516 = arith.select %gt3A_1511, %broadcast_in_dim3A_1514, %broadcast_in_dim3A_1515 : vector<16xi1>, vector<16xi32>
        %or3A_1517 = arith.ori %or3A_1506, %select_n3A_1516 : vector<16xi32>
        %get3A_1518 = arith.constant 1952 : index
        %get3A_1519 = tpu.vector_load %arg14[%get3A_1518] {strides = array<i32>} : memref<2048xf32, #tpu.memory_space<vmem>>, vector<16xf32>,
        %gt3A_1520 = arith.constant 5.000000e-01 : f32
        %gt3A_1521 = vector.broadcast %gt3A_1520 : f32 to vector<16xf32>
        %gt3A_1522 = arith.cmpf ogt, %get3A_1519, %gt3A_1521 : vector<16xf32>
        %jit3A_1523 = arith.constant 32768 : i32
        %jit3A_1524 = arith.constant 0 : i32
        %broadcast_in_dim3A_1525 = vector.broadcast %jit3A_1523 : i32 to vector<16xi32>
        %broadcast_in_dim3A_1526 = vector.broadcast %jit3A_1524 : i32 to vector<16xi32>
        %select_n3A_1527 = arith.select %gt3A_1522, %broadcast_in_dim3A_1525, %broadcast_in_dim3A_1526 : vector<16xi1>, vector<16xi32>
        %or3A_1528 = arith.ori %or3A_1517, %select_n3A_1527 : vector<16xi32>
        %ge3A_1529 = arith.constant 1024 : i32
        %ge3A_1530 = vector.broadcast %ge3A_1529 : i32 to vector<16xi32>
        %ge3A_1531 = arith.cmpi sge, %get3A_1350, %ge3A_1530 : vector<16xi32>
        %ne3A_1532 = arith.constant 0 : i32
        %ne3A_1533 = vector.broadcast %ne3A_1532 : i32 to vector<16xi32>
        %ne3A_1534 = arith.cmpi ne, %or3A_1528, %ne3A_1533 : vector<16xi32>
        %and3A_1535 = arith.andi %ge3A_1531, %ne3A_1534 : vector<16xi1>
        %mul3A_1536 = arith.constant 16 : i32
        %mul3A_1537 = arith.muli %scan3A_144, %mul3A_1536 : i32
        %neg3A_1538 = arith.constant 0 : i32
        %neg3A_1539 = vector.broadcast %neg3A_1538 : i32 to vector<16xi32>
        %neg3A_1540 = arith.subi %neg3A_1539, %or3A_1528 : vector<16xi32>
        %and3A_1541 = arith.andi %or3A_1528, %neg3A_1540 : vector<16xi32>
        %convert_element_type3A_1542 = arith.sitofp %and3A_1541 : vector<16xi32> to vector<16xf32>
        %bitcast_convert_type3A_1543 = tpu.bitcast %convert_element_type3A_1542 : vector<16xf32> -> vector<16xi32>
        %shift_right_arithmetic3A_1544 = arith.constant 23 : i32
        %shift_right_arithmetic3A_1545 = vector.broadcast %shift_right_arithmetic3A_1544 : i32 to vector<16xi32>
        %shift_right_arithmetic3A_1546 = arith.shrsi %bitcast_convert_type3A_1543, %shift_right_arithmetic3A_1545 : vector<16xi32>
        %sub3A_1547 = arith.constant 127 : i32
        %sub3A_1548 = vector.broadcast %sub3A_1547 : i32 to vector<16xi32>
        %sub3A_1549 = arith.subi %shift_right_arithmetic3A_1546, %sub3A_1548 : vector<16xi32>
        %add3A_1550 = vector.broadcast %mul3A_1537 : i32 to vector<16xi32>
        %add3A_1551 = arith.addi %add3A_1550, %sub3A_1549 : vector<16xi32>
        %select_n3A_1552 = arith.select %and3A_1535, %add3A_1551, %get3A_1350 : vector<16xi1>, vector<16xi32>
        %swap3A_1553 = arith.constant 32 : index
        %swap3A_1554 = tpu.vector_load %arg15[%swap3A_1553] {strides = array<i32>} : memref<128xi32, #tpu.memory_space<vmem>>, vector<16xi32>,
        tpu.vector_store %arg15[%swap3A_1553], %select_n3A_1552 {strides = array<i32>} : memref<128xi32, #tpu.memory_space<vmem>>, vector<16xi32>,
        %max3A_1555 = arith.maxsi %max3A_1348, %select_n3A_1552 : vector<16xi32>
        %get3A_1556 = arith.constant 48 : index
        %get3A_1557 = tpu.vector_load %arg15[%get3A_1556] {strides = array<i32>} : memref<128xi32, #tpu.memory_space<vmem>>, vector<16xi32>,
        %broadcast_in_dim3A_1558 = arith.constant 0 : i32
        %broadcast_in_dim3A_1559 = vector.broadcast %broadcast_in_dim3A_1558 : i32 to vector<16xi32>
        %get3A_1560 = arith.constant 48 : index
        %get3A_1561 = tpu.vector_load %arg14[%get3A_1560] {strides = array<i32>} : memref<2048xf32, #tpu.memory_space<vmem>>, vector<16xf32>,
        %gt3A_1562 = arith.constant 5.000000e-01 : f32
        %gt3A_1563 = vector.broadcast %gt3A_1562 : f32 to vector<16xf32>
        %gt3A_1564 = arith.cmpf ogt, %get3A_1561, %gt3A_1563 : vector<16xf32>
        %jit3A_1565 = arith.constant 1 : i32
        %jit3A_1566 = arith.constant 0 : i32
        %broadcast_in_dim3A_1567 = vector.broadcast %jit3A_1565 : i32 to vector<16xi32>
        %broadcast_in_dim3A_1568 = vector.broadcast %jit3A_1566 : i32 to vector<16xi32>
        %select_n3A_1569 = arith.select %gt3A_1564, %broadcast_in_dim3A_1567, %broadcast_in_dim3A_1568 : vector<16xi1>, vector<16xi32>
        %or3A_1570 = arith.ori %broadcast_in_dim3A_1559, %select_n3A_1569 : vector<16xi32>
        %get3A_1571 = arith.constant 176 : index
        %get3A_1572 = tpu.vector_load %arg14[%get3A_1571] {strides = array<i32>} : memref<2048xf32, #tpu.memory_space<vmem>>, vector<16xf32>,
        %gt3A_1573 = arith.constant 5.000000e-01 : f32
        %gt3A_1574 = vector.broadcast %gt3A_1573 : f32 to vector<16xf32>
        %gt3A_1575 = arith.cmpf ogt, %get3A_1572, %gt3A_1574 : vector<16xf32>
        %jit3A_1576 = arith.constant 2 : i32
        %jit3A_1577 = arith.constant 0 : i32
        %broadcast_in_dim3A_1578 = vector.broadcast %jit3A_1576 : i32 to vector<16xi32>
        %broadcast_in_dim3A_1579 = vector.broadcast %jit3A_1577 : i32 to vector<16xi32>
        %select_n3A_1580 = arith.select %gt3A_1575, %broadcast_in_dim3A_1578, %broadcast_in_dim3A_1579 : vector<16xi1>, vector<16xi32>
        %or3A_1581 = arith.ori %or3A_1570, %select_n3A_1580 : vector<16xi32>
        %get3A_1582 = arith.constant 304 : index
        %get3A_1583 = tpu.vector_load %arg14[%get3A_1582] {strides = array<i32>} : memref<2048xf32, #tpu.memory_space<vmem>>, vector<16xf32>,
        %gt3A_1584 = arith.constant 5.000000e-01 : f32
        %gt3A_1585 = vector.broadcast %gt3A_1584 : f32 to vector<16xf32>
        %gt3A_1586 = arith.cmpf ogt, %get3A_1583, %gt3A_1585 : vector<16xf32>
        %jit3A_1587 = arith.constant 4 : i32
        %jit3A_1588 = arith.constant 0 : i32
        %broadcast_in_dim3A_1589 = vector.broadcast %jit3A_1587 : i32 to vector<16xi32>
        %broadcast_in_dim3A_1590 = vector.broadcast %jit3A_1588 : i32 to vector<16xi32>
        %select_n3A_1591 = arith.select %gt3A_1586, %broadcast_in_dim3A_1589, %broadcast_in_dim3A_1590 : vector<16xi1>, vector<16xi32>
        %or3A_1592 = arith.ori %or3A_1581, %select_n3A_1591 : vector<16xi32>
        %get3A_1593 = arith.constant 432 : index
        %get3A_1594 = tpu.vector_load %arg14[%get3A_1593] {strides = array<i32>} : memref<2048xf32, #tpu.memory_space<vmem>>, vector<16xf32>,
        %gt3A_1595 = arith.constant 5.000000e-01 : f32
        %gt3A_1596 = vector.broadcast %gt3A_1595 : f32 to vector<16xf32>
        %gt3A_1597 = arith.cmpf ogt, %get3A_1594, %gt3A_1596 : vector<16xf32>
        %jit3A_1598 = arith.constant 8 : i32
        %jit3A_1599 = arith.constant 0 : i32
        %broadcast_in_dim3A_1600 = vector.broadcast %jit3A_1598 : i32 to vector<16xi32>
        %broadcast_in_dim3A_1601 = vector.broadcast %jit3A_1599 : i32 to vector<16xi32>
        %select_n3A_1602 = arith.select %gt3A_1597, %broadcast_in_dim3A_1600, %broadcast_in_dim3A_1601 : vector<16xi1>, vector<16xi32>
        %or3A_1603 = arith.ori %or3A_1592, %select_n3A_1602 : vector<16xi32>
        %get3A_1604 = arith.constant 560 : index
        %get3A_1605 = tpu.vector_load %arg14[%get3A_1604] {strides = array<i32>} : memref<2048xf32, #tpu.memory_space<vmem>>, vector<16xf32>,
        %gt3A_1606 = arith.constant 5.000000e-01 : f32
        %gt3A_1607 = vector.broadcast %gt3A_1606 : f32 to vector<16xf32>
        %gt3A_1608 = arith.cmpf ogt, %get3A_1605, %gt3A_1607 : vector<16xf32>
        %jit3A_1609 = arith.constant 16 : i32
        %jit3A_1610 = arith.constant 0 : i32
        %broadcast_in_dim3A_1611 = vector.broadcast %jit3A_1609 : i32 to vector<16xi32>
        %broadcast_in_dim3A_1612 = vector.broadcast %jit3A_1610 : i32 to vector<16xi32>
        %select_n3A_1613 = arith.select %gt3A_1608, %broadcast_in_dim3A_1611, %broadcast_in_dim3A_1612 : vector<16xi1>, vector<16xi32>
        %or3A_1614 = arith.ori %or3A_1603, %select_n3A_1613 : vector<16xi32>
        %get3A_1615 = arith.constant 688 : index
        %get3A_1616 = tpu.vector_load %arg14[%get3A_1615] {strides = array<i32>} : memref<2048xf32, #tpu.memory_space<vmem>>, vector<16xf32>,
        %gt3A_1617 = arith.constant 5.000000e-01 : f32
        %gt3A_1618 = vector.broadcast %gt3A_1617 : f32 to vector<16xf32>
        %gt3A_1619 = arith.cmpf ogt, %get3A_1616, %gt3A_1618 : vector<16xf32>
        %jit3A_1620 = arith.constant 32 : i32
        %jit3A_1621 = arith.constant 0 : i32
        %broadcast_in_dim3A_1622 = vector.broadcast %jit3A_1620 : i32 to vector<16xi32>
        %broadcast_in_dim3A_1623 = vector.broadcast %jit3A_1621 : i32 to vector<16xi32>
        %select_n3A_1624 = arith.select %gt3A_1619, %broadcast_in_dim3A_1622, %broadcast_in_dim3A_1623 : vector<16xi1>, vector<16xi32>
        %or3A_1625 = arith.ori %or3A_1614, %select_n3A_1624 : vector<16xi32>
        %get3A_1626 = arith.constant 816 : index
        %get3A_1627 = tpu.vector_load %arg14[%get3A_1626] {strides = array<i32>} : memref<2048xf32, #tpu.memory_space<vmem>>, vector<16xf32>,
        %gt3A_1628 = arith.constant 5.000000e-01 : f32
        %gt3A_1629 = vector.broadcast %gt3A_1628 : f32 to vector<16xf32>
        %gt3A_1630 = arith.cmpf ogt, %get3A_1627, %gt3A_1629 : vector<16xf32>
        %jit3A_1631 = arith.constant 64 : i32
        %jit3A_1632 = arith.constant 0 : i32
        %broadcast_in_dim3A_1633 = vector.broadcast %jit3A_1631 : i32 to vector<16xi32>
        %broadcast_in_dim3A_1634 = vector.broadcast %jit3A_1632 : i32 to vector<16xi32>
        %select_n3A_1635 = arith.select %gt3A_1630, %broadcast_in_dim3A_1633, %broadcast_in_dim3A_1634 : vector<16xi1>, vector<16xi32>
        %or3A_1636 = arith.ori %or3A_1625, %select_n3A_1635 : vector<16xi32>
        %get3A_1637 = arith.constant 944 : index
        %get3A_1638 = tpu.vector_load %arg14[%get3A_1637] {strides = array<i32>} : memref<2048xf32, #tpu.memory_space<vmem>>, vector<16xf32>,
        %gt3A_1639 = arith.constant 5.000000e-01 : f32
        %gt3A_1640 = vector.broadcast %gt3A_1639 : f32 to vector<16xf32>
        %gt3A_1641 = arith.cmpf ogt, %get3A_1638, %gt3A_1640 : vector<16xf32>
        %jit3A_1642 = arith.constant 128 : i32
        %jit3A_1643 = arith.constant 0 : i32
        %broadcast_in_dim3A_1644 = vector.broadcast %jit3A_1642 : i32 to vector<16xi32>
        %broadcast_in_dim3A_1645 = vector.broadcast %jit3A_1643 : i32 to vector<16xi32>
        %select_n3A_1646 = arith.select %gt3A_1641, %broadcast_in_dim3A_1644, %broadcast_in_dim3A_1645 : vector<16xi1>, vector<16xi32>
        %or3A_1647 = arith.ori %or3A_1636, %select_n3A_1646 : vector<16xi32>
        %get3A_1648 = arith.constant 1072 : index
        %get3A_1649 = tpu.vector_load %arg14[%get3A_1648] {strides = array<i32>} : memref<2048xf32, #tpu.memory_space<vmem>>, vector<16xf32>,
        %gt3A_1650 = arith.constant 5.000000e-01 : f32
        %gt3A_1651 = vector.broadcast %gt3A_1650 : f32 to vector<16xf32>
        %gt3A_1652 = arith.cmpf ogt, %get3A_1649, %gt3A_1651 : vector<16xf32>
        %jit3A_1653 = arith.constant 256 : i32
        %jit3A_1654 = arith.constant 0 : i32
        %broadcast_in_dim3A_1655 = vector.broadcast %jit3A_1653 : i32 to vector<16xi32>
        %broadcast_in_dim3A_1656 = vector.broadcast %jit3A_1654 : i32 to vector<16xi32>
        %select_n3A_1657 = arith.select %gt3A_1652, %broadcast_in_dim3A_1655, %broadcast_in_dim3A_1656 : vector<16xi1>, vector<16xi32>
        %or3A_1658 = arith.ori %or3A_1647, %select_n3A_1657 : vector<16xi32>
        %get3A_1659 = arith.constant 1200 : index
        %get3A_1660 = tpu.vector_load %arg14[%get3A_1659] {strides = array<i32>} : memref<2048xf32, #tpu.memory_space<vmem>>, vector<16xf32>,
        %gt3A_1661 = arith.constant 5.000000e-01 : f32
        %gt3A_1662 = vector.broadcast %gt3A_1661 : f32 to vector<16xf32>
        %gt3A_1663 = arith.cmpf ogt, %get3A_1660, %gt3A_1662 : vector<16xf32>
        %jit3A_1664 = arith.constant 512 : i32
        %jit3A_1665 = arith.constant 0 : i32
        %broadcast_in_dim3A_1666 = vector.broadcast %jit3A_1664 : i32 to vector<16xi32>
        %broadcast_in_dim3A_1667 = vector.broadcast %jit3A_1665 : i32 to vector<16xi32>
        %select_n3A_1668 = arith.select %gt3A_1663, %broadcast_in_dim3A_1666, %broadcast_in_dim3A_1667 : vector<16xi1>, vector<16xi32>
        %or3A_1669 = arith.ori %or3A_1658, %select_n3A_1668 : vector<16xi32>
        %get3A_1670 = arith.constant 1328 : index
        %get3A_1671 = tpu.vector_load %arg14[%get3A_1670] {strides = array<i32>} : memref<2048xf32, #tpu.memory_space<vmem>>, vector<16xf32>,
        %gt3A_1672 = arith.constant 5.000000e-01 : f32
        %gt3A_1673 = vector.broadcast %gt3A_1672 : f32 to vector<16xf32>
        %gt3A_1674 = arith.cmpf ogt, %get3A_1671, %gt3A_1673 : vector<16xf32>
        %jit3A_1675 = arith.constant 1024 : i32
        %jit3A_1676 = arith.constant 0 : i32
        %broadcast_in_dim3A_1677 = vector.broadcast %jit3A_1675 : i32 to vector<16xi32>
        %broadcast_in_dim3A_1678 = vector.broadcast %jit3A_1676 : i32 to vector<16xi32>
        %select_n3A_1679 = arith.select %gt3A_1674, %broadcast_in_dim3A_1677, %broadcast_in_dim3A_1678 : vector<16xi1>, vector<16xi32>
        %or3A_1680 = arith.ori %or3A_1669, %select_n3A_1679 : vector<16xi32>
        %get3A_1681 = arith.constant 1456 : index
        %get3A_1682 = tpu.vector_load %arg14[%get3A_1681] {strides = array<i32>} : memref<2048xf32, #tpu.memory_space<vmem>>, vector<16xf32>,
        %gt3A_1683 = arith.constant 5.000000e-01 : f32
        %gt3A_1684 = vector.broadcast %gt3A_1683 : f32 to vector<16xf32>
        %gt3A_1685 = arith.cmpf ogt, %get3A_1682, %gt3A_1684 : vector<16xf32>
        %jit3A_1686 = arith.constant 2048 : i32
        %jit3A_1687 = arith.constant 0 : i32
        %broadcast_in_dim3A_1688 = vector.broadcast %jit3A_1686 : i32 to vector<16xi32>
        %broadcast_in_dim3A_1689 = vector.broadcast %jit3A_1687 : i32 to vector<16xi32>
        %select_n3A_1690 = arith.select %gt3A_1685, %broadcast_in_dim3A_1688, %broadcast_in_dim3A_1689 : vector<16xi1>, vector<16xi32>
        %or3A_1691 = arith.ori %or3A_1680, %select_n3A_1690 : vector<16xi32>
        %get3A_1692 = arith.constant 1584 : index
        %get3A_1693 = tpu.vector_load %arg14[%get3A_1692] {strides = array<i32>} : memref<2048xf32, #tpu.memory_space<vmem>>, vector<16xf32>,
        %gt3A_1694 = arith.constant 5.000000e-01 : f32
        %gt3A_1695 = vector.broadcast %gt3A_1694 : f32 to vector<16xf32>
        %gt3A_1696 = arith.cmpf ogt, %get3A_1693, %gt3A_1695 : vector<16xf32>
        %jit3A_1697 = arith.constant 4096 : i32
        %jit3A_1698 = arith.constant 0 : i32
        %broadcast_in_dim3A_1699 = vector.broadcast %jit3A_1697 : i32 to vector<16xi32>
        %broadcast_in_dim3A_1700 = vector.broadcast %jit3A_1698 : i32 to vector<16xi32>
        %select_n3A_1701 = arith.select %gt3A_1696, %broadcast_in_dim3A_1699, %broadcast_in_dim3A_1700 : vector<16xi1>, vector<16xi32>
        %or3A_1702 = arith.ori %or3A_1691, %select_n3A_1701 : vector<16xi32>
        %get3A_1703 = arith.constant 1712 : index
        %get3A_1704 = tpu.vector_load %arg14[%get3A_1703] {strides = array<i32>} : memref<2048xf32, #tpu.memory_space<vmem>>, vector<16xf32>,
        %gt3A_1705 = arith.constant 5.000000e-01 : f32
        %gt3A_1706 = vector.broadcast %gt3A_1705 : f32 to vector<16xf32>
        %gt3A_1707 = arith.cmpf ogt, %get3A_1704, %gt3A_1706 : vector<16xf32>
        %jit3A_1708 = arith.constant 8192 : i32
        %jit3A_1709 = arith.constant 0 : i32
        %broadcast_in_dim3A_1710 = vector.broadcast %jit3A_1708 : i32 to vector<16xi32>
        %broadcast_in_dim3A_1711 = vector.broadcast %jit3A_1709 : i32 to vector<16xi32>
        %select_n3A_1712 = arith.select %gt3A_1707, %broadcast_in_dim3A_1710, %broadcast_in_dim3A_1711 : vector<16xi1>, vector<16xi32>
        %or3A_1713 = arith.ori %or3A_1702, %select_n3A_1712 : vector<16xi32>
        %get3A_1714 = arith.constant 1840 : index
        %get3A_1715 = tpu.vector_load %arg14[%get3A_1714] {strides = array<i32>} : memref<2048xf32, #tpu.memory_space<vmem>>, vector<16xf32>,
        %gt3A_1716 = arith.constant 5.000000e-01 : f32
        %gt3A_1717 = vector.broadcast %gt3A_1716 : f32 to vector<16xf32>
        %gt3A_1718 = arith.cmpf ogt, %get3A_1715, %gt3A_1717 : vector<16xf32>
        %jit3A_1719 = arith.constant 16384 : i32
        %jit3A_1720 = arith.constant 0 : i32
        %broadcast_in_dim3A_1721 = vector.broadcast %jit3A_1719 : i32 to vector<16xi32>
        %broadcast_in_dim3A_1722 = vector.broadcast %jit3A_1720 : i32 to vector<16xi32>
        %select_n3A_1723 = arith.select %gt3A_1718, %broadcast_in_dim3A_1721, %broadcast_in_dim3A_1722 : vector<16xi1>, vector<16xi32>
        %or3A_1724 = arith.ori %or3A_1713, %select_n3A_1723 : vector<16xi32>
        %get3A_1725 = arith.constant 1968 : index
        %get3A_1726 = tpu.vector_load %arg14[%get3A_1725] {strides = array<i32>} : memref<2048xf32, #tpu.memory_space<vmem>>, vector<16xf32>,
        %gt3A_1727 = arith.constant 5.000000e-01 : f32
        %gt3A_1728 = vector.broadcast %gt3A_1727 : f32 to vector<16xf32>
        %gt3A_1729 = arith.cmpf ogt, %get3A_1726, %gt3A_1728 : vector<16xf32>
        %jit3A_1730 = arith.constant 32768 : i32
        %jit3A_1731 = arith.constant 0 : i32
        %broadcast_in_dim3A_1732 = vector.broadcast %jit3A_1730 : i32 to vector<16xi32>
        %broadcast_in_dim3A_1733 = vector.broadcast %jit3A_1731 : i32 to vector<16xi32>
        %select_n3A_1734 = arith.select %gt3A_1729, %broadcast_in_dim3A_1732, %broadcast_in_dim3A_1733 : vector<16xi1>, vector<16xi32>
        %or3A_1735 = arith.ori %or3A_1724, %select_n3A_1734 : vector<16xi32>
        %ge3A_1736 = arith.constant 1024 : i32
        %ge3A_1737 = vector.broadcast %ge3A_1736 : i32 to vector<16xi32>
        %ge3A_1738 = arith.cmpi sge, %get3A_1557, %ge3A_1737 : vector<16xi32>
        %ne3A_1739 = arith.constant 0 : i32
        %ne3A_1740 = vector.broadcast %ne3A_1739 : i32 to vector<16xi32>
        %ne3A_1741 = arith.cmpi ne, %or3A_1735, %ne3A_1740 : vector<16xi32>
        %and3A_1742 = arith.andi %ge3A_1738, %ne3A_1741 : vector<16xi1>
        %mul3A_1743 = arith.constant 16 : i32
        %mul3A_1744 = arith.muli %scan3A_144, %mul3A_1743 : i32
        %neg3A_1745 = arith.constant 0 : i32
        %neg3A_1746 = vector.broadcast %neg3A_1745 : i32 to vector<16xi32>
        %neg3A_1747 = arith.subi %neg3A_1746, %or3A_1735 : vector<16xi32>
        %and3A_1748 = arith.andi %or3A_1735, %neg3A_1747 : vector<16xi32>
        %convert_element_type3A_1749 = arith.sitofp %and3A_1748 : vector<16xi32> to vector<16xf32>
        %bitcast_convert_type3A_1750 = tpu.bitcast %convert_element_type3A_1749 : vector<16xf32> -> vector<16xi32>
        %shift_right_arithmetic3A_1751 = arith.constant 23 : i32
        %shift_right_arithmetic3A_1752 = vector.broadcast %shift_right_arithmetic3A_1751 : i32 to vector<16xi32>
        %shift_right_arithmetic3A_1753 = arith.shrsi %bitcast_convert_type3A_1750, %shift_right_arithmetic3A_1752 : vector<16xi32>
        %sub3A_1754 = arith.constant 127 : i32
        %sub3A_1755 = vector.broadcast %sub3A_1754 : i32 to vector<16xi32>
        %sub3A_1756 = arith.subi %shift_right_arithmetic3A_1753, %sub3A_1755 : vector<16xi32>
        %add3A_1757 = vector.broadcast %mul3A_1744 : i32 to vector<16xi32>
        %add3A_1758 = arith.addi %add3A_1757, %sub3A_1756 : vector<16xi32>
        %select_n3A_1759 = arith.select %and3A_1742, %add3A_1758, %get3A_1557 : vector<16xi1>, vector<16xi32>
        %swap3A_1760 = arith.constant 48 : index
        %swap3A_1761 = tpu.vector_load %arg15[%swap3A_1760] {strides = array<i32>} : memref<128xi32, #tpu.memory_space<vmem>>, vector<16xi32>,
        tpu.vector_store %arg15[%swap3A_1760], %select_n3A_1759 {strides = array<i32>} : memref<128xi32, #tpu.memory_space<vmem>>, vector<16xi32>,
        %max3A_1762 = arith.maxsi %max3A_1555, %select_n3A_1759 : vector<16xi32>
        %get3A_1763 = arith.constant 64 : index
        %get3A_1764 = tpu.vector_load %arg15[%get3A_1763] {strides = array<i32>} : memref<128xi32, #tpu.memory_space<vmem>>, vector<16xi32>,
        %broadcast_in_dim3A_1765 = arith.constant 0 : i32
        %broadcast_in_dim3A_1766 = vector.broadcast %broadcast_in_dim3A_1765 : i32 to vector<16xi32>
        %get3A_1767 = arith.constant 64 : index
        %get3A_1768 = tpu.vector_load %arg14[%get3A_1767] {strides = array<i32>} : memref<2048xf32, #tpu.memory_space<vmem>>, vector<16xf32>,
        %gt3A_1769 = arith.constant 5.000000e-01 : f32
        %gt3A_1770 = vector.broadcast %gt3A_1769 : f32 to vector<16xf32>
        %gt3A_1771 = arith.cmpf ogt, %get3A_1768, %gt3A_1770 : vector<16xf32>
        %jit3A_1772 = arith.constant 1 : i32
        %jit3A_1773 = arith.constant 0 : i32
        %broadcast_in_dim3A_1774 = vector.broadcast %jit3A_1772 : i32 to vector<16xi32>
        %broadcast_in_dim3A_1775 = vector.broadcast %jit3A_1773 : i32 to vector<16xi32>
        %select_n3A_1776 = arith.select %gt3A_1771, %broadcast_in_dim3A_1774, %broadcast_in_dim3A_1775 : vector<16xi1>, vector<16xi32>
        %or3A_1777 = arith.ori %broadcast_in_dim3A_1766, %select_n3A_1776 : vector<16xi32>
        %get3A_1778 = arith.constant 192 : index
        %get3A_1779 = tpu.vector_load %arg14[%get3A_1778] {strides = array<i32>} : memref<2048xf32, #tpu.memory_space<vmem>>, vector<16xf32>,
        %gt3A_1780 = arith.constant 5.000000e-01 : f32
        %gt3A_1781 = vector.broadcast %gt3A_1780 : f32 to vector<16xf32>
        %gt3A_1782 = arith.cmpf ogt, %get3A_1779, %gt3A_1781 : vector<16xf32>
        %jit3A_1783 = arith.constant 2 : i32
        %jit3A_1784 = arith.constant 0 : i32
        %broadcast_in_dim3A_1785 = vector.broadcast %jit3A_1783 : i32 to vector<16xi32>
        %broadcast_in_dim3A_1786 = vector.broadcast %jit3A_1784 : i32 to vector<16xi32>
        %select_n3A_1787 = arith.select %gt3A_1782, %broadcast_in_dim3A_1785, %broadcast_in_dim3A_1786 : vector<16xi1>, vector<16xi32>
        %or3A_1788 = arith.ori %or3A_1777, %select_n3A_1787 : vector<16xi32>
        %get3A_1789 = arith.constant 320 : index
        %get3A_1790 = tpu.vector_load %arg14[%get3A_1789] {strides = array<i32>} : memref<2048xf32, #tpu.memory_space<vmem>>, vector<16xf32>,
        %gt3A_1791 = arith.constant 5.000000e-01 : f32
        %gt3A_1792 = vector.broadcast %gt3A_1791 : f32 to vector<16xf32>
        %gt3A_1793 = arith.cmpf ogt, %get3A_1790, %gt3A_1792 : vector<16xf32>
        %jit3A_1794 = arith.constant 4 : i32
        %jit3A_1795 = arith.constant 0 : i32
        %broadcast_in_dim3A_1796 = vector.broadcast %jit3A_1794 : i32 to vector<16xi32>
        %broadcast_in_dim3A_1797 = vector.broadcast %jit3A_1795 : i32 to vector<16xi32>
        %select_n3A_1798 = arith.select %gt3A_1793, %broadcast_in_dim3A_1796, %broadcast_in_dim3A_1797 : vector<16xi1>, vector<16xi32>
        %or3A_1799 = arith.ori %or3A_1788, %select_n3A_1798 : vector<16xi32>
        %get3A_1800 = arith.constant 448 : index
        %get3A_1801 = tpu.vector_load %arg14[%get3A_1800] {strides = array<i32>} : memref<2048xf32, #tpu.memory_space<vmem>>, vector<16xf32>,
        %gt3A_1802 = arith.constant 5.000000e-01 : f32
        %gt3A_1803 = vector.broadcast %gt3A_1802 : f32 to vector<16xf32>
        %gt3A_1804 = arith.cmpf ogt, %get3A_1801, %gt3A_1803 : vector<16xf32>
        %jit3A_1805 = arith.constant 8 : i32
        %jit3A_1806 = arith.constant 0 : i32
        %broadcast_in_dim3A_1807 = vector.broadcast %jit3A_1805 : i32 to vector<16xi32>
        %broadcast_in_dim3A_1808 = vector.broadcast %jit3A_1806 : i32 to vector<16xi32>
        %select_n3A_1809 = arith.select %gt3A_1804, %broadcast_in_dim3A_1807, %broadcast_in_dim3A_1808 : vector<16xi1>, vector<16xi32>
        %or3A_1810 = arith.ori %or3A_1799, %select_n3A_1809 : vector<16xi32>
        %get3A_1811 = arith.constant 576 : index
        %get3A_1812 = tpu.vector_load %arg14[%get3A_1811] {strides = array<i32>} : memref<2048xf32, #tpu.memory_space<vmem>>, vector<16xf32>,
        %gt3A_1813 = arith.constant 5.000000e-01 : f32
        %gt3A_1814 = vector.broadcast %gt3A_1813 : f32 to vector<16xf32>
        %gt3A_1815 = arith.cmpf ogt, %get3A_1812, %gt3A_1814 : vector<16xf32>
        %jit3A_1816 = arith.constant 16 : i32
        %jit3A_1817 = arith.constant 0 : i32
        %broadcast_in_dim3A_1818 = vector.broadcast %jit3A_1816 : i32 to vector<16xi32>
        %broadcast_in_dim3A_1819 = vector.broadcast %jit3A_1817 : i32 to vector<16xi32>
        %select_n3A_1820 = arith.select %gt3A_1815, %broadcast_in_dim3A_1818, %broadcast_in_dim3A_1819 : vector<16xi1>, vector<16xi32>
        %or3A_1821 = arith.ori %or3A_1810, %select_n3A_1820 : vector<16xi32>
        %get3A_1822 = arith.constant 704 : index
        %get3A_1823 = tpu.vector_load %arg14[%get3A_1822] {strides = array<i32>} : memref<2048xf32, #tpu.memory_space<vmem>>, vector<16xf32>,
        %gt3A_1824 = arith.constant 5.000000e-01 : f32
        %gt3A_1825 = vector.broadcast %gt3A_1824 : f32 to vector<16xf32>
        %gt3A_1826 = arith.cmpf ogt, %get3A_1823, %gt3A_1825 : vector<16xf32>
        %jit3A_1827 = arith.constant 32 : i32
        %jit3A_1828 = arith.constant 0 : i32
        %broadcast_in_dim3A_1829 = vector.broadcast %jit3A_1827 : i32 to vector<16xi32>
        %broadcast_in_dim3A_1830 = vector.broadcast %jit3A_1828 : i32 to vector<16xi32>
        %select_n3A_1831 = arith.select %gt3A_1826, %broadcast_in_dim3A_1829, %broadcast_in_dim3A_1830 : vector<16xi1>, vector<16xi32>
        %or3A_1832 = arith.ori %or3A_1821, %select_n3A_1831 : vector<16xi32>
        %get3A_1833 = arith.constant 832 : index
        %get3A_1834 = tpu.vector_load %arg14[%get3A_1833] {strides = array<i32>} : memref<2048xf32, #tpu.memory_space<vmem>>, vector<16xf32>,
        %gt3A_1835 = arith.constant 5.000000e-01 : f32
        %gt3A_1836 = vector.broadcast %gt3A_1835 : f32 to vector<16xf32>
        %gt3A_1837 = arith.cmpf ogt, %get3A_1834, %gt3A_1836 : vector<16xf32>
        %jit3A_1838 = arith.constant 64 : i32
        %jit3A_1839 = arith.constant 0 : i32
        %broadcast_in_dim3A_1840 = vector.broadcast %jit3A_1838 : i32 to vector<16xi32>
        %broadcast_in_dim3A_1841 = vector.broadcast %jit3A_1839 : i32 to vector<16xi32>
        %select_n3A_1842 = arith.select %gt3A_1837, %broadcast_in_dim3A_1840, %broadcast_in_dim3A_1841 : vector<16xi1>, vector<16xi32>
        %or3A_1843 = arith.ori %or3A_1832, %select_n3A_1842 : vector<16xi32>
        %get3A_1844 = arith.constant 960 : index
        %get3A_1845 = tpu.vector_load %arg14[%get3A_1844] {strides = array<i32>} : memref<2048xf32, #tpu.memory_space<vmem>>, vector<16xf32>,
        %gt3A_1846 = arith.constant 5.000000e-01 : f32
        %gt3A_1847 = vector.broadcast %gt3A_1846 : f32 to vector<16xf32>
        %gt3A_1848 = arith.cmpf ogt, %get3A_1845, %gt3A_1847 : vector<16xf32>
        %jit3A_1849 = arith.constant 128 : i32
        %jit3A_1850 = arith.constant 0 : i32
        %broadcast_in_dim3A_1851 = vector.broadcast %jit3A_1849 : i32 to vector<16xi32>
        %broadcast_in_dim3A_1852 = vector.broadcast %jit3A_1850 : i32 to vector<16xi32>
        %select_n3A_1853 = arith.select %gt3A_1848, %broadcast_in_dim3A_1851, %broadcast_in_dim3A_1852 : vector<16xi1>, vector<16xi32>
        %or3A_1854 = arith.ori %or3A_1843, %select_n3A_1853 : vector<16xi32>
        %get3A_1855 = arith.constant 1088 : index
        %get3A_1856 = tpu.vector_load %arg14[%get3A_1855] {strides = array<i32>} : memref<2048xf32, #tpu.memory_space<vmem>>, vector<16xf32>,
        %gt3A_1857 = arith.constant 5.000000e-01 : f32
        %gt3A_1858 = vector.broadcast %gt3A_1857 : f32 to vector<16xf32>
        %gt3A_1859 = arith.cmpf ogt, %get3A_1856, %gt3A_1858 : vector<16xf32>
        %jit3A_1860 = arith.constant 256 : i32
        %jit3A_1861 = arith.constant 0 : i32
        %broadcast_in_dim3A_1862 = vector.broadcast %jit3A_1860 : i32 to vector<16xi32>
        %broadcast_in_dim3A_1863 = vector.broadcast %jit3A_1861 : i32 to vector<16xi32>
        %select_n3A_1864 = arith.select %gt3A_1859, %broadcast_in_dim3A_1862, %broadcast_in_dim3A_1863 : vector<16xi1>, vector<16xi32>
        %or3A_1865 = arith.ori %or3A_1854, %select_n3A_1864 : vector<16xi32>
        %get3A_1866 = arith.constant 1216 : index
        %get3A_1867 = tpu.vector_load %arg14[%get3A_1866] {strides = array<i32>} : memref<2048xf32, #tpu.memory_space<vmem>>, vector<16xf32>,
        %gt3A_1868 = arith.constant 5.000000e-01 : f32
        %gt3A_1869 = vector.broadcast %gt3A_1868 : f32 to vector<16xf32>
        %gt3A_1870 = arith.cmpf ogt, %get3A_1867, %gt3A_1869 : vector<16xf32>
        %jit3A_1871 = arith.constant 512 : i32
        %jit3A_1872 = arith.constant 0 : i32
        %broadcast_in_dim3A_1873 = vector.broadcast %jit3A_1871 : i32 to vector<16xi32>
        %broadcast_in_dim3A_1874 = vector.broadcast %jit3A_1872 : i32 to vector<16xi32>
        %select_n3A_1875 = arith.select %gt3A_1870, %broadcast_in_dim3A_1873, %broadcast_in_dim3A_1874 : vector<16xi1>, vector<16xi32>
        %or3A_1876 = arith.ori %or3A_1865, %select_n3A_1875 : vector<16xi32>
        %get3A_1877 = arith.constant 1344 : index
        %get3A_1878 = tpu.vector_load %arg14[%get3A_1877] {strides = array<i32>} : memref<2048xf32, #tpu.memory_space<vmem>>, vector<16xf32>,
        %gt3A_1879 = arith.constant 5.000000e-01 : f32
        %gt3A_1880 = vector.broadcast %gt3A_1879 : f32 to vector<16xf32>
        %gt3A_1881 = arith.cmpf ogt, %get3A_1878, %gt3A_1880 : vector<16xf32>
        %jit3A_1882 = arith.constant 1024 : i32
        %jit3A_1883 = arith.constant 0 : i32
        %broadcast_in_dim3A_1884 = vector.broadcast %jit3A_1882 : i32 to vector<16xi32>
        %broadcast_in_dim3A_1885 = vector.broadcast %jit3A_1883 : i32 to vector<16xi32>
        %select_n3A_1886 = arith.select %gt3A_1881, %broadcast_in_dim3A_1884, %broadcast_in_dim3A_1885 : vector<16xi1>, vector<16xi32>
        %or3A_1887 = arith.ori %or3A_1876, %select_n3A_1886 : vector<16xi32>
        %get3A_1888 = arith.constant 1472 : index
        %get3A_1889 = tpu.vector_load %arg14[%get3A_1888] {strides = array<i32>} : memref<2048xf32, #tpu.memory_space<vmem>>, vector<16xf32>,
        %gt3A_1890 = arith.constant 5.000000e-01 : f32
        %gt3A_1891 = vector.broadcast %gt3A_1890 : f32 to vector<16xf32>
        %gt3A_1892 = arith.cmpf ogt, %get3A_1889, %gt3A_1891 : vector<16xf32>
        %jit3A_1893 = arith.constant 2048 : i32
        %jit3A_1894 = arith.constant 0 : i32
        %broadcast_in_dim3A_1895 = vector.broadcast %jit3A_1893 : i32 to vector<16xi32>
        %broadcast_in_dim3A_1896 = vector.broadcast %jit3A_1894 : i32 to vector<16xi32>
        %select_n3A_1897 = arith.select %gt3A_1892, %broadcast_in_dim3A_1895, %broadcast_in_dim3A_1896 : vector<16xi1>, vector<16xi32>
        %or3A_1898 = arith.ori %or3A_1887, %select_n3A_1897 : vector<16xi32>
        %get3A_1899 = arith.constant 1600 : index
        %get3A_1900 = tpu.vector_load %arg14[%get3A_1899] {strides = array<i32>} : memref<2048xf32, #tpu.memory_space<vmem>>, vector<16xf32>,
        %gt3A_1901 = arith.constant 5.000000e-01 : f32
        %gt3A_1902 = vector.broadcast %gt3A_1901 : f32 to vector<16xf32>
        %gt3A_1903 = arith.cmpf ogt, %get3A_1900, %gt3A_1902 : vector<16xf32>
        %jit3A_1904 = arith.constant 4096 : i32
        %jit3A_1905 = arith.constant 0 : i32
        %broadcast_in_dim3A_1906 = vector.broadcast %jit3A_1904 : i32 to vector<16xi32>
        %broadcast_in_dim3A_1907 = vector.broadcast %jit3A_1905 : i32 to vector<16xi32>
        %select_n3A_1908 = arith.select %gt3A_1903, %broadcast_in_dim3A_1906, %broadcast_in_dim3A_1907 : vector<16xi1>, vector<16xi32>
        %or3A_1909 = arith.ori %or3A_1898, %select_n3A_1908 : vector<16xi32>
        %get3A_1910 = arith.constant 1728 : index
        %get3A_1911 = tpu.vector_load %arg14[%get3A_1910] {strides = array<i32>} : memref<2048xf32, #tpu.memory_space<vmem>>, vector<16xf32>,
        %gt3A_1912 = arith.constant 5.000000e-01 : f32
        %gt3A_1913 = vector.broadcast %gt3A_1912 : f32 to vector<16xf32>
        %gt3A_1914 = arith.cmpf ogt, %get3A_1911, %gt3A_1913 : vector<16xf32>
        %jit3A_1915 = arith.constant 8192 : i32
        %jit3A_1916 = arith.constant 0 : i32
        %broadcast_in_dim3A_1917 = vector.broadcast %jit3A_1915 : i32 to vector<16xi32>
        %broadcast_in_dim3A_1918 = vector.broadcast %jit3A_1916 : i32 to vector<16xi32>
        %select_n3A_1919 = arith.select %gt3A_1914, %broadcast_in_dim3A_1917, %broadcast_in_dim3A_1918 : vector<16xi1>, vector<16xi32>
        %or3A_1920 = arith.ori %or3A_1909, %select_n3A_1919 : vector<16xi32>
        %get3A_1921 = arith.constant 1856 : index
        %get3A_1922 = tpu.vector_load %arg14[%get3A_1921] {strides = array<i32>} : memref<2048xf32, #tpu.memory_space<vmem>>, vector<16xf32>,
        %gt3A_1923 = arith.constant 5.000000e-01 : f32
        %gt3A_1924 = vector.broadcast %gt3A_1923 : f32 to vector<16xf32>
        %gt3A_1925 = arith.cmpf ogt, %get3A_1922, %gt3A_1924 : vector<16xf32>
        %jit3A_1926 = arith.constant 16384 : i32
        %jit3A_1927 = arith.constant 0 : i32
        %broadcast_in_dim3A_1928 = vector.broadcast %jit3A_1926 : i32 to vector<16xi32>
        %broadcast_in_dim3A_1929 = vector.broadcast %jit3A_1927 : i32 to vector<16xi32>
        %select_n3A_1930 = arith.select %gt3A_1925, %broadcast_in_dim3A_1928, %broadcast_in_dim3A_1929 : vector<16xi1>, vector<16xi32>
        %or3A_1931 = arith.ori %or3A_1920, %select_n3A_1930 : vector<16xi32>
        %get3A_1932 = arith.constant 1984 : index
        %get3A_1933 = tpu.vector_load %arg14[%get3A_1932] {strides = array<i32>} : memref<2048xf32, #tpu.memory_space<vmem>>, vector<16xf32>,
        %gt3A_1934 = arith.constant 5.000000e-01 : f32
        %gt3A_1935 = vector.broadcast %gt3A_1934 : f32 to vector<16xf32>
        %gt3A_1936 = arith.cmpf ogt, %get3A_1933, %gt3A_1935 : vector<16xf32>
        %jit3A_1937 = arith.constant 32768 : i32
        %jit3A_1938 = arith.constant 0 : i32
        %broadcast_in_dim3A_1939 = vector.broadcast %jit3A_1937 : i32 to vector<16xi32>
        %broadcast_in_dim3A_1940 = vector.broadcast %jit3A_1938 : i32 to vector<16xi32>
        %select_n3A_1941 = arith.select %gt3A_1936, %broadcast_in_dim3A_1939, %broadcast_in_dim3A_1940 : vector<16xi1>, vector<16xi32>
        %or3A_1942 = arith.ori %or3A_1931, %select_n3A_1941 : vector<16xi32>
        %ge3A_1943 = arith.constant 1024 : i32
        %ge3A_1944 = vector.broadcast %ge3A_1943 : i32 to vector<16xi32>
        %ge3A_1945 = arith.cmpi sge, %get3A_1764, %ge3A_1944 : vector<16xi32>
        %ne3A_1946 = arith.constant 0 : i32
        %ne3A_1947 = vector.broadcast %ne3A_1946 : i32 to vector<16xi32>
        %ne3A_1948 = arith.cmpi ne, %or3A_1942, %ne3A_1947 : vector<16xi32>
        %and3A_1949 = arith.andi %ge3A_1945, %ne3A_1948 : vector<16xi1>
        %mul3A_1950 = arith.constant 16 : i32
        %mul3A_1951 = arith.muli %scan3A_144, %mul3A_1950 : i32
        %neg3A_1952 = arith.constant 0 : i32
        %neg3A_1953 = vector.broadcast %neg3A_1952 : i32 to vector<16xi32>
        %neg3A_1954 = arith.subi %neg3A_1953, %or3A_1942 : vector<16xi32>
        %and3A_1955 = arith.andi %or3A_1942, %neg3A_1954 : vector<16xi32>
        %convert_element_type3A_1956 = arith.sitofp %and3A_1955 : vector<16xi32> to vector<16xf32>
        %bitcast_convert_type3A_1957 = tpu.bitcast %convert_element_type3A_1956 : vector<16xf32> -> vector<16xi32>
        %shift_right_arithmetic3A_1958 = arith.constant 23 : i32
        %shift_right_arithmetic3A_1959 = vector.broadcast %shift_right_arithmetic3A_1958 : i32 to vector<16xi32>
        %shift_right_arithmetic3A_1960 = arith.shrsi %bitcast_convert_type3A_1957, %shift_right_arithmetic3A_1959 : vector<16xi32>
        %sub3A_1961 = arith.constant 127 : i32
        %sub3A_1962 = vector.broadcast %sub3A_1961 : i32 to vector<16xi32>
        %sub3A_1963 = arith.subi %shift_right_arithmetic3A_1960, %sub3A_1962 : vector<16xi32>
        %add3A_1964 = vector.broadcast %mul3A_1951 : i32 to vector<16xi32>
        %add3A_1965 = arith.addi %add3A_1964, %sub3A_1963 : vector<16xi32>
        %select_n3A_1966 = arith.select %and3A_1949, %add3A_1965, %get3A_1764 : vector<16xi1>, vector<16xi32>
        %swap3A_1967 = arith.constant 64 : index
        %swap3A_1968 = tpu.vector_load %arg15[%swap3A_1967] {strides = array<i32>} : memref<128xi32, #tpu.memory_space<vmem>>, vector<16xi32>,
        tpu.vector_store %arg15[%swap3A_1967], %select_n3A_1966 {strides = array<i32>} : memref<128xi32, #tpu.memory_space<vmem>>, vector<16xi32>,
        %max3A_1969 = arith.maxsi %max3A_1762, %select_n3A_1966 : vector<16xi32>
        %get3A_1970 = arith.constant 80 : index
        %get3A_1971 = tpu.vector_load %arg15[%get3A_1970] {strides = array<i32>} : memref<128xi32, #tpu.memory_space<vmem>>, vector<16xi32>,
        %broadcast_in_dim3A_1972 = arith.constant 0 : i32
        %broadcast_in_dim3A_1973 = vector.broadcast %broadcast_in_dim3A_1972 : i32 to vector<16xi32>
        %get3A_1974 = arith.constant 80 : index
        %get3A_1975 = tpu.vector_load %arg14[%get3A_1974] {strides = array<i32>} : memref<2048xf32, #tpu.memory_space<vmem>>, vector<16xf32>,
        %gt3A_1976 = arith.constant 5.000000e-01 : f32
        %gt3A_1977 = vector.broadcast %gt3A_1976 : f32 to vector<16xf32>
        %gt3A_1978 = arith.cmpf ogt, %get3A_1975, %gt3A_1977 : vector<16xf32>
        %jit3A_1979 = arith.constant 1 : i32
        %jit3A_1980 = arith.constant 0 : i32
        %broadcast_in_dim3A_1981 = vector.broadcast %jit3A_1979 : i32 to vector<16xi32>
        %broadcast_in_dim3A_1982 = vector.broadcast %jit3A_1980 : i32 to vector<16xi32>
        %select_n3A_1983 = arith.select %gt3A_1978, %broadcast_in_dim3A_1981, %broadcast_in_dim3A_1982 : vector<16xi1>, vector<16xi32>
        %or3A_1984 = arith.ori %broadcast_in_dim3A_1973, %select_n3A_1983 : vector<16xi32>
        %get3A_1985 = arith.constant 208 : index
        %get3A_1986 = tpu.vector_load %arg14[%get3A_1985] {strides = array<i32>} : memref<2048xf32, #tpu.memory_space<vmem>>, vector<16xf32>,
        %gt3A_1987 = arith.constant 5.000000e-01 : f32
        %gt3A_1988 = vector.broadcast %gt3A_1987 : f32 to vector<16xf32>
        %gt3A_1989 = arith.cmpf ogt, %get3A_1986, %gt3A_1988 : vector<16xf32>
        %jit3A_1990 = arith.constant 2 : i32
        %jit3A_1991 = arith.constant 0 : i32
        %broadcast_in_dim3A_1992 = vector.broadcast %jit3A_1990 : i32 to vector<16xi32>
        %broadcast_in_dim3A_1993 = vector.broadcast %jit3A_1991 : i32 to vector<16xi32>
        %select_n3A_1994 = arith.select %gt3A_1989, %broadcast_in_dim3A_1992, %broadcast_in_dim3A_1993 : vector<16xi1>, vector<16xi32>
        %or3A_1995 = arith.ori %or3A_1984, %select_n3A_1994 : vector<16xi32>
        %get3A_1996 = arith.constant 336 : index
        %get3A_1997 = tpu.vector_load %arg14[%get3A_1996] {strides = array<i32>} : memref<2048xf32, #tpu.memory_space<vmem>>, vector<16xf32>,
        %gt3A_1998 = arith.constant 5.000000e-01 : f32
        %gt3A_1999 = vector.broadcast %gt3A_1998 : f32 to vector<16xf32>
        %gt3A_2000 = arith.cmpf ogt, %get3A_1997, %gt3A_1999 : vector<16xf32>
        %jit3A_2001 = arith.constant 4 : i32
        %jit3A_2002 = arith.constant 0 : i32
        %broadcast_in_dim3A_2003 = vector.broadcast %jit3A_2001 : i32 to vector<16xi32>
        %broadcast_in_dim3A_2004 = vector.broadcast %jit3A_2002 : i32 to vector<16xi32>
        %select_n3A_2005 = arith.select %gt3A_2000, %broadcast_in_dim3A_2003, %broadcast_in_dim3A_2004 : vector<16xi1>, vector<16xi32>
        %or3A_2006 = arith.ori %or3A_1995, %select_n3A_2005 : vector<16xi32>
        %get3A_2007 = arith.constant 464 : index
        %get3A_2008 = tpu.vector_load %arg14[%get3A_2007] {strides = array<i32>} : memref<2048xf32, #tpu.memory_space<vmem>>, vector<16xf32>,
        %gt3A_2009 = arith.constant 5.000000e-01 : f32
        %gt3A_2010 = vector.broadcast %gt3A_2009 : f32 to vector<16xf32>
        %gt3A_2011 = arith.cmpf ogt, %get3A_2008, %gt3A_2010 : vector<16xf32>
        %jit3A_2012 = arith.constant 8 : i32
        %jit3A_2013 = arith.constant 0 : i32
        %broadcast_in_dim3A_2014 = vector.broadcast %jit3A_2012 : i32 to vector<16xi32>
        %broadcast_in_dim3A_2015 = vector.broadcast %jit3A_2013 : i32 to vector<16xi32>
        %select_n3A_2016 = arith.select %gt3A_2011, %broadcast_in_dim3A_2014, %broadcast_in_dim3A_2015 : vector<16xi1>, vector<16xi32>
        %or3A_2017 = arith.ori %or3A_2006, %select_n3A_2016 : vector<16xi32>
        %get3A_2018 = arith.constant 592 : index
        %get3A_2019 = tpu.vector_load %arg14[%get3A_2018] {strides = array<i32>} : memref<2048xf32, #tpu.memory_space<vmem>>, vector<16xf32>,
        %gt3A_2020 = arith.constant 5.000000e-01 : f32
        %gt3A_2021 = vector.broadcast %gt3A_2020 : f32 to vector<16xf32>
        %gt3A_2022 = arith.cmpf ogt, %get3A_2019, %gt3A_2021 : vector<16xf32>
        %jit3A_2023 = arith.constant 16 : i32
        %jit3A_2024 = arith.constant 0 : i32
        %broadcast_in_dim3A_2025 = vector.broadcast %jit3A_2023 : i32 to vector<16xi32>
        %broadcast_in_dim3A_2026 = vector.broadcast %jit3A_2024 : i32 to vector<16xi32>
        %select_n3A_2027 = arith.select %gt3A_2022, %broadcast_in_dim3A_2025, %broadcast_in_dim3A_2026 : vector<16xi1>, vector<16xi32>
        %or3A_2028 = arith.ori %or3A_2017, %select_n3A_2027 : vector<16xi32>
        %get3A_2029 = arith.constant 720 : index
        %get3A_2030 = tpu.vector_load %arg14[%get3A_2029] {strides = array<i32>} : memref<2048xf32, #tpu.memory_space<vmem>>, vector<16xf32>,
        %gt3A_2031 = arith.constant 5.000000e-01 : f32
        %gt3A_2032 = vector.broadcast %gt3A_2031 : f32 to vector<16xf32>
        %gt3A_2033 = arith.cmpf ogt, %get3A_2030, %gt3A_2032 : vector<16xf32>
        %jit3A_2034 = arith.constant 32 : i32
        %jit3A_2035 = arith.constant 0 : i32
        %broadcast_in_dim3A_2036 = vector.broadcast %jit3A_2034 : i32 to vector<16xi32>
        %broadcast_in_dim3A_2037 = vector.broadcast %jit3A_2035 : i32 to vector<16xi32>
        %select_n3A_2038 = arith.select %gt3A_2033, %broadcast_in_dim3A_2036, %broadcast_in_dim3A_2037 : vector<16xi1>, vector<16xi32>
        %or3A_2039 = arith.ori %or3A_2028, %select_n3A_2038 : vector<16xi32>
        %get3A_2040 = arith.constant 848 : index
        %get3A_2041 = tpu.vector_load %arg14[%get3A_2040] {strides = array<i32>} : memref<2048xf32, #tpu.memory_space<vmem>>, vector<16xf32>,
        %gt3A_2042 = arith.constant 5.000000e-01 : f32
        %gt3A_2043 = vector.broadcast %gt3A_2042 : f32 to vector<16xf32>
        %gt3A_2044 = arith.cmpf ogt, %get3A_2041, %gt3A_2043 : vector<16xf32>
        %jit3A_2045 = arith.constant 64 : i32
        %jit3A_2046 = arith.constant 0 : i32
        %broadcast_in_dim3A_2047 = vector.broadcast %jit3A_2045 : i32 to vector<16xi32>
        %broadcast_in_dim3A_2048 = vector.broadcast %jit3A_2046 : i32 to vector<16xi32>
        %select_n3A_2049 = arith.select %gt3A_2044, %broadcast_in_dim3A_2047, %broadcast_in_dim3A_2048 : vector<16xi1>, vector<16xi32>
        %or3A_2050 = arith.ori %or3A_2039, %select_n3A_2049 : vector<16xi32>
        %get3A_2051 = arith.constant 976 : index
        %get3A_2052 = tpu.vector_load %arg14[%get3A_2051] {strides = array<i32>} : memref<2048xf32, #tpu.memory_space<vmem>>, vector<16xf32>,
        %gt3A_2053 = arith.constant 5.000000e-01 : f32
        %gt3A_2054 = vector.broadcast %gt3A_2053 : f32 to vector<16xf32>
        %gt3A_2055 = arith.cmpf ogt, %get3A_2052, %gt3A_2054 : vector<16xf32>
        %jit3A_2056 = arith.constant 128 : i32
        %jit3A_2057 = arith.constant 0 : i32
        %broadcast_in_dim3A_2058 = vector.broadcast %jit3A_2056 : i32 to vector<16xi32>
        %broadcast_in_dim3A_2059 = vector.broadcast %jit3A_2057 : i32 to vector<16xi32>
        %select_n3A_2060 = arith.select %gt3A_2055, %broadcast_in_dim3A_2058, %broadcast_in_dim3A_2059 : vector<16xi1>, vector<16xi32>
        %or3A_2061 = arith.ori %or3A_2050, %select_n3A_2060 : vector<16xi32>
        %get3A_2062 = arith.constant 1104 : index
        %get3A_2063 = tpu.vector_load %arg14[%get3A_2062] {strides = array<i32>} : memref<2048xf32, #tpu.memory_space<vmem>>, vector<16xf32>,
        %gt3A_2064 = arith.constant 5.000000e-01 : f32
        %gt3A_2065 = vector.broadcast %gt3A_2064 : f32 to vector<16xf32>
        %gt3A_2066 = arith.cmpf ogt, %get3A_2063, %gt3A_2065 : vector<16xf32>
        %jit3A_2067 = arith.constant 256 : i32
        %jit3A_2068 = arith.constant 0 : i32
        %broadcast_in_dim3A_2069 = vector.broadcast %jit3A_2067 : i32 to vector<16xi32>
        %broadcast_in_dim3A_2070 = vector.broadcast %jit3A_2068 : i32 to vector<16xi32>
        %select_n3A_2071 = arith.select %gt3A_2066, %broadcast_in_dim3A_2069, %broadcast_in_dim3A_2070 : vector<16xi1>, vector<16xi32>
        %or3A_2072 = arith.ori %or3A_2061, %select_n3A_2071 : vector<16xi32>
        %get3A_2073 = arith.constant 1232 : index
        %get3A_2074 = tpu.vector_load %arg14[%get3A_2073] {strides = array<i32>} : memref<2048xf32, #tpu.memory_space<vmem>>, vector<16xf32>,
        %gt3A_2075 = arith.constant 5.000000e-01 : f32
        %gt3A_2076 = vector.broadcast %gt3A_2075 : f32 to vector<16xf32>
        %gt3A_2077 = arith.cmpf ogt, %get3A_2074, %gt3A_2076 : vector<16xf32>
        %jit3A_2078 = arith.constant 512 : i32
        %jit3A_2079 = arith.constant 0 : i32
        %broadcast_in_dim3A_2080 = vector.broadcast %jit3A_2078 : i32 to vector<16xi32>
        %broadcast_in_dim3A_2081 = vector.broadcast %jit3A_2079 : i32 to vector<16xi32>
        %select_n3A_2082 = arith.select %gt3A_2077, %broadcast_in_dim3A_2080, %broadcast_in_dim3A_2081 : vector<16xi1>, vector<16xi32>
        %or3A_2083 = arith.ori %or3A_2072, %select_n3A_2082 : vector<16xi32>
        %get3A_2084 = arith.constant 1360 : index
        %get3A_2085 = tpu.vector_load %arg14[%get3A_2084] {strides = array<i32>} : memref<2048xf32, #tpu.memory_space<vmem>>, vector<16xf32>,
        %gt3A_2086 = arith.constant 5.000000e-01 : f32
        %gt3A_2087 = vector.broadcast %gt3A_2086 : f32 to vector<16xf32>
        %gt3A_2088 = arith.cmpf ogt, %get3A_2085, %gt3A_2087 : vector<16xf32>
        %jit3A_2089 = arith.constant 1024 : i32
        %jit3A_2090 = arith.constant 0 : i32
        %broadcast_in_dim3A_2091 = vector.broadcast %jit3A_2089 : i32 to vector<16xi32>
        %broadcast_in_dim3A_2092 = vector.broadcast %jit3A_2090 : i32 to vector<16xi32>
        %select_n3A_2093 = arith.select %gt3A_2088, %broadcast_in_dim3A_2091, %broadcast_in_dim3A_2092 : vector<16xi1>, vector<16xi32>
        %or3A_2094 = arith.ori %or3A_2083, %select_n3A_2093 : vector<16xi32>
        %get3A_2095 = arith.constant 1488 : index
        %get3A_2096 = tpu.vector_load %arg14[%get3A_2095] {strides = array<i32>} : memref<2048xf32, #tpu.memory_space<vmem>>, vector<16xf32>,
        %gt3A_2097 = arith.constant 5.000000e-01 : f32
        %gt3A_2098 = vector.broadcast %gt3A_2097 : f32 to vector<16xf32>
        %gt3A_2099 = arith.cmpf ogt, %get3A_2096, %gt3A_2098 : vector<16xf32>
        %jit3A_2100 = arith.constant 2048 : i32
        %jit3A_2101 = arith.constant 0 : i32
        %broadcast_in_dim3A_2102 = vector.broadcast %jit3A_2100 : i32 to vector<16xi32>
        %broadcast_in_dim3A_2103 = vector.broadcast %jit3A_2101 : i32 to vector<16xi32>
        %select_n3A_2104 = arith.select %gt3A_2099, %broadcast_in_dim3A_2102, %broadcast_in_dim3A_2103 : vector<16xi1>, vector<16xi32>
        %or3A_2105 = arith.ori %or3A_2094, %select_n3A_2104 : vector<16xi32>
        %get3A_2106 = arith.constant 1616 : index
        %get3A_2107 = tpu.vector_load %arg14[%get3A_2106] {strides = array<i32>} : memref<2048xf32, #tpu.memory_space<vmem>>, vector<16xf32>,
        %gt3A_2108 = arith.constant 5.000000e-01 : f32
        %gt3A_2109 = vector.broadcast %gt3A_2108 : f32 to vector<16xf32>
        %gt3A_2110 = arith.cmpf ogt, %get3A_2107, %gt3A_2109 : vector<16xf32>
        %jit3A_2111 = arith.constant 4096 : i32
        %jit3A_2112 = arith.constant 0 : i32
        %broadcast_in_dim3A_2113 = vector.broadcast %jit3A_2111 : i32 to vector<16xi32>
        %broadcast_in_dim3A_2114 = vector.broadcast %jit3A_2112 : i32 to vector<16xi32>
        %select_n3A_2115 = arith.select %gt3A_2110, %broadcast_in_dim3A_2113, %broadcast_in_dim3A_2114 : vector<16xi1>, vector<16xi32>
        %or3A_2116 = arith.ori %or3A_2105, %select_n3A_2115 : vector<16xi32>
        %get3A_2117 = arith.constant 1744 : index
        %get3A_2118 = tpu.vector_load %arg14[%get3A_2117] {strides = array<i32>} : memref<2048xf32, #tpu.memory_space<vmem>>, vector<16xf32>,
        %gt3A_2119 = arith.constant 5.000000e-01 : f32
        %gt3A_2120 = vector.broadcast %gt3A_2119 : f32 to vector<16xf32>
        %gt3A_2121 = arith.cmpf ogt, %get3A_2118, %gt3A_2120 : vector<16xf32>
        %jit3A_2122 = arith.constant 8192 : i32
        %jit3A_2123 = arith.constant 0 : i32
        %broadcast_in_dim3A_2124 = vector.broadcast %jit3A_2122 : i32 to vector<16xi32>
        %broadcast_in_dim3A_2125 = vector.broadcast %jit3A_2123 : i32 to vector<16xi32>
        %select_n3A_2126 = arith.select %gt3A_2121, %broadcast_in_dim3A_2124, %broadcast_in_dim3A_2125 : vector<16xi1>, vector<16xi32>
        %or3A_2127 = arith.ori %or3A_2116, %select_n3A_2126 : vector<16xi32>
        %get3A_2128 = arith.constant 1872 : index
        %get3A_2129 = tpu.vector_load %arg14[%get3A_2128] {strides = array<i32>} : memref<2048xf32, #tpu.memory_space<vmem>>, vector<16xf32>,
        %gt3A_2130 = arith.constant 5.000000e-01 : f32
        %gt3A_2131 = vector.broadcast %gt3A_2130 : f32 to vector<16xf32>
        %gt3A_2132 = arith.cmpf ogt, %get3A_2129, %gt3A_2131 : vector<16xf32>
        %jit3A_2133 = arith.constant 16384 : i32
        %jit3A_2134 = arith.constant 0 : i32
        %broadcast_in_dim3A_2135 = vector.broadcast %jit3A_2133 : i32 to vector<16xi32>
        %broadcast_in_dim3A_2136 = vector.broadcast %jit3A_2134 : i32 to vector<16xi32>
        %select_n3A_2137 = arith.select %gt3A_2132, %broadcast_in_dim3A_2135, %broadcast_in_dim3A_2136 : vector<16xi1>, vector<16xi32>
        %or3A_2138 = arith.ori %or3A_2127, %select_n3A_2137 : vector<16xi32>
        %get3A_2139 = arith.constant 2000 : index
        %get3A_2140 = tpu.vector_load %arg14[%get3A_2139] {strides = array<i32>} : memref<2048xf32, #tpu.memory_space<vmem>>, vector<16xf32>,
        %gt3A_2141 = arith.constant 5.000000e-01 : f32
        %gt3A_2142 = vector.broadcast %gt3A_2141 : f32 to vector<16xf32>
        %gt3A_2143 = arith.cmpf ogt, %get3A_2140, %gt3A_2142 : vector<16xf32>
        %jit3A_2144 = arith.constant 32768 : i32
        %jit3A_2145 = arith.constant 0 : i32
        %broadcast_in_dim3A_2146 = vector.broadcast %jit3A_2144 : i32 to vector<16xi32>
        %broadcast_in_dim3A_2147 = vector.broadcast %jit3A_2145 : i32 to vector<16xi32>
        %select_n3A_2148 = arith.select %gt3A_2143, %broadcast_in_dim3A_2146, %broadcast_in_dim3A_2147 : vector<16xi1>, vector<16xi32>
        %or3A_2149 = arith.ori %or3A_2138, %select_n3A_2148 : vector<16xi32>
        %ge3A_2150 = arith.constant 1024 : i32
        %ge3A_2151 = vector.broadcast %ge3A_2150 : i32 to vector<16xi32>
        %ge3A_2152 = arith.cmpi sge, %get3A_1971, %ge3A_2151 : vector<16xi32>
        %ne3A_2153 = arith.constant 0 : i32
        %ne3A_2154 = vector.broadcast %ne3A_2153 : i32 to vector<16xi32>
        %ne3A_2155 = arith.cmpi ne, %or3A_2149, %ne3A_2154 : vector<16xi32>
        %and3A_2156 = arith.andi %ge3A_2152, %ne3A_2155 : vector<16xi1>
        %mul3A_2157 = arith.constant 16 : i32
        %mul3A_2158 = arith.muli %scan3A_144, %mul3A_2157 : i32
        %neg3A_2159 = arith.constant 0 : i32
        %neg3A_2160 = vector.broadcast %neg3A_2159 : i32 to vector<16xi32>
        %neg3A_2161 = arith.subi %neg3A_2160, %or3A_2149 : vector<16xi32>
        %and3A_2162 = arith.andi %or3A_2149, %neg3A_2161 : vector<16xi32>
        %convert_element_type3A_2163 = arith.sitofp %and3A_2162 : vector<16xi32> to vector<16xf32>
        %bitcast_convert_type3A_2164 = tpu.bitcast %convert_element_type3A_2163 : vector<16xf32> -> vector<16xi32>
        %shift_right_arithmetic3A_2165 = arith.constant 23 : i32
        %shift_right_arithmetic3A_2166 = vector.broadcast %shift_right_arithmetic3A_2165 : i32 to vector<16xi32>
        %shift_right_arithmetic3A_2167 = arith.shrsi %bitcast_convert_type3A_2164, %shift_right_arithmetic3A_2166 : vector<16xi32>
        %sub3A_2168 = arith.constant 127 : i32
        %sub3A_2169 = vector.broadcast %sub3A_2168 : i32 to vector<16xi32>
        %sub3A_2170 = arith.subi %shift_right_arithmetic3A_2167, %sub3A_2169 : vector<16xi32>
        %add3A_2171 = vector.broadcast %mul3A_2158 : i32 to vector<16xi32>
        %add3A_2172 = arith.addi %add3A_2171, %sub3A_2170 : vector<16xi32>
        %select_n3A_2173 = arith.select %and3A_2156, %add3A_2172, %get3A_1971 : vector<16xi1>, vector<16xi32>
        %swap3A_2174 = arith.constant 80 : index
        %swap3A_2175 = tpu.vector_load %arg15[%swap3A_2174] {strides = array<i32>} : memref<128xi32, #tpu.memory_space<vmem>>, vector<16xi32>,
        tpu.vector_store %arg15[%swap3A_2174], %select_n3A_2173 {strides = array<i32>} : memref<128xi32, #tpu.memory_space<vmem>>, vector<16xi32>,
        %max3A_2176 = arith.maxsi %max3A_1969, %select_n3A_2173 : vector<16xi32>
        %get3A_2177 = arith.constant 96 : index
        %get3A_2178 = tpu.vector_load %arg15[%get3A_2177] {strides = array<i32>} : memref<128xi32, #tpu.memory_space<vmem>>, vector<16xi32>,
        %broadcast_in_dim3A_2179 = arith.constant 0 : i32
        %broadcast_in_dim3A_2180 = vector.broadcast %broadcast_in_dim3A_2179 : i32 to vector<16xi32>
        %get3A_2181 = arith.constant 96 : index
        %get3A_2182 = tpu.vector_load %arg14[%get3A_2181] {strides = array<i32>} : memref<2048xf32, #tpu.memory_space<vmem>>, vector<16xf32>,
        %gt3A_2183 = arith.constant 5.000000e-01 : f32
        %gt3A_2184 = vector.broadcast %gt3A_2183 : f32 to vector<16xf32>
        %gt3A_2185 = arith.cmpf ogt, %get3A_2182, %gt3A_2184 : vector<16xf32>
        %jit3A_2186 = arith.constant 1 : i32
        %jit3A_2187 = arith.constant 0 : i32
        %broadcast_in_dim3A_2188 = vector.broadcast %jit3A_2186 : i32 to vector<16xi32>
        %broadcast_in_dim3A_2189 = vector.broadcast %jit3A_2187 : i32 to vector<16xi32>
        %select_n3A_2190 = arith.select %gt3A_2185, %broadcast_in_dim3A_2188, %broadcast_in_dim3A_2189 : vector<16xi1>, vector<16xi32>
        %or3A_2191 = arith.ori %broadcast_in_dim3A_2180, %select_n3A_2190 : vector<16xi32>
        %get3A_2192 = arith.constant 224 : index
        %get3A_2193 = tpu.vector_load %arg14[%get3A_2192] {strides = array<i32>} : memref<2048xf32, #tpu.memory_space<vmem>>, vector<16xf32>,
        %gt3A_2194 = arith.constant 5.000000e-01 : f32
        %gt3A_2195 = vector.broadcast %gt3A_2194 : f32 to vector<16xf32>
        %gt3A_2196 = arith.cmpf ogt, %get3A_2193, %gt3A_2195 : vector<16xf32>
        %jit3A_2197 = arith.constant 2 : i32
        %jit3A_2198 = arith.constant 0 : i32
        %broadcast_in_dim3A_2199 = vector.broadcast %jit3A_2197 : i32 to vector<16xi32>
        %broadcast_in_dim3A_2200 = vector.broadcast %jit3A_2198 : i32 to vector<16xi32>
        %select_n3A_2201 = arith.select %gt3A_2196, %broadcast_in_dim3A_2199, %broadcast_in_dim3A_2200 : vector<16xi1>, vector<16xi32>
        %or3A_2202 = arith.ori %or3A_2191, %select_n3A_2201 : vector<16xi32>
        %get3A_2203 = arith.constant 352 : index
        %get3A_2204 = tpu.vector_load %arg14[%get3A_2203] {strides = array<i32>} : memref<2048xf32, #tpu.memory_space<vmem>>, vector<16xf32>,
        %gt3A_2205 = arith.constant 5.000000e-01 : f32
        %gt3A_2206 = vector.broadcast %gt3A_2205 : f32 to vector<16xf32>
        %gt3A_2207 = arith.cmpf ogt, %get3A_2204, %gt3A_2206 : vector<16xf32>
        %jit3A_2208 = arith.constant 4 : i32
        %jit3A_2209 = arith.constant 0 : i32
        %broadcast_in_dim3A_2210 = vector.broadcast %jit3A_2208 : i32 to vector<16xi32>
        %broadcast_in_dim3A_2211 = vector.broadcast %jit3A_2209 : i32 to vector<16xi32>
        %select_n3A_2212 = arith.select %gt3A_2207, %broadcast_in_dim3A_2210, %broadcast_in_dim3A_2211 : vector<16xi1>, vector<16xi32>
        %or3A_2213 = arith.ori %or3A_2202, %select_n3A_2212 : vector<16xi32>
        %get3A_2214 = arith.constant 480 : index
        %get3A_2215 = tpu.vector_load %arg14[%get3A_2214] {strides = array<i32>} : memref<2048xf32, #tpu.memory_space<vmem>>, vector<16xf32>,
        %gt3A_2216 = arith.constant 5.000000e-01 : f32
        %gt3A_2217 = vector.broadcast %gt3A_2216 : f32 to vector<16xf32>
        %gt3A_2218 = arith.cmpf ogt, %get3A_2215, %gt3A_2217 : vector<16xf32>
        %jit3A_2219 = arith.constant 8 : i32
        %jit3A_2220 = arith.constant 0 : i32
        %broadcast_in_dim3A_2221 = vector.broadcast %jit3A_2219 : i32 to vector<16xi32>
        %broadcast_in_dim3A_2222 = vector.broadcast %jit3A_2220 : i32 to vector<16xi32>
        %select_n3A_2223 = arith.select %gt3A_2218, %broadcast_in_dim3A_2221, %broadcast_in_dim3A_2222 : vector<16xi1>, vector<16xi32>
        %or3A_2224 = arith.ori %or3A_2213, %select_n3A_2223 : vector<16xi32>
        %get3A_2225 = arith.constant 608 : index
        %get3A_2226 = tpu.vector_load %arg14[%get3A_2225] {strides = array<i32>} : memref<2048xf32, #tpu.memory_space<vmem>>, vector<16xf32>,
        %gt3A_2227 = arith.constant 5.000000e-01 : f32
        %gt3A_2228 = vector.broadcast %gt3A_2227 : f32 to vector<16xf32>
        %gt3A_2229 = arith.cmpf ogt, %get3A_2226, %gt3A_2228 : vector<16xf32>
        %jit3A_2230 = arith.constant 16 : i32
        %jit3A_2231 = arith.constant 0 : i32
        %broadcast_in_dim3A_2232 = vector.broadcast %jit3A_2230 : i32 to vector<16xi32>
        %broadcast_in_dim3A_2233 = vector.broadcast %jit3A_2231 : i32 to vector<16xi32>
        %select_n3A_2234 = arith.select %gt3A_2229, %broadcast_in_dim3A_2232, %broadcast_in_dim3A_2233 : vector<16xi1>, vector<16xi32>
        %or3A_2235 = arith.ori %or3A_2224, %select_n3A_2234 : vector<16xi32>
        %get3A_2236 = arith.constant 736 : index
        %get3A_2237 = tpu.vector_load %arg14[%get3A_2236] {strides = array<i32>} : memref<2048xf32, #tpu.memory_space<vmem>>, vector<16xf32>,
        %gt3A_2238 = arith.constant 5.000000e-01 : f32
        %gt3A_2239 = vector.broadcast %gt3A_2238 : f32 to vector<16xf32>
        %gt3A_2240 = arith.cmpf ogt, %get3A_2237, %gt3A_2239 : vector<16xf32>
        %jit3A_2241 = arith.constant 32 : i32
        %jit3A_2242 = arith.constant 0 : i32
        %broadcast_in_dim3A_2243 = vector.broadcast %jit3A_2241 : i32 to vector<16xi32>
        %broadcast_in_dim3A_2244 = vector.broadcast %jit3A_2242 : i32 to vector<16xi32>
        %select_n3A_2245 = arith.select %gt3A_2240, %broadcast_in_dim3A_2243, %broadcast_in_dim3A_2244 : vector<16xi1>, vector<16xi32>
        %or3A_2246 = arith.ori %or3A_2235, %select_n3A_2245 : vector<16xi32>
        %get3A_2247 = arith.constant 864 : index
        %get3A_2248 = tpu.vector_load %arg14[%get3A_2247] {strides = array<i32>} : memref<2048xf32, #tpu.memory_space<vmem>>, vector<16xf32>,
        %gt3A_2249 = arith.constant 5.000000e-01 : f32
        %gt3A_2250 = vector.broadcast %gt3A_2249 : f32 to vector<16xf32>
        %gt3A_2251 = arith.cmpf ogt, %get3A_2248, %gt3A_2250 : vector<16xf32>
        %jit3A_2252 = arith.constant 64 : i32
        %jit3A_2253 = arith.constant 0 : i32
        %broadcast_in_dim3A_2254 = vector.broadcast %jit3A_2252 : i32 to vector<16xi32>
        %broadcast_in_dim3A_2255 = vector.broadcast %jit3A_2253 : i32 to vector<16xi32>
        %select_n3A_2256 = arith.select %gt3A_2251, %broadcast_in_dim3A_2254, %broadcast_in_dim3A_2255 : vector<16xi1>, vector<16xi32>
        %or3A_2257 = arith.ori %or3A_2246, %select_n3A_2256 : vector<16xi32>
        %get3A_2258 = arith.constant 992 : index
        %get3A_2259 = tpu.vector_load %arg14[%get3A_2258] {strides = array<i32>} : memref<2048xf32, #tpu.memory_space<vmem>>, vector<16xf32>,
        %gt3A_2260 = arith.constant 5.000000e-01 : f32
        %gt3A_2261 = vector.broadcast %gt3A_2260 : f32 to vector<16xf32>
        %gt3A_2262 = arith.cmpf ogt, %get3A_2259, %gt3A_2261 : vector<16xf32>
        %jit3A_2263 = arith.constant 128 : i32
        %jit3A_2264 = arith.constant 0 : i32
        %broadcast_in_dim3A_2265 = vector.broadcast %jit3A_2263 : i32 to vector<16xi32>
        %broadcast_in_dim3A_2266 = vector.broadcast %jit3A_2264 : i32 to vector<16xi32>
        %select_n3A_2267 = arith.select %gt3A_2262, %broadcast_in_dim3A_2265, %broadcast_in_dim3A_2266 : vector<16xi1>, vector<16xi32>
        %or3A_2268 = arith.ori %or3A_2257, %select_n3A_2267 : vector<16xi32>
        %get3A_2269 = arith.constant 1120 : index
        %get3A_2270 = tpu.vector_load %arg14[%get3A_2269] {strides = array<i32>} : memref<2048xf32, #tpu.memory_space<vmem>>, vector<16xf32>,
        %gt3A_2271 = arith.constant 5.000000e-01 : f32
        %gt3A_2272 = vector.broadcast %gt3A_2271 : f32 to vector<16xf32>
        %gt3A_2273 = arith.cmpf ogt, %get3A_2270, %gt3A_2272 : vector<16xf32>
        %jit3A_2274 = arith.constant 256 : i32
        %jit3A_2275 = arith.constant 0 : i32
        %broadcast_in_dim3A_2276 = vector.broadcast %jit3A_2274 : i32 to vector<16xi32>
        %broadcast_in_dim3A_2277 = vector.broadcast %jit3A_2275 : i32 to vector<16xi32>
        %select_n3A_2278 = arith.select %gt3A_2273, %broadcast_in_dim3A_2276, %broadcast_in_dim3A_2277 : vector<16xi1>, vector<16xi32>
        %or3A_2279 = arith.ori %or3A_2268, %select_n3A_2278 : vector<16xi32>
        %get3A_2280 = arith.constant 1248 : index
        %get3A_2281 = tpu.vector_load %arg14[%get3A_2280] {strides = array<i32>} : memref<2048xf32, #tpu.memory_space<vmem>>, vector<16xf32>,
        %gt3A_2282 = arith.constant 5.000000e-01 : f32
        %gt3A_2283 = vector.broadcast %gt3A_2282 : f32 to vector<16xf32>
        %gt3A_2284 = arith.cmpf ogt, %get3A_2281, %gt3A_2283 : vector<16xf32>
        %jit3A_2285 = arith.constant 512 : i32
        %jit3A_2286 = arith.constant 0 : i32
        %broadcast_in_dim3A_2287 = vector.broadcast %jit3A_2285 : i32 to vector<16xi32>
        %broadcast_in_dim3A_2288 = vector.broadcast %jit3A_2286 : i32 to vector<16xi32>
        %select_n3A_2289 = arith.select %gt3A_2284, %broadcast_in_dim3A_2287, %broadcast_in_dim3A_2288 : vector<16xi1>, vector<16xi32>
        %or3A_2290 = arith.ori %or3A_2279, %select_n3A_2289 : vector<16xi32>
        %get3A_2291 = arith.constant 1376 : index
        %get3A_2292 = tpu.vector_load %arg14[%get3A_2291] {strides = array<i32>} : memref<2048xf32, #tpu.memory_space<vmem>>, vector<16xf32>,
        %gt3A_2293 = arith.constant 5.000000e-01 : f32
        %gt3A_2294 = vector.broadcast %gt3A_2293 : f32 to vector<16xf32>
        %gt3A_2295 = arith.cmpf ogt, %get3A_2292, %gt3A_2294 : vector<16xf32>
        %jit3A_2296 = arith.constant 1024 : i32
        %jit3A_2297 = arith.constant 0 : i32
        %broadcast_in_dim3A_2298 = vector.broadcast %jit3A_2296 : i32 to vector<16xi32>
        %broadcast_in_dim3A_2299 = vector.broadcast %jit3A_2297 : i32 to vector<16xi32>
        %select_n3A_2300 = arith.select %gt3A_2295, %broadcast_in_dim3A_2298, %broadcast_in_dim3A_2299 : vector<16xi1>, vector<16xi32>
        %or3A_2301 = arith.ori %or3A_2290, %select_n3A_2300 : vector<16xi32>
        %get3A_2302 = arith.constant 1504 : index
        %get3A_2303 = tpu.vector_load %arg14[%get3A_2302] {strides = array<i32>} : memref<2048xf32, #tpu.memory_space<vmem>>, vector<16xf32>,
        %gt3A_2304 = arith.constant 5.000000e-01 : f32
        %gt3A_2305 = vector.broadcast %gt3A_2304 : f32 to vector<16xf32>
        %gt3A_2306 = arith.cmpf ogt, %get3A_2303, %gt3A_2305 : vector<16xf32>
        %jit3A_2307 = arith.constant 2048 : i32
        %jit3A_2308 = arith.constant 0 : i32
        %broadcast_in_dim3A_2309 = vector.broadcast %jit3A_2307 : i32 to vector<16xi32>
        %broadcast_in_dim3A_2310 = vector.broadcast %jit3A_2308 : i32 to vector<16xi32>
        %select_n3A_2311 = arith.select %gt3A_2306, %broadcast_in_dim3A_2309, %broadcast_in_dim3A_2310 : vector<16xi1>, vector<16xi32>
        %or3A_2312 = arith.ori %or3A_2301, %select_n3A_2311 : vector<16xi32>
        %get3A_2313 = arith.constant 1632 : index
        %get3A_2314 = tpu.vector_load %arg14[%get3A_2313] {strides = array<i32>} : memref<2048xf32, #tpu.memory_space<vmem>>, vector<16xf32>,
        %gt3A_2315 = arith.constant 5.000000e-01 : f32
        %gt3A_2316 = vector.broadcast %gt3A_2315 : f32 to vector<16xf32>
        %gt3A_2317 = arith.cmpf ogt, %get3A_2314, %gt3A_2316 : vector<16xf32>
        %jit3A_2318 = arith.constant 4096 : i32
        %jit3A_2319 = arith.constant 0 : i32
        %broadcast_in_dim3A_2320 = vector.broadcast %jit3A_2318 : i32 to vector<16xi32>
        %broadcast_in_dim3A_2321 = vector.broadcast %jit3A_2319 : i32 to vector<16xi32>
        %select_n3A_2322 = arith.select %gt3A_2317, %broadcast_in_dim3A_2320, %broadcast_in_dim3A_2321 : vector<16xi1>, vector<16xi32>
        %or3A_2323 = arith.ori %or3A_2312, %select_n3A_2322 : vector<16xi32>
        %get3A_2324 = arith.constant 1760 : index
        %get3A_2325 = tpu.vector_load %arg14[%get3A_2324] {strides = array<i32>} : memref<2048xf32, #tpu.memory_space<vmem>>, vector<16xf32>,
        %gt3A_2326 = arith.constant 5.000000e-01 : f32
        %gt3A_2327 = vector.broadcast %gt3A_2326 : f32 to vector<16xf32>
        %gt3A_2328 = arith.cmpf ogt, %get3A_2325, %gt3A_2327 : vector<16xf32>
        %jit3A_2329 = arith.constant 8192 : i32
        %jit3A_2330 = arith.constant 0 : i32
        %broadcast_in_dim3A_2331 = vector.broadcast %jit3A_2329 : i32 to vector<16xi32>
        %broadcast_in_dim3A_2332 = vector.broadcast %jit3A_2330 : i32 to vector<16xi32>
        %select_n3A_2333 = arith.select %gt3A_2328, %broadcast_in_dim3A_2331, %broadcast_in_dim3A_2332 : vector<16xi1>, vector<16xi32>
        %or3A_2334 = arith.ori %or3A_2323, %select_n3A_2333 : vector<16xi32>
        %get3A_2335 = arith.constant 1888 : index
        %get3A_2336 = tpu.vector_load %arg14[%get3A_2335] {strides = array<i32>} : memref<2048xf32, #tpu.memory_space<vmem>>, vector<16xf32>,
        %gt3A_2337 = arith.constant 5.000000e-01 : f32
        %gt3A_2338 = vector.broadcast %gt3A_2337 : f32 to vector<16xf32>
        %gt3A_2339 = arith.cmpf ogt, %get3A_2336, %gt3A_2338 : vector<16xf32>
        %jit3A_2340 = arith.constant 16384 : i32
        %jit3A_2341 = arith.constant 0 : i32
        %broadcast_in_dim3A_2342 = vector.broadcast %jit3A_2340 : i32 to vector<16xi32>
        %broadcast_in_dim3A_2343 = vector.broadcast %jit3A_2341 : i32 to vector<16xi32>
        %select_n3A_2344 = arith.select %gt3A_2339, %broadcast_in_dim3A_2342, %broadcast_in_dim3A_2343 : vector<16xi1>, vector<16xi32>
        %or3A_2345 = arith.ori %or3A_2334, %select_n3A_2344 : vector<16xi32>
        %get3A_2346 = arith.constant 2016 : index
        %get3A_2347 = tpu.vector_load %arg14[%get3A_2346] {strides = array<i32>} : memref<2048xf32, #tpu.memory_space<vmem>>, vector<16xf32>,
        %gt3A_2348 = arith.constant 5.000000e-01 : f32
        %gt3A_2349 = vector.broadcast %gt3A_2348 : f32 to vector<16xf32>
        %gt3A_2350 = arith.cmpf ogt, %get3A_2347, %gt3A_2349 : vector<16xf32>
        %jit3A_2351 = arith.constant 32768 : i32
        %jit3A_2352 = arith.constant 0 : i32
        %broadcast_in_dim3A_2353 = vector.broadcast %jit3A_2351 : i32 to vector<16xi32>
        %broadcast_in_dim3A_2354 = vector.broadcast %jit3A_2352 : i32 to vector<16xi32>
        %select_n3A_2355 = arith.select %gt3A_2350, %broadcast_in_dim3A_2353, %broadcast_in_dim3A_2354 : vector<16xi1>, vector<16xi32>
        %or3A_2356 = arith.ori %or3A_2345, %select_n3A_2355 : vector<16xi32>
        %ge3A_2357 = arith.constant 1024 : i32
        %ge3A_2358 = vector.broadcast %ge3A_2357 : i32 to vector<16xi32>
        %ge3A_2359 = arith.cmpi sge, %get3A_2178, %ge3A_2358 : vector<16xi32>
        %ne3A_2360 = arith.constant 0 : i32
        %ne3A_2361 = vector.broadcast %ne3A_2360 : i32 to vector<16xi32>
        %ne3A_2362 = arith.cmpi ne, %or3A_2356, %ne3A_2361 : vector<16xi32>
        %and3A_2363 = arith.andi %ge3A_2359, %ne3A_2362 : vector<16xi1>
        %mul3A_2364 = arith.constant 16 : i32
        %mul3A_2365 = arith.muli %scan3A_144, %mul3A_2364 : i32
        %neg3A_2366 = arith.constant 0 : i32
        %neg3A_2367 = vector.broadcast %neg3A_2366 : i32 to vector<16xi32>
        %neg3A_2368 = arith.subi %neg3A_2367, %or3A_2356 : vector<16xi32>
        %and3A_2369 = arith.andi %or3A_2356, %neg3A_2368 : vector<16xi32>
        %convert_element_type3A_2370 = arith.sitofp %and3A_2369 : vector<16xi32> to vector<16xf32>
        %bitcast_convert_type3A_2371 = tpu.bitcast %convert_element_type3A_2370 : vector<16xf32> -> vector<16xi32>
        %shift_right_arithmetic3A_2372 = arith.constant 23 : i32
        %shift_right_arithmetic3A_2373 = vector.broadcast %shift_right_arithmetic3A_2372 : i32 to vector<16xi32>
        %shift_right_arithmetic3A_2374 = arith.shrsi %bitcast_convert_type3A_2371, %shift_right_arithmetic3A_2373 : vector<16xi32>
        %sub3A_2375 = arith.constant 127 : i32
        %sub3A_2376 = vector.broadcast %sub3A_2375 : i32 to vector<16xi32>
        %sub3A_2377 = arith.subi %shift_right_arithmetic3A_2374, %sub3A_2376 : vector<16xi32>
        %add3A_2378 = vector.broadcast %mul3A_2365 : i32 to vector<16xi32>
        %add3A_2379 = arith.addi %add3A_2378, %sub3A_2377 : vector<16xi32>
        %select_n3A_2380 = arith.select %and3A_2363, %add3A_2379, %get3A_2178 : vector<16xi1>, vector<16xi32>
        %swap3A_2381 = arith.constant 96 : index
        %swap3A_2382 = tpu.vector_load %arg15[%swap3A_2381] {strides = array<i32>} : memref<128xi32, #tpu.memory_space<vmem>>, vector<16xi32>,
        tpu.vector_store %arg15[%swap3A_2381], %select_n3A_2380 {strides = array<i32>} : memref<128xi32, #tpu.memory_space<vmem>>, vector<16xi32>,
        %max3A_2383 = arith.maxsi %max3A_2176, %select_n3A_2380 : vector<16xi32>
        %get3A_2384 = arith.constant 112 : index
        %get3A_2385 = tpu.vector_load %arg15[%get3A_2384] {strides = array<i32>} : memref<128xi32, #tpu.memory_space<vmem>>, vector<16xi32>,
        %broadcast_in_dim3A_2386 = arith.constant 0 : i32
        %broadcast_in_dim3A_2387 = vector.broadcast %broadcast_in_dim3A_2386 : i32 to vector<16xi32>
        %get3A_2388 = arith.constant 112 : index
        %get3A_2389 = tpu.vector_load %arg14[%get3A_2388] {strides = array<i32>} : memref<2048xf32, #tpu.memory_space<vmem>>, vector<16xf32>,
        %gt3A_2390 = arith.constant 5.000000e-01 : f32
        %gt3A_2391 = vector.broadcast %gt3A_2390 : f32 to vector<16xf32>
        %gt3A_2392 = arith.cmpf ogt, %get3A_2389, %gt3A_2391 : vector<16xf32>
        %jit3A_2393 = arith.constant 1 : i32
        %jit3A_2394 = arith.constant 0 : i32
        %broadcast_in_dim3A_2395 = vector.broadcast %jit3A_2393 : i32 to vector<16xi32>
        %broadcast_in_dim3A_2396 = vector.broadcast %jit3A_2394 : i32 to vector<16xi32>
        %select_n3A_2397 = arith.select %gt3A_2392, %broadcast_in_dim3A_2395, %broadcast_in_dim3A_2396 : vector<16xi1>, vector<16xi32>
        %or3A_2398 = arith.ori %broadcast_in_dim3A_2387, %select_n3A_2397 : vector<16xi32>
        %get3A_2399 = arith.constant 240 : index
        %get3A_2400 = tpu.vector_load %arg14[%get3A_2399] {strides = array<i32>} : memref<2048xf32, #tpu.memory_space<vmem>>, vector<16xf32>,
        %gt3A_2401 = arith.constant 5.000000e-01 : f32
        %gt3A_2402 = vector.broadcast %gt3A_2401 : f32 to vector<16xf32>
        %gt3A_2403 = arith.cmpf ogt, %get3A_2400, %gt3A_2402 : vector<16xf32>
        %jit3A_2404 = arith.constant 2 : i32
        %jit3A_2405 = arith.constant 0 : i32
        %broadcast_in_dim3A_2406 = vector.broadcast %jit3A_2404 : i32 to vector<16xi32>
        %broadcast_in_dim3A_2407 = vector.broadcast %jit3A_2405 : i32 to vector<16xi32>
        %select_n3A_2408 = arith.select %gt3A_2403, %broadcast_in_dim3A_2406, %broadcast_in_dim3A_2407 : vector<16xi1>, vector<16xi32>
        %or3A_2409 = arith.ori %or3A_2398, %select_n3A_2408 : vector<16xi32>
        %get3A_2410 = arith.constant 368 : index
        %get3A_2411 = tpu.vector_load %arg14[%get3A_2410] {strides = array<i32>} : memref<2048xf32, #tpu.memory_space<vmem>>, vector<16xf32>,
        %gt3A_2412 = arith.constant 5.000000e-01 : f32
        %gt3A_2413 = vector.broadcast %gt3A_2412 : f32 to vector<16xf32>
        %gt3A_2414 = arith.cmpf ogt, %get3A_2411, %gt3A_2413 : vector<16xf32>
        %jit3A_2415 = arith.constant 4 : i32
        %jit3A_2416 = arith.constant 0 : i32
        %broadcast_in_dim3A_2417 = vector.broadcast %jit3A_2415 : i32 to vector<16xi32>
        %broadcast_in_dim3A_2418 = vector.broadcast %jit3A_2416 : i32 to vector<16xi32>
        %select_n3A_2419 = arith.select %gt3A_2414, %broadcast_in_dim3A_2417, %broadcast_in_dim3A_2418 : vector<16xi1>, vector<16xi32>
        %or3A_2420 = arith.ori %or3A_2409, %select_n3A_2419 : vector<16xi32>
        %get3A_2421 = arith.constant 496 : index
        %get3A_2422 = tpu.vector_load %arg14[%get3A_2421] {strides = array<i32>} : memref<2048xf32, #tpu.memory_space<vmem>>, vector<16xf32>,
        %gt3A_2423 = arith.constant 5.000000e-01 : f32
        %gt3A_2424 = vector.broadcast %gt3A_2423 : f32 to vector<16xf32>
        %gt3A_2425 = arith.cmpf ogt, %get3A_2422, %gt3A_2424 : vector<16xf32>
        %jit3A_2426 = arith.constant 8 : i32
        %jit3A_2427 = arith.constant 0 : i32
        %broadcast_in_dim3A_2428 = vector.broadcast %jit3A_2426 : i32 to vector<16xi32>
        %broadcast_in_dim3A_2429 = vector.broadcast %jit3A_2427 : i32 to vector<16xi32>
        %select_n3A_2430 = arith.select %gt3A_2425, %broadcast_in_dim3A_2428, %broadcast_in_dim3A_2429 : vector<16xi1>, vector<16xi32>
        %or3A_2431 = arith.ori %or3A_2420, %select_n3A_2430 : vector<16xi32>
        %get3A_2432 = arith.constant 624 : index
        %get3A_2433 = tpu.vector_load %arg14[%get3A_2432] {strides = array<i32>} : memref<2048xf32, #tpu.memory_space<vmem>>, vector<16xf32>,
        %gt3A_2434 = arith.constant 5.000000e-01 : f32
        %gt3A_2435 = vector.broadcast %gt3A_2434 : f32 to vector<16xf32>
        %gt3A_2436 = arith.cmpf ogt, %get3A_2433, %gt3A_2435 : vector<16xf32>
        %jit3A_2437 = arith.constant 16 : i32
        %jit3A_2438 = arith.constant 0 : i32
        %broadcast_in_dim3A_2439 = vector.broadcast %jit3A_2437 : i32 to vector<16xi32>
        %broadcast_in_dim3A_2440 = vector.broadcast %jit3A_2438 : i32 to vector<16xi32>
        %select_n3A_2441 = arith.select %gt3A_2436, %broadcast_in_dim3A_2439, %broadcast_in_dim3A_2440 : vector<16xi1>, vector<16xi32>
        %or3A_2442 = arith.ori %or3A_2431, %select_n3A_2441 : vector<16xi32>
        %get3A_2443 = arith.constant 752 : index
        %get3A_2444 = tpu.vector_load %arg14[%get3A_2443] {strides = array<i32>} : memref<2048xf32, #tpu.memory_space<vmem>>, vector<16xf32>,
        %gt3A_2445 = arith.constant 5.000000e-01 : f32
        %gt3A_2446 = vector.broadcast %gt3A_2445 : f32 to vector<16xf32>
        %gt3A_2447 = arith.cmpf ogt, %get3A_2444, %gt3A_2446 : vector<16xf32>
        %jit3A_2448 = arith.constant 32 : i32
        %jit3A_2449 = arith.constant 0 : i32
        %broadcast_in_dim3A_2450 = vector.broadcast %jit3A_2448 : i32 to vector<16xi32>
        %broadcast_in_dim3A_2451 = vector.broadcast %jit3A_2449 : i32 to vector<16xi32>
        %select_n3A_2452 = arith.select %gt3A_2447, %broadcast_in_dim3A_2450, %broadcast_in_dim3A_2451 : vector<16xi1>, vector<16xi32>
        %or3A_2453 = arith.ori %or3A_2442, %select_n3A_2452 : vector<16xi32>
        %get3A_2454 = arith.constant 880 : index
        %get3A_2455 = tpu.vector_load %arg14[%get3A_2454] {strides = array<i32>} : memref<2048xf32, #tpu.memory_space<vmem>>, vector<16xf32>,
        %gt3A_2456 = arith.constant 5.000000e-01 : f32
        %gt3A_2457 = vector.broadcast %gt3A_2456 : f32 to vector<16xf32>
        %gt3A_2458 = arith.cmpf ogt, %get3A_2455, %gt3A_2457 : vector<16xf32>
        %jit3A_2459 = arith.constant 64 : i32
        %jit3A_2460 = arith.constant 0 : i32
        %broadcast_in_dim3A_2461 = vector.broadcast %jit3A_2459 : i32 to vector<16xi32>
        %broadcast_in_dim3A_2462 = vector.broadcast %jit3A_2460 : i32 to vector<16xi32>
        %select_n3A_2463 = arith.select %gt3A_2458, %broadcast_in_dim3A_2461, %broadcast_in_dim3A_2462 : vector<16xi1>, vector<16xi32>
        %or3A_2464 = arith.ori %or3A_2453, %select_n3A_2463 : vector<16xi32>
        %get3A_2465 = arith.constant 1008 : index
        %get3A_2466 = tpu.vector_load %arg14[%get3A_2465] {strides = array<i32>} : memref<2048xf32, #tpu.memory_space<vmem>>, vector<16xf32>,
        %gt3A_2467 = arith.constant 5.000000e-01 : f32
        %gt3A_2468 = vector.broadcast %gt3A_2467 : f32 to vector<16xf32>
        %gt3A_2469 = arith.cmpf ogt, %get3A_2466, %gt3A_2468 : vector<16xf32>
        %jit3A_2470 = arith.constant 128 : i32
        %jit3A_2471 = arith.constant 0 : i32
        %broadcast_in_dim3A_2472 = vector.broadcast %jit3A_2470 : i32 to vector<16xi32>
        %broadcast_in_dim3A_2473 = vector.broadcast %jit3A_2471 : i32 to vector<16xi32>
        %select_n3A_2474 = arith.select %gt3A_2469, %broadcast_in_dim3A_2472, %broadcast_in_dim3A_2473 : vector<16xi1>, vector<16xi32>
        %or3A_2475 = arith.ori %or3A_2464, %select_n3A_2474 : vector<16xi32>
        %get3A_2476 = arith.constant 1136 : index
        %get3A_2477 = tpu.vector_load %arg14[%get3A_2476] {strides = array<i32>} : memref<2048xf32, #tpu.memory_space<vmem>>, vector<16xf32>,
        %gt3A_2478 = arith.constant 5.000000e-01 : f32
        %gt3A_2479 = vector.broadcast %gt3A_2478 : f32 to vector<16xf32>
        %gt3A_2480 = arith.cmpf ogt, %get3A_2477, %gt3A_2479 : vector<16xf32>
        %jit3A_2481 = arith.constant 256 : i32
        %jit3A_2482 = arith.constant 0 : i32
        %broadcast_in_dim3A_2483 = vector.broadcast %jit3A_2481 : i32 to vector<16xi32>
        %broadcast_in_dim3A_2484 = vector.broadcast %jit3A_2482 : i32 to vector<16xi32>
        %select_n3A_2485 = arith.select %gt3A_2480, %broadcast_in_dim3A_2483, %broadcast_in_dim3A_2484 : vector<16xi1>, vector<16xi32>
        %or3A_2486 = arith.ori %or3A_2475, %select_n3A_2485 : vector<16xi32>
        %get3A_2487 = arith.constant 1264 : index
        %get3A_2488 = tpu.vector_load %arg14[%get3A_2487] {strides = array<i32>} : memref<2048xf32, #tpu.memory_space<vmem>>, vector<16xf32>,
        %gt3A_2489 = arith.constant 5.000000e-01 : f32
        %gt3A_2490 = vector.broadcast %gt3A_2489 : f32 to vector<16xf32>
        %gt3A_2491 = arith.cmpf ogt, %get3A_2488, %gt3A_2490 : vector<16xf32>
        %jit3A_2492 = arith.constant 512 : i32
        %jit3A_2493 = arith.constant 0 : i32
        %broadcast_in_dim3A_2494 = vector.broadcast %jit3A_2492 : i32 to vector<16xi32>
        %broadcast_in_dim3A_2495 = vector.broadcast %jit3A_2493 : i32 to vector<16xi32>
        %select_n3A_2496 = arith.select %gt3A_2491, %broadcast_in_dim3A_2494, %broadcast_in_dim3A_2495 : vector<16xi1>, vector<16xi32>
        %or3A_2497 = arith.ori %or3A_2486, %select_n3A_2496 : vector<16xi32>
        %get3A_2498 = arith.constant 1392 : index
        %get3A_2499 = tpu.vector_load %arg14[%get3A_2498] {strides = array<i32>} : memref<2048xf32, #tpu.memory_space<vmem>>, vector<16xf32>,
        %gt3A_2500 = arith.constant 5.000000e-01 : f32
        %gt3A_2501 = vector.broadcast %gt3A_2500 : f32 to vector<16xf32>
        %gt3A_2502 = arith.cmpf ogt, %get3A_2499, %gt3A_2501 : vector<16xf32>
        %jit3A_2503 = arith.constant 1024 : i32
        %jit3A_2504 = arith.constant 0 : i32
        %broadcast_in_dim3A_2505 = vector.broadcast %jit3A_2503 : i32 to vector<16xi32>
        %broadcast_in_dim3A_2506 = vector.broadcast %jit3A_2504 : i32 to vector<16xi32>
        %select_n3A_2507 = arith.select %gt3A_2502, %broadcast_in_dim3A_2505, %broadcast_in_dim3A_2506 : vector<16xi1>, vector<16xi32>
        %or3A_2508 = arith.ori %or3A_2497, %select_n3A_2507 : vector<16xi32>
        %get3A_2509 = arith.constant 1520 : index
        %get3A_2510 = tpu.vector_load %arg14[%get3A_2509] {strides = array<i32>} : memref<2048xf32, #tpu.memory_space<vmem>>, vector<16xf32>,
        %gt3A_2511 = arith.constant 5.000000e-01 : f32
        %gt3A_2512 = vector.broadcast %gt3A_2511 : f32 to vector<16xf32>
        %gt3A_2513 = arith.cmpf ogt, %get3A_2510, %gt3A_2512 : vector<16xf32>
        %jit3A_2514 = arith.constant 2048 : i32
        %jit3A_2515 = arith.constant 0 : i32
        %broadcast_in_dim3A_2516 = vector.broadcast %jit3A_2514 : i32 to vector<16xi32>
        %broadcast_in_dim3A_2517 = vector.broadcast %jit3A_2515 : i32 to vector<16xi32>
        %select_n3A_2518 = arith.select %gt3A_2513, %broadcast_in_dim3A_2516, %broadcast_in_dim3A_2517 : vector<16xi1>, vector<16xi32>
        %or3A_2519 = arith.ori %or3A_2508, %select_n3A_2518 : vector<16xi32>
        %get3A_2520 = arith.constant 1648 : index
        %get3A_2521 = tpu.vector_load %arg14[%get3A_2520] {strides = array<i32>} : memref<2048xf32, #tpu.memory_space<vmem>>, vector<16xf32>,
        %gt3A_2522 = arith.constant 5.000000e-01 : f32
        %gt3A_2523 = vector.broadcast %gt3A_2522 : f32 to vector<16xf32>
        %gt3A_2524 = arith.cmpf ogt, %get3A_2521, %gt3A_2523 : vector<16xf32>
        %jit3A_2525 = arith.constant 4096 : i32
        %jit3A_2526 = arith.constant 0 : i32
        %broadcast_in_dim3A_2527 = vector.broadcast %jit3A_2525 : i32 to vector<16xi32>
        %broadcast_in_dim3A_2528 = vector.broadcast %jit3A_2526 : i32 to vector<16xi32>
        %select_n3A_2529 = arith.select %gt3A_2524, %broadcast_in_dim3A_2527, %broadcast_in_dim3A_2528 : vector<16xi1>, vector<16xi32>
        %or3A_2530 = arith.ori %or3A_2519, %select_n3A_2529 : vector<16xi32>
        %get3A_2531 = arith.constant 1776 : index
        %get3A_2532 = tpu.vector_load %arg14[%get3A_2531] {strides = array<i32>} : memref<2048xf32, #tpu.memory_space<vmem>>, vector<16xf32>,
        %gt3A_2533 = arith.constant 5.000000e-01 : f32
        %gt3A_2534 = vector.broadcast %gt3A_2533 : f32 to vector<16xf32>
        %gt3A_2535 = arith.cmpf ogt, %get3A_2532, %gt3A_2534 : vector<16xf32>
        %jit3A_2536 = arith.constant 8192 : i32
        %jit3A_2537 = arith.constant 0 : i32
        %broadcast_in_dim3A_2538 = vector.broadcast %jit3A_2536 : i32 to vector<16xi32>
        %broadcast_in_dim3A_2539 = vector.broadcast %jit3A_2537 : i32 to vector<16xi32>
        %select_n3A_2540 = arith.select %gt3A_2535, %broadcast_in_dim3A_2538, %broadcast_in_dim3A_2539 : vector<16xi1>, vector<16xi32>
        %or3A_2541 = arith.ori %or3A_2530, %select_n3A_2540 : vector<16xi32>
        %get3A_2542 = arith.constant 1904 : index
        %get3A_2543 = tpu.vector_load %arg14[%get3A_2542] {strides = array<i32>} : memref<2048xf32, #tpu.memory_space<vmem>>, vector<16xf32>,
        %gt3A_2544 = arith.constant 5.000000e-01 : f32
        %gt3A_2545 = vector.broadcast %gt3A_2544 : f32 to vector<16xf32>
        %gt3A_2546 = arith.cmpf ogt, %get3A_2543, %gt3A_2545 : vector<16xf32>
        %jit3A_2547 = arith.constant 16384 : i32
        %jit3A_2548 = arith.constant 0 : i32
        %broadcast_in_dim3A_2549 = vector.broadcast %jit3A_2547 : i32 to vector<16xi32>
        %broadcast_in_dim3A_2550 = vector.broadcast %jit3A_2548 : i32 to vector<16xi32>
        %select_n3A_2551 = arith.select %gt3A_2546, %broadcast_in_dim3A_2549, %broadcast_in_dim3A_2550 : vector<16xi1>, vector<16xi32>
        %or3A_2552 = arith.ori %or3A_2541, %select_n3A_2551 : vector<16xi32>
        %get3A_2553 = arith.constant 2032 : index
        %get3A_2554 = tpu.vector_load %arg14[%get3A_2553] {strides = array<i32>} : memref<2048xf32, #tpu.memory_space<vmem>>, vector<16xf32>,
        %gt3A_2555 = arith.constant 5.000000e-01 : f32
        %gt3A_2556 = vector.broadcast %gt3A_2555 : f32 to vector<16xf32>
        %gt3A_2557 = arith.cmpf ogt, %get3A_2554, %gt3A_2556 : vector<16xf32>
        %jit3A_2558 = arith.constant 32768 : i32
        %jit3A_2559 = arith.constant 0 : i32
        %broadcast_in_dim3A_2560 = vector.broadcast %jit3A_2558 : i32 to vector<16xi32>
        %broadcast_in_dim3A_2561 = vector.broadcast %jit3A_2559 : i32 to vector<16xi32>
        %select_n3A_2562 = arith.select %gt3A_2557, %broadcast_in_dim3A_2560, %broadcast_in_dim3A_2561 : vector<16xi1>, vector<16xi32>
        %or3A_2563 = arith.ori %or3A_2552, %select_n3A_2562 : vector<16xi32>
        %ge3A_2564 = arith.constant 1024 : i32
        %ge3A_2565 = vector.broadcast %ge3A_2564 : i32 to vector<16xi32>
        %ge3A_2566 = arith.cmpi sge, %get3A_2385, %ge3A_2565 : vector<16xi32>
        %ne3A_2567 = arith.constant 0 : i32
        %ne3A_2568 = vector.broadcast %ne3A_2567 : i32 to vector<16xi32>
        %ne3A_2569 = arith.cmpi ne, %or3A_2563, %ne3A_2568 : vector<16xi32>
        %and3A_2570 = arith.andi %ge3A_2566, %ne3A_2569 : vector<16xi1>
        %mul3A_2571 = arith.constant 16 : i32
        %mul3A_2572 = arith.muli %scan3A_144, %mul3A_2571 : i32
        %neg3A_2573 = arith.constant 0 : i32
        %neg3A_2574 = vector.broadcast %neg3A_2573 : i32 to vector<16xi32>
        %neg3A_2575 = arith.subi %neg3A_2574, %or3A_2563 : vector<16xi32>
        %and3A_2576 = arith.andi %or3A_2563, %neg3A_2575 : vector<16xi32>
        %convert_element_type3A_2577 = arith.sitofp %and3A_2576 : vector<16xi32> to vector<16xf32>
        %bitcast_convert_type3A_2578 = tpu.bitcast %convert_element_type3A_2577 : vector<16xf32> -> vector<16xi32>
        %shift_right_arithmetic3A_2579 = arith.constant 23 : i32
        %shift_right_arithmetic3A_2580 = vector.broadcast %shift_right_arithmetic3A_2579 : i32 to vector<16xi32>
        %shift_right_arithmetic3A_2581 = arith.shrsi %bitcast_convert_type3A_2578, %shift_right_arithmetic3A_2580 : vector<16xi32>
        %sub3A_2582 = arith.constant 127 : i32
        %sub3A_2583 = vector.broadcast %sub3A_2582 : i32 to vector<16xi32>
        %sub3A_2584 = arith.subi %shift_right_arithmetic3A_2581, %sub3A_2583 : vector<16xi32>
        %add3A_2585 = vector.broadcast %mul3A_2572 : i32 to vector<16xi32>
        %add3A_2586 = arith.addi %add3A_2585, %sub3A_2584 : vector<16xi32>
        %select_n3A_2587 = arith.select %and3A_2570, %add3A_2586, %get3A_2385 : vector<16xi1>, vector<16xi32>
        %swap3A_2588 = arith.constant 112 : index
        %swap3A_2589 = tpu.vector_load %arg15[%swap3A_2588] {strides = array<i32>} : memref<128xi32, #tpu.memory_space<vmem>>, vector<16xi32>,
        tpu.vector_store %arg15[%swap3A_2588], %select_n3A_2587 {strides = array<i32>} : memref<128xi32, #tpu.memory_space<vmem>>, vector<16xi32>,
        %max3A_2590 = arith.maxsi %max3A_2383, %select_n3A_2587 : vector<16xi32>
        %swap3A_2591 = arith.constant 0 : index
        %swap3A_2592 = tpu.vector_load %arg16[%swap3A_2591] {strides = array<i32>} : memref<16xi32, #tpu.memory_space<vmem>>, vector<16xi32>,
        tpu.vector_store %arg16[%swap3A_2591], %max3A_2590 {strides = array<i32>} : memref<16xi32, #tpu.memory_space<vmem>>, vector<16xi32>,
      } else {
      }
      %get3A = arith.constant 0 : index
      %get3A_148 = tpu.vector_load %arg16[%get3A] {strides = array<i32>} : memref<16xi32, #tpu.memory_space<vmem>>, vector<16xi32>,
      %reduce_max3A = arith.constant true
      %reduce_max3A_149 = vector.broadcast %reduce_max3A : i1 to vector<16xi1>
      %reduce_max3A_150 = arith.constant -2147483648 : i32
      %reduce_max3A_151 = vector.broadcast %reduce_max3A_150 : i32 to vector<16xi32>
      %reduce_max3A_152 = arith.xori %get3A_148, %reduce_max3A_151 : vector<16xi32>
      %reduce_max3A_153 = tpu.scan <max>, %reduce_max3A_152 masked %reduce_max3A_149 : vector<16xi32>, vector<16xi1> -> vector<16xi32>
      %reduce_max3A_154 = arith.xori %reduce_max3A_153, %reduce_max3A_151 : vector<16xi32>
      %reduce_max3A_155 = vector.extract %reduce_max3A_154[15] : i32 from vector<16xi32>
      scf.yield %reduce_max3A_155 : i32
    }
    %scan3A_92 = arith.constant 64 : i32
    "tpu.region"() ({
      %run_scoped3A = tpu.sem_alloc : memref<!tpu.dma_semaphore, #tpu.memory_space<semaphore_mem>>
      %dma_start3A_144 = tpu.memref_slice %arg9[%add3A_35] : memref<4096xi32, #tpu.memory_space<hbm>> -> memref<128xi32, #tpu.memory_space<hbm>>
      %dma_start3A_145 = tpu.memref_slice %arg9[%add3A_35] : memref<4096xi32, #tpu.memory_space<hbm>> -> memref<128xi32, #tpu.memory_space<hbm>>
      tpu.enqueue_dma source(%arg15 : memref<128xi32, #tpu.memory_space<vmem>>) target(%dma_start3A_145 : memref<128xi32, #tpu.memory_space<hbm>>) target_semaphore(%run_scoped3A : memref<!tpu.dma_semaphore, #tpu.memory_space<semaphore_mem>>)
      %dma_wait3A_146 = tpu.memref_slice %arg9[%add3A_35] : memref<4096xi32, #tpu.memory_space<hbm>> -> memref<128xi32, #tpu.memory_space<hbm>>
      %dma_wait3A_147 = tpu.memref_slice %arg9[%add3A_35] : memref<4096xi32, #tpu.memory_space<hbm>> -> memref<128xi32, #tpu.memory_space<hbm>>
      tpu.wait_dma2 semaphore(%run_scoped3A : memref<!tpu.dma_semaphore, #tpu.memory_space<semaphore_mem>>) src(%arg15 : memref<128xi32, #tpu.memory_space<vmem>>) dst(%dma_wait3A_147 : memref<128xi32, #tpu.memory_space<hbm>>)
      tpu.yield
    }) : () -> ()
    %dma_wait3A = tpu.memref_slice %arg5[%mul3A_37] : memref<1024xi32, #tpu.memory_space<hbm>> -> memref<128xi32, #tpu.memory_space<hbm>>
    %dma_wait3A_93 = tpu.memref_slice %arg5[%mul3A_37] : memref<1024xi32, #tpu.memory_space<hbm>> -> memref<128xi32, #tpu.memory_space<hbm>>
    tpu.wait_dma2 semaphore(%arg23 : memref<!tpu.dma_semaphore, #tpu.memory_space<semaphore_mem>>) src(%dma_wait3A_93 : memref<128xi32, #tpu.memory_space<hbm>>) dst(%arg17 : memref<128xi32, #tpu.memory_space<vmem>>)
    %dma_wait3A_94 = tpu.memref_slice %arg6[%mul3A_37] : memref<1024xi32, #tpu.memory_space<hbm>> -> memref<128xi32, #tpu.memory_space<hbm>>
    %dma_wait3A_95 = tpu.memref_slice %arg6[%mul3A_37] : memref<1024xi32, #tpu.memory_space<hbm>> -> memref<128xi32, #tpu.memory_space<hbm>>
    tpu.wait_dma2 semaphore(%arg23 : memref<!tpu.dma_semaphore, #tpu.memory_space<semaphore_mem>>) src(%dma_wait3A_95 : memref<128xi32, #tpu.memory_space<hbm>>) dst(%arg18 : memref<128xi32, #tpu.memory_space<vmem>>)
    %dma_wait3A_96 = tpu.memref_slice %arg7[%mul3A_44] : memref<2048xi32, #tpu.memory_space<hbm>> -> memref<512xi32, #tpu.memory_space<hbm>>
    %dma_wait3A_97 = tpu.memref_slice %arg7[%mul3A_44] : memref<2048xi32, #tpu.memory_space<hbm>> -> memref<512xi32, #tpu.memory_space<hbm>>
    tpu.wait_dma2 semaphore(%arg23 : memref<!tpu.dma_semaphore, #tpu.memory_space<semaphore_mem>>) src(%dma_wait3A_97 : memref<512xi32, #tpu.memory_space<hbm>>) dst(%arg19 : memref<512xi32, #tpu.memory_space<vmem>>)
    %dma_wait3A_98 = arith.constant 0 : i32
    %dma_wait3A_99 = arith.constant 0 : i32
    %dma_wait3A_100 = tpu.memref_slice %arg8[%select_n3A, %dma_wait3A_98, %dma_wait3A_99] : memref<4x32x1024xf32, #tpu.memory_space<hbm>> -> memref<1x32x1024xf32, #tpu.memory_space<hbm>>
    %dma_wait3A_101 = tpu.memref_squeeze %dma_wait3A_100 : memref<1x32x1024xf32, #tpu.memory_space<hbm>> -> memref<32x1024xf32, #tpu.memory_space<hbm>>
    %dma_wait3A_102 = arith.constant 0 : i32
    %dma_wait3A_103 = arith.constant 0 : i32
    %dma_wait3A_104 = tpu.memref_slice %arg8[%select_n3A, %dma_wait3A_102, %dma_wait3A_103] : memref<4x32x1024xf32, #tpu.memory_space<hbm>> -> memref<1x32x1024xf32, #tpu.memory_space<hbm>>
    %dma_wait3A_105 = tpu.memref_squeeze %dma_wait3A_104 : memref<1x32x1024xf32, #tpu.memory_space<hbm>> -> memref<32x1024xf32, #tpu.memory_space<hbm>>
    tpu.wait_dma2 semaphore(%arg23 : memref<!tpu.dma_semaphore, #tpu.memory_space<semaphore_mem>>) src(%dma_wait3A_105 : memref<32x1024xf32, #tpu.memory_space<hbm>>) dst(%arg20 : memref<32x1024xf32, #tpu.memory_space<vmem>>)
    %broadcast_in_dim3A_106 = arith.constant 0 : i32
    %broadcast_in_dim3A_107 = vector.broadcast %broadcast_in_dim3A_106 : i32 to vector<16xi32>
    %swap3A_108 = arith.constant 0 : index
    %swap3A_109 = tpu.vector_load %arg21[%swap3A_108] {strides = array<i32>} : memref<128xi32, #tpu.memory_space<vmem>>, vector<16xi32>,
    tpu.vector_store %arg21[%swap3A_108], %broadcast_in_dim3A_107 {strides = array<i32>} : memref<128xi32, #tpu.memory_space<vmem>>, vector<16xi32>,
    %broadcast_in_dim3A_110 = arith.constant 0 : i32
    %broadcast_in_dim3A_111 = vector.broadcast %broadcast_in_dim3A_110 : i32 to vector<16xi32>
    %swap3A_112 = arith.constant 16 : index
    %swap3A_113 = tpu.vector_load %arg21[%swap3A_112] {strides = array<i32>} : memref<128xi32, #tpu.memory_space<vmem>>, vector<16xi32>,
    tpu.vector_store %arg21[%swap3A_112], %broadcast_in_dim3A_111 {strides = array<i32>} : memref<128xi32, #tpu.memory_space<vmem>>, vector<16xi32>,
    %broadcast_in_dim3A_114 = arith.constant 0 : i32
    %broadcast_in_dim3A_115 = vector.broadcast %broadcast_in_dim3A_114 : i32 to vector<16xi32>
    %swap3A_116 = arith.constant 32 : index
    %swap3A_117 = tpu.vector_load %arg21[%swap3A_116] {strides = array<i32>} : memref<128xi32, #tpu.memory_space<vmem>>, vector<16xi32>,
    tpu.vector_store %arg21[%swap3A_116], %broadcast_in_dim3A_115 {strides = array<i32>} : memref<128xi32, #tpu.memory_space<vmem>>, vector<16xi32>,
    %broadcast_in_dim3A_118 = arith.constant 0 : i32
    %broadcast_in_dim3A_119 = vector.broadcast %broadcast_in_dim3A_118 : i32 to vector<16xi32>
    %swap3A_120 = arith.constant 48 : index
    %swap3A_121 = tpu.vector_load %arg21[%swap3A_120] {strides = array<i32>} : memref<128xi32, #tpu.memory_space<vmem>>, vector<16xi32>,
    tpu.vector_store %arg21[%swap3A_120], %broadcast_in_dim3A_119 {strides = array<i32>} : memref<128xi32, #tpu.memory_space<vmem>>, vector<16xi32>,
    %broadcast_in_dim3A_122 = arith.constant 0 : i32
    %broadcast_in_dim3A_123 = vector.broadcast %broadcast_in_dim3A_122 : i32 to vector<16xi32>
    %swap3A_124 = arith.constant 64 : index
    %swap3A_125 = tpu.vector_load %arg21[%swap3A_124] {strides = array<i32>} : memref<128xi32, #tpu.memory_space<vmem>>, vector<16xi32>,
    tpu.vector_store %arg21[%swap3A_124], %broadcast_in_dim3A_123 {strides = array<i32>} : memref<128xi32, #tpu.memory_space<vmem>>, vector<16xi32>,
    %broadcast_in_dim3A_126 = arith.constant 0 : i32
    %broadcast_in_dim3A_127 = vector.broadcast %broadcast_in_dim3A_126 : i32 to vector<16xi32>
    %swap3A_128 = arith.constant 80 : index
    %swap3A_129 = tpu.vector_load %arg21[%swap3A_128] {strides = array<i32>} : memref<128xi32, #tpu.memory_space<vmem>>, vector<16xi32>,
    tpu.vector_store %arg21[%swap3A_128], %broadcast_in_dim3A_127 {strides = array<i32>} : memref<128xi32, #tpu.memory_space<vmem>>, vector<16xi32>,
    %broadcast_in_dim3A_130 = arith.constant 0 : i32
    %broadcast_in_dim3A_131 = vector.broadcast %broadcast_in_dim3A_130 : i32 to vector<16xi32>
    %swap3A_132 = arith.constant 96 : index
    %swap3A_133 = tpu.vector_load %arg21[%swap3A_132] {strides = array<i32>} : memref<128xi32, #tpu.memory_space<vmem>>, vector<16xi32>,
    tpu.vector_store %arg21[%swap3A_132], %broadcast_in_dim3A_131 {strides = array<i32>} : memref<128xi32, #tpu.memory_space<vmem>>, vector<16xi32>,
    %broadcast_in_dim3A_134 = arith.constant 0 : i32
    %broadcast_in_dim3A_135 = vector.broadcast %broadcast_in_dim3A_134 : i32 to vector<16xi32>
    %swap3A_136 = arith.constant 112 : index
    %swap3A_137 = tpu.vector_load %arg21[%swap3A_136] {strides = array<i32>} : memref<128xi32, #tpu.memory_space<vmem>>, vector<16xi32>,
    tpu.vector_store %arg21[%swap3A_136], %broadcast_in_dim3A_135 {strides = array<i32>} : memref<128xi32, #tpu.memory_space<vmem>>, vector<16xi32>,
    %scan3A_138 = arith.constant 0 : i32
    %scan3A_139 = arith.constant 0 : i32
    %scan3A_140 = arith.constant 32 : i32
    %scan3A_141 = arith.addi %scan3A_139, %scan3A_140 : i32
    %scan3A_142 = arith.constant 1 : i32
    scf.for %scan3A_144 = %scan3A_139 to %scan3A_141 step %scan3A_142  : i32 {
      %mul3A_145 = arith.constant 16 : i32
      %mul3A_146 = arith.muli %scan3A_144, %mul3A_145 : i32
      %add3A_147 = arith.constant 0 : i32
      %add3A_148 = arith.addi %mul3A_146, %add3A_147 : i32
      %broadcast_in_dim3A_149 = vector.broadcast %add3A_148 : i32 to vector<16xi32>
      %gather3A = tpu.vector_load_idx %arg19[%broadcast_in_dim3A_149] : memref<512xi32, #tpu.memory_space<vmem>>[vector<16xi32>], vector<16xi32>,
      %mul3A_150 = arith.constant 16 : i32
      %mul3A_151 = arith.muli %scan3A_144, %mul3A_150 : i32
      %add3A_152 = arith.constant 1 : i32
      %add3A_153 = arith.addi %mul3A_151, %add3A_152 : i32
      %broadcast_in_dim3A_154 = vector.broadcast %add3A_153 : i32 to vector<16xi32>
      %gather3A_155 = tpu.vector_load_idx %arg19[%broadcast_in_dim3A_154] : memref<512xi32, #tpu.memory_space<vmem>>[vector<16xi32>], vector<16xi32>,
      %mul3A_156 = arith.constant 16 : i32
      %mul3A_157 = arith.muli %scan3A_144, %mul3A_156 : i32
      %add3A_158 = arith.constant 2 : i32
      %add3A_159 = arith.addi %mul3A_157, %add3A_158 : i32
      %broadcast_in_dim3A_160 = vector.broadcast %add3A_159 : i32 to vector<16xi32>
      %gather3A_161 = tpu.vector_load_idx %arg19[%broadcast_in_dim3A_160] : memref<512xi32, #tpu.memory_space<vmem>>[vector<16xi32>], vector<16xi32>,
      %mul3A_162 = arith.constant 16 : i32
      %mul3A_163 = arith.muli %scan3A_144, %mul3A_162 : i32
      %add3A_164 = arith.constant 3 : i32
      %add3A_165 = arith.addi %mul3A_163, %add3A_164 : i32
      %broadcast_in_dim3A_166 = vector.broadcast %add3A_165 : i32 to vector<16xi32>
      %gather3A_167 = tpu.vector_load_idx %arg19[%broadcast_in_dim3A_166] : memref<512xi32, #tpu.memory_space<vmem>>[vector<16xi32>], vector<16xi32>,
      %mul3A_168 = arith.constant 16 : i32
      %mul3A_169 = arith.muli %scan3A_144, %mul3A_168 : i32
      %add3A_170 = arith.constant 4 : i32
      %add3A_171 = arith.addi %mul3A_169, %add3A_170 : i32
      %broadcast_in_dim3A_172 = vector.broadcast %add3A_171 : i32 to vector<16xi32>
      %gather3A_173 = tpu.vector_load_idx %arg19[%broadcast_in_dim3A_172] : memref<512xi32, #tpu.memory_space<vmem>>[vector<16xi32>], vector<16xi32>,
      %mul3A_174 = arith.constant 16 : i32
      %mul3A_175 = arith.muli %scan3A_144, %mul3A_174 : i32
      %add3A_176 = arith.constant 5 : i32
      %add3A_177 = arith.addi %mul3A_175, %add3A_176 : i32
      %broadcast_in_dim3A_178 = vector.broadcast %add3A_177 : i32 to vector<16xi32>
      %gather3A_179 = tpu.vector_load_idx %arg19[%broadcast_in_dim3A_178] : memref<512xi32, #tpu.memory_space<vmem>>[vector<16xi32>], vector<16xi32>,
      %mul3A_180 = arith.constant 16 : i32
      %mul3A_181 = arith.muli %scan3A_144, %mul3A_180 : i32
      %add3A_182 = arith.constant 6 : i32
      %add3A_183 = arith.addi %mul3A_181, %add3A_182 : i32
      %broadcast_in_dim3A_184 = vector.broadcast %add3A_183 : i32 to vector<16xi32>
      %gather3A_185 = tpu.vector_load_idx %arg19[%broadcast_in_dim3A_184] : memref<512xi32, #tpu.memory_space<vmem>>[vector<16xi32>], vector<16xi32>,
      %mul3A_186 = arith.constant 16 : i32
      %mul3A_187 = arith.muli %scan3A_144, %mul3A_186 : i32
      %add3A_188 = arith.constant 7 : i32
      %add3A_189 = arith.addi %mul3A_187, %add3A_188 : i32
      %broadcast_in_dim3A_190 = vector.broadcast %add3A_189 : i32 to vector<16xi32>
      %gather3A_191 = tpu.vector_load_idx %arg19[%broadcast_in_dim3A_190] : memref<512xi32, #tpu.memory_space<vmem>>[vector<16xi32>], vector<16xi32>,
      %mul3A_192 = arith.constant 16 : i32
      %mul3A_193 = arith.muli %scan3A_144, %mul3A_192 : i32
      %add3A_194 = arith.constant 8 : i32
      %add3A_195 = arith.addi %mul3A_193, %add3A_194 : i32
      %broadcast_in_dim3A_196 = vector.broadcast %add3A_195 : i32 to vector<16xi32>
      %gather3A_197 = tpu.vector_load_idx %arg19[%broadcast_in_dim3A_196] : memref<512xi32, #tpu.memory_space<vmem>>[vector<16xi32>], vector<16xi32>,
      %mul3A_198 = arith.constant 16 : i32
      %mul3A_199 = arith.muli %scan3A_144, %mul3A_198 : i32
      %add3A_200 = arith.constant 9 : i32
      %add3A_201 = arith.addi %mul3A_199, %add3A_200 : i32
      %broadcast_in_dim3A_202 = vector.broadcast %add3A_201 : i32 to vector<16xi32>
      %gather3A_203 = tpu.vector_load_idx %arg19[%broadcast_in_dim3A_202] : memref<512xi32, #tpu.memory_space<vmem>>[vector<16xi32>], vector<16xi32>,
      %lt3A_204 = arith.constant 32 : i32
      %lt3A_205 = vector.broadcast %lt3A_204 : i32 to vector<16xi32>
      %lt3A_206 = arith.cmpi slt, %gather3A, %lt3A_205 : vector<16xi32>
      %lt3A_207 = arith.constant 32 : i32
      %lt3A_208 = vector.broadcast %lt3A_207 : i32 to vector<16xi32>
      %lt3A_209 = arith.cmpi slt, %gather3A_155, %lt3A_208 : vector<16xi32>
      %lt3A_210 = arith.constant 32 : i32
      %lt3A_211 = vector.broadcast %lt3A_210 : i32 to vector<16xi32>
      %lt3A_212 = arith.cmpi slt, %gather3A_161, %lt3A_211 : vector<16xi32>
      %lt3A_213 = arith.constant 32 : i32
      %lt3A_214 = vector.broadcast %lt3A_213 : i32 to vector<16xi32>
      %lt3A_215 = arith.cmpi slt, %gather3A_167, %lt3A_214 : vector<16xi32>
      %lt3A_216 = arith.constant 32 : i32
      %lt3A_217 = vector.broadcast %lt3A_216 : i32 to vector<16xi32>
      %lt3A_218 = arith.cmpi slt, %gather3A_173, %lt3A_217 : vector<16xi32>
      %lt3A_219 = arith.constant 32 : i32
      %lt3A_220 = vector.broadcast %lt3A_219 : i32 to vector<16xi32>
      %lt3A_221 = arith.cmpi slt, %gather3A_179, %lt3A_220 : vector<16xi32>
      %lt3A_222 = arith.constant 32 : i32
      %lt3A_223 = vector.broadcast %lt3A_222 : i32 to vector<16xi32>
      %lt3A_224 = arith.cmpi slt, %gather3A_185, %lt3A_223 : vector<16xi32>
      %lt3A_225 = arith.constant 32 : i32
      %lt3A_226 = vector.broadcast %lt3A_225 : i32 to vector<16xi32>
      %lt3A_227 = arith.cmpi slt, %gather3A_191, %lt3A_226 : vector<16xi32>
      %lt3A_228 = arith.constant 32 : i32
      %lt3A_229 = vector.broadcast %lt3A_228 : i32 to vector<16xi32>
      %lt3A_230 = arith.cmpi slt, %gather3A_197, %lt3A_229 : vector<16xi32>
      %lt3A_231 = arith.constant 32 : i32
      %lt3A_232 = vector.broadcast %lt3A_231 : i32 to vector<16xi32>
      %lt3A_233 = arith.cmpi slt, %gather3A_203, %lt3A_232 : vector<16xi32>
      %sub3A_234 = arith.constant 32 : i32
      %sub3A_235 = vector.broadcast %sub3A_234 : i32 to vector<16xi32>
      %sub3A_236 = arith.subi %gather3A, %sub3A_235 : vector<16xi32>
      %select_n3A_237 = arith.select %lt3A_206, %gather3A, %sub3A_236 : vector<16xi1>, vector<16xi32>
      %sub3A_238 = arith.constant 32 : i32
      %sub3A_239 = vector.broadcast %sub3A_238 : i32 to vector<16xi32>
      %sub3A_240 = arith.subi %gather3A_155, %sub3A_239 : vector<16xi32>
      %select_n3A_241 = arith.select %lt3A_209, %gather3A_155, %sub3A_240 : vector<16xi1>, vector<16xi32>
      %sub3A_242 = arith.constant 32 : i32
      %sub3A_243 = vector.broadcast %sub3A_242 : i32 to vector<16xi32>
      %sub3A_244 = arith.subi %gather3A_161, %sub3A_243 : vector<16xi32>
      %select_n3A_245 = arith.select %lt3A_212, %gather3A_161, %sub3A_244 : vector<16xi1>, vector<16xi32>
      %sub3A_246 = arith.constant 32 : i32
      %sub3A_247 = vector.broadcast %sub3A_246 : i32 to vector<16xi32>
      %sub3A_248 = arith.subi %gather3A_167, %sub3A_247 : vector<16xi32>
      %select_n3A_249 = arith.select %lt3A_215, %gather3A_167, %sub3A_248 : vector<16xi1>, vector<16xi32>
      %sub3A_250 = arith.constant 32 : i32
      %sub3A_251 = vector.broadcast %sub3A_250 : i32 to vector<16xi32>
      %sub3A_252 = arith.subi %gather3A_173, %sub3A_251 : vector<16xi32>
      %select_n3A_253 = arith.select %lt3A_218, %gather3A_173, %sub3A_252 : vector<16xi1>, vector<16xi32>
      %sub3A_254 = arith.constant 32 : i32
      %sub3A_255 = vector.broadcast %sub3A_254 : i32 to vector<16xi32>
      %sub3A_256 = arith.subi %gather3A_179, %sub3A_255 : vector<16xi32>
      %select_n3A_257 = arith.select %lt3A_221, %gather3A_179, %sub3A_256 : vector<16xi1>, vector<16xi32>
      %sub3A_258 = arith.constant 32 : i32
      %sub3A_259 = vector.broadcast %sub3A_258 : i32 to vector<16xi32>
      %sub3A_260 = arith.subi %gather3A_185, %sub3A_259 : vector<16xi32>
      %select_n3A_261 = arith.select %lt3A_224, %gather3A_185, %sub3A_260 : vector<16xi1>, vector<16xi32>
      %sub3A_262 = arith.constant 32 : i32
      %sub3A_263 = vector.broadcast %sub3A_262 : i32 to vector<16xi32>
      %sub3A_264 = arith.subi %gather3A_191, %sub3A_263 : vector<16xi32>
      %select_n3A_265 = arith.select %lt3A_227, %gather3A_191, %sub3A_264 : vector<16xi1>, vector<16xi32>
      %sub3A_266 = arith.constant 32 : i32
      %sub3A_267 = vector.broadcast %sub3A_266 : i32 to vector<16xi32>
      %sub3A_268 = arith.subi %gather3A_197, %sub3A_267 : vector<16xi32>
      %select_n3A_269 = arith.select %lt3A_230, %gather3A_197, %sub3A_268 : vector<16xi1>, vector<16xi32>
      %sub3A_270 = arith.constant 32 : i32
      %sub3A_271 = vector.broadcast %sub3A_270 : i32 to vector<16xi32>
      %sub3A_272 = arith.subi %gather3A_203, %sub3A_271 : vector<16xi32>
      %select_n3A_273 = arith.select %lt3A_233, %gather3A_203, %sub3A_272 : vector<16xi1>, vector<16xi32>
      %broadcast_in_dim3A_274 = arith.constant 1 : i32
      %broadcast_in_dim3A_275 = vector.broadcast %broadcast_in_dim3A_274 : i32 to vector<16xi32>
      %shift_left3A = vector.broadcast %scan3A_144 : i32 to vector<16xi32>
      %shift_left3A_276 = arith.shli %broadcast_in_dim3A_275, %shift_left3A : vector<16xi32>
      %broadcast_in_dim3A_277 = vector.broadcast %scan3A_144 : i32 to vector<16xi32>
      %get3A = arith.constant 0 : index
      %get3A_278 = tpu.vector_load %arg17[%get3A] {strides = array<i32>} : memref<128xi32, #tpu.memory_space<vmem>>, vector<16xi32>,
      %get3A_279 = arith.constant 0 : index
      %get3A_280 = tpu.vector_load %arg18[%get3A_279] {strides = array<i32>} : memref<128xi32, #tpu.memory_space<vmem>>, vector<16xi32>,
      %broadcast_in_dim3A_281 = arith.constant 0 : i32
      %broadcast_in_dim3A_282 = vector.broadcast %broadcast_in_dim3A_281 : i32 to vector<16xi32>
      %select_n3A_283 = arith.select %lt3A_206, %get3A_278, %get3A_280 : vector<16xi1>, vector<16xi32>
      %shift_right_arithmetic3A = arith.shrsi %select_n3A_283, %select_n3A_237 : vector<16xi32>
      %and3A_284 = arith.constant 1 : i32
      %and3A_285 = vector.broadcast %and3A_284 : i32 to vector<16xi32>
      %and3A_286 = arith.andi %shift_right_arithmetic3A, %and3A_285 : vector<16xi32>
      %shift_left3A_287 = arith.constant 0 : i32
      %shift_left3A_288 = vector.broadcast %shift_left3A_287 : i32 to vector<16xi32>
      %shift_left3A_289 = arith.shli %and3A_286, %shift_left3A_288 : vector<16xi32>
      %or3A = arith.ori %broadcast_in_dim3A_282, %shift_left3A_289 : vector<16xi32>
      %select_n3A_290 = arith.select %lt3A_209, %get3A_278, %get3A_280 : vector<16xi1>, vector<16xi32>
      %shift_right_arithmetic3A_291 = arith.shrsi %select_n3A_290, %select_n3A_241 : vector<16xi32>
      %and3A_292 = arith.constant 1 : i32
      %and3A_293 = vector.broadcast %and3A_292 : i32 to vector<16xi32>
      %and3A_294 = arith.andi %shift_right_arithmetic3A_291, %and3A_293 : vector<16xi32>
      %shift_left3A_295 = arith.constant 1 : i32
      %shift_left3A_296 = vector.broadcast %shift_left3A_295 : i32 to vector<16xi32>
      %shift_left3A_297 = arith.shli %and3A_294, %shift_left3A_296 : vector<16xi32>
      %or3A_298 = arith.ori %or3A, %shift_left3A_297 : vector<16xi32>
      %select_n3A_299 = arith.select %lt3A_212, %get3A_278, %get3A_280 : vector<16xi1>, vector<16xi32>
      %shift_right_arithmetic3A_300 = arith.shrsi %select_n3A_299, %select_n3A_245 : vector<16xi32>
      %and3A_301 = arith.constant 1 : i32
      %and3A_302 = vector.broadcast %and3A_301 : i32 to vector<16xi32>
      %and3A_303 = arith.andi %shift_right_arithmetic3A_300, %and3A_302 : vector<16xi32>
      %shift_left3A_304 = arith.constant 2 : i32
      %shift_left3A_305 = vector.broadcast %shift_left3A_304 : i32 to vector<16xi32>
      %shift_left3A_306 = arith.shli %and3A_303, %shift_left3A_305 : vector<16xi32>
      %or3A_307 = arith.ori %or3A_298, %shift_left3A_306 : vector<16xi32>
      %select_n3A_308 = arith.select %lt3A_215, %get3A_278, %get3A_280 : vector<16xi1>, vector<16xi32>
      %shift_right_arithmetic3A_309 = arith.shrsi %select_n3A_308, %select_n3A_249 : vector<16xi32>
      %and3A_310 = arith.constant 1 : i32
      %and3A_311 = vector.broadcast %and3A_310 : i32 to vector<16xi32>
      %and3A_312 = arith.andi %shift_right_arithmetic3A_309, %and3A_311 : vector<16xi32>
      %shift_left3A_313 = arith.constant 3 : i32
      %shift_left3A_314 = vector.broadcast %shift_left3A_313 : i32 to vector<16xi32>
      %shift_left3A_315 = arith.shli %and3A_312, %shift_left3A_314 : vector<16xi32>
      %or3A_316 = arith.ori %or3A_307, %shift_left3A_315 : vector<16xi32>
      %select_n3A_317 = arith.select %lt3A_218, %get3A_278, %get3A_280 : vector<16xi1>, vector<16xi32>
      %shift_right_arithmetic3A_318 = arith.shrsi %select_n3A_317, %select_n3A_253 : vector<16xi32>
      %and3A_319 = arith.constant 1 : i32
      %and3A_320 = vector.broadcast %and3A_319 : i32 to vector<16xi32>
      %and3A_321 = arith.andi %shift_right_arithmetic3A_318, %and3A_320 : vector<16xi32>
      %shift_left3A_322 = arith.constant 4 : i32
      %shift_left3A_323 = vector.broadcast %shift_left3A_322 : i32 to vector<16xi32>
      %shift_left3A_324 = arith.shli %and3A_321, %shift_left3A_323 : vector<16xi32>
      %or3A_325 = arith.ori %or3A_316, %shift_left3A_324 : vector<16xi32>
      %select_n3A_326 = arith.select %lt3A_221, %get3A_278, %get3A_280 : vector<16xi1>, vector<16xi32>
      %shift_right_arithmetic3A_327 = arith.shrsi %select_n3A_326, %select_n3A_257 : vector<16xi32>
      %and3A_328 = arith.constant 1 : i32
      %and3A_329 = vector.broadcast %and3A_328 : i32 to vector<16xi32>
      %and3A_330 = arith.andi %shift_right_arithmetic3A_327, %and3A_329 : vector<16xi32>
      %shift_left3A_331 = arith.constant 5 : i32
      %shift_left3A_332 = vector.broadcast %shift_left3A_331 : i32 to vector<16xi32>
      %shift_left3A_333 = arith.shli %and3A_330, %shift_left3A_332 : vector<16xi32>
      %or3A_334 = arith.ori %or3A_325, %shift_left3A_333 : vector<16xi32>
      %select_n3A_335 = arith.select %lt3A_224, %get3A_278, %get3A_280 : vector<16xi1>, vector<16xi32>
      %shift_right_arithmetic3A_336 = arith.shrsi %select_n3A_335, %select_n3A_261 : vector<16xi32>
      %and3A_337 = arith.constant 1 : i32
      %and3A_338 = vector.broadcast %and3A_337 : i32 to vector<16xi32>
      %and3A_339 = arith.andi %shift_right_arithmetic3A_336, %and3A_338 : vector<16xi32>
      %shift_left3A_340 = arith.constant 6 : i32
      %shift_left3A_341 = vector.broadcast %shift_left3A_340 : i32 to vector<16xi32>
      %shift_left3A_342 = arith.shli %and3A_339, %shift_left3A_341 : vector<16xi32>
      %or3A_343 = arith.ori %or3A_334, %shift_left3A_342 : vector<16xi32>
      %select_n3A_344 = arith.select %lt3A_227, %get3A_278, %get3A_280 : vector<16xi1>, vector<16xi32>
      %shift_right_arithmetic3A_345 = arith.shrsi %select_n3A_344, %select_n3A_265 : vector<16xi32>
      %and3A_346 = arith.constant 1 : i32
      %and3A_347 = vector.broadcast %and3A_346 : i32 to vector<16xi32>
      %and3A_348 = arith.andi %shift_right_arithmetic3A_345, %and3A_347 : vector<16xi32>
      %shift_left3A_349 = arith.constant 7 : i32
      %shift_left3A_350 = vector.broadcast %shift_left3A_349 : i32 to vector<16xi32>
      %shift_left3A_351 = arith.shli %and3A_348, %shift_left3A_350 : vector<16xi32>
      %or3A_352 = arith.ori %or3A_343, %shift_left3A_351 : vector<16xi32>
      %select_n3A_353 = arith.select %lt3A_230, %get3A_278, %get3A_280 : vector<16xi1>, vector<16xi32>
      %shift_right_arithmetic3A_354 = arith.shrsi %select_n3A_353, %select_n3A_269 : vector<16xi32>
      %and3A_355 = arith.constant 1 : i32
      %and3A_356 = vector.broadcast %and3A_355 : i32 to vector<16xi32>
      %and3A_357 = arith.andi %shift_right_arithmetic3A_354, %and3A_356 : vector<16xi32>
      %shift_left3A_358 = arith.constant 8 : i32
      %shift_left3A_359 = vector.broadcast %shift_left3A_358 : i32 to vector<16xi32>
      %shift_left3A_360 = arith.shli %and3A_357, %shift_left3A_359 : vector<16xi32>
      %or3A_361 = arith.ori %or3A_352, %shift_left3A_360 : vector<16xi32>
      %select_n3A_362 = arith.select %lt3A_233, %get3A_278, %get3A_280 : vector<16xi1>, vector<16xi32>
      %shift_right_arithmetic3A_363 = arith.shrsi %select_n3A_362, %select_n3A_273 : vector<16xi32>
      %and3A_364 = arith.constant 1 : i32
      %and3A_365 = vector.broadcast %and3A_364 : i32 to vector<16xi32>
      %and3A_366 = arith.andi %shift_right_arithmetic3A_363, %and3A_365 : vector<16xi32>
      %shift_left3A_367 = arith.constant 9 : i32
      %shift_left3A_368 = vector.broadcast %shift_left3A_367 : i32 to vector<16xi32>
      %shift_left3A_369 = arith.shli %and3A_366, %shift_left3A_368 : vector<16xi32>
      %or3A_370 = arith.ori %or3A_361, %shift_left3A_369 : vector<16xi32>
      %gather3A_371 = tpu.vector_load_idx %arg20[%broadcast_in_dim3A_277, %or3A_370] : memref<32x1024xf32, #tpu.memory_space<vmem>>[vector<16xi32>, vector<16xi32>], vector<16xf32>,
      %get3A_372 = arith.constant 0 : index
      %get3A_373 = tpu.vector_load %arg21[%get3A_372] {strides = array<i32>} : memref<128xi32, #tpu.memory_space<vmem>>, vector<16xi32>,
      %gt3A = arith.constant 5.000000e-01 : f32
      %gt3A_374 = vector.broadcast %gt3A : f32 to vector<16xf32>
      %gt3A_375 = arith.cmpf ogt, %gather3A_371, %gt3A_374 : vector<16xf32>
      %jit3A_376 = arith.constant 0 : i32
      %broadcast_in_dim3A_377 = vector.broadcast %jit3A_376 : i32 to vector<16xi32>
      %select_n3A_378 = arith.select %gt3A_375, %shift_left3A_276, %broadcast_in_dim3A_377 : vector<16xi1>, vector<16xi32>
      %or3A_379 = arith.ori %get3A_373, %select_n3A_378 : vector<16xi32>
      %swap3A_380 = arith.constant 0 : index
      %swap3A_381 = tpu.vector_load %arg21[%swap3A_380] {strides = array<i32>} : memref<128xi32, #tpu.memory_space<vmem>>, vector<16xi32>,
      tpu.vector_store %arg21[%swap3A_380], %or3A_379 {strides = array<i32>} : memref<128xi32, #tpu.memory_space<vmem>>, vector<16xi32>,
      %get3A_382 = arith.constant 16 : index
      %get3A_383 = tpu.vector_load %arg17[%get3A_382] {strides = array<i32>} : memref<128xi32, #tpu.memory_space<vmem>>, vector<16xi32>,
      %get3A_384 = arith.constant 16 : index
      %get3A_385 = tpu.vector_load %arg18[%get3A_384] {strides = array<i32>} : memref<128xi32, #tpu.memory_space<vmem>>, vector<16xi32>,
      %broadcast_in_dim3A_386 = arith.constant 0 : i32
      %broadcast_in_dim3A_387 = vector.broadcast %broadcast_in_dim3A_386 : i32 to vector<16xi32>
      %select_n3A_388 = arith.select %lt3A_206, %get3A_383, %get3A_385 : vector<16xi1>, vector<16xi32>
      %shift_right_arithmetic3A_389 = arith.shrsi %select_n3A_388, %select_n3A_237 : vector<16xi32>
      %and3A_390 = arith.constant 1 : i32
      %and3A_391 = vector.broadcast %and3A_390 : i32 to vector<16xi32>
      %and3A_392 = arith.andi %shift_right_arithmetic3A_389, %and3A_391 : vector<16xi32>
      %shift_left3A_393 = arith.constant 0 : i32
      %shift_left3A_394 = vector.broadcast %shift_left3A_393 : i32 to vector<16xi32>
      %shift_left3A_395 = arith.shli %and3A_392, %shift_left3A_394 : vector<16xi32>
      %or3A_396 = arith.ori %broadcast_in_dim3A_387, %shift_left3A_395 : vector<16xi32>
      %select_n3A_397 = arith.select %lt3A_209, %get3A_383, %get3A_385 : vector<16xi1>, vector<16xi32>
      %shift_right_arithmetic3A_398 = arith.shrsi %select_n3A_397, %select_n3A_241 : vector<16xi32>
      %and3A_399 = arith.constant 1 : i32
      %and3A_400 = vector.broadcast %and3A_399 : i32 to vector<16xi32>
      %and3A_401 = arith.andi %shift_right_arithmetic3A_398, %and3A_400 : vector<16xi32>
      %shift_left3A_402 = arith.constant 1 : i32
      %shift_left3A_403 = vector.broadcast %shift_left3A_402 : i32 to vector<16xi32>
      %shift_left3A_404 = arith.shli %and3A_401, %shift_left3A_403 : vector<16xi32>
      %or3A_405 = arith.ori %or3A_396, %shift_left3A_404 : vector<16xi32>
      %select_n3A_406 = arith.select %lt3A_212, %get3A_383, %get3A_385 : vector<16xi1>, vector<16xi32>
      %shift_right_arithmetic3A_407 = arith.shrsi %select_n3A_406, %select_n3A_245 : vector<16xi32>
      %and3A_408 = arith.constant 1 : i32
      %and3A_409 = vector.broadcast %and3A_408 : i32 to vector<16xi32>
      %and3A_410 = arith.andi %shift_right_arithmetic3A_407, %and3A_409 : vector<16xi32>
      %shift_left3A_411 = arith.constant 2 : i32
      %shift_left3A_412 = vector.broadcast %shift_left3A_411 : i32 to vector<16xi32>
      %shift_left3A_413 = arith.shli %and3A_410, %shift_left3A_412 : vector<16xi32>
      %or3A_414 = arith.ori %or3A_405, %shift_left3A_413 : vector<16xi32>
      %select_n3A_415 = arith.select %lt3A_215, %get3A_383, %get3A_385 : vector<16xi1>, vector<16xi32>
      %shift_right_arithmetic3A_416 = arith.shrsi %select_n3A_415, %select_n3A_249 : vector<16xi32>
      %and3A_417 = arith.constant 1 : i32
      %and3A_418 = vector.broadcast %and3A_417 : i32 to vector<16xi32>
      %and3A_419 = arith.andi %shift_right_arithmetic3A_416, %and3A_418 : vector<16xi32>
      %shift_left3A_420 = arith.constant 3 : i32
      %shift_left3A_421 = vector.broadcast %shift_left3A_420 : i32 to vector<16xi32>
      %shift_left3A_422 = arith.shli %and3A_419, %shift_left3A_421 : vector<16xi32>
      %or3A_423 = arith.ori %or3A_414, %shift_left3A_422 : vector<16xi32>
      %select_n3A_424 = arith.select %lt3A_218, %get3A_383, %get3A_385 : vector<16xi1>, vector<16xi32>
      %shift_right_arithmetic3A_425 = arith.shrsi %select_n3A_424, %select_n3A_253 : vector<16xi32>
      %and3A_426 = arith.constant 1 : i32
      %and3A_427 = vector.broadcast %and3A_426 : i32 to vector<16xi32>
      %and3A_428 = arith.andi %shift_right_arithmetic3A_425, %and3A_427 : vector<16xi32>
      %shift_left3A_429 = arith.constant 4 : i32
      %shift_left3A_430 = vector.broadcast %shift_left3A_429 : i32 to vector<16xi32>
      %shift_left3A_431 = arith.shli %and3A_428, %shift_left3A_430 : vector<16xi32>
      %or3A_432 = arith.ori %or3A_423, %shift_left3A_431 : vector<16xi32>
      %select_n3A_433 = arith.select %lt3A_221, %get3A_383, %get3A_385 : vector<16xi1>, vector<16xi32>
      %shift_right_arithmetic3A_434 = arith.shrsi %select_n3A_433, %select_n3A_257 : vector<16xi32>
      %and3A_435 = arith.constant 1 : i32
      %and3A_436 = vector.broadcast %and3A_435 : i32 to vector<16xi32>
      %and3A_437 = arith.andi %shift_right_arithmetic3A_434, %and3A_436 : vector<16xi32>
      %shift_left3A_438 = arith.constant 5 : i32
      %shift_left3A_439 = vector.broadcast %shift_left3A_438 : i32 to vector<16xi32>
      %shift_left3A_440 = arith.shli %and3A_437, %shift_left3A_439 : vector<16xi32>
      %or3A_441 = arith.ori %or3A_432, %shift_left3A_440 : vector<16xi32>
      %select_n3A_442 = arith.select %lt3A_224, %get3A_383, %get3A_385 : vector<16xi1>, vector<16xi32>
      %shift_right_arithmetic3A_443 = arith.shrsi %select_n3A_442, %select_n3A_261 : vector<16xi32>
      %and3A_444 = arith.constant 1 : i32
      %and3A_445 = vector.broadcast %and3A_444 : i32 to vector<16xi32>
      %and3A_446 = arith.andi %shift_right_arithmetic3A_443, %and3A_445 : vector<16xi32>
      %shift_left3A_447 = arith.constant 6 : i32
      %shift_left3A_448 = vector.broadcast %shift_left3A_447 : i32 to vector<16xi32>
      %shift_left3A_449 = arith.shli %and3A_446, %shift_left3A_448 : vector<16xi32>
      %or3A_450 = arith.ori %or3A_441, %shift_left3A_449 : vector<16xi32>
      %select_n3A_451 = arith.select %lt3A_227, %get3A_383, %get3A_385 : vector<16xi1>, vector<16xi32>
      %shift_right_arithmetic3A_452 = arith.shrsi %select_n3A_451, %select_n3A_265 : vector<16xi32>
      %and3A_453 = arith.constant 1 : i32
      %and3A_454 = vector.broadcast %and3A_453 : i32 to vector<16xi32>
      %and3A_455 = arith.andi %shift_right_arithmetic3A_452, %and3A_454 : vector<16xi32>
      %shift_left3A_456 = arith.constant 7 : i32
      %shift_left3A_457 = vector.broadcast %shift_left3A_456 : i32 to vector<16xi32>
      %shift_left3A_458 = arith.shli %and3A_455, %shift_left3A_457 : vector<16xi32>
      %or3A_459 = arith.ori %or3A_450, %shift_left3A_458 : vector<16xi32>
      %select_n3A_460 = arith.select %lt3A_230, %get3A_383, %get3A_385 : vector<16xi1>, vector<16xi32>
      %shift_right_arithmetic3A_461 = arith.shrsi %select_n3A_460, %select_n3A_269 : vector<16xi32>
      %and3A_462 = arith.constant 1 : i32
      %and3A_463 = vector.broadcast %and3A_462 : i32 to vector<16xi32>
      %and3A_464 = arith.andi %shift_right_arithmetic3A_461, %and3A_463 : vector<16xi32>
      %shift_left3A_465 = arith.constant 8 : i32
      %shift_left3A_466 = vector.broadcast %shift_left3A_465 : i32 to vector<16xi32>
      %shift_left3A_467 = arith.shli %and3A_464, %shift_left3A_466 : vector<16xi32>
      %or3A_468 = arith.ori %or3A_459, %shift_left3A_467 : vector<16xi32>
      %select_n3A_469 = arith.select %lt3A_233, %get3A_383, %get3A_385 : vector<16xi1>, vector<16xi32>
      %shift_right_arithmetic3A_470 = arith.shrsi %select_n3A_469, %select_n3A_273 : vector<16xi32>
      %and3A_471 = arith.constant 1 : i32
      %and3A_472 = vector.broadcast %and3A_471 : i32 to vector<16xi32>
      %and3A_473 = arith.andi %shift_right_arithmetic3A_470, %and3A_472 : vector<16xi32>
      %shift_left3A_474 = arith.constant 9 : i32
      %shift_left3A_475 = vector.broadcast %shift_left3A_474 : i32 to vector<16xi32>
      %shift_left3A_476 = arith.shli %and3A_473, %shift_left3A_475 : vector<16xi32>
      %or3A_477 = arith.ori %or3A_468, %shift_left3A_476 : vector<16xi32>
      %gather3A_478 = tpu.vector_load_idx %arg20[%broadcast_in_dim3A_277, %or3A_477] : memref<32x1024xf32, #tpu.memory_space<vmem>>[vector<16xi32>, vector<16xi32>], vector<16xf32>,
      %get3A_479 = arith.constant 16 : index
      %get3A_480 = tpu.vector_load %arg21[%get3A_479] {strides = array<i32>} : memref<128xi32, #tpu.memory_space<vmem>>, vector<16xi32>,
      %gt3A_481 = arith.constant 5.000000e-01 : f32
      %gt3A_482 = vector.broadcast %gt3A_481 : f32 to vector<16xf32>
      %gt3A_483 = arith.cmpf ogt, %gather3A_478, %gt3A_482 : vector<16xf32>
      %jit3A_484 = arith.constant 0 : i32
      %broadcast_in_dim3A_485 = vector.broadcast %jit3A_484 : i32 to vector<16xi32>
      %select_n3A_486 = arith.select %gt3A_483, %shift_left3A_276, %broadcast_in_dim3A_485 : vector<16xi1>, vector<16xi32>
      %or3A_487 = arith.ori %get3A_480, %select_n3A_486 : vector<16xi32>
      %swap3A_488 = arith.constant 16 : index
      %swap3A_489 = tpu.vector_load %arg21[%swap3A_488] {strides = array<i32>} : memref<128xi32, #tpu.memory_space<vmem>>, vector<16xi32>,
      tpu.vector_store %arg21[%swap3A_488], %or3A_487 {strides = array<i32>} : memref<128xi32, #tpu.memory_space<vmem>>, vector<16xi32>,
      %get3A_490 = arith.constant 32 : index
      %get3A_491 = tpu.vector_load %arg17[%get3A_490] {strides = array<i32>} : memref<128xi32, #tpu.memory_space<vmem>>, vector<16xi32>,
      %get3A_492 = arith.constant 32 : index
      %get3A_493 = tpu.vector_load %arg18[%get3A_492] {strides = array<i32>} : memref<128xi32, #tpu.memory_space<vmem>>, vector<16xi32>,
      %broadcast_in_dim3A_494 = arith.constant 0 : i32
      %broadcast_in_dim3A_495 = vector.broadcast %broadcast_in_dim3A_494 : i32 to vector<16xi32>
      %select_n3A_496 = arith.select %lt3A_206, %get3A_491, %get3A_493 : vector<16xi1>, vector<16xi32>
      %shift_right_arithmetic3A_497 = arith.shrsi %select_n3A_496, %select_n3A_237 : vector<16xi32>
      %and3A_498 = arith.constant 1 : i32
      %and3A_499 = vector.broadcast %and3A_498 : i32 to vector<16xi32>
      %and3A_500 = arith.andi %shift_right_arithmetic3A_497, %and3A_499 : vector<16xi32>
      %shift_left3A_501 = arith.constant 0 : i32
      %shift_left3A_502 = vector.broadcast %shift_left3A_501 : i32 to vector<16xi32>
      %shift_left3A_503 = arith.shli %and3A_500, %shift_left3A_502 : vector<16xi32>
      %or3A_504 = arith.ori %broadcast_in_dim3A_495, %shift_left3A_503 : vector<16xi32>
      %select_n3A_505 = arith.select %lt3A_209, %get3A_491, %get3A_493 : vector<16xi1>, vector<16xi32>
      %shift_right_arithmetic3A_506 = arith.shrsi %select_n3A_505, %select_n3A_241 : vector<16xi32>
      %and3A_507 = arith.constant 1 : i32
      %and3A_508 = vector.broadcast %and3A_507 : i32 to vector<16xi32>
      %and3A_509 = arith.andi %shift_right_arithmetic3A_506, %and3A_508 : vector<16xi32>
      %shift_left3A_510 = arith.constant 1 : i32
      %shift_left3A_511 = vector.broadcast %shift_left3A_510 : i32 to vector<16xi32>
      %shift_left3A_512 = arith.shli %and3A_509, %shift_left3A_511 : vector<16xi32>
      %or3A_513 = arith.ori %or3A_504, %shift_left3A_512 : vector<16xi32>
      %select_n3A_514 = arith.select %lt3A_212, %get3A_491, %get3A_493 : vector<16xi1>, vector<16xi32>
      %shift_right_arithmetic3A_515 = arith.shrsi %select_n3A_514, %select_n3A_245 : vector<16xi32>
      %and3A_516 = arith.constant 1 : i32
      %and3A_517 = vector.broadcast %and3A_516 : i32 to vector<16xi32>
      %and3A_518 = arith.andi %shift_right_arithmetic3A_515, %and3A_517 : vector<16xi32>
      %shift_left3A_519 = arith.constant 2 : i32
      %shift_left3A_520 = vector.broadcast %shift_left3A_519 : i32 to vector<16xi32>
      %shift_left3A_521 = arith.shli %and3A_518, %shift_left3A_520 : vector<16xi32>
      %or3A_522 = arith.ori %or3A_513, %shift_left3A_521 : vector<16xi32>
      %select_n3A_523 = arith.select %lt3A_215, %get3A_491, %get3A_493 : vector<16xi1>, vector<16xi32>
      %shift_right_arithmetic3A_524 = arith.shrsi %select_n3A_523, %select_n3A_249 : vector<16xi32>
      %and3A_525 = arith.constant 1 : i32
      %and3A_526 = vector.broadcast %and3A_525 : i32 to vector<16xi32>
      %and3A_527 = arith.andi %shift_right_arithmetic3A_524, %and3A_526 : vector<16xi32>
      %shift_left3A_528 = arith.constant 3 : i32
      %shift_left3A_529 = vector.broadcast %shift_left3A_528 : i32 to vector<16xi32>
      %shift_left3A_530 = arith.shli %and3A_527, %shift_left3A_529 : vector<16xi32>
      %or3A_531 = arith.ori %or3A_522, %shift_left3A_530 : vector<16xi32>
      %select_n3A_532 = arith.select %lt3A_218, %get3A_491, %get3A_493 : vector<16xi1>, vector<16xi32>
      %shift_right_arithmetic3A_533 = arith.shrsi %select_n3A_532, %select_n3A_253 : vector<16xi32>
      %and3A_534 = arith.constant 1 : i32
      %and3A_535 = vector.broadcast %and3A_534 : i32 to vector<16xi32>
      %and3A_536 = arith.andi %shift_right_arithmetic3A_533, %and3A_535 : vector<16xi32>
      %shift_left3A_537 = arith.constant 4 : i32
      %shift_left3A_538 = vector.broadcast %shift_left3A_537 : i32 to vector<16xi32>
      %shift_left3A_539 = arith.shli %and3A_536, %shift_left3A_538 : vector<16xi32>
      %or3A_540 = arith.ori %or3A_531, %shift_left3A_539 : vector<16xi32>
      %select_n3A_541 = arith.select %lt3A_221, %get3A_491, %get3A_493 : vector<16xi1>, vector<16xi32>
      %shift_right_arithmetic3A_542 = arith.shrsi %select_n3A_541, %select_n3A_257 : vector<16xi32>
      %and3A_543 = arith.constant 1 : i32
      %and3A_544 = vector.broadcast %and3A_543 : i32 to vector<16xi32>
      %and3A_545 = arith.andi %shift_right_arithmetic3A_542, %and3A_544 : vector<16xi32>
      %shift_left3A_546 = arith.constant 5 : i32
      %shift_left3A_547 = vector.broadcast %shift_left3A_546 : i32 to vector<16xi32>
      %shift_left3A_548 = arith.shli %and3A_545, %shift_left3A_547 : vector<16xi32>
      %or3A_549 = arith.ori %or3A_540, %shift_left3A_548 : vector<16xi32>
      %select_n3A_550 = arith.select %lt3A_224, %get3A_491, %get3A_493 : vector<16xi1>, vector<16xi32>
      %shift_right_arithmetic3A_551 = arith.shrsi %select_n3A_550, %select_n3A_261 : vector<16xi32>
      %and3A_552 = arith.constant 1 : i32
      %and3A_553 = vector.broadcast %and3A_552 : i32 to vector<16xi32>
      %and3A_554 = arith.andi %shift_right_arithmetic3A_551, %and3A_553 : vector<16xi32>
      %shift_left3A_555 = arith.constant 6 : i32
      %shift_left3A_556 = vector.broadcast %shift_left3A_555 : i32 to vector<16xi32>
      %shift_left3A_557 = arith.shli %and3A_554, %shift_left3A_556 : vector<16xi32>
      %or3A_558 = arith.ori %or3A_549, %shift_left3A_557 : vector<16xi32>
      %select_n3A_559 = arith.select %lt3A_227, %get3A_491, %get3A_493 : vector<16xi1>, vector<16xi32>
      %shift_right_arithmetic3A_560 = arith.shrsi %select_n3A_559, %select_n3A_265 : vector<16xi32>
      %and3A_561 = arith.constant 1 : i32
      %and3A_562 = vector.broadcast %and3A_561 : i32 to vector<16xi32>
      %and3A_563 = arith.andi %shift_right_arithmetic3A_560, %and3A_562 : vector<16xi32>
      %shift_left3A_564 = arith.constant 7 : i32
      %shift_left3A_565 = vector.broadcast %shift_left3A_564 : i32 to vector<16xi32>
      %shift_left3A_566 = arith.shli %and3A_563, %shift_left3A_565 : vector<16xi32>
      %or3A_567 = arith.ori %or3A_558, %shift_left3A_566 : vector<16xi32>
      %select_n3A_568 = arith.select %lt3A_230, %get3A_491, %get3A_493 : vector<16xi1>, vector<16xi32>
      %shift_right_arithmetic3A_569 = arith.shrsi %select_n3A_568, %select_n3A_269 : vector<16xi32>
      %and3A_570 = arith.constant 1 : i32
      %and3A_571 = vector.broadcast %and3A_570 : i32 to vector<16xi32>
      %and3A_572 = arith.andi %shift_right_arithmetic3A_569, %and3A_571 : vector<16xi32>
      %shift_left3A_573 = arith.constant 8 : i32
      %shift_left3A_574 = vector.broadcast %shift_left3A_573 : i32 to vector<16xi32>
      %shift_left3A_575 = arith.shli %and3A_572, %shift_left3A_574 : vector<16xi32>
      %or3A_576 = arith.ori %or3A_567, %shift_left3A_575 : vector<16xi32>
      %select_n3A_577 = arith.select %lt3A_233, %get3A_491, %get3A_493 : vector<16xi1>, vector<16xi32>
      %shift_right_arithmetic3A_578 = arith.shrsi %select_n3A_577, %select_n3A_273 : vector<16xi32>
      %and3A_579 = arith.constant 1 : i32
      %and3A_580 = vector.broadcast %and3A_579 : i32 to vector<16xi32>
      %and3A_581 = arith.andi %shift_right_arithmetic3A_578, %and3A_580 : vector<16xi32>
      %shift_left3A_582 = arith.constant 9 : i32
      %shift_left3A_583 = vector.broadcast %shift_left3A_582 : i32 to vector<16xi32>
      %shift_left3A_584 = arith.shli %and3A_581, %shift_left3A_583 : vector<16xi32>
      %or3A_585 = arith.ori %or3A_576, %shift_left3A_584 : vector<16xi32>
      %gather3A_586 = tpu.vector_load_idx %arg20[%broadcast_in_dim3A_277, %or3A_585] : memref<32x1024xf32, #tpu.memory_space<vmem>>[vector<16xi32>, vector<16xi32>], vector<16xf32>,
      %get3A_587 = arith.constant 32 : index
      %get3A_588 = tpu.vector_load %arg21[%get3A_587] {strides = array<i32>} : memref<128xi32, #tpu.memory_space<vmem>>, vector<16xi32>,
      %gt3A_589 = arith.constant 5.000000e-01 : f32
      %gt3A_590 = vector.broadcast %gt3A_589 : f32 to vector<16xf32>
      %gt3A_591 = arith.cmpf ogt, %gather3A_586, %gt3A_590 : vector<16xf32>
      %jit3A_592 = arith.constant 0 : i32
      %broadcast_in_dim3A_593 = vector.broadcast %jit3A_592 : i32 to vector<16xi32>
      %select_n3A_594 = arith.select %gt3A_591, %shift_left3A_276, %broadcast_in_dim3A_593 : vector<16xi1>, vector<16xi32>
      %or3A_595 = arith.ori %get3A_588, %select_n3A_594 : vector<16xi32>
      %swap3A_596 = arith.constant 32 : index
      %swap3A_597 = tpu.vector_load %arg21[%swap3A_596] {strides = array<i32>} : memref<128xi32, #tpu.memory_space<vmem>>, vector<16xi32>,
      tpu.vector_store %arg21[%swap3A_596], %or3A_595 {strides = array<i32>} : memref<128xi32, #tpu.memory_space<vmem>>, vector<16xi32>,
      %get3A_598 = arith.constant 48 : index
      %get3A_599 = tpu.vector_load %arg17[%get3A_598] {strides = array<i32>} : memref<128xi32, #tpu.memory_space<vmem>>, vector<16xi32>,
      %get3A_600 = arith.constant 48 : index
      %get3A_601 = tpu.vector_load %arg18[%get3A_600] {strides = array<i32>} : memref<128xi32, #tpu.memory_space<vmem>>, vector<16xi32>,
      %broadcast_in_dim3A_602 = arith.constant 0 : i32
      %broadcast_in_dim3A_603 = vector.broadcast %broadcast_in_dim3A_602 : i32 to vector<16xi32>
      %select_n3A_604 = arith.select %lt3A_206, %get3A_599, %get3A_601 : vector<16xi1>, vector<16xi32>
      %shift_right_arithmetic3A_605 = arith.shrsi %select_n3A_604, %select_n3A_237 : vector<16xi32>
      %and3A_606 = arith.constant 1 : i32
      %and3A_607 = vector.broadcast %and3A_606 : i32 to vector<16xi32>
      %and3A_608 = arith.andi %shift_right_arithmetic3A_605, %and3A_607 : vector<16xi32>
      %shift_left3A_609 = arith.constant 0 : i32
      %shift_left3A_610 = vector.broadcast %shift_left3A_609 : i32 to vector<16xi32>
      %shift_left3A_611 = arith.shli %and3A_608, %shift_left3A_610 : vector<16xi32>
      %or3A_612 = arith.ori %broadcast_in_dim3A_603, %shift_left3A_611 : vector<16xi32>
      %select_n3A_613 = arith.select %lt3A_209, %get3A_599, %get3A_601 : vector<16xi1>, vector<16xi32>
      %shift_right_arithmetic3A_614 = arith.shrsi %select_n3A_613, %select_n3A_241 : vector<16xi32>
      %and3A_615 = arith.constant 1 : i32
      %and3A_616 = vector.broadcast %and3A_615 : i32 to vector<16xi32>
      %and3A_617 = arith.andi %shift_right_arithmetic3A_614, %and3A_616 : vector<16xi32>
      %shift_left3A_618 = arith.constant 1 : i32
      %shift_left3A_619 = vector.broadcast %shift_left3A_618 : i32 to vector<16xi32>
      %shift_left3A_620 = arith.shli %and3A_617, %shift_left3A_619 : vector<16xi32>
      %or3A_621 = arith.ori %or3A_612, %shift_left3A_620 : vector<16xi32>
      %select_n3A_622 = arith.select %lt3A_212, %get3A_599, %get3A_601 : vector<16xi1>, vector<16xi32>
      %shift_right_arithmetic3A_623 = arith.shrsi %select_n3A_622, %select_n3A_245 : vector<16xi32>
      %and3A_624 = arith.constant 1 : i32
      %and3A_625 = vector.broadcast %and3A_624 : i32 to vector<16xi32>
      %and3A_626 = arith.andi %shift_right_arithmetic3A_623, %and3A_625 : vector<16xi32>
      %shift_left3A_627 = arith.constant 2 : i32
      %shift_left3A_628 = vector.broadcast %shift_left3A_627 : i32 to vector<16xi32>
      %shift_left3A_629 = arith.shli %and3A_626, %shift_left3A_628 : vector<16xi32>
      %or3A_630 = arith.ori %or3A_621, %shift_left3A_629 : vector<16xi32>
      %select_n3A_631 = arith.select %lt3A_215, %get3A_599, %get3A_601 : vector<16xi1>, vector<16xi32>
      %shift_right_arithmetic3A_632 = arith.shrsi %select_n3A_631, %select_n3A_249 : vector<16xi32>
      %and3A_633 = arith.constant 1 : i32
      %and3A_634 = vector.broadcast %and3A_633 : i32 to vector<16xi32>
      %and3A_635 = arith.andi %shift_right_arithmetic3A_632, %and3A_634 : vector<16xi32>
      %shift_left3A_636 = arith.constant 3 : i32
      %shift_left3A_637 = vector.broadcast %shift_left3A_636 : i32 to vector<16xi32>
      %shift_left3A_638 = arith.shli %and3A_635, %shift_left3A_637 : vector<16xi32>
      %or3A_639 = arith.ori %or3A_630, %shift_left3A_638 : vector<16xi32>
      %select_n3A_640 = arith.select %lt3A_218, %get3A_599, %get3A_601 : vector<16xi1>, vector<16xi32>
      %shift_right_arithmetic3A_641 = arith.shrsi %select_n3A_640, %select_n3A_253 : vector<16xi32>
      %and3A_642 = arith.constant 1 : i32
      %and3A_643 = vector.broadcast %and3A_642 : i32 to vector<16xi32>
      %and3A_644 = arith.andi %shift_right_arithmetic3A_641, %and3A_643 : vector<16xi32>
      %shift_left3A_645 = arith.constant 4 : i32
      %shift_left3A_646 = vector.broadcast %shift_left3A_645 : i32 to vector<16xi32>
      %shift_left3A_647 = arith.shli %and3A_644, %shift_left3A_646 : vector<16xi32>
      %or3A_648 = arith.ori %or3A_639, %shift_left3A_647 : vector<16xi32>
      %select_n3A_649 = arith.select %lt3A_221, %get3A_599, %get3A_601 : vector<16xi1>, vector<16xi32>
      %shift_right_arithmetic3A_650 = arith.shrsi %select_n3A_649, %select_n3A_257 : vector<16xi32>
      %and3A_651 = arith.constant 1 : i32
      %and3A_652 = vector.broadcast %and3A_651 : i32 to vector<16xi32>
      %and3A_653 = arith.andi %shift_right_arithmetic3A_650, %and3A_652 : vector<16xi32>
      %shift_left3A_654 = arith.constant 5 : i32
      %shift_left3A_655 = vector.broadcast %shift_left3A_654 : i32 to vector<16xi32>
      %shift_left3A_656 = arith.shli %and3A_653, %shift_left3A_655 : vector<16xi32>
      %or3A_657 = arith.ori %or3A_648, %shift_left3A_656 : vector<16xi32>
      %select_n3A_658 = arith.select %lt3A_224, %get3A_599, %get3A_601 : vector<16xi1>, vector<16xi32>
      %shift_right_arithmetic3A_659 = arith.shrsi %select_n3A_658, %select_n3A_261 : vector<16xi32>
      %and3A_660 = arith.constant 1 : i32
      %and3A_661 = vector.broadcast %and3A_660 : i32 to vector<16xi32>
      %and3A_662 = arith.andi %shift_right_arithmetic3A_659, %and3A_661 : vector<16xi32>
      %shift_left3A_663 = arith.constant 6 : i32
      %shift_left3A_664 = vector.broadcast %shift_left3A_663 : i32 to vector<16xi32>
      %shift_left3A_665 = arith.shli %and3A_662, %shift_left3A_664 : vector<16xi32>
      %or3A_666 = arith.ori %or3A_657, %shift_left3A_665 : vector<16xi32>
      %select_n3A_667 = arith.select %lt3A_227, %get3A_599, %get3A_601 : vector<16xi1>, vector<16xi32>
      %shift_right_arithmetic3A_668 = arith.shrsi %select_n3A_667, %select_n3A_265 : vector<16xi32>
      %and3A_669 = arith.constant 1 : i32
      %and3A_670 = vector.broadcast %and3A_669 : i32 to vector<16xi32>
      %and3A_671 = arith.andi %shift_right_arithmetic3A_668, %and3A_670 : vector<16xi32>
      %shift_left3A_672 = arith.constant 7 : i32
      %shift_left3A_673 = vector.broadcast %shift_left3A_672 : i32 to vector<16xi32>
      %shift_left3A_674 = arith.shli %and3A_671, %shift_left3A_673 : vector<16xi32>
      %or3A_675 = arith.ori %or3A_666, %shift_left3A_674 : vector<16xi32>
      %select_n3A_676 = arith.select %lt3A_230, %get3A_599, %get3A_601 : vector<16xi1>, vector<16xi32>
      %shift_right_arithmetic3A_677 = arith.shrsi %select_n3A_676, %select_n3A_269 : vector<16xi32>
      %and3A_678 = arith.constant 1 : i32
      %and3A_679 = vector.broadcast %and3A_678 : i32 to vector<16xi32>
      %and3A_680 = arith.andi %shift_right_arithmetic3A_677, %and3A_679 : vector<16xi32>
      %shift_left3A_681 = arith.constant 8 : i32
      %shift_left3A_682 = vector.broadcast %shift_left3A_681 : i32 to vector<16xi32>
      %shift_left3A_683 = arith.shli %and3A_680, %shift_left3A_682 : vector<16xi32>
      %or3A_684 = arith.ori %or3A_675, %shift_left3A_683 : vector<16xi32>
      %select_n3A_685 = arith.select %lt3A_233, %get3A_599, %get3A_601 : vector<16xi1>, vector<16xi32>
      %shift_right_arithmetic3A_686 = arith.shrsi %select_n3A_685, %select_n3A_273 : vector<16xi32>
      %and3A_687 = arith.constant 1 : i32
      %and3A_688 = vector.broadcast %and3A_687 : i32 to vector<16xi32>
      %and3A_689 = arith.andi %shift_right_arithmetic3A_686, %and3A_688 : vector<16xi32>
      %shift_left3A_690 = arith.constant 9 : i32
      %shift_left3A_691 = vector.broadcast %shift_left3A_690 : i32 to vector<16xi32>
      %shift_left3A_692 = arith.shli %and3A_689, %shift_left3A_691 : vector<16xi32>
      %or3A_693 = arith.ori %or3A_684, %shift_left3A_692 : vector<16xi32>
      %gather3A_694 = tpu.vector_load_idx %arg20[%broadcast_in_dim3A_277, %or3A_693] : memref<32x1024xf32, #tpu.memory_space<vmem>>[vector<16xi32>, vector<16xi32>], vector<16xf32>,
      %get3A_695 = arith.constant 48 : index
      %get3A_696 = tpu.vector_load %arg21[%get3A_695] {strides = array<i32>} : memref<128xi32, #tpu.memory_space<vmem>>, vector<16xi32>,
      %gt3A_697 = arith.constant 5.000000e-01 : f32
      %gt3A_698 = vector.broadcast %gt3A_697 : f32 to vector<16xf32>
      %gt3A_699 = arith.cmpf ogt, %gather3A_694, %gt3A_698 : vector<16xf32>
      %jit3A_700 = arith.constant 0 : i32
      %broadcast_in_dim3A_701 = vector.broadcast %jit3A_700 : i32 to vector<16xi32>
      %select_n3A_702 = arith.select %gt3A_699, %shift_left3A_276, %broadcast_in_dim3A_701 : vector<16xi1>, vector<16xi32>
      %or3A_703 = arith.ori %get3A_696, %select_n3A_702 : vector<16xi32>
      %swap3A_704 = arith.constant 48 : index
      %swap3A_705 = tpu.vector_load %arg21[%swap3A_704] {strides = array<i32>} : memref<128xi32, #tpu.memory_space<vmem>>, vector<16xi32>,
      tpu.vector_store %arg21[%swap3A_704], %or3A_703 {strides = array<i32>} : memref<128xi32, #tpu.memory_space<vmem>>, vector<16xi32>,
      %get3A_706 = arith.constant 64 : index
      %get3A_707 = tpu.vector_load %arg17[%get3A_706] {strides = array<i32>} : memref<128xi32, #tpu.memory_space<vmem>>, vector<16xi32>,
      %get3A_708 = arith.constant 64 : index
      %get3A_709 = tpu.vector_load %arg18[%get3A_708] {strides = array<i32>} : memref<128xi32, #tpu.memory_space<vmem>>, vector<16xi32>,
      %broadcast_in_dim3A_710 = arith.constant 0 : i32
      %broadcast_in_dim3A_711 = vector.broadcast %broadcast_in_dim3A_710 : i32 to vector<16xi32>
      %select_n3A_712 = arith.select %lt3A_206, %get3A_707, %get3A_709 : vector<16xi1>, vector<16xi32>
      %shift_right_arithmetic3A_713 = arith.shrsi %select_n3A_712, %select_n3A_237 : vector<16xi32>
      %and3A_714 = arith.constant 1 : i32
      %and3A_715 = vector.broadcast %and3A_714 : i32 to vector<16xi32>
      %and3A_716 = arith.andi %shift_right_arithmetic3A_713, %and3A_715 : vector<16xi32>
      %shift_left3A_717 = arith.constant 0 : i32
      %shift_left3A_718 = vector.broadcast %shift_left3A_717 : i32 to vector<16xi32>
      %shift_left3A_719 = arith.shli %and3A_716, %shift_left3A_718 : vector<16xi32>
      %or3A_720 = arith.ori %broadcast_in_dim3A_711, %shift_left3A_719 : vector<16xi32>
      %select_n3A_721 = arith.select %lt3A_209, %get3A_707, %get3A_709 : vector<16xi1>, vector<16xi32>
      %shift_right_arithmetic3A_722 = arith.shrsi %select_n3A_721, %select_n3A_241 : vector<16xi32>
      %and3A_723 = arith.constant 1 : i32
      %and3A_724 = vector.broadcast %and3A_723 : i32 to vector<16xi32>
      %and3A_725 = arith.andi %shift_right_arithmetic3A_722, %and3A_724 : vector<16xi32>
      %shift_left3A_726 = arith.constant 1 : i32
      %shift_left3A_727 = vector.broadcast %shift_left3A_726 : i32 to vector<16xi32>
      %shift_left3A_728 = arith.shli %and3A_725, %shift_left3A_727 : vector<16xi32>
      %or3A_729 = arith.ori %or3A_720, %shift_left3A_728 : vector<16xi32>
      %select_n3A_730 = arith.select %lt3A_212, %get3A_707, %get3A_709 : vector<16xi1>, vector<16xi32>
      %shift_right_arithmetic3A_731 = arith.shrsi %select_n3A_730, %select_n3A_245 : vector<16xi32>
      %and3A_732 = arith.constant 1 : i32
      %and3A_733 = vector.broadcast %and3A_732 : i32 to vector<16xi32>
      %and3A_734 = arith.andi %shift_right_arithmetic3A_731, %and3A_733 : vector<16xi32>
      %shift_left3A_735 = arith.constant 2 : i32
      %shift_left3A_736 = vector.broadcast %shift_left3A_735 : i32 to vector<16xi32>
      %shift_left3A_737 = arith.shli %and3A_734, %shift_left3A_736 : vector<16xi32>
      %or3A_738 = arith.ori %or3A_729, %shift_left3A_737 : vector<16xi32>
      %select_n3A_739 = arith.select %lt3A_215, %get3A_707, %get3A_709 : vector<16xi1>, vector<16xi32>
      %shift_right_arithmetic3A_740 = arith.shrsi %select_n3A_739, %select_n3A_249 : vector<16xi32>
      %and3A_741 = arith.constant 1 : i32
      %and3A_742 = vector.broadcast %and3A_741 : i32 to vector<16xi32>
      %and3A_743 = arith.andi %shift_right_arithmetic3A_740, %and3A_742 : vector<16xi32>
      %shift_left3A_744 = arith.constant 3 : i32
      %shift_left3A_745 = vector.broadcast %shift_left3A_744 : i32 to vector<16xi32>
      %shift_left3A_746 = arith.shli %and3A_743, %shift_left3A_745 : vector<16xi32>
      %or3A_747 = arith.ori %or3A_738, %shift_left3A_746 : vector<16xi32>
      %select_n3A_748 = arith.select %lt3A_218, %get3A_707, %get3A_709 : vector<16xi1>, vector<16xi32>
      %shift_right_arithmetic3A_749 = arith.shrsi %select_n3A_748, %select_n3A_253 : vector<16xi32>
      %and3A_750 = arith.constant 1 : i32
      %and3A_751 = vector.broadcast %and3A_750 : i32 to vector<16xi32>
      %and3A_752 = arith.andi %shift_right_arithmetic3A_749, %and3A_751 : vector<16xi32>
      %shift_left3A_753 = arith.constant 4 : i32
      %shift_left3A_754 = vector.broadcast %shift_left3A_753 : i32 to vector<16xi32>
      %shift_left3A_755 = arith.shli %and3A_752, %shift_left3A_754 : vector<16xi32>
      %or3A_756 = arith.ori %or3A_747, %shift_left3A_755 : vector<16xi32>
      %select_n3A_757 = arith.select %lt3A_221, %get3A_707, %get3A_709 : vector<16xi1>, vector<16xi32>
      %shift_right_arithmetic3A_758 = arith.shrsi %select_n3A_757, %select_n3A_257 : vector<16xi32>
      %and3A_759 = arith.constant 1 : i32
      %and3A_760 = vector.broadcast %and3A_759 : i32 to vector<16xi32>
      %and3A_761 = arith.andi %shift_right_arithmetic3A_758, %and3A_760 : vector<16xi32>
      %shift_left3A_762 = arith.constant 5 : i32
      %shift_left3A_763 = vector.broadcast %shift_left3A_762 : i32 to vector<16xi32>
      %shift_left3A_764 = arith.shli %and3A_761, %shift_left3A_763 : vector<16xi32>
      %or3A_765 = arith.ori %or3A_756, %shift_left3A_764 : vector<16xi32>
      %select_n3A_766 = arith.select %lt3A_224, %get3A_707, %get3A_709 : vector<16xi1>, vector<16xi32>
      %shift_right_arithmetic3A_767 = arith.shrsi %select_n3A_766, %select_n3A_261 : vector<16xi32>
      %and3A_768 = arith.constant 1 : i32
      %and3A_769 = vector.broadcast %and3A_768 : i32 to vector<16xi32>
      %and3A_770 = arith.andi %shift_right_arithmetic3A_767, %and3A_769 : vector<16xi32>
      %shift_left3A_771 = arith.constant 6 : i32
      %shift_left3A_772 = vector.broadcast %shift_left3A_771 : i32 to vector<16xi32>
      %shift_left3A_773 = arith.shli %and3A_770, %shift_left3A_772 : vector<16xi32>
      %or3A_774 = arith.ori %or3A_765, %shift_left3A_773 : vector<16xi32>
      %select_n3A_775 = arith.select %lt3A_227, %get3A_707, %get3A_709 : vector<16xi1>, vector<16xi32>
      %shift_right_arithmetic3A_776 = arith.shrsi %select_n3A_775, %select_n3A_265 : vector<16xi32>
      %and3A_777 = arith.constant 1 : i32
      %and3A_778 = vector.broadcast %and3A_777 : i32 to vector<16xi32>
      %and3A_779 = arith.andi %shift_right_arithmetic3A_776, %and3A_778 : vector<16xi32>
      %shift_left3A_780 = arith.constant 7 : i32
      %shift_left3A_781 = vector.broadcast %shift_left3A_780 : i32 to vector<16xi32>
      %shift_left3A_782 = arith.shli %and3A_779, %shift_left3A_781 : vector<16xi32>
      %or3A_783 = arith.ori %or3A_774, %shift_left3A_782 : vector<16xi32>
      %select_n3A_784 = arith.select %lt3A_230, %get3A_707, %get3A_709 : vector<16xi1>, vector<16xi32>
      %shift_right_arithmetic3A_785 = arith.shrsi %select_n3A_784, %select_n3A_269 : vector<16xi32>
      %and3A_786 = arith.constant 1 : i32
      %and3A_787 = vector.broadcast %and3A_786 : i32 to vector<16xi32>
      %and3A_788 = arith.andi %shift_right_arithmetic3A_785, %and3A_787 : vector<16xi32>
      %shift_left3A_789 = arith.constant 8 : i32
      %shift_left3A_790 = vector.broadcast %shift_left3A_789 : i32 to vector<16xi32>
      %shift_left3A_791 = arith.shli %and3A_788, %shift_left3A_790 : vector<16xi32>
      %or3A_792 = arith.ori %or3A_783, %shift_left3A_791 : vector<16xi32>
      %select_n3A_793 = arith.select %lt3A_233, %get3A_707, %get3A_709 : vector<16xi1>, vector<16xi32>
      %shift_right_arithmetic3A_794 = arith.shrsi %select_n3A_793, %select_n3A_273 : vector<16xi32>
      %and3A_795 = arith.constant 1 : i32
      %and3A_796 = vector.broadcast %and3A_795 : i32 to vector<16xi32>
      %and3A_797 = arith.andi %shift_right_arithmetic3A_794, %and3A_796 : vector<16xi32>
      %shift_left3A_798 = arith.constant 9 : i32
      %shift_left3A_799 = vector.broadcast %shift_left3A_798 : i32 to vector<16xi32>
      %shift_left3A_800 = arith.shli %and3A_797, %shift_left3A_799 : vector<16xi32>
      %or3A_801 = arith.ori %or3A_792, %shift_left3A_800 : vector<16xi32>
      %gather3A_802 = tpu.vector_load_idx %arg20[%broadcast_in_dim3A_277, %or3A_801] : memref<32x1024xf32, #tpu.memory_space<vmem>>[vector<16xi32>, vector<16xi32>], vector<16xf32>,
      %get3A_803 = arith.constant 64 : index
      %get3A_804 = tpu.vector_load %arg21[%get3A_803] {strides = array<i32>} : memref<128xi32, #tpu.memory_space<vmem>>, vector<16xi32>,
      %gt3A_805 = arith.constant 5.000000e-01 : f32
      %gt3A_806 = vector.broadcast %gt3A_805 : f32 to vector<16xf32>
      %gt3A_807 = arith.cmpf ogt, %gather3A_802, %gt3A_806 : vector<16xf32>
      %jit3A_808 = arith.constant 0 : i32
      %broadcast_in_dim3A_809 = vector.broadcast %jit3A_808 : i32 to vector<16xi32>
      %select_n3A_810 = arith.select %gt3A_807, %shift_left3A_276, %broadcast_in_dim3A_809 : vector<16xi1>, vector<16xi32>
      %or3A_811 = arith.ori %get3A_804, %select_n3A_810 : vector<16xi32>
      %swap3A_812 = arith.constant 64 : index
      %swap3A_813 = tpu.vector_load %arg21[%swap3A_812] {strides = array<i32>} : memref<128xi32, #tpu.memory_space<vmem>>, vector<16xi32>,
      tpu.vector_store %arg21[%swap3A_812], %or3A_811 {strides = array<i32>} : memref<128xi32, #tpu.memory_space<vmem>>, vector<16xi32>,
      %get3A_814 = arith.constant 80 : index
      %get3A_815 = tpu.vector_load %arg17[%get3A_814] {strides = array<i32>} : memref<128xi32, #tpu.memory_space<vmem>>, vector<16xi32>,
      %get3A_816 = arith.constant 80 : index
      %get3A_817 = tpu.vector_load %arg18[%get3A_816] {strides = array<i32>} : memref<128xi32, #tpu.memory_space<vmem>>, vector<16xi32>,
      %broadcast_in_dim3A_818 = arith.constant 0 : i32
      %broadcast_in_dim3A_819 = vector.broadcast %broadcast_in_dim3A_818 : i32 to vector<16xi32>
      %select_n3A_820 = arith.select %lt3A_206, %get3A_815, %get3A_817 : vector<16xi1>, vector<16xi32>
      %shift_right_arithmetic3A_821 = arith.shrsi %select_n3A_820, %select_n3A_237 : vector<16xi32>
      %and3A_822 = arith.constant 1 : i32
      %and3A_823 = vector.broadcast %and3A_822 : i32 to vector<16xi32>
      %and3A_824 = arith.andi %shift_right_arithmetic3A_821, %and3A_823 : vector<16xi32>
      %shift_left3A_825 = arith.constant 0 : i32
      %shift_left3A_826 = vector.broadcast %shift_left3A_825 : i32 to vector<16xi32>
      %shift_left3A_827 = arith.shli %and3A_824, %shift_left3A_826 : vector<16xi32>
      %or3A_828 = arith.ori %broadcast_in_dim3A_819, %shift_left3A_827 : vector<16xi32>
      %select_n3A_829 = arith.select %lt3A_209, %get3A_815, %get3A_817 : vector<16xi1>, vector<16xi32>
      %shift_right_arithmetic3A_830 = arith.shrsi %select_n3A_829, %select_n3A_241 : vector<16xi32>
      %and3A_831 = arith.constant 1 : i32
      %and3A_832 = vector.broadcast %and3A_831 : i32 to vector<16xi32>
      %and3A_833 = arith.andi %shift_right_arithmetic3A_830, %and3A_832 : vector<16xi32>
      %shift_left3A_834 = arith.constant 1 : i32
      %shift_left3A_835 = vector.broadcast %shift_left3A_834 : i32 to vector<16xi32>
      %shift_left3A_836 = arith.shli %and3A_833, %shift_left3A_835 : vector<16xi32>
      %or3A_837 = arith.ori %or3A_828, %shift_left3A_836 : vector<16xi32>
      %select_n3A_838 = arith.select %lt3A_212, %get3A_815, %get3A_817 : vector<16xi1>, vector<16xi32>
      %shift_right_arithmetic3A_839 = arith.shrsi %select_n3A_838, %select_n3A_245 : vector<16xi32>
      %and3A_840 = arith.constant 1 : i32
      %and3A_841 = vector.broadcast %and3A_840 : i32 to vector<16xi32>
      %and3A_842 = arith.andi %shift_right_arithmetic3A_839, %and3A_841 : vector<16xi32>
      %shift_left3A_843 = arith.constant 2 : i32
      %shift_left3A_844 = vector.broadcast %shift_left3A_843 : i32 to vector<16xi32>
      %shift_left3A_845 = arith.shli %and3A_842, %shift_left3A_844 : vector<16xi32>
      %or3A_846 = arith.ori %or3A_837, %shift_left3A_845 : vector<16xi32>
      %select_n3A_847 = arith.select %lt3A_215, %get3A_815, %get3A_817 : vector<16xi1>, vector<16xi32>
      %shift_right_arithmetic3A_848 = arith.shrsi %select_n3A_847, %select_n3A_249 : vector<16xi32>
      %and3A_849 = arith.constant 1 : i32
      %and3A_850 = vector.broadcast %and3A_849 : i32 to vector<16xi32>
      %and3A_851 = arith.andi %shift_right_arithmetic3A_848, %and3A_850 : vector<16xi32>
      %shift_left3A_852 = arith.constant 3 : i32
      %shift_left3A_853 = vector.broadcast %shift_left3A_852 : i32 to vector<16xi32>
      %shift_left3A_854 = arith.shli %and3A_851, %shift_left3A_853 : vector<16xi32>
      %or3A_855 = arith.ori %or3A_846, %shift_left3A_854 : vector<16xi32>
      %select_n3A_856 = arith.select %lt3A_218, %get3A_815, %get3A_817 : vector<16xi1>, vector<16xi32>
      %shift_right_arithmetic3A_857 = arith.shrsi %select_n3A_856, %select_n3A_253 : vector<16xi32>
      %and3A_858 = arith.constant 1 : i32
      %and3A_859 = vector.broadcast %and3A_858 : i32 to vector<16xi32>
      %and3A_860 = arith.andi %shift_right_arithmetic3A_857, %and3A_859 : vector<16xi32>
      %shift_left3A_861 = arith.constant 4 : i32
      %shift_left3A_862 = vector.broadcast %shift_left3A_861 : i32 to vector<16xi32>
      %shift_left3A_863 = arith.shli %and3A_860, %shift_left3A_862 : vector<16xi32>
      %or3A_864 = arith.ori %or3A_855, %shift_left3A_863 : vector<16xi32>
      %select_n3A_865 = arith.select %lt3A_221, %get3A_815, %get3A_817 : vector<16xi1>, vector<16xi32>
      %shift_right_arithmetic3A_866 = arith.shrsi %select_n3A_865, %select_n3A_257 : vector<16xi32>
      %and3A_867 = arith.constant 1 : i32
      %and3A_868 = vector.broadcast %and3A_867 : i32 to vector<16xi32>
      %and3A_869 = arith.andi %shift_right_arithmetic3A_866, %and3A_868 : vector<16xi32>
      %shift_left3A_870 = arith.constant 5 : i32
      %shift_left3A_871 = vector.broadcast %shift_left3A_870 : i32 to vector<16xi32>
      %shift_left3A_872 = arith.shli %and3A_869, %shift_left3A_871 : vector<16xi32>
      %or3A_873 = arith.ori %or3A_864, %shift_left3A_872 : vector<16xi32>
      %select_n3A_874 = arith.select %lt3A_224, %get3A_815, %get3A_817 : vector<16xi1>, vector<16xi32>
      %shift_right_arithmetic3A_875 = arith.shrsi %select_n3A_874, %select_n3A_261 : vector<16xi32>
      %and3A_876 = arith.constant 1 : i32
      %and3A_877 = vector.broadcast %and3A_876 : i32 to vector<16xi32>
      %and3A_878 = arith.andi %shift_right_arithmetic3A_875, %and3A_877 : vector<16xi32>
      %shift_left3A_879 = arith.constant 6 : i32
      %shift_left3A_880 = vector.broadcast %shift_left3A_879 : i32 to vector<16xi32>
      %shift_left3A_881 = arith.shli %and3A_878, %shift_left3A_880 : vector<16xi32>
      %or3A_882 = arith.ori %or3A_873, %shift_left3A_881 : vector<16xi32>
      %select_n3A_883 = arith.select %lt3A_227, %get3A_815, %get3A_817 : vector<16xi1>, vector<16xi32>
      %shift_right_arithmetic3A_884 = arith.shrsi %select_n3A_883, %select_n3A_265 : vector<16xi32>
      %and3A_885 = arith.constant 1 : i32
      %and3A_886 = vector.broadcast %and3A_885 : i32 to vector<16xi32>
      %and3A_887 = arith.andi %shift_right_arithmetic3A_884, %and3A_886 : vector<16xi32>
      %shift_left3A_888 = arith.constant 7 : i32
      %shift_left3A_889 = vector.broadcast %shift_left3A_888 : i32 to vector<16xi32>
      %shift_left3A_890 = arith.shli %and3A_887, %shift_left3A_889 : vector<16xi32>
      %or3A_891 = arith.ori %or3A_882, %shift_left3A_890 : vector<16xi32>
      %select_n3A_892 = arith.select %lt3A_230, %get3A_815, %get3A_817 : vector<16xi1>, vector<16xi32>
      %shift_right_arithmetic3A_893 = arith.shrsi %select_n3A_892, %select_n3A_269 : vector<16xi32>
      %and3A_894 = arith.constant 1 : i32
      %and3A_895 = vector.broadcast %and3A_894 : i32 to vector<16xi32>
      %and3A_896 = arith.andi %shift_right_arithmetic3A_893, %and3A_895 : vector<16xi32>
      %shift_left3A_897 = arith.constant 8 : i32
      %shift_left3A_898 = vector.broadcast %shift_left3A_897 : i32 to vector<16xi32>
      %shift_left3A_899 = arith.shli %and3A_896, %shift_left3A_898 : vector<16xi32>
      %or3A_900 = arith.ori %or3A_891, %shift_left3A_899 : vector<16xi32>
      %select_n3A_901 = arith.select %lt3A_233, %get3A_815, %get3A_817 : vector<16xi1>, vector<16xi32>
      %shift_right_arithmetic3A_902 = arith.shrsi %select_n3A_901, %select_n3A_273 : vector<16xi32>
      %and3A_903 = arith.constant 1 : i32
      %and3A_904 = vector.broadcast %and3A_903 : i32 to vector<16xi32>
      %and3A_905 = arith.andi %shift_right_arithmetic3A_902, %and3A_904 : vector<16xi32>
      %shift_left3A_906 = arith.constant 9 : i32
      %shift_left3A_907 = vector.broadcast %shift_left3A_906 : i32 to vector<16xi32>
      %shift_left3A_908 = arith.shli %and3A_905, %shift_left3A_907 : vector<16xi32>
      %or3A_909 = arith.ori %or3A_900, %shift_left3A_908 : vector<16xi32>
      %gather3A_910 = tpu.vector_load_idx %arg20[%broadcast_in_dim3A_277, %or3A_909] : memref<32x1024xf32, #tpu.memory_space<vmem>>[vector<16xi32>, vector<16xi32>], vector<16xf32>,
      %get3A_911 = arith.constant 80 : index
      %get3A_912 = tpu.vector_load %arg21[%get3A_911] {strides = array<i32>} : memref<128xi32, #tpu.memory_space<vmem>>, vector<16xi32>,
      %gt3A_913 = arith.constant 5.000000e-01 : f32
      %gt3A_914 = vector.broadcast %gt3A_913 : f32 to vector<16xf32>
      %gt3A_915 = arith.cmpf ogt, %gather3A_910, %gt3A_914 : vector<16xf32>
      %jit3A_916 = arith.constant 0 : i32
      %broadcast_in_dim3A_917 = vector.broadcast %jit3A_916 : i32 to vector<16xi32>
      %select_n3A_918 = arith.select %gt3A_915, %shift_left3A_276, %broadcast_in_dim3A_917 : vector<16xi1>, vector<16xi32>
      %or3A_919 = arith.ori %get3A_912, %select_n3A_918 : vector<16xi32>
      %swap3A_920 = arith.constant 80 : index
      %swap3A_921 = tpu.vector_load %arg21[%swap3A_920] {strides = array<i32>} : memref<128xi32, #tpu.memory_space<vmem>>, vector<16xi32>,
      tpu.vector_store %arg21[%swap3A_920], %or3A_919 {strides = array<i32>} : memref<128xi32, #tpu.memory_space<vmem>>, vector<16xi32>,
      %get3A_922 = arith.constant 96 : index
      %get3A_923 = tpu.vector_load %arg17[%get3A_922] {strides = array<i32>} : memref<128xi32, #tpu.memory_space<vmem>>, vector<16xi32>,
      %get3A_924 = arith.constant 96 : index
      %get3A_925 = tpu.vector_load %arg18[%get3A_924] {strides = array<i32>} : memref<128xi32, #tpu.memory_space<vmem>>, vector<16xi32>,
      %broadcast_in_dim3A_926 = arith.constant 0 : i32
      %broadcast_in_dim3A_927 = vector.broadcast %broadcast_in_dim3A_926 : i32 to vector<16xi32>
      %select_n3A_928 = arith.select %lt3A_206, %get3A_923, %get3A_925 : vector<16xi1>, vector<16xi32>
      %shift_right_arithmetic3A_929 = arith.shrsi %select_n3A_928, %select_n3A_237 : vector<16xi32>
      %and3A_930 = arith.constant 1 : i32
      %and3A_931 = vector.broadcast %and3A_930 : i32 to vector<16xi32>
      %and3A_932 = arith.andi %shift_right_arithmetic3A_929, %and3A_931 : vector<16xi32>
      %shift_left3A_933 = arith.constant 0 : i32
      %shift_left3A_934 = vector.broadcast %shift_left3A_933 : i32 to vector<16xi32>
      %shift_left3A_935 = arith.shli %and3A_932, %shift_left3A_934 : vector<16xi32>
      %or3A_936 = arith.ori %broadcast_in_dim3A_927, %shift_left3A_935 : vector<16xi32>
      %select_n3A_937 = arith.select %lt3A_209, %get3A_923, %get3A_925 : vector<16xi1>, vector<16xi32>
      %shift_right_arithmetic3A_938 = arith.shrsi %select_n3A_937, %select_n3A_241 : vector<16xi32>
      %and3A_939 = arith.constant 1 : i32
      %and3A_940 = vector.broadcast %and3A_939 : i32 to vector<16xi32>
      %and3A_941 = arith.andi %shift_right_arithmetic3A_938, %and3A_940 : vector<16xi32>
      %shift_left3A_942 = arith.constant 1 : i32
      %shift_left3A_943 = vector.broadcast %shift_left3A_942 : i32 to vector<16xi32>
      %shift_left3A_944 = arith.shli %and3A_941, %shift_left3A_943 : vector<16xi32>
      %or3A_945 = arith.ori %or3A_936, %shift_left3A_944 : vector<16xi32>
      %select_n3A_946 = arith.select %lt3A_212, %get3A_923, %get3A_925 : vector<16xi1>, vector<16xi32>
      %shift_right_arithmetic3A_947 = arith.shrsi %select_n3A_946, %select_n3A_245 : vector<16xi32>
      %and3A_948 = arith.constant 1 : i32
      %and3A_949 = vector.broadcast %and3A_948 : i32 to vector<16xi32>
      %and3A_950 = arith.andi %shift_right_arithmetic3A_947, %and3A_949 : vector<16xi32>
      %shift_left3A_951 = arith.constant 2 : i32
      %shift_left3A_952 = vector.broadcast %shift_left3A_951 : i32 to vector<16xi32>
      %shift_left3A_953 = arith.shli %and3A_950, %shift_left3A_952 : vector<16xi32>
      %or3A_954 = arith.ori %or3A_945, %shift_left3A_953 : vector<16xi32>
      %select_n3A_955 = arith.select %lt3A_215, %get3A_923, %get3A_925 : vector<16xi1>, vector<16xi32>
      %shift_right_arithmetic3A_956 = arith.shrsi %select_n3A_955, %select_n3A_249 : vector<16xi32>
      %and3A_957 = arith.constant 1 : i32
      %and3A_958 = vector.broadcast %and3A_957 : i32 to vector<16xi32>
      %and3A_959 = arith.andi %shift_right_arithmetic3A_956, %and3A_958 : vector<16xi32>
      %shift_left3A_960 = arith.constant 3 : i32
      %shift_left3A_961 = vector.broadcast %shift_left3A_960 : i32 to vector<16xi32>
      %shift_left3A_962 = arith.shli %and3A_959, %shift_left3A_961 : vector<16xi32>
      %or3A_963 = arith.ori %or3A_954, %shift_left3A_962 : vector<16xi32>
      %select_n3A_964 = arith.select %lt3A_218, %get3A_923, %get3A_925 : vector<16xi1>, vector<16xi32>
      %shift_right_arithmetic3A_965 = arith.shrsi %select_n3A_964, %select_n3A_253 : vector<16xi32>
      %and3A_966 = arith.constant 1 : i32
      %and3A_967 = vector.broadcast %and3A_966 : i32 to vector<16xi32>
      %and3A_968 = arith.andi %shift_right_arithmetic3A_965, %and3A_967 : vector<16xi32>
      %shift_left3A_969 = arith.constant 4 : i32
      %shift_left3A_970 = vector.broadcast %shift_left3A_969 : i32 to vector<16xi32>
      %shift_left3A_971 = arith.shli %and3A_968, %shift_left3A_970 : vector<16xi32>
      %or3A_972 = arith.ori %or3A_963, %shift_left3A_971 : vector<16xi32>
      %select_n3A_973 = arith.select %lt3A_221, %get3A_923, %get3A_925 : vector<16xi1>, vector<16xi32>
      %shift_right_arithmetic3A_974 = arith.shrsi %select_n3A_973, %select_n3A_257 : vector<16xi32>
      %and3A_975 = arith.constant 1 : i32
      %and3A_976 = vector.broadcast %and3A_975 : i32 to vector<16xi32>
      %and3A_977 = arith.andi %shift_right_arithmetic3A_974, %and3A_976 : vector<16xi32>
      %shift_left3A_978 = arith.constant 5 : i32
      %shift_left3A_979 = vector.broadcast %shift_left3A_978 : i32 to vector<16xi32>
      %shift_left3A_980 = arith.shli %and3A_977, %shift_left3A_979 : vector<16xi32>
      %or3A_981 = arith.ori %or3A_972, %shift_left3A_980 : vector<16xi32>
      %select_n3A_982 = arith.select %lt3A_224, %get3A_923, %get3A_925 : vector<16xi1>, vector<16xi32>
      %shift_right_arithmetic3A_983 = arith.shrsi %select_n3A_982, %select_n3A_261 : vector<16xi32>
      %and3A_984 = arith.constant 1 : i32
      %and3A_985 = vector.broadcast %and3A_984 : i32 to vector<16xi32>
      %and3A_986 = arith.andi %shift_right_arithmetic3A_983, %and3A_985 : vector<16xi32>
      %shift_left3A_987 = arith.constant 6 : i32
      %shift_left3A_988 = vector.broadcast %shift_left3A_987 : i32 to vector<16xi32>
      %shift_left3A_989 = arith.shli %and3A_986, %shift_left3A_988 : vector<16xi32>
      %or3A_990 = arith.ori %or3A_981, %shift_left3A_989 : vector<16xi32>
      %select_n3A_991 = arith.select %lt3A_227, %get3A_923, %get3A_925 : vector<16xi1>, vector<16xi32>
      %shift_right_arithmetic3A_992 = arith.shrsi %select_n3A_991, %select_n3A_265 : vector<16xi32>
      %and3A_993 = arith.constant 1 : i32
      %and3A_994 = vector.broadcast %and3A_993 : i32 to vector<16xi32>
      %and3A_995 = arith.andi %shift_right_arithmetic3A_992, %and3A_994 : vector<16xi32>
      %shift_left3A_996 = arith.constant 7 : i32
      %shift_left3A_997 = vector.broadcast %shift_left3A_996 : i32 to vector<16xi32>
      %shift_left3A_998 = arith.shli %and3A_995, %shift_left3A_997 : vector<16xi32>
      %or3A_999 = arith.ori %or3A_990, %shift_left3A_998 : vector<16xi32>
      %select_n3A_1000 = arith.select %lt3A_230, %get3A_923, %get3A_925 : vector<16xi1>, vector<16xi32>
      %shift_right_arithmetic3A_1001 = arith.shrsi %select_n3A_1000, %select_n3A_269 : vector<16xi32>
      %and3A_1002 = arith.constant 1 : i32
      %and3A_1003 = vector.broadcast %and3A_1002 : i32 to vector<16xi32>
      %and3A_1004 = arith.andi %shift_right_arithmetic3A_1001, %and3A_1003 : vector<16xi32>
      %shift_left3A_1005 = arith.constant 8 : i32
      %shift_left3A_1006 = vector.broadcast %shift_left3A_1005 : i32 to vector<16xi32>
      %shift_left3A_1007 = arith.shli %and3A_1004, %shift_left3A_1006 : vector<16xi32>
      %or3A_1008 = arith.ori %or3A_999, %shift_left3A_1007 : vector<16xi32>
      %select_n3A_1009 = arith.select %lt3A_233, %get3A_923, %get3A_925 : vector<16xi1>, vector<16xi32>
      %shift_right_arithmetic3A_1010 = arith.shrsi %select_n3A_1009, %select_n3A_273 : vector<16xi32>
      %and3A_1011 = arith.constant 1 : i32
      %and3A_1012 = vector.broadcast %and3A_1011 : i32 to vector<16xi32>
      %and3A_1013 = arith.andi %shift_right_arithmetic3A_1010, %and3A_1012 : vector<16xi32>
      %shift_left3A_1014 = arith.constant 9 : i32
      %shift_left3A_1015 = vector.broadcast %shift_left3A_1014 : i32 to vector<16xi32>
      %shift_left3A_1016 = arith.shli %and3A_1013, %shift_left3A_1015 : vector<16xi32>
      %or3A_1017 = arith.ori %or3A_1008, %shift_left3A_1016 : vector<16xi32>
      %gather3A_1018 = tpu.vector_load_idx %arg20[%broadcast_in_dim3A_277, %or3A_1017] : memref<32x1024xf32, #tpu.memory_space<vmem>>[vector<16xi32>, vector<16xi32>], vector<16xf32>,
      %get3A_1019 = arith.constant 96 : index
      %get3A_1020 = tpu.vector_load %arg21[%get3A_1019] {strides = array<i32>} : memref<128xi32, #tpu.memory_space<vmem>>, vector<16xi32>,
      %gt3A_1021 = arith.constant 5.000000e-01 : f32
      %gt3A_1022 = vector.broadcast %gt3A_1021 : f32 to vector<16xf32>
      %gt3A_1023 = arith.cmpf ogt, %gather3A_1018, %gt3A_1022 : vector<16xf32>
      %jit3A_1024 = arith.constant 0 : i32
      %broadcast_in_dim3A_1025 = vector.broadcast %jit3A_1024 : i32 to vector<16xi32>
      %select_n3A_1026 = arith.select %gt3A_1023, %shift_left3A_276, %broadcast_in_dim3A_1025 : vector<16xi1>, vector<16xi32>
      %or3A_1027 = arith.ori %get3A_1020, %select_n3A_1026 : vector<16xi32>
      %swap3A_1028 = arith.constant 96 : index
      %swap3A_1029 = tpu.vector_load %arg21[%swap3A_1028] {strides = array<i32>} : memref<128xi32, #tpu.memory_space<vmem>>, vector<16xi32>,
      tpu.vector_store %arg21[%swap3A_1028], %or3A_1027 {strides = array<i32>} : memref<128xi32, #tpu.memory_space<vmem>>, vector<16xi32>,
      %get3A_1030 = arith.constant 112 : index
      %get3A_1031 = tpu.vector_load %arg17[%get3A_1030] {strides = array<i32>} : memref<128xi32, #tpu.memory_space<vmem>>, vector<16xi32>,
      %get3A_1032 = arith.constant 112 : index
      %get3A_1033 = tpu.vector_load %arg18[%get3A_1032] {strides = array<i32>} : memref<128xi32, #tpu.memory_space<vmem>>, vector<16xi32>,
      %broadcast_in_dim3A_1034 = arith.constant 0 : i32
      %broadcast_in_dim3A_1035 = vector.broadcast %broadcast_in_dim3A_1034 : i32 to vector<16xi32>
      %select_n3A_1036 = arith.select %lt3A_206, %get3A_1031, %get3A_1033 : vector<16xi1>, vector<16xi32>
      %shift_right_arithmetic3A_1037 = arith.shrsi %select_n3A_1036, %select_n3A_237 : vector<16xi32>
      %and3A_1038 = arith.constant 1 : i32
      %and3A_1039 = vector.broadcast %and3A_1038 : i32 to vector<16xi32>
      %and3A_1040 = arith.andi %shift_right_arithmetic3A_1037, %and3A_1039 : vector<16xi32>
      %shift_left3A_1041 = arith.constant 0 : i32
      %shift_left3A_1042 = vector.broadcast %shift_left3A_1041 : i32 to vector<16xi32>
      %shift_left3A_1043 = arith.shli %and3A_1040, %shift_left3A_1042 : vector<16xi32>
      %or3A_1044 = arith.ori %broadcast_in_dim3A_1035, %shift_left3A_1043 : vector<16xi32>
      %select_n3A_1045 = arith.select %lt3A_209, %get3A_1031, %get3A_1033 : vector<16xi1>, vector<16xi32>
      %shift_right_arithmetic3A_1046 = arith.shrsi %select_n3A_1045, %select_n3A_241 : vector<16xi32>
      %and3A_1047 = arith.constant 1 : i32
      %and3A_1048 = vector.broadcast %and3A_1047 : i32 to vector<16xi32>
      %and3A_1049 = arith.andi %shift_right_arithmetic3A_1046, %and3A_1048 : vector<16xi32>
      %shift_left3A_1050 = arith.constant 1 : i32
      %shift_left3A_1051 = vector.broadcast %shift_left3A_1050 : i32 to vector<16xi32>
      %shift_left3A_1052 = arith.shli %and3A_1049, %shift_left3A_1051 : vector<16xi32>
      %or3A_1053 = arith.ori %or3A_1044, %shift_left3A_1052 : vector<16xi32>
      %select_n3A_1054 = arith.select %lt3A_212, %get3A_1031, %get3A_1033 : vector<16xi1>, vector<16xi32>
      %shift_right_arithmetic3A_1055 = arith.shrsi %select_n3A_1054, %select_n3A_245 : vector<16xi32>
      %and3A_1056 = arith.constant 1 : i32
      %and3A_1057 = vector.broadcast %and3A_1056 : i32 to vector<16xi32>
      %and3A_1058 = arith.andi %shift_right_arithmetic3A_1055, %and3A_1057 : vector<16xi32>
      %shift_left3A_1059 = arith.constant 2 : i32
      %shift_left3A_1060 = vector.broadcast %shift_left3A_1059 : i32 to vector<16xi32>
      %shift_left3A_1061 = arith.shli %and3A_1058, %shift_left3A_1060 : vector<16xi32>
      %or3A_1062 = arith.ori %or3A_1053, %shift_left3A_1061 : vector<16xi32>
      %select_n3A_1063 = arith.select %lt3A_215, %get3A_1031, %get3A_1033 : vector<16xi1>, vector<16xi32>
      %shift_right_arithmetic3A_1064 = arith.shrsi %select_n3A_1063, %select_n3A_249 : vector<16xi32>
      %and3A_1065 = arith.constant 1 : i32
      %and3A_1066 = vector.broadcast %and3A_1065 : i32 to vector<16xi32>
      %and3A_1067 = arith.andi %shift_right_arithmetic3A_1064, %and3A_1066 : vector<16xi32>
      %shift_left3A_1068 = arith.constant 3 : i32
      %shift_left3A_1069 = vector.broadcast %shift_left3A_1068 : i32 to vector<16xi32>
      %shift_left3A_1070 = arith.shli %and3A_1067, %shift_left3A_1069 : vector<16xi32>
      %or3A_1071 = arith.ori %or3A_1062, %shift_left3A_1070 : vector<16xi32>
      %select_n3A_1072 = arith.select %lt3A_218, %get3A_1031, %get3A_1033 : vector<16xi1>, vector<16xi32>
      %shift_right_arithmetic3A_1073 = arith.shrsi %select_n3A_1072, %select_n3A_253 : vector<16xi32>
      %and3A_1074 = arith.constant 1 : i32
      %and3A_1075 = vector.broadcast %and3A_1074 : i32 to vector<16xi32>
      %and3A_1076 = arith.andi %shift_right_arithmetic3A_1073, %and3A_1075 : vector<16xi32>
      %shift_left3A_1077 = arith.constant 4 : i32
      %shift_left3A_1078 = vector.broadcast %shift_left3A_1077 : i32 to vector<16xi32>
      %shift_left3A_1079 = arith.shli %and3A_1076, %shift_left3A_1078 : vector<16xi32>
      %or3A_1080 = arith.ori %or3A_1071, %shift_left3A_1079 : vector<16xi32>
      %select_n3A_1081 = arith.select %lt3A_221, %get3A_1031, %get3A_1033 : vector<16xi1>, vector<16xi32>
      %shift_right_arithmetic3A_1082 = arith.shrsi %select_n3A_1081, %select_n3A_257 : vector<16xi32>
      %and3A_1083 = arith.constant 1 : i32
      %and3A_1084 = vector.broadcast %and3A_1083 : i32 to vector<16xi32>
      %and3A_1085 = arith.andi %shift_right_arithmetic3A_1082, %and3A_1084 : vector<16xi32>
      %shift_left3A_1086 = arith.constant 5 : i32
      %shift_left3A_1087 = vector.broadcast %shift_left3A_1086 : i32 to vector<16xi32>
      %shift_left3A_1088 = arith.shli %and3A_1085, %shift_left3A_1087 : vector<16xi32>
      %or3A_1089 = arith.ori %or3A_1080, %shift_left3A_1088 : vector<16xi32>
      %select_n3A_1090 = arith.select %lt3A_224, %get3A_1031, %get3A_1033 : vector<16xi1>, vector<16xi32>
      %shift_right_arithmetic3A_1091 = arith.shrsi %select_n3A_1090, %select_n3A_261 : vector<16xi32>
      %and3A_1092 = arith.constant 1 : i32
      %and3A_1093 = vector.broadcast %and3A_1092 : i32 to vector<16xi32>
      %and3A_1094 = arith.andi %shift_right_arithmetic3A_1091, %and3A_1093 : vector<16xi32>
      %shift_left3A_1095 = arith.constant 6 : i32
      %shift_left3A_1096 = vector.broadcast %shift_left3A_1095 : i32 to vector<16xi32>
      %shift_left3A_1097 = arith.shli %and3A_1094, %shift_left3A_1096 : vector<16xi32>
      %or3A_1098 = arith.ori %or3A_1089, %shift_left3A_1097 : vector<16xi32>
      %select_n3A_1099 = arith.select %lt3A_227, %get3A_1031, %get3A_1033 : vector<16xi1>, vector<16xi32>
      %shift_right_arithmetic3A_1100 = arith.shrsi %select_n3A_1099, %select_n3A_265 : vector<16xi32>
      %and3A_1101 = arith.constant 1 : i32
      %and3A_1102 = vector.broadcast %and3A_1101 : i32 to vector<16xi32>
      %and3A_1103 = arith.andi %shift_right_arithmetic3A_1100, %and3A_1102 : vector<16xi32>
      %shift_left3A_1104 = arith.constant 7 : i32
      %shift_left3A_1105 = vector.broadcast %shift_left3A_1104 : i32 to vector<16xi32>
      %shift_left3A_1106 = arith.shli %and3A_1103, %shift_left3A_1105 : vector<16xi32>
      %or3A_1107 = arith.ori %or3A_1098, %shift_left3A_1106 : vector<16xi32>
      %select_n3A_1108 = arith.select %lt3A_230, %get3A_1031, %get3A_1033 : vector<16xi1>, vector<16xi32>
      %shift_right_arithmetic3A_1109 = arith.shrsi %select_n3A_1108, %select_n3A_269 : vector<16xi32>
      %and3A_1110 = arith.constant 1 : i32
      %and3A_1111 = vector.broadcast %and3A_1110 : i32 to vector<16xi32>
      %and3A_1112 = arith.andi %shift_right_arithmetic3A_1109, %and3A_1111 : vector<16xi32>
      %shift_left3A_1113 = arith.constant 8 : i32
      %shift_left3A_1114 = vector.broadcast %shift_left3A_1113 : i32 to vector<16xi32>
      %shift_left3A_1115 = arith.shli %and3A_1112, %shift_left3A_1114 : vector<16xi32>
      %or3A_1116 = arith.ori %or3A_1107, %shift_left3A_1115 : vector<16xi32>
      %select_n3A_1117 = arith.select %lt3A_233, %get3A_1031, %get3A_1033 : vector<16xi1>, vector<16xi32>
      %shift_right_arithmetic3A_1118 = arith.shrsi %select_n3A_1117, %select_n3A_273 : vector<16xi32>
      %and3A_1119 = arith.constant 1 : i32
      %and3A_1120 = vector.broadcast %and3A_1119 : i32 to vector<16xi32>
      %and3A_1121 = arith.andi %shift_right_arithmetic3A_1118, %and3A_1120 : vector<16xi32>
      %shift_left3A_1122 = arith.constant 9 : i32
      %shift_left3A_1123 = vector.broadcast %shift_left3A_1122 : i32 to vector<16xi32>
      %shift_left3A_1124 = arith.shli %and3A_1121, %shift_left3A_1123 : vector<16xi32>
      %or3A_1125 = arith.ori %or3A_1116, %shift_left3A_1124 : vector<16xi32>
      %gather3A_1126 = tpu.vector_load_idx %arg20[%broadcast_in_dim3A_277, %or3A_1125] : memref<32x1024xf32, #tpu.memory_space<vmem>>[vector<16xi32>, vector<16xi32>], vector<16xf32>,
      %get3A_1127 = arith.constant 112 : index
      %get3A_1128 = tpu.vector_load %arg21[%get3A_1127] {strides = array<i32>} : memref<128xi32, #tpu.memory_space<vmem>>, vector<16xi32>,
      %gt3A_1129 = arith.constant 5.000000e-01 : f32
      %gt3A_1130 = vector.broadcast %gt3A_1129 : f32 to vector<16xf32>
      %gt3A_1131 = arith.cmpf ogt, %gather3A_1126, %gt3A_1130 : vector<16xf32>
      %jit3A_1132 = arith.constant 0 : i32
      %broadcast_in_dim3A_1133 = vector.broadcast %jit3A_1132 : i32 to vector<16xi32>
      %select_n3A_1134 = arith.select %gt3A_1131, %shift_left3A_276, %broadcast_in_dim3A_1133 : vector<16xi1>, vector<16xi32>
      %or3A_1135 = arith.ori %get3A_1128, %select_n3A_1134 : vector<16xi32>
      %swap3A_1136 = arith.constant 112 : index
      %swap3A_1137 = tpu.vector_load %arg21[%swap3A_1136] {strides = array<i32>} : memref<128xi32, #tpu.memory_space<vmem>>, vector<16xi32>,
      tpu.vector_store %arg21[%swap3A_1136], %or3A_1135 {strides = array<i32>} : memref<128xi32, #tpu.memory_space<vmem>>, vector<16xi32>,
    }
    %scan3A_143 = arith.constant 32 : i32
    "tpu.region"() ({
      %run_scoped3A = tpu.sem_alloc : memref<!tpu.dma_semaphore, #tpu.memory_space<semaphore_mem>>
      %dma_start3A_144 = tpu.memref_slice %arg10[%add3A_35] : memref<4096xi32, #tpu.memory_space<hbm>> -> memref<128xi32, #tpu.memory_space<hbm>>
      %dma_start3A_145 = tpu.memref_slice %arg10[%add3A_35] : memref<4096xi32, #tpu.memory_space<hbm>> -> memref<128xi32, #tpu.memory_space<hbm>>
      tpu.enqueue_dma source(%arg21 : memref<128xi32, #tpu.memory_space<vmem>>) target(%dma_start3A_145 : memref<128xi32, #tpu.memory_space<hbm>>) target_semaphore(%run_scoped3A : memref<!tpu.dma_semaphore, #tpu.memory_space<semaphore_mem>>)
      %dma_wait3A_146 = tpu.memref_slice %arg10[%add3A_35] : memref<4096xi32, #tpu.memory_space<hbm>> -> memref<128xi32, #tpu.memory_space<hbm>>
      %dma_wait3A_147 = tpu.memref_slice %arg10[%add3A_35] : memref<4096xi32, #tpu.memory_space<hbm>> -> memref<128xi32, #tpu.memory_space<hbm>>
      tpu.wait_dma2 semaphore(%run_scoped3A : memref<!tpu.dma_semaphore, #tpu.memory_space<semaphore_mem>>) src(%arg21 : memref<128xi32, #tpu.memory_space<vmem>>) dst(%dma_wait3A_147 : memref<128xi32, #tpu.memory_space<hbm>>)
      tpu.yield
    }) : () -> ()
    return
  }
}

#map = affine_map<(d0, d1) -> (0)>
#map1 = affine_map<(d0, d1) -> (0, 0)>
module attributes {stable_mosaic.version = 14 : i64} {
  func.func @_k2_body(%arg0: i32, %arg1: i32, %arg2: memref<4096xi32, #tpu.memory_space<hbm>>, %arg3: memref<4x1024xi32, #tpu.memory_space<hbm>>, %arg4: memref<512xi32, #tpu.memory_space<hbm>>, %arg5: memref<32x4096xf32, #tpu.memory_space<hbm>>, %arg6: memref<32768xf32, #tpu.memory_space<hbm>>, %arg7: memref<4096xi32, #tpu.memory_space<vmem>>, %arg8: memref<4x1024xi32, #tpu.memory_space<vmem>>, %arg9: memref<512xi32, #tpu.memory_space<vmem>>, %arg10: memref<4096xf32, #tpu.memory_space<vmem>>, %arg11: memref<1024xf32, #tpu.memory_space<vmem>>) attributes {dimension_semantics = [#tpu.dimension_semantics<core_parallel>, #tpu.dimension_semantics<subcore_parallel>], iteration_bounds = array<i64: 2, 16>, scalar_prefetch = 0 : i64, scratch_operands = 5 : i64, tpu.core_type = #tpu.core_type<sc_vector_subcore>, window_params = [{transform_indices = #map}, {transform_indices = #map1}, {transform_indices = #map}, {transform_indices = #map1}, {transform_indices = #map}]} {
    %mul3A = arith.constant 2 : i32
    %mul3A_0 = arith.muli %arg1, %mul3A : i32
    %add3A = arith.addi %mul3A_0, %arg0 : i32
    "tpu.region"() ({
      %run_scoped3A = tpu.sem_alloc : memref<!tpu.dma_semaphore, #tpu.memory_space<semaphore_mem>>
      tpu.enqueue_dma source(%arg2 : memref<4096xi32, #tpu.memory_space<hbm>>) target(%arg7 : memref<4096xi32, #tpu.memory_space<vmem>>) target_semaphore(%run_scoped3A : memref<!tpu.dma_semaphore, #tpu.memory_space<semaphore_mem>>)
      tpu.wait_dma2 semaphore(%run_scoped3A : memref<!tpu.dma_semaphore, #tpu.memory_space<semaphore_mem>>) src(%arg2 : memref<4096xi32, #tpu.memory_space<hbm>>) dst(%arg7 : memref<4096xi32, #tpu.memory_space<vmem>>)
      tpu.yield
    }) : () -> ()
    "tpu.region"() ({
      %run_scoped3A = tpu.sem_alloc : memref<!tpu.dma_semaphore, #tpu.memory_space<semaphore_mem>>
      tpu.enqueue_dma source(%arg3 : memref<4x1024xi32, #tpu.memory_space<hbm>>) target(%arg8 : memref<4x1024xi32, #tpu.memory_space<vmem>>) target_semaphore(%run_scoped3A : memref<!tpu.dma_semaphore, #tpu.memory_space<semaphore_mem>>)
      tpu.wait_dma2 semaphore(%run_scoped3A : memref<!tpu.dma_semaphore, #tpu.memory_space<semaphore_mem>>) src(%arg3 : memref<4x1024xi32, #tpu.memory_space<hbm>>) dst(%arg8 : memref<4x1024xi32, #tpu.memory_space<vmem>>)
      tpu.yield
    }) : () -> ()
    "tpu.region"() ({
      %run_scoped3A = tpu.sem_alloc : memref<!tpu.dma_semaphore, #tpu.memory_space<semaphore_mem>>
      tpu.enqueue_dma source(%arg4 : memref<512xi32, #tpu.memory_space<hbm>>) target(%arg9 : memref<512xi32, #tpu.memory_space<vmem>>) target_semaphore(%run_scoped3A : memref<!tpu.dma_semaphore, #tpu.memory_space<semaphore_mem>>)
      tpu.wait_dma2 semaphore(%run_scoped3A : memref<!tpu.dma_semaphore, #tpu.memory_space<semaphore_mem>>) src(%arg4 : memref<512xi32, #tpu.memory_space<hbm>>) dst(%arg9 : memref<512xi32, #tpu.memory_space<vmem>>)
      tpu.yield
    }) : () -> ()
    "tpu.region"() ({
      %run_scoped3A = tpu.sem_alloc : memref<!tpu.dma_semaphore, #tpu.memory_space<semaphore_mem>>
      %dma_start3A = arith.constant 0 : i32
      %dma_start3A_148 = tpu.memref_slice %arg5[%add3A, %dma_start3A] : memref<32x4096xf32, #tpu.memory_space<hbm>> -> memref<1x4096xf32, #tpu.memory_space<hbm>>
      %dma_start3A_149 = tpu.memref_squeeze %dma_start3A_148 : memref<1x4096xf32, #tpu.memory_space<hbm>> -> memref<4096xf32, #tpu.memory_space<hbm>>
      %dma_start3A_150 = arith.constant 0 : i32
      %dma_start3A_151 = tpu.memref_slice %arg5[%add3A, %dma_start3A_150] : memref<32x4096xf32, #tpu.memory_space<hbm>> -> memref<1x4096xf32, #tpu.memory_space<hbm>>
      %dma_start3A_152 = tpu.memref_squeeze %dma_start3A_151 : memref<1x4096xf32, #tpu.memory_space<hbm>> -> memref<4096xf32, #tpu.memory_space<hbm>>
      tpu.enqueue_dma source(%dma_start3A_152 : memref<4096xf32, #tpu.memory_space<hbm>>) target(%arg10 : memref<4096xf32, #tpu.memory_space<vmem>>) target_semaphore(%run_scoped3A : memref<!tpu.dma_semaphore, #tpu.memory_space<semaphore_mem>>)
      %dma_wait3A = arith.constant 0 : i32
      %dma_wait3A_153 = tpu.memref_slice %arg5[%add3A, %dma_wait3A] : memref<32x4096xf32, #tpu.memory_space<hbm>> -> memref<1x4096xf32, #tpu.memory_space<hbm>>
      %dma_wait3A_154 = tpu.memref_squeeze %dma_wait3A_153 : memref<1x4096xf32, #tpu.memory_space<hbm>> -> memref<4096xf32, #tpu.memory_space<hbm>>
      %dma_wait3A_155 = arith.constant 0 : i32
      %dma_wait3A_156 = tpu.memref_slice %arg5[%add3A, %dma_wait3A_155] : memref<32x4096xf32, #tpu.memory_space<hbm>> -> memref<1x4096xf32, #tpu.memory_space<hbm>>
      %dma_wait3A_157 = tpu.memref_squeeze %dma_wait3A_156 : memref<1x4096xf32, #tpu.memory_space<hbm>> -> memref<4096xf32, #tpu.memory_space<hbm>>
      tpu.wait_dma2 semaphore(%run_scoped3A : memref<!tpu.dma_semaphore, #tpu.memory_space<semaphore_mem>>) src(%dma_wait3A_157 : memref<4096xf32, #tpu.memory_space<hbm>>) dst(%arg10 : memref<4096xf32, #tpu.memory_space<vmem>>)
      tpu.yield
    }) : () -> ()
    %mul3A_1 = arith.constant 16 : i32
    %mul3A_2 = arith.muli %add3A, %mul3A_1 : i32
    %add3A_3 = arith.constant 0 : i32
    %add3A_4 = arith.addi %mul3A_2, %add3A_3 : i32
    %broadcast_in_dim3A = vector.broadcast %add3A_4 : i32 to vector<16xi32>
    %gather3A = tpu.vector_load_idx %arg9[%broadcast_in_dim3A] : memref<512xi32, #tpu.memory_space<vmem>>[vector<16xi32>], vector<16xi32>,
    %mul3A_5 = arith.constant 16 : i32
    %mul3A_6 = arith.muli %add3A, %mul3A_5 : i32
    %add3A_7 = arith.constant 1 : i32
    %add3A_8 = arith.addi %mul3A_6, %add3A_7 : i32
    %broadcast_in_dim3A_9 = vector.broadcast %add3A_8 : i32 to vector<16xi32>
    %gather3A_10 = tpu.vector_load_idx %arg9[%broadcast_in_dim3A_9] : memref<512xi32, #tpu.memory_space<vmem>>[vector<16xi32>], vector<16xi32>,
    %mul3A_11 = arith.constant 16 : i32
    %mul3A_12 = arith.muli %add3A, %mul3A_11 : i32
    %add3A_13 = arith.constant 2 : i32
    %add3A_14 = arith.addi %mul3A_12, %add3A_13 : i32
    %broadcast_in_dim3A_15 = vector.broadcast %add3A_14 : i32 to vector<16xi32>
    %gather3A_16 = tpu.vector_load_idx %arg9[%broadcast_in_dim3A_15] : memref<512xi32, #tpu.memory_space<vmem>>[vector<16xi32>], vector<16xi32>,
    %mul3A_17 = arith.constant 16 : i32
    %mul3A_18 = arith.muli %add3A, %mul3A_17 : i32
    %add3A_19 = arith.constant 3 : i32
    %add3A_20 = arith.addi %mul3A_18, %add3A_19 : i32
    %broadcast_in_dim3A_21 = vector.broadcast %add3A_20 : i32 to vector<16xi32>
    %gather3A_22 = tpu.vector_load_idx %arg9[%broadcast_in_dim3A_21] : memref<512xi32, #tpu.memory_space<vmem>>[vector<16xi32>], vector<16xi32>,
    %mul3A_23 = arith.constant 16 : i32
    %mul3A_24 = arith.muli %add3A, %mul3A_23 : i32
    %add3A_25 = arith.constant 4 : i32
    %add3A_26 = arith.addi %mul3A_24, %add3A_25 : i32
    %broadcast_in_dim3A_27 = vector.broadcast %add3A_26 : i32 to vector<16xi32>
    %gather3A_28 = tpu.vector_load_idx %arg9[%broadcast_in_dim3A_27] : memref<512xi32, #tpu.memory_space<vmem>>[vector<16xi32>], vector<16xi32>,
    %mul3A_29 = arith.constant 16 : i32
    %mul3A_30 = arith.muli %add3A, %mul3A_29 : i32
    %add3A_31 = arith.constant 5 : i32
    %add3A_32 = arith.addi %mul3A_30, %add3A_31 : i32
    %broadcast_in_dim3A_33 = vector.broadcast %add3A_32 : i32 to vector<16xi32>
    %gather3A_34 = tpu.vector_load_idx %arg9[%broadcast_in_dim3A_33] : memref<512xi32, #tpu.memory_space<vmem>>[vector<16xi32>], vector<16xi32>,
    %mul3A_35 = arith.constant 16 : i32
    %mul3A_36 = arith.muli %add3A, %mul3A_35 : i32
    %add3A_37 = arith.constant 6 : i32
    %add3A_38 = arith.addi %mul3A_36, %add3A_37 : i32
    %broadcast_in_dim3A_39 = vector.broadcast %add3A_38 : i32 to vector<16xi32>
    %gather3A_40 = tpu.vector_load_idx %arg9[%broadcast_in_dim3A_39] : memref<512xi32, #tpu.memory_space<vmem>>[vector<16xi32>], vector<16xi32>,
    %mul3A_41 = arith.constant 16 : i32
    %mul3A_42 = arith.muli %add3A, %mul3A_41 : i32
    %add3A_43 = arith.constant 7 : i32
    %add3A_44 = arith.addi %mul3A_42, %add3A_43 : i32
    %broadcast_in_dim3A_45 = vector.broadcast %add3A_44 : i32 to vector<16xi32>
    %gather3A_46 = tpu.vector_load_idx %arg9[%broadcast_in_dim3A_45] : memref<512xi32, #tpu.memory_space<vmem>>[vector<16xi32>], vector<16xi32>,
    %mul3A_47 = arith.constant 16 : i32
    %mul3A_48 = arith.muli %add3A, %mul3A_47 : i32
    %add3A_49 = arith.constant 8 : i32
    %add3A_50 = arith.addi %mul3A_48, %add3A_49 : i32
    %broadcast_in_dim3A_51 = vector.broadcast %add3A_50 : i32 to vector<16xi32>
    %gather3A_52 = tpu.vector_load_idx %arg9[%broadcast_in_dim3A_51] : memref<512xi32, #tpu.memory_space<vmem>>[vector<16xi32>], vector<16xi32>,
    %mul3A_53 = arith.constant 16 : i32
    %mul3A_54 = arith.muli %add3A, %mul3A_53 : i32
    %add3A_55 = arith.constant 9 : i32
    %add3A_56 = arith.addi %mul3A_54, %add3A_55 : i32
    %broadcast_in_dim3A_57 = vector.broadcast %add3A_56 : i32 to vector<16xi32>
    %gather3A_58 = tpu.vector_load_idx %arg9[%broadcast_in_dim3A_57] : memref<512xi32, #tpu.memory_space<vmem>>[vector<16xi32>], vector<16xi32>,
    %mul3A_59 = arith.constant 16 : i32
    %mul3A_60 = arith.muli %add3A, %mul3A_59 : i32
    %add3A_61 = arith.constant 10 : i32
    %add3A_62 = arith.addi %mul3A_60, %add3A_61 : i32
    %broadcast_in_dim3A_63 = vector.broadcast %add3A_62 : i32 to vector<16xi32>
    %gather3A_64 = tpu.vector_load_idx %arg9[%broadcast_in_dim3A_63] : memref<512xi32, #tpu.memory_space<vmem>>[vector<16xi32>], vector<16xi32>,
    %mul3A_65 = arith.constant 16 : i32
    %mul3A_66 = arith.muli %add3A, %mul3A_65 : i32
    %add3A_67 = arith.constant 11 : i32
    %add3A_68 = arith.addi %mul3A_66, %add3A_67 : i32
    %broadcast_in_dim3A_69 = vector.broadcast %add3A_68 : i32 to vector<16xi32>
    %gather3A_70 = tpu.vector_load_idx %arg9[%broadcast_in_dim3A_69] : memref<512xi32, #tpu.memory_space<vmem>>[vector<16xi32>], vector<16xi32>,
    %shift_right_arithmetic3A = arith.constant 5 : i32
    %shift_right_arithmetic3A_71 = vector.broadcast %shift_right_arithmetic3A : i32 to vector<16xi32>
    %shift_right_arithmetic3A_72 = arith.shrsi %gather3A, %shift_right_arithmetic3A_71 : vector<16xi32>
    %shift_right_arithmetic3A_73 = arith.constant 5 : i32
    %shift_right_arithmetic3A_74 = vector.broadcast %shift_right_arithmetic3A_73 : i32 to vector<16xi32>
    %shift_right_arithmetic3A_75 = arith.shrsi %gather3A_10, %shift_right_arithmetic3A_74 : vector<16xi32>
    %shift_right_arithmetic3A_76 = arith.constant 5 : i32
    %shift_right_arithmetic3A_77 = vector.broadcast %shift_right_arithmetic3A_76 : i32 to vector<16xi32>
    %shift_right_arithmetic3A_78 = arith.shrsi %gather3A_16, %shift_right_arithmetic3A_77 : vector<16xi32>
    %shift_right_arithmetic3A_79 = arith.constant 5 : i32
    %shift_right_arithmetic3A_80 = vector.broadcast %shift_right_arithmetic3A_79 : i32 to vector<16xi32>
    %shift_right_arithmetic3A_81 = arith.shrsi %gather3A_22, %shift_right_arithmetic3A_80 : vector<16xi32>
    %shift_right_arithmetic3A_82 = arith.constant 5 : i32
    %shift_right_arithmetic3A_83 = vector.broadcast %shift_right_arithmetic3A_82 : i32 to vector<16xi32>
    %shift_right_arithmetic3A_84 = arith.shrsi %gather3A_28, %shift_right_arithmetic3A_83 : vector<16xi32>
    %shift_right_arithmetic3A_85 = arith.constant 5 : i32
    %shift_right_arithmetic3A_86 = vector.broadcast %shift_right_arithmetic3A_85 : i32 to vector<16xi32>
    %shift_right_arithmetic3A_87 = arith.shrsi %gather3A_34, %shift_right_arithmetic3A_86 : vector<16xi32>
    %shift_right_arithmetic3A_88 = arith.constant 5 : i32
    %shift_right_arithmetic3A_89 = vector.broadcast %shift_right_arithmetic3A_88 : i32 to vector<16xi32>
    %shift_right_arithmetic3A_90 = arith.shrsi %gather3A_40, %shift_right_arithmetic3A_89 : vector<16xi32>
    %shift_right_arithmetic3A_91 = arith.constant 5 : i32
    %shift_right_arithmetic3A_92 = vector.broadcast %shift_right_arithmetic3A_91 : i32 to vector<16xi32>
    %shift_right_arithmetic3A_93 = arith.shrsi %gather3A_46, %shift_right_arithmetic3A_92 : vector<16xi32>
    %shift_right_arithmetic3A_94 = arith.constant 5 : i32
    %shift_right_arithmetic3A_95 = vector.broadcast %shift_right_arithmetic3A_94 : i32 to vector<16xi32>
    %shift_right_arithmetic3A_96 = arith.shrsi %gather3A_52, %shift_right_arithmetic3A_95 : vector<16xi32>
    %shift_right_arithmetic3A_97 = arith.constant 5 : i32
    %shift_right_arithmetic3A_98 = vector.broadcast %shift_right_arithmetic3A_97 : i32 to vector<16xi32>
    %shift_right_arithmetic3A_99 = arith.shrsi %gather3A_58, %shift_right_arithmetic3A_98 : vector<16xi32>
    %shift_right_arithmetic3A_100 = arith.constant 5 : i32
    %shift_right_arithmetic3A_101 = vector.broadcast %shift_right_arithmetic3A_100 : i32 to vector<16xi32>
    %shift_right_arithmetic3A_102 = arith.shrsi %gather3A_64, %shift_right_arithmetic3A_101 : vector<16xi32>
    %shift_right_arithmetic3A_103 = arith.constant 5 : i32
    %shift_right_arithmetic3A_104 = vector.broadcast %shift_right_arithmetic3A_103 : i32 to vector<16xi32>
    %shift_right_arithmetic3A_105 = arith.shrsi %gather3A_70, %shift_right_arithmetic3A_104 : vector<16xi32>
    %and3A = arith.constant 31 : i32
    %and3A_106 = vector.broadcast %and3A : i32 to vector<16xi32>
    %and3A_107 = arith.andi %gather3A, %and3A_106 : vector<16xi32>
    %and3A_108 = arith.constant 31 : i32
    %and3A_109 = vector.broadcast %and3A_108 : i32 to vector<16xi32>
    %and3A_110 = arith.andi %gather3A_10, %and3A_109 : vector<16xi32>
    %and3A_111 = arith.constant 31 : i32
    %and3A_112 = vector.broadcast %and3A_111 : i32 to vector<16xi32>
    %and3A_113 = arith.andi %gather3A_16, %and3A_112 : vector<16xi32>
    %and3A_114 = arith.constant 31 : i32
    %and3A_115 = vector.broadcast %and3A_114 : i32 to vector<16xi32>
    %and3A_116 = arith.andi %gather3A_22, %and3A_115 : vector<16xi32>
    %and3A_117 = arith.constant 31 : i32
    %and3A_118 = vector.broadcast %and3A_117 : i32 to vector<16xi32>
    %and3A_119 = arith.andi %gather3A_28, %and3A_118 : vector<16xi32>
    %and3A_120 = arith.constant 31 : i32
    %and3A_121 = vector.broadcast %and3A_120 : i32 to vector<16xi32>
    %and3A_122 = arith.andi %gather3A_34, %and3A_121 : vector<16xi32>
    %and3A_123 = arith.constant 31 : i32
    %and3A_124 = vector.broadcast %and3A_123 : i32 to vector<16xi32>
    %and3A_125 = arith.andi %gather3A_40, %and3A_124 : vector<16xi32>
    %and3A_126 = arith.constant 31 : i32
    %and3A_127 = vector.broadcast %and3A_126 : i32 to vector<16xi32>
    %and3A_128 = arith.andi %gather3A_46, %and3A_127 : vector<16xi32>
    %and3A_129 = arith.constant 31 : i32
    %and3A_130 = vector.broadcast %and3A_129 : i32 to vector<16xi32>
    %and3A_131 = arith.andi %gather3A_52, %and3A_130 : vector<16xi32>
    %and3A_132 = arith.constant 31 : i32
    %and3A_133 = vector.broadcast %and3A_132 : i32 to vector<16xi32>
    %and3A_134 = arith.andi %gather3A_58, %and3A_133 : vector<16xi32>
    %and3A_135 = arith.constant 31 : i32
    %and3A_136 = vector.broadcast %and3A_135 : i32 to vector<16xi32>
    %and3A_137 = arith.andi %gather3A_64, %and3A_136 : vector<16xi32>
    %and3A_138 = arith.constant 31 : i32
    %and3A_139 = vector.broadcast %and3A_138 : i32 to vector<16xi32>
    %and3A_140 = arith.andi %gather3A_70, %and3A_139 : vector<16xi32>
    %scan3A = arith.constant 0 : i32
    %scan3A_141 = arith.constant 0 : i32
    %scan3A_142 = arith.constant 64 : i32
    %scan3A_143 = arith.addi %scan3A_141, %scan3A_142 : i32
    %scan3A_144 = arith.constant 1 : i32
    scf.for %scan3A_148 = %scan3A_141 to %scan3A_143 step %scan3A_144  : i32 {
      %mul3A_149 = arith.constant 16 : i32
      %mul3A_150 = arith.muli %scan3A_148, %mul3A_149 : i32
      %add3A_151 = arith.constant 0 : i32
      %add3A_152 = arith.addi %add3A_151, %mul3A_150 : i32
      %get3A = arith.index_cast %add3A_152 : i32 to index
      %get3A_153 = tpu.vector_load %arg7[%get3A] {strides = array<i32>} : memref<4096xi32, #tpu.memory_space<vmem>>, vector<16xi32>,
      %lt3A = arith.constant 1024 : i32
      %lt3A_154 = vector.broadcast %lt3A : i32 to vector<16xi32>
      %lt3A_155 = arith.cmpi slt, %get3A_153, %lt3A_154 : vector<16xi32>
      %jit3A = arith.constant 0 : i32
      %broadcast_in_dim3A_156 = vector.broadcast %jit3A : i32 to vector<16xi32>
      %select_n3A = arith.select %lt3A_155, %get3A_153, %broadcast_in_dim3A_156 : vector<16xi1>, vector<16xi32>
      %broadcast_in_dim3A_157 = arith.constant 0 : i32
      %broadcast_in_dim3A_158 = vector.broadcast %broadcast_in_dim3A_157 : i32 to vector<16xi32>
      %gather3A_159 = tpu.vector_load_idx %arg8[%broadcast_in_dim3A_158, %select_n3A] : memref<4x1024xi32, #tpu.memory_space<vmem>>[vector<16xi32>, vector<16xi32>], vector<16xi32>,
      %jit3A_160 = arith.constant 0 : i32
      %broadcast_in_dim3A_161 = vector.broadcast %jit3A_160 : i32 to vector<16xi32>
      %select_n3A_162 = arith.select %lt3A_155, %gather3A_159, %broadcast_in_dim3A_161 : vector<16xi1>, vector<16xi32>
      %mul3A_163 = arith.constant 16 : i32
      %mul3A_164 = arith.muli %scan3A_148, %mul3A_163 : i32
      %add3A_165 = arith.constant 1024 : i32
      %add3A_166 = arith.addi %add3A_165, %mul3A_164 : i32
      %get3A_167 = arith.index_cast %add3A_166 : i32 to index
      %get3A_168 = tpu.vector_load %arg7[%get3A_167] {strides = array<i32>} : memref<4096xi32, #tpu.memory_space<vmem>>, vector<16xi32>,
      %lt3A_169 = arith.constant 1024 : i32
      %lt3A_170 = vector.broadcast %lt3A_169 : i32 to vector<16xi32>
      %lt3A_171 = arith.cmpi slt, %get3A_168, %lt3A_170 : vector<16xi32>
      %jit3A_172 = arith.constant 0 : i32
      %broadcast_in_dim3A_173 = vector.broadcast %jit3A_172 : i32 to vector<16xi32>
      %select_n3A_174 = arith.select %lt3A_171, %get3A_168, %broadcast_in_dim3A_173 : vector<16xi1>, vector<16xi32>
      %broadcast_in_dim3A_175 = arith.constant 1 : i32
      %broadcast_in_dim3A_176 = vector.broadcast %broadcast_in_dim3A_175 : i32 to vector<16xi32>
      %gather3A_177 = tpu.vector_load_idx %arg8[%broadcast_in_dim3A_176, %select_n3A_174] : memref<4x1024xi32, #tpu.memory_space<vmem>>[vector<16xi32>, vector<16xi32>], vector<16xi32>,
      %jit3A_178 = arith.constant 0 : i32
      %broadcast_in_dim3A_179 = vector.broadcast %jit3A_178 : i32 to vector<16xi32>
      %select_n3A_180 = arith.select %lt3A_171, %gather3A_177, %broadcast_in_dim3A_179 : vector<16xi1>, vector<16xi32>
      %mul3A_181 = arith.constant 16 : i32
      %mul3A_182 = arith.muli %scan3A_148, %mul3A_181 : i32
      %add3A_183 = arith.constant 2048 : i32
      %add3A_184 = arith.addi %add3A_183, %mul3A_182 : i32
      %get3A_185 = arith.index_cast %add3A_184 : i32 to index
      %get3A_186 = tpu.vector_load %arg7[%get3A_185] {strides = array<i32>} : memref<4096xi32, #tpu.memory_space<vmem>>, vector<16xi32>,
      %lt3A_187 = arith.constant 1024 : i32
      %lt3A_188 = vector.broadcast %lt3A_187 : i32 to vector<16xi32>
      %lt3A_189 = arith.cmpi slt, %get3A_186, %lt3A_188 : vector<16xi32>
      %jit3A_190 = arith.constant 0 : i32
      %broadcast_in_dim3A_191 = vector.broadcast %jit3A_190 : i32 to vector<16xi32>
      %select_n3A_192 = arith.select %lt3A_189, %get3A_186, %broadcast_in_dim3A_191 : vector<16xi1>, vector<16xi32>
      %broadcast_in_dim3A_193 = arith.constant 2 : i32
      %broadcast_in_dim3A_194 = vector.broadcast %broadcast_in_dim3A_193 : i32 to vector<16xi32>
      %gather3A_195 = tpu.vector_load_idx %arg8[%broadcast_in_dim3A_194, %select_n3A_192] : memref<4x1024xi32, #tpu.memory_space<vmem>>[vector<16xi32>, vector<16xi32>], vector<16xi32>,
      %jit3A_196 = arith.constant 0 : i32
      %broadcast_in_dim3A_197 = vector.broadcast %jit3A_196 : i32 to vector<16xi32>
      %select_n3A_198 = arith.select %lt3A_189, %gather3A_195, %broadcast_in_dim3A_197 : vector<16xi1>, vector<16xi32>
      %mul3A_199 = arith.constant 16 : i32
      %mul3A_200 = arith.muli %scan3A_148, %mul3A_199 : i32
      %add3A_201 = arith.constant 3072 : i32
      %add3A_202 = arith.addi %add3A_201, %mul3A_200 : i32
      %get3A_203 = arith.index_cast %add3A_202 : i32 to index
      %get3A_204 = tpu.vector_load %arg7[%get3A_203] {strides = array<i32>} : memref<4096xi32, #tpu.memory_space<vmem>>, vector<16xi32>,
      %lt3A_205 = arith.constant 1024 : i32
      %lt3A_206 = vector.broadcast %lt3A_205 : i32 to vector<16xi32>
      %lt3A_207 = arith.cmpi slt, %get3A_204, %lt3A_206 : vector<16xi32>
      %jit3A_208 = arith.constant 0 : i32
      %broadcast_in_dim3A_209 = vector.broadcast %jit3A_208 : i32 to vector<16xi32>
      %select_n3A_210 = arith.select %lt3A_207, %get3A_204, %broadcast_in_dim3A_209 : vector<16xi1>, vector<16xi32>
      %broadcast_in_dim3A_211 = arith.constant 3 : i32
      %broadcast_in_dim3A_212 = vector.broadcast %broadcast_in_dim3A_211 : i32 to vector<16xi32>
      %gather3A_213 = tpu.vector_load_idx %arg8[%broadcast_in_dim3A_212, %select_n3A_210] : memref<4x1024xi32, #tpu.memory_space<vmem>>[vector<16xi32>, vector<16xi32>], vector<16xi32>,
      %jit3A_214 = arith.constant 0 : i32
      %broadcast_in_dim3A_215 = vector.broadcast %jit3A_214 : i32 to vector<16xi32>
      %select_n3A_216 = arith.select %lt3A_207, %gather3A_213, %broadcast_in_dim3A_215 : vector<16xi1>, vector<16xi32>
      %broadcast_in_dim3A_217 = arith.constant 0 : i32
      %broadcast_in_dim3A_218 = vector.broadcast %broadcast_in_dim3A_217 : i32 to vector<16xi32>
      %lt3A_219 = arith.constant 1 : i32
      %lt3A_220 = vector.broadcast %lt3A_219 : i32 to vector<16xi32>
      %lt3A_221 = arith.cmpi slt, %shift_right_arithmetic3A_72, %lt3A_220 : vector<16xi32>
      %select_n3A_222 = arith.select %lt3A_221, %select_n3A_162, %select_n3A_180 : vector<16xi1>, vector<16xi32>
      %lt3A_223 = arith.constant 3 : i32
      %lt3A_224 = vector.broadcast %lt3A_223 : i32 to vector<16xi32>
      %lt3A_225 = arith.cmpi slt, %shift_right_arithmetic3A_72, %lt3A_224 : vector<16xi32>
      %select_n3A_226 = arith.select %lt3A_225, %select_n3A_198, %select_n3A_216 : vector<16xi1>, vector<16xi32>
      %lt3A_227 = arith.constant 2 : i32
      %lt3A_228 = vector.broadcast %lt3A_227 : i32 to vector<16xi32>
      %lt3A_229 = arith.cmpi slt, %shift_right_arithmetic3A_72, %lt3A_228 : vector<16xi32>
      %select_n3A_230 = arith.select %lt3A_229, %select_n3A_222, %select_n3A_226 : vector<16xi1>, vector<16xi32>
      %shift_right_arithmetic3A_231 = arith.shrsi %select_n3A_230, %and3A_107 : vector<16xi32>
      %and3A_232 = arith.constant 1 : i32
      %and3A_233 = vector.broadcast %and3A_232 : i32 to vector<16xi32>
      %and3A_234 = arith.andi %shift_right_arithmetic3A_231, %and3A_233 : vector<16xi32>
      %shift_left3A = arith.constant 0 : i32
      %shift_left3A_235 = vector.broadcast %shift_left3A : i32 to vector<16xi32>
      %shift_left3A_236 = arith.shli %and3A_234, %shift_left3A_235 : vector<16xi32>
      %or3A = arith.ori %broadcast_in_dim3A_218, %shift_left3A_236 : vector<16xi32>
      %lt3A_237 = arith.constant 1 : i32
      %lt3A_238 = vector.broadcast %lt3A_237 : i32 to vector<16xi32>
      %lt3A_239 = arith.cmpi slt, %shift_right_arithmetic3A_75, %lt3A_238 : vector<16xi32>
      %select_n3A_240 = arith.select %lt3A_239, %select_n3A_162, %select_n3A_180 : vector<16xi1>, vector<16xi32>
      %lt3A_241 = arith.constant 3 : i32
      %lt3A_242 = vector.broadcast %lt3A_241 : i32 to vector<16xi32>
      %lt3A_243 = arith.cmpi slt, %shift_right_arithmetic3A_75, %lt3A_242 : vector<16xi32>
      %select_n3A_244 = arith.select %lt3A_243, %select_n3A_198, %select_n3A_216 : vector<16xi1>, vector<16xi32>
      %lt3A_245 = arith.constant 2 : i32
      %lt3A_246 = vector.broadcast %lt3A_245 : i32 to vector<16xi32>
      %lt3A_247 = arith.cmpi slt, %shift_right_arithmetic3A_75, %lt3A_246 : vector<16xi32>
      %select_n3A_248 = arith.select %lt3A_247, %select_n3A_240, %select_n3A_244 : vector<16xi1>, vector<16xi32>
      %shift_right_arithmetic3A_249 = arith.shrsi %select_n3A_248, %and3A_110 : vector<16xi32>
      %and3A_250 = arith.constant 1 : i32
      %and3A_251 = vector.broadcast %and3A_250 : i32 to vector<16xi32>
      %and3A_252 = arith.andi %shift_right_arithmetic3A_249, %and3A_251 : vector<16xi32>
      %shift_left3A_253 = arith.constant 1 : i32
      %shift_left3A_254 = vector.broadcast %shift_left3A_253 : i32 to vector<16xi32>
      %shift_left3A_255 = arith.shli %and3A_252, %shift_left3A_254 : vector<16xi32>
      %or3A_256 = arith.ori %or3A, %shift_left3A_255 : vector<16xi32>
      %lt3A_257 = arith.constant 1 : i32
      %lt3A_258 = vector.broadcast %lt3A_257 : i32 to vector<16xi32>
      %lt3A_259 = arith.cmpi slt, %shift_right_arithmetic3A_78, %lt3A_258 : vector<16xi32>
      %select_n3A_260 = arith.select %lt3A_259, %select_n3A_162, %select_n3A_180 : vector<16xi1>, vector<16xi32>
      %lt3A_261 = arith.constant 3 : i32
      %lt3A_262 = vector.broadcast %lt3A_261 : i32 to vector<16xi32>
      %lt3A_263 = arith.cmpi slt, %shift_right_arithmetic3A_78, %lt3A_262 : vector<16xi32>
      %select_n3A_264 = arith.select %lt3A_263, %select_n3A_198, %select_n3A_216 : vector<16xi1>, vector<16xi32>
      %lt3A_265 = arith.constant 2 : i32
      %lt3A_266 = vector.broadcast %lt3A_265 : i32 to vector<16xi32>
      %lt3A_267 = arith.cmpi slt, %shift_right_arithmetic3A_78, %lt3A_266 : vector<16xi32>
      %select_n3A_268 = arith.select %lt3A_267, %select_n3A_260, %select_n3A_264 : vector<16xi1>, vector<16xi32>
      %shift_right_arithmetic3A_269 = arith.shrsi %select_n3A_268, %and3A_113 : vector<16xi32>
      %and3A_270 = arith.constant 1 : i32
      %and3A_271 = vector.broadcast %and3A_270 : i32 to vector<16xi32>
      %and3A_272 = arith.andi %shift_right_arithmetic3A_269, %and3A_271 : vector<16xi32>
      %shift_left3A_273 = arith.constant 2 : i32
      %shift_left3A_274 = vector.broadcast %shift_left3A_273 : i32 to vector<16xi32>
      %shift_left3A_275 = arith.shli %and3A_272, %shift_left3A_274 : vector<16xi32>
      %or3A_276 = arith.ori %or3A_256, %shift_left3A_275 : vector<16xi32>
      %lt3A_277 = arith.constant 1 : i32
      %lt3A_278 = vector.broadcast %lt3A_277 : i32 to vector<16xi32>
      %lt3A_279 = arith.cmpi slt, %shift_right_arithmetic3A_81, %lt3A_278 : vector<16xi32>
      %select_n3A_280 = arith.select %lt3A_279, %select_n3A_162, %select_n3A_180 : vector<16xi1>, vector<16xi32>
      %lt3A_281 = arith.constant 3 : i32
      %lt3A_282 = vector.broadcast %lt3A_281 : i32 to vector<16xi32>
      %lt3A_283 = arith.cmpi slt, %shift_right_arithmetic3A_81, %lt3A_282 : vector<16xi32>
      %select_n3A_284 = arith.select %lt3A_283, %select_n3A_198, %select_n3A_216 : vector<16xi1>, vector<16xi32>
      %lt3A_285 = arith.constant 2 : i32
      %lt3A_286 = vector.broadcast %lt3A_285 : i32 to vector<16xi32>
      %lt3A_287 = arith.cmpi slt, %shift_right_arithmetic3A_81, %lt3A_286 : vector<16xi32>
      %select_n3A_288 = arith.select %lt3A_287, %select_n3A_280, %select_n3A_284 : vector<16xi1>, vector<16xi32>
      %shift_right_arithmetic3A_289 = arith.shrsi %select_n3A_288, %and3A_116 : vector<16xi32>
      %and3A_290 = arith.constant 1 : i32
      %and3A_291 = vector.broadcast %and3A_290 : i32 to vector<16xi32>
      %and3A_292 = arith.andi %shift_right_arithmetic3A_289, %and3A_291 : vector<16xi32>
      %shift_left3A_293 = arith.constant 3 : i32
      %shift_left3A_294 = vector.broadcast %shift_left3A_293 : i32 to vector<16xi32>
      %shift_left3A_295 = arith.shli %and3A_292, %shift_left3A_294 : vector<16xi32>
      %or3A_296 = arith.ori %or3A_276, %shift_left3A_295 : vector<16xi32>
      %lt3A_297 = arith.constant 1 : i32
      %lt3A_298 = vector.broadcast %lt3A_297 : i32 to vector<16xi32>
      %lt3A_299 = arith.cmpi slt, %shift_right_arithmetic3A_84, %lt3A_298 : vector<16xi32>
      %select_n3A_300 = arith.select %lt3A_299, %select_n3A_162, %select_n3A_180 : vector<16xi1>, vector<16xi32>
      %lt3A_301 = arith.constant 3 : i32
      %lt3A_302 = vector.broadcast %lt3A_301 : i32 to vector<16xi32>
      %lt3A_303 = arith.cmpi slt, %shift_right_arithmetic3A_84, %lt3A_302 : vector<16xi32>
      %select_n3A_304 = arith.select %lt3A_303, %select_n3A_198, %select_n3A_216 : vector<16xi1>, vector<16xi32>
      %lt3A_305 = arith.constant 2 : i32
      %lt3A_306 = vector.broadcast %lt3A_305 : i32 to vector<16xi32>
      %lt3A_307 = arith.cmpi slt, %shift_right_arithmetic3A_84, %lt3A_306 : vector<16xi32>
      %select_n3A_308 = arith.select %lt3A_307, %select_n3A_300, %select_n3A_304 : vector<16xi1>, vector<16xi32>
      %shift_right_arithmetic3A_309 = arith.shrsi %select_n3A_308, %and3A_119 : vector<16xi32>
      %and3A_310 = arith.constant 1 : i32
      %and3A_311 = vector.broadcast %and3A_310 : i32 to vector<16xi32>
      %and3A_312 = arith.andi %shift_right_arithmetic3A_309, %and3A_311 : vector<16xi32>
      %shift_left3A_313 = arith.constant 4 : i32
      %shift_left3A_314 = vector.broadcast %shift_left3A_313 : i32 to vector<16xi32>
      %shift_left3A_315 = arith.shli %and3A_312, %shift_left3A_314 : vector<16xi32>
      %or3A_316 = arith.ori %or3A_296, %shift_left3A_315 : vector<16xi32>
      %lt3A_317 = arith.constant 1 : i32
      %lt3A_318 = vector.broadcast %lt3A_317 : i32 to vector<16xi32>
      %lt3A_319 = arith.cmpi slt, %shift_right_arithmetic3A_87, %lt3A_318 : vector<16xi32>
      %select_n3A_320 = arith.select %lt3A_319, %select_n3A_162, %select_n3A_180 : vector<16xi1>, vector<16xi32>
      %lt3A_321 = arith.constant 3 : i32
      %lt3A_322 = vector.broadcast %lt3A_321 : i32 to vector<16xi32>
      %lt3A_323 = arith.cmpi slt, %shift_right_arithmetic3A_87, %lt3A_322 : vector<16xi32>
      %select_n3A_324 = arith.select %lt3A_323, %select_n3A_198, %select_n3A_216 : vector<16xi1>, vector<16xi32>
      %lt3A_325 = arith.constant 2 : i32
      %lt3A_326 = vector.broadcast %lt3A_325 : i32 to vector<16xi32>
      %lt3A_327 = arith.cmpi slt, %shift_right_arithmetic3A_87, %lt3A_326 : vector<16xi32>
      %select_n3A_328 = arith.select %lt3A_327, %select_n3A_320, %select_n3A_324 : vector<16xi1>, vector<16xi32>
      %shift_right_arithmetic3A_329 = arith.shrsi %select_n3A_328, %and3A_122 : vector<16xi32>
      %and3A_330 = arith.constant 1 : i32
      %and3A_331 = vector.broadcast %and3A_330 : i32 to vector<16xi32>
      %and3A_332 = arith.andi %shift_right_arithmetic3A_329, %and3A_331 : vector<16xi32>
      %shift_left3A_333 = arith.constant 5 : i32
      %shift_left3A_334 = vector.broadcast %shift_left3A_333 : i32 to vector<16xi32>
      %shift_left3A_335 = arith.shli %and3A_332, %shift_left3A_334 : vector<16xi32>
      %or3A_336 = arith.ori %or3A_316, %shift_left3A_335 : vector<16xi32>
      %lt3A_337 = arith.constant 1 : i32
      %lt3A_338 = vector.broadcast %lt3A_337 : i32 to vector<16xi32>
      %lt3A_339 = arith.cmpi slt, %shift_right_arithmetic3A_90, %lt3A_338 : vector<16xi32>
      %select_n3A_340 = arith.select %lt3A_339, %select_n3A_162, %select_n3A_180 : vector<16xi1>, vector<16xi32>
      %lt3A_341 = arith.constant 3 : i32
      %lt3A_342 = vector.broadcast %lt3A_341 : i32 to vector<16xi32>
      %lt3A_343 = arith.cmpi slt, %shift_right_arithmetic3A_90, %lt3A_342 : vector<16xi32>
      %select_n3A_344 = arith.select %lt3A_343, %select_n3A_198, %select_n3A_216 : vector<16xi1>, vector<16xi32>
      %lt3A_345 = arith.constant 2 : i32
      %lt3A_346 = vector.broadcast %lt3A_345 : i32 to vector<16xi32>
      %lt3A_347 = arith.cmpi slt, %shift_right_arithmetic3A_90, %lt3A_346 : vector<16xi32>
      %select_n3A_348 = arith.select %lt3A_347, %select_n3A_340, %select_n3A_344 : vector<16xi1>, vector<16xi32>
      %shift_right_arithmetic3A_349 = arith.shrsi %select_n3A_348, %and3A_125 : vector<16xi32>
      %and3A_350 = arith.constant 1 : i32
      %and3A_351 = vector.broadcast %and3A_350 : i32 to vector<16xi32>
      %and3A_352 = arith.andi %shift_right_arithmetic3A_349, %and3A_351 : vector<16xi32>
      %shift_left3A_353 = arith.constant 6 : i32
      %shift_left3A_354 = vector.broadcast %shift_left3A_353 : i32 to vector<16xi32>
      %shift_left3A_355 = arith.shli %and3A_352, %shift_left3A_354 : vector<16xi32>
      %or3A_356 = arith.ori %or3A_336, %shift_left3A_355 : vector<16xi32>
      %lt3A_357 = arith.constant 1 : i32
      %lt3A_358 = vector.broadcast %lt3A_357 : i32 to vector<16xi32>
      %lt3A_359 = arith.cmpi slt, %shift_right_arithmetic3A_93, %lt3A_358 : vector<16xi32>
      %select_n3A_360 = arith.select %lt3A_359, %select_n3A_162, %select_n3A_180 : vector<16xi1>, vector<16xi32>
      %lt3A_361 = arith.constant 3 : i32
      %lt3A_362 = vector.broadcast %lt3A_361 : i32 to vector<16xi32>
      %lt3A_363 = arith.cmpi slt, %shift_right_arithmetic3A_93, %lt3A_362 : vector<16xi32>
      %select_n3A_364 = arith.select %lt3A_363, %select_n3A_198, %select_n3A_216 : vector<16xi1>, vector<16xi32>
      %lt3A_365 = arith.constant 2 : i32
      %lt3A_366 = vector.broadcast %lt3A_365 : i32 to vector<16xi32>
      %lt3A_367 = arith.cmpi slt, %shift_right_arithmetic3A_93, %lt3A_366 : vector<16xi32>
      %select_n3A_368 = arith.select %lt3A_367, %select_n3A_360, %select_n3A_364 : vector<16xi1>, vector<16xi32>
      %shift_right_arithmetic3A_369 = arith.shrsi %select_n3A_368, %and3A_128 : vector<16xi32>
      %and3A_370 = arith.constant 1 : i32
      %and3A_371 = vector.broadcast %and3A_370 : i32 to vector<16xi32>
      %and3A_372 = arith.andi %shift_right_arithmetic3A_369, %and3A_371 : vector<16xi32>
      %shift_left3A_373 = arith.constant 7 : i32
      %shift_left3A_374 = vector.broadcast %shift_left3A_373 : i32 to vector<16xi32>
      %shift_left3A_375 = arith.shli %and3A_372, %shift_left3A_374 : vector<16xi32>
      %or3A_376 = arith.ori %or3A_356, %shift_left3A_375 : vector<16xi32>
      %lt3A_377 = arith.constant 1 : i32
      %lt3A_378 = vector.broadcast %lt3A_377 : i32 to vector<16xi32>
      %lt3A_379 = arith.cmpi slt, %shift_right_arithmetic3A_96, %lt3A_378 : vector<16xi32>
      %select_n3A_380 = arith.select %lt3A_379, %select_n3A_162, %select_n3A_180 : vector<16xi1>, vector<16xi32>
      %lt3A_381 = arith.constant 3 : i32
      %lt3A_382 = vector.broadcast %lt3A_381 : i32 to vector<16xi32>
      %lt3A_383 = arith.cmpi slt, %shift_right_arithmetic3A_96, %lt3A_382 : vector<16xi32>
      %select_n3A_384 = arith.select %lt3A_383, %select_n3A_198, %select_n3A_216 : vector<16xi1>, vector<16xi32>
      %lt3A_385 = arith.constant 2 : i32
      %lt3A_386 = vector.broadcast %lt3A_385 : i32 to vector<16xi32>
      %lt3A_387 = arith.cmpi slt, %shift_right_arithmetic3A_96, %lt3A_386 : vector<16xi32>
      %select_n3A_388 = arith.select %lt3A_387, %select_n3A_380, %select_n3A_384 : vector<16xi1>, vector<16xi32>
      %shift_right_arithmetic3A_389 = arith.shrsi %select_n3A_388, %and3A_131 : vector<16xi32>
      %and3A_390 = arith.constant 1 : i32
      %and3A_391 = vector.broadcast %and3A_390 : i32 to vector<16xi32>
      %and3A_392 = arith.andi %shift_right_arithmetic3A_389, %and3A_391 : vector<16xi32>
      %shift_left3A_393 = arith.constant 8 : i32
      %shift_left3A_394 = vector.broadcast %shift_left3A_393 : i32 to vector<16xi32>
      %shift_left3A_395 = arith.shli %and3A_392, %shift_left3A_394 : vector<16xi32>
      %or3A_396 = arith.ori %or3A_376, %shift_left3A_395 : vector<16xi32>
      %lt3A_397 = arith.constant 1 : i32
      %lt3A_398 = vector.broadcast %lt3A_397 : i32 to vector<16xi32>
      %lt3A_399 = arith.cmpi slt, %shift_right_arithmetic3A_99, %lt3A_398 : vector<16xi32>
      %select_n3A_400 = arith.select %lt3A_399, %select_n3A_162, %select_n3A_180 : vector<16xi1>, vector<16xi32>
      %lt3A_401 = arith.constant 3 : i32
      %lt3A_402 = vector.broadcast %lt3A_401 : i32 to vector<16xi32>
      %lt3A_403 = arith.cmpi slt, %shift_right_arithmetic3A_99, %lt3A_402 : vector<16xi32>
      %select_n3A_404 = arith.select %lt3A_403, %select_n3A_198, %select_n3A_216 : vector<16xi1>, vector<16xi32>
      %lt3A_405 = arith.constant 2 : i32
      %lt3A_406 = vector.broadcast %lt3A_405 : i32 to vector<16xi32>
      %lt3A_407 = arith.cmpi slt, %shift_right_arithmetic3A_99, %lt3A_406 : vector<16xi32>
      %select_n3A_408 = arith.select %lt3A_407, %select_n3A_400, %select_n3A_404 : vector<16xi1>, vector<16xi32>
      %shift_right_arithmetic3A_409 = arith.shrsi %select_n3A_408, %and3A_134 : vector<16xi32>
      %and3A_410 = arith.constant 1 : i32
      %and3A_411 = vector.broadcast %and3A_410 : i32 to vector<16xi32>
      %and3A_412 = arith.andi %shift_right_arithmetic3A_409, %and3A_411 : vector<16xi32>
      %shift_left3A_413 = arith.constant 9 : i32
      %shift_left3A_414 = vector.broadcast %shift_left3A_413 : i32 to vector<16xi32>
      %shift_left3A_415 = arith.shli %and3A_412, %shift_left3A_414 : vector<16xi32>
      %or3A_416 = arith.ori %or3A_396, %shift_left3A_415 : vector<16xi32>
      %lt3A_417 = arith.constant 1 : i32
      %lt3A_418 = vector.broadcast %lt3A_417 : i32 to vector<16xi32>
      %lt3A_419 = arith.cmpi slt, %shift_right_arithmetic3A_102, %lt3A_418 : vector<16xi32>
      %select_n3A_420 = arith.select %lt3A_419, %select_n3A_162, %select_n3A_180 : vector<16xi1>, vector<16xi32>
      %lt3A_421 = arith.constant 3 : i32
      %lt3A_422 = vector.broadcast %lt3A_421 : i32 to vector<16xi32>
      %lt3A_423 = arith.cmpi slt, %shift_right_arithmetic3A_102, %lt3A_422 : vector<16xi32>
      %select_n3A_424 = arith.select %lt3A_423, %select_n3A_198, %select_n3A_216 : vector<16xi1>, vector<16xi32>
      %lt3A_425 = arith.constant 2 : i32
      %lt3A_426 = vector.broadcast %lt3A_425 : i32 to vector<16xi32>
      %lt3A_427 = arith.cmpi slt, %shift_right_arithmetic3A_102, %lt3A_426 : vector<16xi32>
      %select_n3A_428 = arith.select %lt3A_427, %select_n3A_420, %select_n3A_424 : vector<16xi1>, vector<16xi32>
      %shift_right_arithmetic3A_429 = arith.shrsi %select_n3A_428, %and3A_137 : vector<16xi32>
      %and3A_430 = arith.constant 1 : i32
      %and3A_431 = vector.broadcast %and3A_430 : i32 to vector<16xi32>
      %and3A_432 = arith.andi %shift_right_arithmetic3A_429, %and3A_431 : vector<16xi32>
      %shift_left3A_433 = arith.constant 10 : i32
      %shift_left3A_434 = vector.broadcast %shift_left3A_433 : i32 to vector<16xi32>
      %shift_left3A_435 = arith.shli %and3A_432, %shift_left3A_434 : vector<16xi32>
      %or3A_436 = arith.ori %or3A_416, %shift_left3A_435 : vector<16xi32>
      %lt3A_437 = arith.constant 1 : i32
      %lt3A_438 = vector.broadcast %lt3A_437 : i32 to vector<16xi32>
      %lt3A_439 = arith.cmpi slt, %shift_right_arithmetic3A_105, %lt3A_438 : vector<16xi32>
      %select_n3A_440 = arith.select %lt3A_439, %select_n3A_162, %select_n3A_180 : vector<16xi1>, vector<16xi32>
      %lt3A_441 = arith.constant 3 : i32
      %lt3A_442 = vector.broadcast %lt3A_441 : i32 to vector<16xi32>
      %lt3A_443 = arith.cmpi slt, %shift_right_arithmetic3A_105, %lt3A_442 : vector<16xi32>
      %select_n3A_444 = arith.select %lt3A_443, %select_n3A_198, %select_n3A_216 : vector<16xi1>, vector<16xi32>
      %lt3A_445 = arith.constant 2 : i32
      %lt3A_446 = vector.broadcast %lt3A_445 : i32 to vector<16xi32>
      %lt3A_447 = arith.cmpi slt, %shift_right_arithmetic3A_105, %lt3A_446 : vector<16xi32>
      %select_n3A_448 = arith.select %lt3A_447, %select_n3A_440, %select_n3A_444 : vector<16xi1>, vector<16xi32>
      %shift_right_arithmetic3A_449 = arith.shrsi %select_n3A_448, %and3A_140 : vector<16xi32>
      %and3A_450 = arith.constant 1 : i32
      %and3A_451 = vector.broadcast %and3A_450 : i32 to vector<16xi32>
      %and3A_452 = arith.andi %shift_right_arithmetic3A_449, %and3A_451 : vector<16xi32>
      %shift_left3A_453 = arith.constant 11 : i32
      %shift_left3A_454 = vector.broadcast %shift_left3A_453 : i32 to vector<16xi32>
      %shift_left3A_455 = arith.shli %and3A_452, %shift_left3A_454 : vector<16xi32>
      %or3A_456 = arith.ori %or3A_436, %shift_left3A_455 : vector<16xi32>
      %gather3A_457 = tpu.vector_load_idx %arg10[%or3A_456] : memref<4096xf32, #tpu.memory_space<vmem>>[vector<16xi32>], vector<16xf32>,
      %mul3A_458 = arith.constant 16 : i32
      %mul3A_459 = arith.muli %scan3A_148, %mul3A_458 : i32
      %swap3A = arith.index_cast %mul3A_459 : i32 to index
      %swap3A_460 = tpu.vector_load %arg11[%swap3A] {strides = array<i32>} : memref<1024xf32, #tpu.memory_space<vmem>>, vector<16xf32>,
      tpu.vector_store %arg11[%swap3A], %gather3A_457 {strides = array<i32>} : memref<1024xf32, #tpu.memory_space<vmem>>, vector<16xf32>,
    }
    %scan3A_145 = arith.constant 64 : i32
    %mul3A_146 = arith.constant 1024 : i32
    %mul3A_147 = arith.muli %add3A, %mul3A_146 : i32
    "tpu.region"() ({
      %run_scoped3A = tpu.sem_alloc : memref<!tpu.dma_semaphore, #tpu.memory_space<semaphore_mem>>
      %dma_start3A = tpu.memref_slice %arg6[%mul3A_147] : memref<32768xf32, #tpu.memory_space<hbm>> -> memref<1024xf32, #tpu.memory_space<hbm>>
      %dma_start3A_148 = tpu.memref_slice %arg6[%mul3A_147] : memref<32768xf32, #tpu.memory_space<hbm>> -> memref<1024xf32, #tpu.memory_space<hbm>>
      tpu.enqueue_dma source(%arg11 : memref<1024xf32, #tpu.memory_space<vmem>>) target(%dma_start3A_148 : memref<1024xf32, #tpu.memory_space<hbm>>) target_semaphore(%run_scoped3A : memref<!tpu.dma_semaphore, #tpu.memory_space<semaphore_mem>>)
      %dma_wait3A = tpu.memref_slice %arg6[%mul3A_147] : memref<32768xf32, #tpu.memory_space<hbm>> -> memref<1024xf32, #tpu.memory_space<hbm>>
      %dma_wait3A_149 = tpu.memref_slice %arg6[%mul3A_147] : memref<32768xf32, #tpu.memory_space<hbm>> -> memref<1024xf32, #tpu.memory_space<hbm>>
      tpu.wait_dma2 semaphore(%run_scoped3A : memref<!tpu.dma_semaphore, #tpu.memory_space<semaphore_mem>>) src(%arg11 : memref<1024xf32, #tpu.memory_space<vmem>>) dst(%dma_wait3A_149 : memref<1024xf32, #tpu.memory_space<hbm>>)
      tpu.yield
    }) : () -> ()
    return
  }
}

</mosaic_0001>

<sc_bundles>
// kernel: kernel.4.cloned.1.call-start
scs
__scs_entry_jumppad:
0x0: {  	(pc) =	sbr.rel $0x88, $3  }
0x1: {  	(tag) =	ssettag $0x0;
	lr =	simm.s32 $0x1  }
0x2: {  	[smem:$0x3F9A] =	sst lr;
	_ =	strace $0xD0000000  }
0x3: {  	_ = 	snop  }
0x4: {  	_ = 	snop  }
0x5: {  	_ = 	snop  }
0x6: {  	_ = 	snop  }
0x7: {  	_ = 	snop  }
__scs_overlays_trampoline_lowered:
0x8: {  	[smem:$0x3FA9] =	sst s0  }
0x9: {  	[smem:$0x3FAA] =	sst s1  }
0xa: {  	[smem:$0x3FAB] =	sst s2  }
0xb: {  	[smem:$0x3FAC] =	sst s3  }
0xc: {  	[smem:$0x3FAD] =	sst s4  }
0xd: {  	[smem:$0x3FAE] =	sst s5  }
0xe: {  	[smem:$0x3FAF] =	sst s6  }
0xf: {  	[smem:$0x3FB0] =	sst s7  }
0x10: {  	[smem:$0x3FB1] =	sst s8  }
0x11: {  	[smem:$0x3FB2] =	sst s9;
	s0 =	simm.s32 @!p0 $0x0  }
0x12: {  	s1 =	sld [smem:$0x3F98];
	s0 =	simm.s32 @p0 $0x1  }
0x13: {  	[smem:$0x3FB3] =	sst s0;
	s0 =	simm.s32 @!p1 $0x0  }
0x14: {  	s2 =	sld [smem:$0x3F97];
	s0 =	simm.s32 @p1 $0x1  }
0x15: {  	[smem:$0x3FB4] =	sst s0;
	s0 =	simm.s32 @!p2 $0x0  }
0x16: {  	s3 =	sld [smem:$0x3FDB];
	s0 =	simm.s32 @p2 $0x1  }
0x17: {  	s4 =	simm.s32 $0x1BF5;
	[smem:$0x3FB6] =	sst s0  }
0x18: {  	s0 =	sld [smem:$0x3F99];
	_ =	swait.ge [sflag:s4], $0x0  }
0x19: {  	s7 =	sld [smem:$0x3F9A]  }
0x1a: {  	s8 =	sadd.s32 $0xFFFFE003, lr  }
0x1b: {  	s9 =	sadd.s32 $0xFFFFFEF7, lr;
	s5 =	simm.s32 $0xFFFFFFFF;
	p2 =	slt.u32 s8, $0xFFFFF086  }
0x1c: {  	p1 =	slt.u32 s9, $0xF7A;
	s5 =	simm.s32 @!p2 $0x0  }
0x1d: {  	s5 =	simm.s32 @p1 $0x1;
	p0 =	seq.s32 s7, s2  }
0x1e: {  	s7 =	smul.u32 @!p0 $0xF7A, s2;
	p2 =	seq.s32 @!p0 s5, $0x0  }
0x1f: {  	s9 =	smul.u32 $0xF7A, s1;
	s8 =	simm.s32 @!p0 $0x1BF5;
	p2 =	por !p2, p0  }
0x20: {  	[sflag:s8] =	ssyncset.s32 @!p0 $0xFFFFF086;
	s6 =	sadd.s32 @!p0 s3, s7;
	s7 =	simm.s32 @!p0 $0x108  }
0x21: {  	s3 =	sadd.s32 s3, s9;
	s6 =	sadd.s32 @!p0 $0x88, s6;
	s7 =	simm.s32 @p2 $0x1082  }
0x22: {  	[simem:s7], [sflag:s8] =	dma.local @!p0 [hbm:s6], $0xF7A  }
0x23: {  	s9 =	sor.u32 $0xD0000000, s2;
	s6 =	simm.s32 $0x108;
	_ =	swait.ge @!p0 [sflag:s8], $0x0  }
0x24: {  	s3 =	sadd.s32 $0x88, s3;
	s6 =	simm.s32 @!p1 $0x1082;
	[sflag:s4] =	ssyncset.s32 $0xFFFFF086  }
0x25: {  	[simem:s6], [sflag:s4] =	dma.local [hbm:s3], $0xF7A  }
0x26: {  	[smem:$0x3F9A] =	sst s1;
	(tag) =	ssettag s2;
	_ =	strace s9  }
0x27: {  	s1 =	sld [smem:$0x3FAA]  }
0x28: {  	s2 =	sld [smem:$0x3FAB]  }
0x29: {  	s4 =	sld [smem:$0x3FAD]  }
0x2a: {  	p0 =	seq.s32 s5, $0x0;
	s5 =	sld [smem:$0x3FAE]  }
0x2b: {  	s6 =	sld [smem:$0x3FAF]  }
0x2c: {  	s7 =	sld [smem:$0x3FB0]  }
0x2d: {  	s3 =	simm.s32 $0x108;
	s8 =	sld [smem:$0x3FB1]  }
0x2e: {  	s3 =	simm.s32 @!p0 $0x1082;
	s9 =	sld [smem:$0x3FB2]  }
0x2f: {  	lr =	sadd.s32 s0, s3;
	s0 =	sld [smem:$0x3FA9]  }
0x30: {  	s3 =	sld [smem:$0x3FAC]  }
0x31: {  	[smem:$0x3FB5] =	sst s10  }
0x32: {  	s10 =	sld [smem:$0x3FB3];
	_ =	sdelay $0x3  }
0x33: {  	p0 =	seq.s32 s10, $0x1;
	s10 =	sld [smem:$0x3FB5];
	_ =	sdelay $0x3  }
0x34: {  	[smem:$0x3FB5] =	sst s10  }
0x35: {  	s10 =	sld [smem:$0x3FB4];
	_ =	sdelay $0x3  }
0x36: {  	p1 =	seq.s32 s10, $0x1;
	s10 =	sld [smem:$0x3FB5];
	_ =	sdelay $0x3  }
0x37: {  	[smem:$0x3FB5] =	sst s10  }
0x38: {  	s10 =	sld [smem:$0x3FB6]  }
0x39: {  	_ = 	snop;
	(pc) =	sbr.ind lr, $3  }
0x3a: {  	_ = 	snop  }
0x3b: {  	_ = 	snop  }
0x3c: {  	p2 =	seq.s32 s10, $0x1;
	s10 =	sld [smem:$0x3FB5]  }
0x3d: {  	_ =	shalt  }
0x3e: {  	_ =	shalt  }
0x3f: {  	_ =	shalt  }
0x40: {  	_ =	shalt  }
0x41: {  	_ =	shalt  }
0x42: {  	_ =	shalt  }
0x43: {  	_ =	shalt  }
0x44: {  	_ =	shalt  }
0x45: {  	_ =	shalt  }
0x46: {  	_ =	shalt  }
0x47: {  	_ =	shalt  }
0x48: {  	_ =	shalt  }
0x49: {  	_ =	shalt  }
0x4a: {  	_ =	shalt  }
0x4b: {  	_ =	shalt  }
0x4c: {  	_ =	shalt  }
0x4d: {  	_ =	shalt  }
0x4e: {  	_ =	shalt  }
0x4f: {  	_ =	shalt  }
0x50: {  	_ =	shalt  }
0x51: {  	_ =	shalt  }
0x52: {  	_ =	shalt  }
0x53: {  	_ =	shalt  }
0x54: {  	_ =	shalt  }
0x55: {  	_ =	shalt  }
0x56: {  	_ =	shalt  }
0x57: {  	_ =	shalt  }
0x58: {  	_ =	shalt  }
0x59: {  	_ =	shalt  }
0x5a: {  	_ =	shalt  }
0x5b: {  	_ =	shalt  }
0x5c: {  	_ =	shalt  }
0x5d: {  	_ =	shalt  }
0x5e: {  	_ =	shalt  }
0x5f: {  	_ =	shalt  }
0x60: {  	_ =	shalt  }
0x61: {  	_ =	shalt  }
0x62: {  	_ =	shalt  }
0x63: {  	_ =	shalt  }
0x64: {  	_ =	shalt  }
0x65: {  	_ =	shalt  }
0x66: {  	_ =	shalt  }
0x67: {  	_ =	shalt  }
0x68: {  	_ =	shalt  }
0x69: {  	_ =	shalt  }
0x6a: {  	_ =	shalt  }
0x6b: {  	_ =	shalt  }
0x6c: {  	_ =	shalt  }
0x6d: {  	_ =	shalt  }
0x6e: {  	_ =	shalt  }
0x6f: {  	_ =	shalt  }
0x70: {  	_ =	shalt  }
0x71: {  	_ =	shalt  }
0x72: {  	_ =	shalt  }
0x73: {  	_ =	shalt  }
0x74: {  	_ =	shalt  }
0x75: {  	_ =	shalt  }
0x76: {  	_ =	shalt  }
0x77: {  	_ =	shalt  }
0x78: {  	_ =	shalt  }
0x79: {  	_ =	shalt  }
0x7a: {  	_ =	shalt  }
0x7b: {  	_ =	shalt  }
0x7c: {  	_ =	shalt  }
0x7d: {  	_ =	shalt  }
0x7e: {  	_ =	shalt  }
0x7f: {  	_ =	shalt  }
0x80: {  	_ =	shalt  }
0x81: {  	_ =	shalt  }
0x82: {  	_ =	shalt  }
0x83: {  	_ =	shalt  }
0x84: {  	_ =	shalt  }
0x85: {  	_ =	shalt  }
0x86: {  	_ =	shalt  }
0x87: {  	_ =	shalt  }
.Lfunc_end0:
.L_simem_size_0:
called_computation.1_lowered:
.L_overlay_start_0:
0x88: {  	s2 =	sld [smem:$0x3FD9]  }
0x89: {  	s3 =	sld [smem:$0x3FFE];
	_ =	sdelay $0x1  }
0x8a: {  	s1 =	srdreg.scid  }
0x8b: {  	s0 =	sand.u32 $0x1, s1  }
0x8c: {  	s17 =	sshll.u32 s0, $0xA;
	s2 =	sadd.s32 s3, s2  }
0x8d: {  	s2 =	sadd.s32 s2, s17  }
0x8e: {  	[smem:$0x3FC1] =	sst s2  }
0x8f: {  	_ = 	snop  }
0x90: {  	s2 =	sld [smem:$0x3FD0];
	(tm) =	ssettm $0x1  }
0x91: {  	s18 =	sld [smem:$0x3FFB];
	_ =	sdelay $0x3  }
0x92: {  	_ =	strace s18  }
0x93: {  	s3 =	sld [smem:$0x3FFC];
	_ =	sdelay $0x3  }
0x94: {  	_ =	strace s3  }
0x95: {  	s3 =	sld [smem:$0x3FFD];
	_ =	sdelay $0x3  }
0x96: {  	_ =	strace s3  }
0x97: {  	_ =	strace $0x8FFFFFFF  }
0x98: {  	s19 =	sld [smem:$0x3FDB];
	_ =	sdelay $0x1  }
0x99: {  	s4 =	simm.s32 $_scs_section_size  }
0x9a: {  	s5 =	simm.s32 $_size__tile_overlayer_lowered;
	s6 =	simm.s32 $_tile_overlayer_lowered  }
0x9b: {  	s22 =	simm.s32 $0x1BFF;
	s21 =	sshll.u32 s6, $0x1;
	s3 =	sadd.s32 s4, s19  }
0x9c: {  	s7 =	simm.s32 $0x0;
	s20 =	sshll.u32 s5, $0x1;
	s5 =	sadd.s32 s21, s3  }
0x9d: {  	[timem:s7], [sflag:s22] =	dma.local [hbm:s5], s20  }
0x9e: {  	_ =	swait.ge [sflag:s22], s20  }
0x9f: {  	s4 =	ssub.s32 $0x0, s20;
	[sflag:s22] =	ssyncset.done $0x0  }
0xa0: {  	[sflag:s22] =	ssyncadd.s32 s4;
	_ =	sdelay $0x1  }
0xa1: {  	s23 =	simm.s32 $0x1B8B  }
0xa2: {  	_ =	swait.ge [sflag:s23], $0x1  }
0xa3: {  	[sflag:s23] =	ssyncset.done $0x0  }
0xa4: {  	s25 =	simm.s32 $0x1B8E;
	s24 =	sld [smem:$0x3FFE];
	[sflag:s23] =	ssyncadd.s32 $0xFFFFFFFF  }
0xa5: {  	s26 =	simm.s32 $execute0_lowered;
	[smem:$0x3FD2] =	sst s25  }
0xa6: {  	s5 =	sshll.u32 s26, $0x1;
	_ =	strace $0x80000049;
	[dreg:$0x1] =	wrdreg $0xFFFFFFFF  }
0xa7: {  	s28 =	simm.s32 $_size_execute0_lowered;
	s3 =	sadd.s32 s3, s5;
	[dreg:$0x0] =	wrdreg $0x0  }
0xa8: {  	s5 =	sshll.u32 s28, $0x1;
	[dreg:$0x2] =	wrdreg s3  }
0xa9: {  	[dreg:$0x3] =	wrdreg s5  }
0xaa: {  	[dreg:$0x4] =	wrdreg $0xC0  }
0xab: {  	_ =	task [dreg:s7], $0x5FFFF  }
0xac: {  	[dreg:$0x1] =	wrdreg $0xFFFFFFFF  }
0xad: {  	[dreg:$0x0] =	wrdreg $0x60  }
0xae: {  	[dreg:$0x2] =	wrdreg s24  }
0xaf: {  	[dreg:$0x3] =	wrdreg s2  }
0xb0: {  	[dreg:$0x4] =	wrdreg $0x9  }
0xb1: {  	_ =	task.clear_ibuf [dreg:s7], $0x5FFFF;
	_ =	strace $0x90000049  }
0xb2: {  	s29 =	simm.s32 $0x9;
	_ =	strace $0x8000004B  }
0xb3: {  	_ =	swait.ge [sflag:s29], $0x1  }
0xb4: {  	[sflag:s29] =	ssyncadd.s32 $0xFFFFFFFF  }
0xb5: {  	_ =	strace $0x9000004B  }
0xb6: {  	_ =	sfence  }
0xb7: {  	s30 =	sld [smem:$0x0];
	_ =	sdelay $0x2  }
0xb8: {  	s31 =	sshll.u32 s1, $0xD;
	s1 =	sshrl.u32 s1, $0x2  }
0xb9: {  	s3 =	sand.u32 $0x4000, s31;
	s1 =	sadd.s32 s1, s30  }
0xba: {  	s0 =	sor.u32 s3, s0;
	s1 =	sshll.u32 s1, $0x11  }
0xbb: {  	s0 =	sor.u32 s1, s0  }
0xbc: {  	s0 =	sadd.s32 $0x8F2B, s0  }
0xbd: {  	[sflag:s0] =	ssyncadd.remote.s32 $0x1  }
0xbe: {  	_ =	sfence.sel $0xFFFF  }
0xbf: {  	[dreg:$0x0] =	wrdreg $0xFFFFFFFF;
	(pc) =	sbr.abs _section_cstart, $3  }
0xc0: {  	[dreg:$0x1] =	wrdreg $0xFFFFFFFF  }
0xc1: {  	_ =	task.clear_ibuf [dreg:s7], $0x2FFFF;
	_ =	strace $0x9FFFFFFF  }
0xc2: {  	(tm) =	ssettm $0x7FFFFFFF  }
0xc3: {  	_ =	shalt  }
tec
execute0_lowered:
.L_overlay_start_1:
0x0: {  	(tag) =	ssettag $0x1  }
0x1: {  	s0 =	rddreg [dreg:$0x0]  }
0x2: {  	s1 =	rddreg [dreg:$0x1];
	s2 =	simm.s32 $0x0;
	s5 =	stileid.u32  }
0x3: {  	s3 =	srdreg.scid;
	s15 =	simm.s32 $0x1610;
	s16 =	simm.s32 $0x1810  }
0x4: {  	s29 =	simm.s32 $0x3;
	s18 =	simm.s32 $0x80;
	s31 =	simm.s32 $0xF00  }
0x5: {  	s13 =	simm.s32 $0x800;
	s14 =	simm.s32 $0x1000;
	s11 =	simm.s32 $0x1200  }
0x6: {  	s12 =	simm.s32 $0xA80;
	s17 =	simm.s32 $0x1280;
	s19 =	simm.s32 $0xB00  }
0x7: {  	s20 =	simm.s32 $0x1300;
	s21 =	simm.s32 $0xB80;
	s28 =	simm.s32 $0x0  }
0x8: {  	[smem:$0x7FF] =	sst s2;
	s4 =	sshll.u32 s5, $0x1;
	s5 =	sshrl.u32 s5, $0x2  }
0x9: {  	s3 =	sand.u32 $0x1, s3;
	_ =	strace $0x8000004A;
	s4 =	sand.u32 $0x6, s4  }
0xa: {  	s6 =	sshll.u32 s5, $0x13;
	s7 =	sshll.u32 s5, $0x7;
	s10 =	sshll.u32 s5, $0x6  }
0xb: {  	s5 =	sshll.u32 s5, $0xC;
	s4 =	sor.u32 s3, s4;
	s6 =	sadd.s32 s6, s0  }
0xc: {  	s8 =	sadd.s32 s7, s0;
	s10 =	sadd.s32 s10, s0;
	s5 =	sadd.s32 s5, s0  }
0xd: {  	s3 =	ssub.s32 $0x2, s3;
	s4 =	sshll.u32 s4, $0x4;
	s24 =	sadd.s32 $0x205200, s10  }
0xe: {  	s23 =	sshrl.u32 s3, $0x1;
	s5 =	sadd.s32 $0x201200, s5;
	s25 =	sadd.s32 $0x201000, s8  }
0xf: {  	s8 =	simm.s32 $0x1180;
	s10 =	simm.s32 $0xA00;
	[dreg:$0x5] =	wrdreg s24  }
0x10: {  	s9 =	sadd.s32 s4, s0;
	s4 =	sor.u32 s7, s4;
	[dreg:$0x6] =	wrdreg s5  }
0x11: {  	s3 =	ssub.s32 s3, s23;
	[dreg:$0x7] =	wrdreg s25;
	s5 =	simm.s32 $0x900  }
0x12: {  	s7 =	simm.s32 $0x980;
	s23 =	simm.s32 $0xC00;
	s24 =	simm.s32 $0x1400  }
0x13: {  	s25 =	simm.s32 $0x1;
	s0 =	sadd.s32 s4, s0;
	s22 =	sadd.s32 $0x205400, s9  }
0x14: {  	s9 =	sadd.s32 $0x200E00, s9;
	s1 =	sadd.s32 s1, s4;
	[dreg:$0x3] =	wrdreg s22  }
0x15: {  	s30 =	smax.u32 s3, $0x1;
	s3 =	simm.s32 $0x880;
	[dreg:$0x4] =	wrdreg s9  }
0x16: {  	s4 =	simm.s32 $0x1080;
	[dreg:$0x8] =	wrdreg s1;
	s9 =	sadd.s32 $0xE00, s6  }
0x17: {  	s26 =	sadd.s32 $0x205600, s0;
	s0 =	sadd.s32 $0x205800, s0;
	[dreg:$0xb] =	wrdreg s30  }
0x18: {  	vm0 =	vcmask $0x300;
	v0 =	vimm.s32 $0x0;
	s1 =	simm.s32 $0xF80;
	s6 =	simm.s32 $0x1100;
	[dreg:$0x9] =	wrdreg s26  }
0x19: {  	v1 =	vimm.s32 $0x400;
	v3 =	vimm.s32 $0x1;
	v2 =	vsel vm0, $0x3, v0;
	s22 =	simm.s32 $0x1380;
	[dreg:$0xa] =	wrdreg s0;
	s0 =	simm.s32 $0x780  }
.LBB2_1:
0x1a: {  	[dreg:$0xc] =	wrdreg s28  }
0x1b: {  	s26 =	rddreg [dreg:$0x3];
	s28 =	simm.s32 $0x1510  }
0x1c: {  	[tilespmem:s28], [sflag:$0x2] =	stream.linear.gather [hbm4b:s26+s2], $0x80, $0x38;
	[tilespmem:$0x9890] =	vst v63  }
0x1d: {  	s30 =	rddreg [dreg:$0x4];
	s28 =	simm.s32 $0x1590  }
0x1e: {  	[tilespmem:s28], [sflag:$0x2] =	stream.linear.gather [hbm4b:s30+s2], $0x80, $0x38;
	[tilespmem:$0x9890] =	vst v63  }
0x1f: {  	s30 =	rddreg [dreg:$0x5]  }
0x20: {  	[tilespmem:s15], [sflag:$0x2] =	stream.linear.gather [hbm4b:s30+s2], $0x200, $0x38;
	[tilespmem:$0x9890] =	vst v63  }
0x21: {  	s30 =	rddreg [dreg:$0x6]  }
0x22: {  	[tilespmem:s16], [sflag:$0x2] =	stream.linear.gather [hbm4b:s30+s2], $0x8000, $0x38;
	[tilespmem:$0x9890] =	vst v63  }
0x23: {  	s30 =	rddreg [dreg:$0x7]  }
0x24: {  	[tilespmem:s2], [sflag:$0x3] =	stream.linear.gather [hbm4b:s30+s2], $0x400, $0x38;
	[tilespmem:$0x9890] =	vst v63  }
0x25: {  	_ =	swait.ge [sflag:s29], $0x400  }
0x26: {  	[sflag:s29] =	ssyncset.done $0x0  }
0x27: {  	s28 =	simm.s32 $0x400;
	s30 =	rddreg [dreg:$0x8];
	[sflag:s29] =	ssyncadd.s32 $0xFFFFFC00  }
0x28: {  	[tilespmem:s28], [sflag:$0x3] =	stream.linear.gather [hbm4b:s30+s2], $0x80, $0x38;
	[tilespmem:$0x9890] =	vst v63  }
0x29: {  	_ =	swait.ge [sflag:s29], $0x80  }
0x2a: {  	[sflag:s29] =	ssyncset.done $0x0  }
0x2b: {  	[sflag:s29] =	ssyncadd.s32 $0xFFFFFF80  }
0x2c: {  	[tilespmem:$0x1480] =	vst v1  }
0x2d: {  	[tilespmem:$0x1490] =	vst v1  }
0x2e: {  	[tilespmem:$0x14A0] =	vst v1  }
.Ltmp0:
0x2f: {  	[tilespmem:$0x14B0] =	vst v1;
	(pc) =	sbr.rel .LBB2_2-.Ltmp0, $4  }
0x30: {  	[tilespmem:$0x14C0] =	vst v1  }
0x31: {  	[tilespmem:$0x14D0] =	vst v1  }
0x32: {  	[tilespmem:$0x14E0] =	vst v1  }
0x33: {  	s26 =	simm.s32 $0xF;
	[tilespmem:$0x14F0] =	vst v1  }
.LBB2_4:
0x34: {  	v4 =	vld [tilespmem:$0x1500];
	_ =	sdelay $0x4  }
0x35: {  	v4 =	vxor.u32 $0x80000000, v4  }
0x36: {  	(xrf0) =	vmax.scan.msk.u32 $0xffff, v4;
	_ =	sdelay $0x5  }
0x37: {  	v4, _, _ =	vpop (xrf0)  }
0x38: {  	(v2sf) =	vpush v4, $0xF;
	_ =	sdelay $0x9  }
0x39: {  	s26 =	sadd.s32 $0x10, s26  }
0x3a: {  	p0 =	sne.s32 s26, $0x40F  }
.Ltmp1:
0x3b: {  	_ = 	snop;
	(pc) =	sbr.rel @!p0 .LBB2_5-.Ltmp1, $3  }
0x3c: {  	_ =	sdelay $0x1  }
0x3d: {  	s28 =	spop (v2sf)  }
0x3e: {  	s28 =	sxor.u32 $0x80000000, s28  }
.LBB2_2:
0x3f: {  	p0 =	slt.s32 s28, $0x400  }
.Ltmp2:
0x40: {  	_ = 	snop;
	(pc) =	sbr.rel @p0 .LBB2_4-.Ltmp2, $1  }
0x41: {  	_ =	sdelay $0x3  }
0x42: {  	s28 =	sadd.s32 $0xFFFFFFF1, s26  }
0x43: {  	v4 =	vmov s28;
	_ =	sdelay $0x3  }
0x44: {  	v11 =	vld [tilespmem:$0x400]  }
0x45: {  	v13 =	vld.idx.msk [tilespmem:v4+s2+$0x0], $0xffff  }
0x46: {  	v12 =	vld [tilespmem:$0x410]  }
0x47: {  	v9 =	vld [tilespmem:$0x420]  }
0x48: {  	v8 =	vld [tilespmem:$0x430]  }
0x49: {  	v6 =	vld [tilespmem:$0x440]  }
0x4a: {  	v5 =	vld [tilespmem:$0x450];
	v14 =	vshrl.u32 v4, $0x3;
	v10 =	vadd.s32 v11, v13  }
0x4b: {  	v7 =	vld [tilespmem:$0x460];
	v14 =	vshll.u32 v14, v2;
	v15 =	vadd.s32 v12, v13;
	[tilespmem:$0x480] =	vst v10  }
0x4c: {  	v16 =	vadd.s32 $0x1, v14;
	v40 =	vadd.s32 v9, v13;
	v10 =	vld [tilespmem:$0x470];
	[tilespmem:$0x490] =	vst v15  }
0x4d: {  	v16 =	vbroadcast v16, $0x0;
	v41 =	vadd.s32 v8, v13;
	[tilespmem:$0x4A0] =	vst v40  }
0x4e: {  	v42 =	vadd.s32 v6, v13;
	[tilespmem:$0x4B0] =	vst v41  }
0x4f: {  	v43 =	vadd.s32 v5, v13;
	[tilespmem:$0x4C0] =	vst v42  }
0x50: {  	v44 =	vadd.s32 v7, v13;
	[tilespmem:$0x4D0] =	vst v43  }
0x51: {  	[tilespmem:$0x4E0] =	vst v44;
	v13 =	vadd.s32 v10, v13  }
0x52: {  	[tilespmem:$0x4F0] =	vst v13  }
0x53: {  	v13 =	vld.idx.msk [tilespmem:v16+s2+$0x0], $0xffff;
	_ =	sdelay $0x4  }
0x54: {  	v45 =	vadd.s32 v11, v13  }
0x55: {  	v46 =	vadd.s32 v12, v13;
	[tilespmem:$0x500] =	vst v45  }
0x56: {  	v48 =	vadd.s32 $0x2, v14;
	v47 =	vadd.s32 v9, v13;
	[tilespmem:$0x510] =	vst v46  }
0x57: {  	v16 =	vbroadcast v48, $0x0;
	v49 =	vadd.s32 v8, v13;
	[tilespmem:$0x520] =	vst v47  }
0x58: {  	v50 =	vadd.s32 v6, v13;
	[tilespmem:$0x530] =	vst v49  }
0x59: {  	v51 =	vadd.s32 v5, v13;
	[tilespmem:$0x540] =	vst v50  }
0x5a: {  	v52 =	vadd.s32 v7, v13;
	[tilespmem:$0x550] =	vst v51  }
0x5b: {  	v13 =	vadd.s32 v10, v13;
	[tilespmem:$0x560] =	vst v52  }
0x5c: {  	[tilespmem:$0x570] =	vst v13  }
0x5d: {  	v13 =	vld.idx.msk [tilespmem:v16+s2+$0x0], $0xffff;
	_ =	sdelay $0x4  }
0x5e: {  	v53 =	vadd.s32 v11, v13  }
0x5f: {  	v54 =	vadd.s32 v12, v13;
	[tilespmem:$0x580] =	vst v53  }
0x60: {  	v56 =	vadd.s32 $0x3, v14;
	v55 =	vadd.s32 v9, v13;
	[tilespmem:$0x590] =	vst v54  }
0x61: {  	v16 =	vbroadcast v56, $0x0;
	v57 =	vadd.s32 v8, v13;
	[tilespmem:$0x5A0] =	vst v55  }
0x62: {  	v58 =	vadd.s32 v6, v13;
	[tilespmem:$0x5B0] =	vst v57  }
0x63: {  	v59 =	vadd.s32 v5, v13;
	[tilespmem:$0x5C0] =	vst v58  }
0x64: {  	v60 =	vadd.s32 v7, v13;
	[tilespmem:$0x5D0] =	vst v59  }
0x65: {  	v13 =	vadd.s32 v10, v13;
	[tilespmem:$0x5E0] =	vst v60  }
0x66: {  	[tilespmem:$0x5F0] =	vst v13  }
0x67: {  	v13 =	vld.idx.msk [tilespmem:v16+s2+$0x0], $0xffff;
	_ =	sdelay $0x4  }
0x68: {  	v61 =	vadd.s32 v11, v13  }
0x69: {  	v62 =	vadd.s32 v12, v13;
	[tilespmem:$0x600] =	vst v61  }
0x6a: {  	v20 =	vadd.s32 $0x4, v14;
	v63 =	vadd.s32 v9, v13;
	[tilespmem:$0x610] =	vst v62  }
0x6b: {  	v16 =	vbroadcast v20, $0x0;
	v21 =	vadd.s32 v8, v13;
	[tilespmem:$0x620] =	vst v63  }
0x6c: {  	v22 =	vadd.s32 v6, v13;
	[tilespmem:$0x630] =	vst v21  }
0x6d: {  	v23 =	vadd.s32 v5, v13;
	[tilespmem:$0x640] =	vst v22  }
0x6e: {  	v24 =	vadd.s32 v7, v13;
	[tilespmem:$0x650] =	vst v23  }
0x6f: {  	v13 =	vadd.s32 v10, v13;
	[tilespmem:$0x660] =	vst v24  }
0x70: {  	[tilespmem:$0x670] =	vst v13  }
0x71: {  	v13 =	vld.idx.msk [tilespmem:v16+s2+$0x0], $0xffff;
	_ =	sdelay $0x4  }
0x72: {  	v25 =	vadd.s32 v11, v13  }
0x73: {  	v26 =	vadd.s32 v12, v13;
	[tilespmem:$0x680] =	vst v25  }
0x74: {  	v28 =	vadd.s32 $0x5, v14;
	v27 =	vadd.s32 v9, v13;
	[tilespmem:$0x690] =	vst v26  }
0x75: {  	v16 =	vbroadcast v28, $0x0;
	v29 =	vadd.s32 v8, v13;
	[tilespmem:$0x6A0] =	vst v27  }
0x76: {  	v30 =	vadd.s32 v6, v13;
	[tilespmem:$0x6B0] =	vst v29  }
0x77: {  	v31 =	vadd.s32 v5, v13;
	[tilespmem:$0x6C0] =	vst v30  }
0x78: {  	v32 =	vadd.s32 v7, v13;
	[tilespmem:$0x6D0] =	vst v31  }
0x79: {  	v13 =	vadd.s32 v10, v13;
	[tilespmem:$0x6E0] =	vst v32  }
0x7a: {  	[tilespmem:$0x6F0] =	vst v13  }
0x7b: {  	v13 =	vld.idx.msk [tilespmem:v16+s2+$0x0], $0xffff;
	_ =	sdelay $0x4  }
0x7c: {  	v33 =	vadd.s32 v11, v13  }
0x7d: {  	v34 =	vadd.s32 v12, v13;
	[tilespmem:$0x700] =	vst v33  }
0x7e: {  	v36 =	vadd.s32 $0x6, v14;
	v35 =	vadd.s32 v9, v13;
	[tilespmem:$0x710] =	vst v34  }
0x7f: {  	v16 =	vbroadcast v36, $0x0;
	v37 =	vadd.s32 v8, v13;
	[tilespmem:$0x720] =	vst v35  }
0x80: {  	v38 =	vadd.s32 v6, v13;
	[tilespmem:$0x730] =	vst v37  }
0x81: {  	v39 =	vadd.s32 v5, v13;
	[tilespmem:$0x740] =	vst v38  }
0x82: {  	v40 =	vadd.s32 v7, v13;
	[tilespmem:$0x750] =	vst v39  }
0x83: {  	v13 =	vadd.s32 v10, v13;
	[tilespmem:$0x760] =	vst v40  }
0x84: {  	[tilespmem:$0x770] =	vst v13  }
0x85: {  	v13 =	vld.idx.msk [tilespmem:v16+s2+$0x0], $0xffff;
	_ =	sdelay $0x4  }
0x86: {  	v41 =	vadd.s32 v11, v13  }
0x87: {  	v42 =	vadd.s32 v12, v13;
	[tilespmem:$0x780] =	vst v41  }
0x88: {  	v14 =	vadd.s32 $0x7, v14;
	v43 =	vadd.s32 v9, v13;
	[tilespmem:$0x790] =	vst v42  }
0x89: {  	v14 =	vbroadcast v14, $0x0;
	v44 =	vadd.s32 v8, v13;
	[tilespmem:$0x7A0] =	vst v43  }
0x8a: {  	v45 =	vadd.s32 v6, v13;
	[tilespmem:$0x7B0] =	vst v44  }
0x8b: {  	v46 =	vadd.s32 v5, v13;
	[tilespmem:$0x7C0] =	vst v45  }
0x8c: {  	v47 =	vadd.s32 v7, v13;
	[tilespmem:$0x7D0] =	vst v46  }
0x8d: {  	v13 =	vadd.s32 v10, v13;
	[tilespmem:$0x7E0] =	vst v47  }
0x8e: {  	[tilespmem:$0x7F0] =	vst v13  }
0x8f: {  	v13 =	vld.idx.msk [tilespmem:v14+s2+$0x0], $0xffff;
	_ =	sdelay $0x3  }
0x90: {  	s30 =	sadd.s32 $0xFFFFFFF9, s26  }
0x91: {  	v48 =	vmov s30;
	v14 =	vadd.s32 v11, v13  }
0x92: {  	v15 =	vshrl.u32 v48, $0x3;
	v49 =	vadd.s32 v12, v13;
	[tilespmem:$0x800] =	vst v14  }
0x93: {  	v15 =	vshll.u32 v15, v2;
	v50 =	vadd.s32 v9, v13;
	[tilespmem:$0x810] =	vst v49  }
0x94: {  	v15 =	vbroadcast v15, $0x0;
	v51 =	vadd.s32 v8, v13;
	[tilespmem:$0x820] =	vst v50  }
0x95: {  	v52 =	vadd.s32 v6, v13;
	[tilespmem:$0x830] =	vst v51  }
0x96: {  	v53 =	vadd.s32 v5, v13;
	[tilespmem:$0x840] =	vst v52  }
0x97: {  	v54 =	vadd.s32 v7, v13;
	[tilespmem:$0x850] =	vst v53  }
0x98: {  	v13 =	vadd.s32 v10, v13;
	[tilespmem:$0x860] =	vst v54  }
0x99: {  	[tilespmem:$0x870] =	vst v13  }
0x9a: {  	v13 =	vld.idx.msk [tilespmem:v15+s2+$0x0], $0xffff;
	_ =	sdelay $0x2  }
0x9b: {  	s30 =	sadd.s32 $0xFFFFFFFA, s26  }
0x9c: {  	v55 =	vmov s30  }
0x9d: {  	v14 =	vshrl.u32 v55, $0x3;
	v15 =	vadd.s32 v11, v13  }
0x9e: {  	v14 =	vshll.u32 v14, v2;
	v56 =	vadd.s32 v12, v13;
	[tilespmem:$0x880] =	vst v15  }
0x9f: {  	v14 =	vadd.s32 $0x1, v14;
	v57 =	vadd.s32 v9, v13;
	[tilespmem:$0x890] =	vst v56  }
0xa0: {  	v14 =	vbroadcast v14, $0x0;
	v58 =	vadd.s32 v8, v13;
	[tilespmem:$0x8A0] =	vst v57  }
0xa1: {  	v59 =	vadd.s32 v6, v13;
	[tilespmem:$0x8B0] =	vst v58  }
0xa2: {  	v60 =	vadd.s32 v5, v13;
	[tilespmem:$0x8C0] =	vst v59  }
0xa3: {  	v61 =	vadd.s32 v7, v13;
	[tilespmem:$0x8D0] =	vst v60  }
0xa4: {  	v13 =	vadd.s32 v10, v13;
	[tilespmem:$0x8E0] =	vst v61  }
0xa5: {  	[tilespmem:$0x8F0] =	vst v13  }
0xa6: {  	v13 =	vld.idx.msk [tilespmem:v14+s2+$0x0], $0xffff;
	_ =	sdelay $0x2  }
0xa7: {  	s30 =	sadd.s32 $0xFFFFFFFB, s26  }
0xa8: {  	v62 =	vmov s30  }
0xa9: {  	v14 =	vshrl.u32 v62, $0x3;
	v63 =	vadd.s32 v11, v13  }
0xaa: {  	v14 =	vshll.u32 v14, v2;
	v18 =	vadd.s32 v12, v13;
	[tilespmem:$0x900] =	vst v63  }
0xab: {  	v14 =	vadd.s32 $0x2, v14;
	v19 =	vadd.s32 v9, v13;
	[tilespmem:$0x910] =	vst v18  }
0xac: {  	v14 =	vbroadcast v14, $0x0;
	v20 =	vadd.s32 v8, v13;
	[tilespmem:$0x920] =	vst v19  }
0xad: {  	v21 =	vadd.s32 v6, v13;
	[tilespmem:$0x930] =	vst v20  }
0xae: {  	v22 =	vadd.s32 v5, v13;
	[tilespmem:$0x940] =	vst v21  }
0xaf: {  	v23 =	vadd.s32 v7, v13;
	[tilespmem:$0x950] =	vst v22  }
0xb0: {  	v13 =	vadd.s32 v10, v13;
	[tilespmem:$0x960] =	vst v23  }
0xb1: {  	[tilespmem:$0x970] =	vst v13  }
0xb2: {  	v13 =	vld.idx.msk [tilespmem:v14+s2+$0x0], $0xffff;
	_ =	sdelay $0x2  }
0xb3: {  	s30 =	sadd.s32 $0xFFFFFFFC, s26  }
0xb4: {  	v24 =	vmov s30  }
0xb5: {  	v14 =	vshrl.u32 v24, $0x3;
	v25 =	vadd.s32 v11, v13  }
0xb6: {  	v14 =	vshll.u32 v14, v2;
	v26 =	vadd.s32 v12, v13;
	[tilespmem:$0x980] =	vst v25  }
0xb7: {  	v14 =	vadd.s32 $0x3, v14;
	v27 =	vadd.s32 v9, v13;
	[tilespmem:$0x990] =	vst v26  }
0xb8: {  	v14 =	vbroadcast v14, $0x0;
	v28 =	vadd.s32 v8, v13;
	[tilespmem:$0x9A0] =	vst v27  }
0xb9: {  	v29 =	vadd.s32 v6, v13;
	[tilespmem:$0x9B0] =	vst v28  }
0xba: {  	v30 =	vadd.s32 v5, v13;
	[tilespmem:$0x9C0] =	vst v29  }
0xbb: {  	v31 =	vadd.s32 v7, v13;
	[tilespmem:$0x9D0] =	vst v30  }
0xbc: {  	v13 =	vadd.s32 v10, v13;
	[tilespmem:$0x9E0] =	vst v31  }
0xbd: {  	[tilespmem:$0x9F0] =	vst v13  }
0xbe: {  	v13 =	vld.idx.msk [tilespmem:v14+s2+$0x0], $0xffff;
	_ =	sdelay $0x2  }
0xbf: {  	s30 =	sadd.s32 $0xFFFFFFFD, s26  }
0xc0: {  	v32 =	vmov s30  }
0xc1: {  	v14 =	vshrl.u32 v32, $0x3;
	v33 =	vadd.s32 v11, v13  }
0xc2: {  	v14 =	vshll.u32 v14, v2;
	v34 =	vadd.s32 v12, v13;
	[tilespmem:$0xA00] =	vst v33  }
0xc3: {  	v14 =	vadd.s32 $0x4, v14;
	v35 =	vadd.s32 v9, v13;
	[tilespmem:$0xA10] =	vst v34  }
0xc4: {  	v14 =	vbroadcast v14, $0x0;
	v36 =	vadd.s32 v8, v13;
	[tilespmem:$0xA20] =	vst v35  }
0xc5: {  	v37 =	vadd.s32 v6, v13;
	[tilespmem:$0xA30] =	vst v36  }
0xc6: {  	v38 =	vadd.s32 v5, v13;
	[tilespmem:$0xA40] =	vst v37  }
0xc7: {  	v39 =	vadd.s32 v7, v13;
	[tilespmem:$0xA50] =	vst v38  }
0xc8: {  	v13 =	vadd.s32 v10, v13;
	[tilespmem:$0xA60] =	vst v39  }
0xc9: {  	[tilespmem:$0xA70] =	vst v13  }
0xca: {  	v13 =	vld.idx.msk [tilespmem:v14+s2+$0x0], $0xffff;
	_ =	sdelay $0x2  }
0xcb: {  	s30 =	sadd.s32 $0xFFFFFFFE, s26  }
0xcc: {  	v40 =	vmov s30  }
0xcd: {  	v14 =	vshrl.u32 v40, $0x3;
	v41 =	vadd.s32 v11, v13  }
0xce: {  	v14 =	vshll.u32 v14, v2;
	v42 =	vadd.s32 v12, v13;
	[tilespmem:$0xA80] =	vst v41  }
0xcf: {  	v14 =	vadd.s32 $0x5, v14;
	v43 =	vadd.s32 v9, v13;
	[tilespmem:$0xA90] =	vst v42  }
0xd0: {  	v14 =	vbroadcast v14, $0x0;
	v44 =	vadd.s32 v8, v13;
	[tilespmem:$0xAA0] =	vst v43  }
0xd1: {  	v45 =	vadd.s32 v6, v13;
	[tilespmem:$0xAB0] =	vst v44  }
0xd2: {  	v46 =	vadd.s32 v5, v13;
	[tilespmem:$0xAC0] =	vst v45  }
0xd3: {  	v47 =	vadd.s32 v7, v13;
	[tilespmem:$0xAD0] =	vst v46  }
0xd4: {  	v13 =	vadd.s32 v10, v13;
	[tilespmem:$0xAE0] =	vst v47  }
0xd5: {  	[tilespmem:$0xAF0] =	vst v13  }
0xd6: {  	v13 =	vld.idx.msk [tilespmem:v14+s2+$0x0], $0xffff;
	_ =	sdelay $0x2  }
0xd7: {  	s30 =	sadd.s32 $0xFFFFFFFF, s26  }
0xd8: {  	v48 =	vmov s30  }
0xd9: {  	v14 =	vshrl.u32 v48, $0x3;
	v49 =	vadd.s32 v11, v13  }
0xda: {  	v14 =	vshll.u32 v14, v2;
	v50 =	vadd.s32 v12, v13;
	[tilespmem:$0xB00] =	vst v49  }
0xdb: {  	v14 =	vadd.s32 $0x6, v14;
	v51 =	vadd.s32 v9, v13;
	[tilespmem:$0xB10] =	vst v50  }
0xdc: {  	v14 =	vbroadcast v14, $0x0;
	v52 =	vadd.s32 v8, v13;
	[tilespmem:$0xB20] =	vst v51  }
0xdd: {  	v53 =	vadd.s32 v6, v13;
	[tilespmem:$0xB30] =	vst v52  }
0xde: {  	v54 =	vadd.s32 v5, v13;
	[tilespmem:$0xB40] =	vst v53  }
0xdf: {  	v55 =	vadd.s32 v7, v13;
	[tilespmem:$0xB50] =	vst v54  }
0xe0: {  	v13 =	vadd.s32 v10, v13;
	[tilespmem:$0xB60] =	vst v55  }
0xe1: {  	[tilespmem:$0xB70] =	vst v13  }
0xe2: {  	v13 =	vld.idx.msk [tilespmem:v14+s2+$0x0], $0xffff;
	_ =	sdelay $0x3  }
0xe3: {  	v56 =	vmov s26  }
0xe4: {  	v14 =	vshrl.u32 v56, $0x3;
	v57 =	vadd.s32 v11, v13  }
0xe5: {  	v14 =	vshll.u32 v14, v2;
	v58 =	vadd.s32 v12, v13;
	[tilespmem:$0xB80] =	vst v57  }
0xe6: {  	v14 =	vadd.s32 $0x7, v14;
	v59 =	vadd.s32 v9, v13;
	[tilespmem:$0xB90] =	vst v58  }
0xe7: {  	v14 =	vbroadcast v14, $0x0;
	v60 =	vadd.s32 v8, v13;
	[tilespmem:$0xBA0] =	vst v59  }
0xe8: {  	v61 =	vadd.s32 v6, v13;
	[tilespmem:$0xBB0] =	vst v60  }
0xe9: {  	v62 =	vadd.s32 v5, v13;
	[tilespmem:$0xBC0] =	vst v61  }
0xea: {  	v63 =	vadd.s32 v7, v13;
	[tilespmem:$0xBD0] =	vst v62  }
0xeb: {  	v13 =	vadd.s32 v10, v13;
	[tilespmem:$0xBE0] =	vst v63  }
0xec: {  	[tilespmem:$0xBF0] =	vst v13  }
0xed: {  	v13 =	vld.idx.msk [tilespmem:v14+s2+$0x0], $0xffff;
	_ =	sdelay $0x4  }
0xee: {  	v11 =	vadd.s32 v11, v13  }
0xef: {  	v16 =	vadd.s32 v12, v13;
	[tilespmem:$0xC00] =	vst v11  }
0xf0: {  	v9 =	vadd.s32 v9, v13;
	[tilespmem:$0xC10] =	vst v16  }
0xf1: {  	v8 =	vadd.s32 v8, v13;
	[tilespmem:$0xC20] =	vst v9  }
0xf2: {  	v6 =	vadd.s32 v6, v13;
	[tilespmem:$0xC30] =	vst v8  }
0xf3: {  	v5 =	vadd.s32 v5, v13;
	[tilespmem:$0xC40] =	vst v6  }
0xf4: {  	[tilespmem:$0xC50] =	vst v5;
	v5 =	vadd.s32 v7, v13  }
0xf5: {  	[tilespmem:$0xC60] =	vst v5;
	v5 =	vadd.s32 v10, v13  }
0xf6: {  	s28 =	simm.s32 $0x480;
	s30 =	simm.s32 $0xC80;
	[tilespmem:$0xC70] =	vst v5  }
0xf7: {  	[tilespmem:s30], [sflag:$0x1] =	stream.indirect.gather [hbm4b:s9+s18], $0x1, s28, s18, $0xb8;
	[tilespmem:$0x9890] =	vst v63  }
0xf8: {  	s28 =	simm.s32 $0x500;
	s30 =	simm.s32 $0xD00  }
0xf9: {  	[tilespmem:s30], [sflag:$0x1] =	stream.indirect.gather [hbm4b:s9+s18], $0x1, s28, s18, $0xb8;
	[tilespmem:$0x9890] =	vst v63  }
0xfa: {  	s28 =	simm.s32 $0x580;
	s30 =	simm.s32 $0xD80  }
0xfb: {  	[tilespmem:s30], [sflag:$0x1] =	stream.indirect.gather [hbm4b:s9+s18], $0x1, s28, s18, $0xb8;
	[tilespmem:$0x9890] =	vst v63  }
0xfc: {  	s28 =	simm.s32 $0x600;
	s30 =	simm.s32 $0xE00  }
0xfd: {  	[tilespmem:s30], [sflag:$0x1] =	stream.indirect.gather [hbm4b:s9+s18], $0x1, s28, s18, $0xb8;
	[tilespmem:$0x9890] =	vst v63  }
0xfe: {  	s28 =	simm.s32 $0x680;
	s30 =	simm.s32 $0xE80  }
0xff: {  	[tilespmem:s30], [sflag:$0x1] =	stream.indirect.gather [hbm4b:s9+s18], $0x1, s28, s18, $0xb8;
	[tilespmem:$0x9890] =	vst v63  }
0x100: {  	s30 =	simm.s32 $0x700  }
0x101: {  	[tilespmem:s31], [sflag:$0x1] =	stream.indirect.gather [hbm4b:s9+s18], $0x1, s30, s18, $0xb8;
	[tilespmem:$0x9890] =	vst v63  }
0x102: {  	_ = 	snop  }
0x103: {  	[tilespmem:s1], [sflag:$0x1] =	stream.indirect.gather [hbm4b:s9+s18], $0x1, s0, s18, $0xb8;
	[tilespmem:$0x9890] =	vst v63  }
0x104: {  	_ = 	snop  }
0x105: {  	[tilespmem:s14], [sflag:$0x1] =	stream.indirect.gather [hbm4b:s9+s18], $0x1, s13, s18, $0xb8;
	[tilespmem:$0x9890] =	vst v63  }
0x106: {  	_ = 	snop  }
0x107: {  	[tilespmem:s4], [sflag:$0x1] =	stream.indirect.gather [hbm4b:s9+s18], $0x1, s3, s18, $0xb8;
	[tilespmem:$0x9890] =	vst v63  }
0x108: {  	_ = 	snop  }
0x109: {  	[tilespmem:s6], [sflag:$0x1] =	stream.indirect.gather [hbm4b:s9+s18], $0x1, s5, s18, $0xb8;
	[tilespmem:$0x9890] =	vst v63  }
0x10a: {  	_ = 	snop  }
0x10b: {  	[tilespmem:s8], [sflag:$0x1] =	stream.indirect.gather [hbm4b:s9+s18], $0x1, s7, s18, $0xb8;
	[tilespmem:$0x9890] =	vst v63  }
0x10c: {  	_ = 	snop  }
0x10d: {  	[tilespmem:s11], [sflag:$0x1] =	stream.indirect.gather [hbm4b:s9+s18], $0x1, s10, s18, $0xb8;
	[tilespmem:$0x9890] =	vst v63  }
0x10e: {  	_ = 	snop  }
0x10f: {  	[tilespmem:s17], [sflag:$0x1] =	stream.indirect.gather [hbm4b:s9+s18], $0x1, s12, s18, $0xb8;
	[tilespmem:$0x9890] =	vst v63  }
0x110: {  	_ = 	snop  }
0x111: {  	[tilespmem:s20], [sflag:$0x1] =	stream.indirect.gather [hbm4b:s9+s18], $0x1, s19, s18, $0xb8;
	[tilespmem:$0x9890] =	vst v63  }
0x112: {  	_ = 	snop  }
0x113: {  	[tilespmem:s22], [sflag:$0x1] =	stream.indirect.gather [hbm4b:s9+s18], $0x1, s21, s18, $0xb8;
	[tilespmem:$0x9890] =	vst v63  }
0x114: {  	_ = 	snop  }
0x115: {  	[tilespmem:s24], [sflag:$0x1] =	stream.indirect.gather [hbm4b:s9+s18], $0x1, s23, s18, $0xb8;
	[tilespmem:$0x9890] =	vst v63  }
0x116: {  	_ =	swait.ge [sflag:s25], $0x80  }
0x117: {  	[sflag:s25] =	ssyncset.done $0x0  }
0x118: {  	[sflag:s25] =	ssyncadd.s32 $0xFFFFFF80  }
0x119: {  	_ =	swait.ge [sflag:s25], $0x80  }
0x11a: {  	[sflag:s25] =	ssyncset.done $0x0  }
0x11b: {  	[sflag:s25] =	ssyncadd.s32 $0xFFFFFF80  }
0x11c: {  	_ =	swait.ge [sflag:s25], $0x80  }
0x11d: {  	[sflag:s25] =	ssyncset.done $0x0  }
0x11e: {  	[sflag:s25] =	ssyncadd.s32 $0xFFFFFF80  }
0x11f: {  	_ =	swait.ge [sflag:s25], $0x80  }
0x120: {  	[sflag:s25] =	ssyncset.done $0x0  }
0x121: {  	[sflag:s25] =	ssyncadd.s32 $0xFFFFFF80  }
0x122: {  	_ =	swait.ge [sflag:s25], $0x80  }
0x123: {  	[sflag:s25] =	ssyncset.done $0x0  }
0x124: {  	[sflag:s25] =	ssyncadd.s32 $0xFFFFFF80  }
0x125: {  	_ =	swait.ge [sflag:s25], $0x80  }
0x126: {  	[sflag:s25] =	ssyncset.done $0x0  }
0x127: {  	[sflag:s25] =	ssyncadd.s32 $0xFFFFFF80  }
0x128: {  	_ =	swait.ge [sflag:s25], $0x80  }
0x129: {  	[sflag:s25] =	ssyncset.done $0x0  }
0x12a: {  	[sflag:s25] =	ssyncadd.s32 $0xFFFFFF80  }
0x12b: {  	_ =	swait.ge [sflag:s25], $0x80  }
0x12c: {  	[sflag:s25] =	ssyncset.done $0x0  }
0x12d: {  	[sflag:s25] =	ssyncadd.s32 $0xFFFFFF80  }
0x12e: {  	_ =	swait.ge [sflag:s25], $0x80  }
0x12f: {  	[sflag:s25] =	ssyncset.done $0x0  }
0x130: {  	[sflag:s25] =	ssyncadd.s32 $0xFFFFFF80  }
0x131: {  	_ =	swait.ge [sflag:s25], $0x80  }
0x132: {  	[sflag:s25] =	ssyncset.done $0x0  }
0x133: {  	[sflag:s25] =	ssyncadd.s32 $0xFFFFFF80  }
0x134: {  	_ =	swait.ge [sflag:s25], $0x80  }
0x135: {  	[sflag:s25] =	ssyncset.done $0x0  }
0x136: {  	[sflag:s25] =	ssyncadd.s32 $0xFFFFFF80  }
0x137: {  	_ =	swait.ge [sflag:s25], $0x80  }
0x138: {  	[sflag:s25] =	ssyncset.done $0x0  }
0x139: {  	[sflag:s25] =	ssyncadd.s32 $0xFFFFFF80  }
0x13a: {  	_ =	swait.ge [sflag:s25], $0x80  }
0x13b: {  	[sflag:s25] =	ssyncset.done $0x0  }
0x13c: {  	[sflag:s25] =	ssyncadd.s32 $0xFFFFFF80  }
0x13d: {  	_ =	swait.ge [sflag:s25], $0x80  }
0x13e: {  	[sflag:s25] =	ssyncset.done $0x0  }
0x13f: {  	[sflag:s25] =	ssyncadd.s32 $0xFFFFFF80  }
0x140: {  	_ =	swait.ge [sflag:s25], $0x80  }
0x141: {  	[sflag:s25] =	ssyncset.done $0x0  }
0x142: {  	[sflag:s25] =	ssyncadd.s32 $0xFFFFFF80  }
0x143: {  	_ =	swait.ge [sflag:s25], $0x80  }
0x144: {  	[sflag:s25] =	ssyncset.done $0x0  }
0x145: {  	[sflag:s25] =	ssyncadd.s32 $0xFFFFFF80  }
0x146: {  	v5 =	vld [tilespmem:$0xC80]  }
0x147: {  	v17 =	vld [tilespmem:$0xD00]  }
0x148: {  	v18 =	vld [tilespmem:$0xD80]  }
0x149: {  	v19 =	vld [tilespmem:$0xE00]  }
0x14a: {  	v20 =	vld [tilespmem:$0xE80]  }
0x14b: {  	v21 =	vld [tilespmem:$0xF00]  }
0x14c: {  	v24 =	vld [tilespmem:$0x1000]  }
0x14d: {  	v26 =	vld [tilespmem:$0x1080]  }
0x14e: {  	v28 =	vld [tilespmem:$0x1100]  }
0x14f: {  	v30 =	vld [tilespmem:$0x1180]  }
0x150: {  	v33 =	vld [tilespmem:$0x1280]  }
0x151: {  	v35 =	vld [tilespmem:$0x1300]  }
0x152: {  	v37 =	vld [tilespmem:$0x1380]  }
0x153: {  	v39 =	vld [tilespmem:$0x1400]  }
0x154: {  	v45 =	vld [tilespmem:$0xD10]  }
0x155: {  	v4 =	vadd.s32 $0xFFFFFF81, v4;
	v43 =	vld [tilespmem:$0xC90];
	vm0 =	vgt.f32 v5, $5.000000000e-01;
	vm1 =	vgt.f32 v17, $5.000000000e-01  }
0x156: {  	v47 =	vld [tilespmem:$0xD90];
	vm15 =	vgt.f32 v18, $5.000000000e-01;
	vm4 =	vgt.f32 v19, $5.000000000e-01;
	vm5 =	vgt.f32 v20, $5.000000000e-01  }
0x157: {  	v50 =	vld [tilespmem:$0xE90];
	vm6 =	vgt.f32 v21, $5.000000000e-01;
	vm8 =	vgt.f32 v24, $5.000000000e-01;
	vm9 =	vgt.f32 v26, $5.000000000e-01  }
0x158: {  	v51 =	vld [tilespmem:$0xF10];
	vm10 =	vgt.f32 v28, $5.000000000e-01;
	vm11 =	vgt.f32 v30, $5.000000000e-01;
	vm13 =	vgt.f32 v33, $5.000000000e-01  }
0x159: {  	v52 =	vld [tilespmem:$0xF90];
	vm14 =	vgt.f32 v35, $5.000000000e-01;
	vm2 =	vgt.f32 v45, $5.000000000e-01;
	v22 =	vsel vm0, $0x1, v0  }
0x15a: {  	v55 =	vld [tilespmem:$0x1010];
	v23 =	vsel vm1, $0x2, v0;
	v25 =	vsel vm15, $0x4, v0;
	v27 =	vsel vm4, $0x8, v0  }
0x15b: {  	v59 =	vld [tilespmem:$0x1110];
	v29 =	vsel vm5, $0x10, v0;
	v31 =	vsel vm6, $0x20, v0;
	v34 =	vsel vm8, $0x80, v0  }
0x15c: {  	v61 =	vld [tilespmem:$0x1190];
	v36 =	vsel vm9, $0x100, v0;
	v38 =	vsel vm10, $0x200, v0;
	v40 =	vsel vm11, $0x400, v0  }
0x15d: {  	v7 =	vsel vm13, $0x1000, v0;
	v42 =	vsel vm14, $0x2000, v0;
	vm15 =	vgt.f32 v37, $5.000000000e-01  }
0x15e: {  	v63 =	vld [tilespmem:$0x1210];
	vm4 =	vgt.f32 v39, $5.000000000e-01;
	vm5 =	vgt.f32 v43, $5.000000000e-01;
	v54 =	vsel vm2, $0x2, v0  }
0x15f: {  	v5 =	vld [tilespmem:$0xF80];
	vm6 =	vgt.f32 v47, $5.000000000e-01;
	vm8 =	vgt.f32 v50, $5.000000000e-01;
	vm9 =	vgt.f32 v51, $5.000000000e-01  }
0x160: {  	v17 =	vld [tilespmem:$0x1290];
	vm10 =	vgt.f32 v52, $5.000000000e-01;
	vm11 =	vgt.f32 v55, $5.000000000e-01;
	vm13 =	vgt.f32 v59, $5.000000000e-01  }
0x161: {  	v19 =	vld [tilespmem:$0x1310];
	vm14 =	vgt.f32 v61, $5.000000000e-01;
	v6 =	vor.u32 v22, v23;
	v44 =	vsel vm15, $0x4000, v0  }
0x162: {  	v21 =	vld [tilespmem:$0x1390];
	v46 =	vsel vm4, $0x8000, v0;
	v53 =	vsel vm5, $0x1, v0;
	v56 =	vsel vm6, $0x4, v0  }
0x163: {  	v28 =	vld [tilespmem:$0xCA0];
	v60 =	vsel vm8, $0x10, v0;
	v62 =	vsel vm9, $0x20, v0;
	v16 =	vsel vm10, $0x40, v0  }
0x164: {  	v30 =	vld [tilespmem:$0xD20];
	v18 =	vsel vm11, $0x80, v0;
	v22 =	vsel vm13, $0x200, v0;
	v24 =	vsel vm14, $0x400, v0  }
0x165: {  	v48 =	vld [tilespmem:$0xE10];
	vm15 =	vgt.f32 v63, $5.000000000e-01;
	v6 =	vor.u32 v25, v6;
	v9 =	vor.u32 v53, v54  }
0x166: {  	v39 =	vld [tilespmem:$0xFA0];
	v26 =	vsel vm15, $0x800, v0;
	v6 =	vor.u32 v27, v6;
	v9 =	vor.u32 v56, v9  }
0x167: {  	v23 =	vld [tilespmem:$0x1410];
	v6 =	vor.u32 v29, v6;
	vm7 =	vgt.f32 v5, $5.000000000e-01;
	vm4 =	vgt.f32 v17, $5.000000000e-01  }
0x168: {  	vm5 =	vgt.f32 v19, $5.000000000e-01;
	vm6 =	vgt.f32 v21, $5.000000000e-01;
	vm9 =	vgt.f32 v28, $5.000000000e-01  }
0x169: {  	v57 =	vld [tilespmem:$0x1090];
	vm10 =	vgt.f32 v30, $5.000000000e-01;
	v6 =	vor.u32 v31, v6;
	v32 =	vsel vm7, $0x40, v0  }
0x16a: {  	v5 =	vld [tilespmem:$0x1200];
	vm7 =	vgt.f32 v48, $5.000000000e-01;
	v27 =	vsel vm4, $0x1000, v0;
	v29 =	vsel vm5, $0x2000, v0  }
0x16b: {  	v52 =	vld [tilespmem:$0x12A0];
	v31 =	vsel vm6, $0x4000, v0;
	vm15 =	vgt.f32 v39, $5.000000000e-01;
	v6 =	vor.u32 v32, v6  }
0x16c: {  	v48 =	vld [tilespmem:$0x11A0];
	v58 =	vsel vm7, $0x8, v0;
	vm7 =	vgt.f32 v23, $5.000000000e-01;
	v6 =	vor.u32 v34, v6  }
0x16d: {  	v35 =	vld [tilespmem:$0xE20];
	v51 =	vsel vm15, $0x40, v0;
	v9 =	vor.u32 v58, v9;
	v6 =	vor.u32 v36, v6  }
0x16e: {  	v32 =	vld [tilespmem:$0xDA0];
	v34 =	vsel vm7, $0x8000, v0;
	v9 =	vor.u32 v60, v9;
	v6 =	vor.u32 v38, v6  }
0x16f: {  	v54 =	vld [tilespmem:$0x1320];
	vm12 =	vgt.f32 v5, $5.000000000e-01;
	v9 =	vor.u32 v62, v9;
	v6 =	vor.u32 v40, v6  }
0x170: {  	v41 =	vsel vm12, $0x800, v0;
	v9 =	vor.u32 v16, v9;
	vm12 =	vgt.f32 v57, $5.000000000e-01  }
0x171: {  	v56 =	vld [tilespmem:$0x13A0];
	v40 =	vsel vm9, $0x1, v0;
	vm7 =	vgt.f32 v48, $5.000000000e-01;
	vm9 =	vgt.f32 v52, $5.000000000e-01  }
0x172: {  	v58 =	vld [tilespmem:$0x1420];
	v6 =	vor.u32 v41, v6;
	v9 =	vor.u32 v18, v9;
	v20 =	vsel vm12, $0x100, v0  }
0x173: {  	v36 =	vld [tilespmem:$0xEA0];
	v41 =	vsel vm10, $0x2, v0;
	vm11 =	vgt.f32 v32, $5.000000000e-01;
	vm12 =	vgt.f32 v35, $5.000000000e-01  }
0x174: {  	v59 =	vld [tilespmem:$0x1490];
	v60 =	vsel vm7, $0x400, v0;
	v17 =	vsel vm9, $0x1000, v0;
	vm10 =	vgt.f32 v54, $5.000000000e-01  }
0x175: {  	v5 =	vld [tilespmem:$0x1480];
	v6 =	vor.u32 v7, v6;
	v9 =	vor.u32 v20, v9;
	v10 =	vor.u32 v40, v41  }
0x176: {  	v38 =	vld [tilespmem:$0xF20];
	v43 =	vsel vm11, $0x4, v0;
	v45 =	vsel vm12, $0x8, v0;
	vm11 =	vgt.f32 v56, $5.000000000e-01  }
0x177: {  	v18 =	vsel vm10, $0x2000, v0;
	vm12 =	vgt.f32 v58, $5.000000000e-01;
	v6 =	vor.u32 v42, v6  }
0x178: {  	v50 =	vld [tilespmem:$0x1220];
	v9 =	vor.u32 v22, v9;
	v10 =	vor.u32 v43, v10;
	vm13 =	vgt.f32 v36, $5.000000000e-01  }
0x179: {  	v32 =	vld [tilespmem:$0x1030];
	v19 =	vsel vm11, $0x4000, v0;
	v21 =	vsel vm12, $0x8000, v0;
	v6 =	vor.u32 v44, v6  }
0x17a: {  	v28 =	vld [tilespmem:$0xF30];
	vm0 =	vgt.s32 v5, $0x3FF;
	v25 =	vor.u32 v24, v9;
	v10 =	vor.u32 v45, v10  }
0x17b: {  	v20 =	vld [tilespmem:$0xCB0];
	v47 =	vsel vm13, $0x10, v0;
	vm14 =	vgt.f32 v38, $5.000000000e-01;
	vm13 =	vgt.s32 v59, $0x3FF  }
0x17c: {  	v42 =	vld [tilespmem:$0x1020];
	v6 =	vor.u32 v46, v6;
	v8 =	vor.u32 v26, v25;
	v10 =	vor.u32 v47, v10  }
0x17d: {  	v22 =	vld [tilespmem:$0xD30];
	v49 =	vsub.s32 $0x0, v6;
	v8 =	vor.u32 v27, v8;
	vm8 =	vne.s32 v0, v6  }
0x17e: {  	v36 =	vld [tilespmem:$0x1130];
	vm10 =	vgt.f32 v32, $5.000000000e-01;
	v11 =	vand.u32 v49, v6;
	v8 =	vor.u32 v29, v8  }
0x17f: {  	v44 =	vld [tilespmem:$0x10A0];
	vm0 =	vmand vm0, vm8;
	v49 =	vsel vm14, $0x20, v0;
	vm8 =	vgt.f32 v50, $5.000000000e-01  }
0x180: {  	vm15 =	vgt.f32 v20, $5.000000000e-01;
	v43 =	vsel vm10, $0x80, v0;
	v11 =	vcvt.s32.f32 v11  }
0x181: {  	v40 =	vld [tilespmem:$0x1230];
	v33 =	vor.u32 v31, v8;
	v10 =	vor.u32 v49, v10;
	vm4 =	vgt.f32 v42, $5.000000000e-01  }
0x182: {  	v46 =	vld [tilespmem:$0x1120];
	v62 =	vsel vm8, $0x800, v0;
	v30 =	vsel vm15, $0x1, v0;
	vm8 =	vgt.f32 v28, $5.000000000e-01  }
0x183: {  	v24 =	vld [tilespmem:$0xDB0];
	vm12 =	vgt.f32 v36, $5.000000000e-01;
	v6 =	vor.u32 v34, v33;
	v10 =	vor.u32 v51, v10  }
0x184: {  	v25 =	vld [tilespmem:$0xE30];
	v53 =	vsel vm4, $0x80, v0;
	vm5 =	vgt.f32 v44, $5.000000000e-01;
	vm4 =	vgt.f32 v22, $5.000000000e-01  }
0x185: {  	v27 =	vld [tilespmem:$0xEB0];
	v39 =	vsel vm8, $0x20, v0;
	v47 =	vsel vm12, $0x200, v0;
	v11 =	vshrl.u32 v11, $0x17  }
0x186: {  	v38 =	vld [tilespmem:$0x11B0];
	v37 =	vsub.s32 $0x0, v6;
	v10 =	vor.u32 v53, v10;
	v55 =	vsel vm5, $0x100, v0  }
0x187: {  	v48 =	vld [tilespmem:$0x1430];
	vm6 =	vgt.f32 v46, $5.000000000e-01;
	vm14 =	vne.s32 v0, v6;
	v31 =	vsel vm4, $0x2, v0  }
0x188: {  	v29 =	vld [tilespmem:$0xFB0];
	vm5 =	vgt.f32 v24, $5.000000000e-01;
	v11 =	vadd.s32 v11, v4;
	v13 =	vand.u32 v37, v6  }
0x189: {  	v20 =	vld [tilespmem:$0xEC0];
	v10 =	vor.u32 v55, v10;
	v57 =	vsel vm6, $0x200, v0;
	vm1 =	vmand vm13, vm14  }
0x18a: {  	v42 =	vld [tilespmem:$0x12B0];
	v33 =	vsel vm5, $0x4, v0;
	vm6 =	vgt.f32 v25, $5.000000000e-01;
	vm7 =	vgt.f32 v27, $5.000000000e-01  }
0x18b: {  	v49 =	vld [tilespmem:$0x14A0];
	vm13 =	vgt.f32 v38, $5.000000000e-01;
	vm14 =	vgt.f32 v40, $5.000000000e-01;
	v10 =	vor.u32 v57, v10  }
0x18c: {  	v28 =	vld [tilespmem:$0x1140];
	v63 =	vcvt.s32.f32 v13;
	v6 =	vsel vm0, v11, v5;
	v13 =	vor.u32 v30, v31  }
0x18d: {  	v34 =	vld [tilespmem:$0x10B0];
	v35 =	vsel vm6, $0x8, v0;
	v37 =	vsel vm7, $0x10, v0;
	vm9 =	vgt.f32 v29, $5.000000000e-01  }
0x18e: {  	v44 =	vld [tilespmem:$0x1330];
	v50 =	vsel vm13, $0x400, v0;
	v52 =	vsel vm14, $0x800, v0;
	vm6 =	vgt.f32 v48, $5.000000000e-01  }
0x18f: {  	v22 =	vld [tilespmem:$0xFC0];
	vm13 =	vgt.f32 v20, $5.000000000e-01;
	v61 =	vor.u32 v60, v10;
	v13 =	vor.u32 v33, v13  }
0x190: {  	v46 =	vld [tilespmem:$0x13B0];
	v41 =	vsel vm9, $0x40, v0;
	vm15 =	vgt.f32 v42, $5.000000000e-01;
	vm7 =	vgt.s32 v49, $0x3FF  }
0x191: {  	v24 =	vld [tilespmem:$0x1040];
	v60 =	vsel vm6, $0x8000, v0;
	v29 =	vsel vm13, $0x10, v0;
	vm6 =	vgt.f32 v28, $5.000000000e-01  }
0x192: {  	v7 =	vor.u32 v62, v61;
	v23 =	vshrl.u32 v63, $0x17;
	v13 =	vor.u32 v35, v13  }
0x193: {  	vm11 =	vgt.f32 v34, $5.000000000e-01;
	v54 =	vsel vm15, $0x1000, v0;
	vm4 =	vgt.f32 v44, $5.000000000e-01  }
0x194: {  	v32 =	vld [tilespmem:$0x1240];
	vm15 =	vgt.f32 v22, $5.000000000e-01;
	v7 =	vor.u32 v17, v7;
	v12 =	vadd.s32 v23, v4  }
0x195: {  	v57 =	vld [tilespmem:$0xCC0];
	v13 =	vor.u32 v37, v13;
	v45 =	vsel vm11, $0x100, v0;
	v56 =	vsel vm4, $0x2000, v0  }
0x196: {  	v61 =	vld [tilespmem:$0xDC0];
	vm5 =	vgt.f32 v46, $5.000000000e-01;
	v33 =	vsel vm15, $0x40, v0;
	vm4 =	vgt.f32 v24, $5.000000000e-01  }
0x197: {  	v63 =	vld [tilespmem:$0xE40];
	v7 =	vor.u32 v18, v7;
	v5 =	vsel vm1, v12, v59;
	v13 =	vor.u32 v39, v13  }
0x198: {  	v34 =	vld [tilespmem:$0x12C0];
	v58 =	vsel vm5, $0x4000, v0;
	v35 =	vsel vm4, $0x80, v0;
	v39 =	vsel vm6, $0x200, v0  }
0x199: {  	v38 =	vld [tilespmem:$0x13C0];
	v7 =	vor.u32 v19, v7;
	vm0 =	vgt.s32 v6, v5;
	v13 =	vor.u32 v41, v13  }
0x19a: {  	v30 =	vld [tilespmem:$0x11C0];
	vm9 =	vgt.f32 v57, $5.000000000e-01;
	v7 =	vor.u32 v21, v7;
	v13 =	vor.u32 v43, v13  }
0x19b: {  	v40 =	vld [tilespmem:$0x1440];
	v23 =	vsel vm9, $0x1, v0;
	v26 =	vsub.s32 $0x0, v7;
	v13 =	vor.u32 v45, v13  }
0x19c: {  	v59 =	vld [tilespmem:$0xD40];
	vm8 =	vne.s32 v0, v7;
	vm11 =	vgt.f32 v61, $5.000000000e-01;
	vm12 =	vgt.f32 v63, $5.000000000e-01  }
0x19d: {  	v18 =	vld [tilespmem:$0x14B0];
	vm9 =	vgt.f32 v34, $5.000000000e-01;
	v11 =	vand.u32 v26, v7;
	v13 =	vor.u32 v47, v13  }
0x19e: {  	vm1 =	vmand vm7, vm8;
	v25 =	vsel vm11, $0x4, v0;
	v27 =	vsel vm12, $0x8, v0  }
0x19f: {  	v36 =	vld [tilespmem:$0x1340];
	vm7 =	vgt.f32 v30, $5.000000000e-01;
	vm8 =	vgt.f32 v32, $5.000000000e-01;
	v44 =	vsel vm9, $0x1000, v0  }
0x1a0: {  	v21 =	vld [tilespmem:$0xF40];
	vm11 =	vgt.f32 v38, $5.000000000e-01;
	vm12 =	vgt.f32 v40, $5.000000000e-01;
	v11 =	vcvt.s32.f32 v11  }
0x1a1: {  	v45 =	vld [tilespmem:$0xCD0];
	v51 =	vor.u32 v50, v13;
	vm10 =	vgt.f32 v59, $5.000000000e-01;
	v41 =	vsel vm7, $0x400, v0  }
0x1a2: {  	v26 =	vld [tilespmem:$0x10C0];
	v43 =	vsel vm8, $0x800, v0;
	v48 =	vsel vm11, $0x4000, v0;
	vm13 =	vgt.s32 v18, $0x3FF  }
0x1a3: {  	v47 =	vld [tilespmem:$0xD50];
	v50 =	vsel vm12, $0x8000, v0;
	v53 =	vor.u32 v52, v51;
	v17 =	vsel vm10, $0x2, v0  }
0x1a4: {  	v40 =	vld [tilespmem:$0xD60];
	vm10 =	vgt.f32 v36, $5.000000000e-01;
	v55 =	vor.u32 v54, v53;
	v62 =	vshrl.u32 v11, $0x17  }
0x1a5: {  	v51 =	vld [tilespmem:$0xE50];
	v12 =	vor.u32 v23, v17;
	vm14 =	vgt.f32 v21, $5.000000000e-01;
	v46 =	vsel vm10, $0x2000, v0  }
0x1a6: {  	v53 =	vld [tilespmem:$0xED0];
	v8 =	vor.u32 v56, v55;
	v7 =	vadd.s32 v62, v4;
	v12 =	vor.u32 v25, v12  }
0x1a7: {  	v21 =	vld [tilespmem:$0x11D0];
	v31 =	vsel vm14, $0x20, v0;
	vm15 =	vgt.f32 v45, $5.000000000e-01;
	v8 =	vor.u32 v58, v8  }
0x1a8: {  	v23 =	vld [tilespmem:$0x1250];
	v7 =	vsel vm1, v7, v49;
	v12 =	vor.u32 v27, v12;
	vm5 =	vgt.f32 v26, $5.000000000e-01  }
0x1a9: {  	v55 =	vld [tilespmem:$0xF50];
	vm4 =	vgt.f32 v47, $5.000000000e-01;
	v57 =	vsel vm15, $0x1, v0;
	v9 =	vor.u32 v60, v8  }
0x1aa: {  	v56 =	vld [tilespmem:$0xFD0];
	v8 =	vsel vm0, v6, v5;
	v12 =	vor.u32 v29, v12;
	v37 =	vsel vm5, $0x100, v0  }
0x1ab: {  	v62 =	vld [tilespmem:$0x1150];
	v19 =	vsub.s32 $0x0, v9;
	v12 =	vor.u32 v31, v12;
	vm14 =	vne.s32 v0, v9  }
0x1ac: {  	v25 =	vld [tilespmem:$0x12D0];
	vm6 =	vgt.f32 v51, $5.000000000e-01;
	v14 =	vand.u32 v19, v9;
	v12 =	vor.u32 v33, v12  }
0x1ad: {  	v49 =	vld [tilespmem:$0xDD0];
	vm0 =	vmand vm13, vm14;
	v19 =	vsel vm4, $0x2, v0;
	v61 =	vsel vm6, $0x8, v0  }
0x1ae: {  	v58 =	vld [tilespmem:$0x1050];
	vm7 =	vgt.f32 v53, $5.000000000e-01;
	vm13 =	vgt.f32 v21, $5.000000000e-01;
	vm14 =	vgt.f32 v23, $5.000000000e-01  }
0x1af: {  	v27 =	vld [tilespmem:$0x1350];
	v14 =	vcvt.s32.f32 v14;
	v12 =	vor.u32 v35, v12;
	v13 =	vor.u32 v57, v19  }
0x1b0: {  	v36 =	vld [tilespmem:$0x14D0];
	v63 =	vsel vm7, $0x10, v0;
	vm8 =	vgt.f32 v55, $5.000000000e-01;
	vm9 =	vgt.f32 v56, $5.000000000e-01  }
0x1b1: {  	v60 =	vld [tilespmem:$0x10D0];
	vm12 =	vgt.f32 v62, $5.000000000e-01;
	v32 =	vsel vm13, $0x400, v0;
	v34 =	vsel vm14, $0x800, v0  }
0x1b2: {  	v29 =	vld [tilespmem:$0x13D0];
	vm15 =	vgt.f32 v25, $5.000000000e-01;
	v12 =	vor.u32 v37, v12;
	vm5 =	vgt.f32 v49, $5.000000000e-01  }
0x1b3: {  	v47 =	vld [tilespmem:$0xF60];
	v22 =	vsel vm8, $0x20, v0;
	v24 =	vsel vm9, $0x40, v0;
	vm10 =	vgt.f32 v58, $5.000000000e-01  }
0x1b4: {  	v30 =	vsel vm12, $0x200, v0;
	v15 =	vsel vm15, $0x1000, v0;
	vm4 =	vgt.f32 v27, $5.000000000e-01  }
0x1b5: {  	v31 =	vld [tilespmem:$0x1450];
	vm9 =	vgt.s32 v36, $0x3FF;
	vm12 =	vgt.f32 v40, $5.000000000e-01;
	v12 =	vor.u32 v39, v12  }
0x1b6: {  	v52 =	vshrl.u32 v14, $0x17;
	v59 =	vsel vm5, $0x4, v0;
	v26 =	vsel vm10, $0x80, v0  }
0x1b7: {  	v33 =	vld [tilespmem:$0x14C0];
	vm11 =	vgt.f32 v60, $5.000000000e-01;
	v35 =	vsel vm4, $0x2000, v0;
	vm5 =	vgt.f32 v29, $5.000000000e-01  }
0x1b8: {  	v62 =	vld [tilespmem:$0x1360];
	v49 =	vsel vm12, $0x2, v0;
	vm4 =	vgt.f32 v47, $5.000000000e-01;
	v42 =	vor.u32 v41, v12  }
0x1b9: {  	v27 =	vld [tilespmem:$0xDF0];
	v9 =	vadd.s32 v52, v4;
	v13 =	vor.u32 v59, v13;
	v28 =	vsel vm11, $0x100, v0  }
0x1ba: {  	v39 =	vld [tilespmem:$0xCE0];
	v37 =	vsel vm5, $0x4000, v0;
	vm6 =	vgt.f32 v31, $5.000000000e-01;
	v57 =	vsel vm4, $0x20, v0  }
0x1bb: {  	v60 =	vld [tilespmem:$0x12E0];
	v10 =	vor.u32 v43, v42;
	v13 =	vor.u32 v61, v13;
	v38 =	vsel vm6, $0x8000, v0  }
0x1bc: {  	v21 =	vld [tilespmem:$0x13E0];
	v9 =	vsel vm0, v9, v18;
	vm7 =	vgt.s32 v33, $0x3FF;
	v10 =	vor.u32 v44, v10  }
0x1bd: {  	v43 =	vld [tilespmem:$0xDE0];
	v13 =	vor.u32 v63, v13;
	vm12 =	vgt.f32 v62, $5.000000000e-01;
	v10 =	vor.u32 v46, v10  }
0x1be: {  	v52 =	vld [tilespmem:$0x10E0];
	v13 =	vor.u32 v22, v13;
	vm4 =	vgt.f32 v27, $5.000000000e-01;
	v10 =	vor.u32 v48, v10  }
0x1bf: {  	v44 =	vld [tilespmem:$0xE60];
	v13 =	vor.u32 v24, v13;
	vm11 =	vgt.f32 v39, $5.000000000e-01;
	v10 =	vor.u32 v50, v10  }
0x1c0: {  	v40 =	vld [tilespmem:$0x10F0];
	v13 =	vor.u32 v26, v13;
	v16 =	vsel vm11, $0x1, v0;
	vm11 =	vgt.f32 v60, $5.000000000e-01  }
0x1c1: {  	v23 =	vld [tilespmem:$0xCF0];
	v54 =	vsub.s32 $0x0, v10;
	v13 =	vor.u32 v28, v13;
	vm8 =	vne.s32 v0, v10  }
0x1c2: {  	v46 =	vld [tilespmem:$0xEE0];
	vm13 =	vgt.f32 v43, $5.000000000e-01;
	v16 =	vor.u32 v16, v49;
	v28 =	vsel vm11, $0x1000, v0  }
0x1c3: {  	v25 =	vld [tilespmem:$0xD70];
	v14 =	vand.u32 v54, v10;
	v13 =	vor.u32 v30, v13;
	vm0 =	vmand vm7, vm8  }
0x1c4: {  	v48 =	vld [tilespmem:$0xFE0];
	v51 =	vsel vm13, $0x4, v0;
	vm14 =	vgt.f32 v44, $5.000000000e-01;
	vm7 =	vgt.f32 v52, $5.000000000e-01  }
0x1c5: {  	v20 =	vld [tilespmem:$0x11F0];
	v30 =	vsel vm12, $0x2000, v0;
	vm13 =	vgt.f32 v21, $5.000000000e-01;
	vm12 =	vgt.f32 v40, $5.000000000e-01  }
0x1c6: {  	v13 =	vor.u32 v32, v13;
	v14 =	vcvt.s32.f32 v14;
	v16 =	vor.u32 v51, v16  }
0x1c7: {  	v50 =	vld [tilespmem:$0x1060];
	v53 =	vsel vm14, $0x8, v0;
	vm15 =	vgt.f32 v46, $5.000000000e-01;
	v63 =	vsel vm7, $0x100, v0  }
0x1c8: {  	v29 =	vld [tilespmem:$0xE70];
	vm14 =	vgt.f32 v23, $5.000000000e-01;
	v13 =	vor.u32 v34, v13;
	v16 =	vor.u32 v53, v16  }
0x1c9: {  	v55 =	vsel vm15, $0x10, v0;
	vm5 =	vgt.f32 v48, $5.000000000e-01;
	vm15 =	vgt.f32 v25, $5.000000000e-01  }
0x1ca: {  	v47 =	vld [tilespmem:$0x12F0];
	v11 =	vsel vm14, $0x1, v0;
	v48 =	vsel vm12, $0x100, v0;
	vm14 =	vgt.f32 v20, $5.000000000e-01  }
0x1cb: {  	v31 =	vld [tilespmem:$0xEF0];
	v13 =	vor.u32 v15, v13;
	v41 =	vshrl.u32 v14, $0x17;
	v16 =	vor.u32 v55, v16  }
0x1cc: {  	v59 =	vsel vm5, $0x40, v0;
	vm6 =	vgt.f32 v50, $5.000000000e-01;
	v15 =	vsel vm15, $0x2, v0  }
0x1cd: {  	v54 =	vld [tilespmem:$0x1160];
	vm5 =	vgt.f32 v29, $5.000000000e-01;
	v51 =	vsel vm14, $0x400, v0;
	v13 =	vor.u32 v35, v13  }
0x1ce: {  	v49 =	vld [tilespmem:$0x1370];
	v10 =	vadd.s32 v41, v4;
	v16 =	vor.u32 v57, v16;
	v61 =	vsel vm6, $0x80, v0  }
0x1cf: {  	v44 =	vld [tilespmem:$0x1270];
	v11 =	vor.u32 v11, v15;
	v39 =	vsel vm5, $0x8, v0;
	v13 =	vor.u32 v37, v13  }
0x1d0: {  	vm6 =	vgt.f32 v31, $5.000000000e-01;
	vm5 =	vgt.f32 v47, $5.000000000e-01;
	v13 =	vor.u32 v38, v13  }
0x1d1: {  	v10 =	vsel vm0, v10, v33;
	v16 =	vor.u32 v59, v16;
	v42 =	vsub.s32 $0x0, v13  }
0x1d2: {  	v56 =	vld [tilespmem:$0x11E0];
	vm8 =	vgt.f32 v54, $5.000000000e-01;
	v33 =	vsel vm13, $0x4000, v0;
	v14 =	vand.u32 v42, v13  }
0x1d3: {  	v34 =	vld [tilespmem:$0xF70];
	v37 =	vsel vm4, $0x4, v0;
	v41 =	vsel vm6, $0x10, v0;
	v45 =	vcvt.s32.f32 v14  }
0x1d4: {  	v52 =	vld [tilespmem:$0x13F0];
	vm15 =	vgt.f32 v44, $5.000000000e-01;
	vm6 =	vgt.f32 v49, $5.000000000e-01;
	v16 =	vor.u32 v61, v16  }
0x1d5: {  	v58 =	vld [tilespmem:$0x1260];
	v22 =	vsel vm8, $0x200, v0;
	vm10 =	vne.s32 v0, v13;
	v13 =	vshrl.u32 v45, $0x17  }
0x1d6: {  	v11 =	vor.u32 v37, v11;
	vm0 =	vmand vm9, vm10;
	v13 =	vadd.s32 v13, v4  }
0x1d7: {  	vm8 =	vgt.s32 v8, v7;
	v53 =	vsel vm15, $0x800, v0;
	v12 =	vsel vm0, v13, v36;
	v36 =	vld [tilespmem:$0xFF0]  }
0x1d8: {  	v38 =	vld [tilespmem:$0x1070];
	v16 =	vor.u32 v63, v16;
	v11 =	vor.u32 v39, v11;
	vm7 =	vgt.f32 v34, $5.000000000e-01  }
0x1d9: {  	v8 =	vsel vm8, v8, v7;
	vm8 =	vgt.f32 v52, $5.000000000e-01;
	vm9 =	vgt.f32 v56, $5.000000000e-01  }
0x1da: {  	v16 =	vor.u32 v22, v16;
	vm10 =	vgt.f32 v58, $5.000000000e-01;
	v42 =	vld [tilespmem:$0x1170];
	v11 =	vor.u32 v41, v11  }
0x1db: {  	v43 =	vsel vm7, $0x20, v0;
	vm4 =	vgt.s32 v8, v9;
	v56 =	vsel vm5, $0x1000, v0  }
0x1dc: {  	v35 =	vld [tilespmem:$0x1460];
	v58 =	vsel vm6, $0x2000, v0;
	v24 =	vsel vm9, $0x400, v0;
	vm9 =	vgt.f32 v36, $5.000000000e-01  }
0x1dd: {  	v11 =	vor.u32 v43, v11;
	vm11 =	vgt.f32 v38, $5.000000000e-01;
	v45 =	vsel vm9, $0x40, v0  }
0x1de: {  	v15 =	vsel vm8, $0x4000, v0;
	v46 =	vsel vm11, $0x80, v0;
	v11 =	vor.u32 v45, v11  }
0x1df: {  	v26 =	vsel vm10, $0x800, v0;
	vm13 =	vgt.f32 v42, $5.000000000e-01;
	v11 =	vor.u32 v46, v11  }
0x1e0: {  	v54 =	vld [tilespmem:$0x1470];
	v16 =	vor.u32 v24, v16;
	v50 =	vsel vm13, $0x200, v0;
	v11 =	vor.u32 v48, v11  }
0x1e1: {  	vm10 =	vgt.f32 v35, $5.000000000e-01;
	v16 =	vor.u32 v26, v16;
	v11 =	vor.u32 v50, v11  }
0x1e2: {  	v57 =	vld [tilespmem:$0x14E0];
	v8 =	vsel vm4, v8, v9;
	v16 =	vor.u32 v28, v16;
	v11 =	vor.u32 v51, v11  }
0x1e3: {  	v55 =	vsel vm10, $0x8000, v0;
	v32 =	vor.u32 v30, v16;
	v11 =	vor.u32 v53, v11  }
0x1e4: {  	vm7 =	vgt.s32 v8, v10;
	v13 =	vor.u32 v33, v32;
	v11 =	vor.u32 v56, v11  }
0x1e5: {  	v61 =	vld [tilespmem:$0x14F0];
	v13 =	vor.u32 v55, v13;
	vm9 =	vgt.f32 v54, $5.000000000e-01;
	v11 =	vor.u32 v58, v11  }
0x1e6: {  	v59 =	vsub.s32 $0x0, v13;
	v60 =	vsel vm9, $0x8000, v0;
	v11 =	vor.u32 v15, v11  }
0x1e7: {  	vm10 =	vgt.s32 v57, $0x3FF;
	v16 =	vand.u32 v59, v13;
	v11 =	vor.u32 v60, v11  }
0x1e8: {  	v8 =	vsel vm7, v8, v10;
	v16 =	vcvt.s32.f32 v16;
	v62 =	vsub.s32 $0x0, v11  }
0x1e9: {  	vm12 =	vgt.s32 v8, v12;
	vm11 =	vne.s32 v0, v13;
	v13 =	vand.u32 v62, v11  }
0x1ea: {  	vm13 =	vgt.s32 v61, $0x3FF;
	v16 =	vshrl.u32 v16, $0x17;
	v13 =	vcvt.s32.f32 v13  }
0x1eb: {  	[tilespmem:$0x1480] =	vst v6;
	v63 =	vsel vm12, v8, v12;
	vm0 =	vmand vm10, vm11;
	v16 =	vadd.s32 v16, v4  }
0x1ec: {  	[tilespmem:$0x1490] =	vst v5;
	v14 =	vsel vm0, v16, v57;
	vm14 =	vne.s32 v0, v11;
	v5 =	vshrl.u32 v13, $0x17  }
0x1ed: {  	[tilespmem:$0x14A0] =	vst v7;
	vm15 =	vgt.s32 v63, v14;
	vm0 =	vmand vm13, vm14;
	v4 =	vadd.s32 v5, v4  }
0x1ee: {  	[tilespmem:$0x14B0] =	vst v9;
	v5 =	vsel vm15, v63, v14;
	v4 =	vsel vm0, v4, v61  }
.Ltmp3:
0x1ef: {  	[tilespmem:$0x14C0] =	vst v10;
	vm0 =	vgt.s32 v5, v4;
	(pc) =	sbr.rel .LBB2_4-.Ltmp3, $4  }
0x1f0: {  	[tilespmem:$0x14D0] =	vst v12;
	v5 =	vsel vm0, v5, v4  }
0x1f1: {  	[tilespmem:$0x14E0] =	vst v14;
	vm0 =	vgt.s32 v5, $0x0  }
0x1f2: {  	[tilespmem:$0x14F0] =	vst v4;
	v4 =	vnsel vm0, $0x0, v5  }
0x1f3: {  	[tilespmem:$0x1500] =	vst v4  }
.LBB2_5:
0x1f4: {  	s26 =	simm.s32 $0x0;
	s28 =	rddreg [dreg:$0x9];
	s30 =	simm.s32 $0x1480  }
0x1f5: {  	[hbm4b:s28+s26] =	stream.linear.scatter [tilespmem:s30], [sflag:$0x3], $0x80, $0x38;
	[tilespmem:$0x9890] =	vst v63  }
0x1f6: {  	_ =	swait.ge [sflag:s29], $0x80  }
0x1f7: {  	[sflag:s29] =	ssyncset.done $0x0  }
0x1f8: {  	s28 =	simm.s32 $0x2;
	[sflag:s29] =	ssyncadd.s32 $0xFFFFFF80  }
0x1f9: {  	_ =	swait.ge [sflag:s28], $0x80  }
0x1fa: {  	[sflag:s28] =	ssyncset.done $0x0  }
0x1fb: {  	[sflag:s28] =	ssyncadd.s32 $0xFFFFFF80  }
0x1fc: {  	_ =	swait.ge [sflag:s28], $0x80  }
0x1fd: {  	[sflag:s28] =	ssyncset.done $0x0  }
0x1fe: {  	[sflag:s28] =	ssyncadd.s32 $0xFFFFFF80  }
0x1ff: {  	_ =	swait.ge [sflag:s28], $0x200  }
0x200: {  	[sflag:s28] =	ssyncset.done $0x0  }
0x201: {  	[sflag:s28] =	ssyncadd.s32 $0xFFFFFE00  }
0x202: {  	_ =	swait.ge [sflag:s28], $0x8000  }
0x203: {  	[sflag:s28] =	ssyncset.done $0x0  }
0x204: {  	[sflag:s28] =	ssyncadd.s32 $0xFFFF8000  }
0x205: {  	[tilespmem:$0x9810] =	vst v0  }
0x206: {  	[tilespmem:$0x9820] =	vst v0  }
0x207: {  	[tilespmem:$0x9830] =	vst v0  }
0x208: {  	[tilespmem:$0x9840] =	vst v0  }
0x209: {  	[tilespmem:$0x9850] =	vst v0  }
0x20a: {  	[tilespmem:$0x9860] =	vst v0  }
0x20b: {  	[tilespmem:$0x9870] =	vst v0  }
0x20c: {  	s28 =	simm.s32 $0x0;
	[tilespmem:$0x9880] =	vst v0  }
.LBB2_6:
0x20d: {  	v4 =	vmov s26  }
0x20e: {  	v4 =	vshrl.u32 v4, $0x3  }
0x20f: {  	v4 =	vshll.u32 v4, v2  }
0x210: {  	v5 =	vbroadcast v4, $0x0;
	v6 =	vadd.s32 $0x1, v4  }
0x211: {  	v7 =	vadd.s32 $0x2, v4;
	v6 =	vbroadcast v6, $0x0  }
0x212: {  	v19 =	vld [tilespmem:$0x1510];
	v8 =	vadd.s32 $0x3, v4;
	v7 =	vbroadcast v7, $0x0  }
0x213: {  	v47 =	vld [tilespmem:$0x1590];
	v9 =	vadd.s32 $0x4, v4;
	v8 =	vbroadcast v8, $0x0  }
0x214: {  	s29 =	sadd.s32 $0x8, s26;
	v61 =	vld [tilespmem:$0x1520];
	v10 =	vadd.s32 $0x5, v4;
	v9 =	vbroadcast v9, $0x0  }
0x215: {  	v63 =	vld [tilespmem:$0x15A0];
	v12 =	vmov s29;
	v11 =	vadd.s32 $0x6, v4;
	v10 =	vbroadcast v10, $0x0  }
0x216: {  	s30 =	sadd.s32 $0x9, s26;
	v12 =	vshrl.u32 v12, $0x3;
	v4 =	vadd.s32 $0x7, v4;
	v11 =	vbroadcast v11, $0x0;
	v5 =	vld.idx.msk [tilespmem:v5+s15+$0x0], $0xffff  }
0x217: {  	v13 =	vmov s30;
	v12 =	vshll.u32 v12, v2;
	v4 =	vbroadcast v4, $0x0;
	v6 =	vld.idx.msk [tilespmem:v6+s15+$0x0], $0xffff  }
0x218: {  	v13 =	vshrl.u32 v13, $0x3;
	v45 =	vbroadcast v12, $0x0;
	v14 =	vld.idx.msk [tilespmem:v7+s15+$0x0], $0xffff  }
0x219: {  	v13 =	vshll.u32 v13, v2;
	v8 =	vld.idx.msk [tilespmem:v8+s15+$0x0], $0xffff  }
0x21a: {  	v46 =	vadd.s32 $0x1, v13;
	v9 =	vld.idx.msk [tilespmem:v9+s15+$0x0], $0xffff  }
0x21b: {  	v12 =	vbroadcast v46, $0x0;
	v10 =	vld.idx.msk [tilespmem:v10+s15+$0x0], $0xffff  }
0x21c: {  	v11 =	vld.idx.msk [tilespmem:v11+s15+$0x0], $0xffff  }
0x21d: {  	v15 =	vld.idx.msk [tilespmem:v4+s15+$0x0], $0xffff  }
0x21e: {  	v16 =	vld.idx.msk [tilespmem:v45+s15+$0x0], $0xffff  }
0x21f: {  	v27 =	vmov s28;
	v39 =	vld [tilespmem:$0x1530]  }
0x220: {  	v40 =	vld [tilespmem:$0x15B0];
	vm7 =	vlt.s32 v5, $0x20;
	v4 =	vadd.s32 $0xFFFFFFE0, v5;
	vm8 =	vlt.s32 v6, $0x20  }
0x221: {  	v17 =	vld.idx.msk [tilespmem:v12+s15+$0x0], $0xffff;
	vm9 =	vlt.s32 v14, $0x20;
	vm6 =	vlt.s32 v8, $0x20;
	vm4 =	vlt.s32 v9, $0x20  }
0x222: {  	vm5 =	vlt.s32 v10, $0x20;
	vm2 =	vlt.s32 v11, $0x20;
	vm1 =	vlt.s32 v15, $0x20  }
0x223: {  	vm0 =	vlt.s32 v16, $0x20;
	v7 =	vsel vm7, v5, v4;
	v4 =	vadd.s32 $0xFFFFFFE0, v6  }
0x224: {  	v5 =	vadd.s32 $0xFFFFFFE0, v14;
	v18 =	vadd.s32 $0xFFFFFFE0, v8;
	v48 =	vadd.s32 $0xFFFFFFE0, v10  }
0x225: {  	v49 =	vadd.s32 $0xFFFFFFE0, v11;
	v50 =	vadd.s32 $0xFFFFFFE0, v16;
	v52 =	vsel vm7, v19, v47  }
0x226: {  	v28 =	vsel vm7, v61, v63;
	v43 =	vsel vm7, v39, v40;
	vm3 =	vlt.s32 v17, $0x20  }
0x227: {  	v12 =	vsel vm8, v6, v4;
	v13 =	vsel vm9, v14, v5;
	v4 =	vsel vm6, v8, v18  }
0x228: {  	v5 =	vadd.s32 $0xFFFFFFE0, v9;
	v6 =	vsel vm2, v11, v49;
	v51 =	vadd.s32 $0xFFFFFFE0, v17  }
0x229: {  	v53 =	vsel vm8, v19, v47;
	v54 =	vsel vm9, v19, v47;
	v55 =	vsel vm6, v19, v47  }
0x22a: {  	v20 =	vsel vm4, v19, v47;
	v21 =	vsel vm5, v19, v47;
	v22 =	vsel vm2, v19, v47  }
0x22b: {  	v23 =	vsel vm1, v19, v47;
	v14 =	vsel vm0, v19, v47;
	v29 =	vsel vm8, v61, v63  }
0x22c: {  	v30 =	vsel vm9, v61, v63;
	v31 =	vsel vm6, v61, v63;
	v32 =	vsel vm4, v61, v63  }
0x22d: {  	v33 =	vsel vm5, v61, v63;
	v25 =	vsel vm2, v61, v63;
	v26 =	vsel vm1, v61, v63  }
0x22e: {  	v44 =	vsel vm8, v39, v40;
	v45 =	vsel vm9, v39, v40;
	v46 =	vsel vm6, v39, v40  }
0x22f: {  	v49 =	vsel vm2, v39, v40;
	v8 =	vsel vm4, v9, v5;
	v9 =	vsel vm5, v10, v48  }
0x230: {  	v5 =	vadd.s32 $0xFFFFFFE0, v15;
	v11 =	vsel vm3, v17, v51;
	v17 =	vshrl.u32 v54, v13  }
0x231: {  	v18 =	vshrl.u32 v55, v4;
	v22 =	vshrl.u32 v22, v6;
	v24 =	vsel vm3, v19, v47  }
0x232: {  	v25 =	vshrl.u32 v25, v6;
	v47 =	vsel vm4, v39, v40;
	v48 =	vsel vm5, v39, v40  }
0x233: {  	v10 =	vsel vm1, v15, v5;
	v5 =	vsel vm0, v16, v50;
	v15 =	vshrl.u32 v52, v7  }
0x234: {  	v16 =	vshrl.u32 v53, v12;
	v17 =	vshll.u32 v17, $0x2;
	v20 =	vshrl.u32 v20, v8  }
0x235: {  	v21 =	vshrl.u32 v21, v9;
	v56 =	vshrl.u32 v24, v11;
	v59 =	vshll.u32 v22, $0x6  }
0x236: {  	v18 =	vshll.u32 v18, $0x3;
	v22 =	vshrl.u32 v31, v4;
	v24 =	vshrl.u32 v33, v9  }
0x237: {  	v37 =	vshll.u32 v25, $0x6;
	v25 =	vshrl.u32 v48, v9;
	v50 =	vsel vm1, v39, v40  }
0x238: {  	v15 =	vand.u32 $0x1, v15;
	v16 =	vshll.u32 v16, $0x1;
	v17 =	vand.u32 $0x4, v17  }
0x239: {  	v23 =	vshrl.u32 v23, v10;
	v14 =	vshrl.u32 v14, v5;
	v19 =	vshll.u32 v56, $0x9  }
0x23a: {  	v60 =	vshll.u32 v21, $0x5;
	v62 =	vshll.u32 v20, $0x4;
	v18 =	vand.u32 $0x8, v18  }
0x23b: {  	v20 =	vshrl.u32 v29, v12;
	v21 =	vshrl.u32 v30, v13;
	v26 =	vshrl.u32 v26, v10  }
0x23c: {  	v38 =	vshll.u32 v24, $0x5;
	v22 =	vshll.u32 v22, $0x3;
	v24 =	vshrl.u32 v47, v8  }
0x23d: {  	v16 =	vand.u32 $0x2, v16;
	v14 =	vshll.u32 v14, $0x8;
	v57 =	vand.u32 $0x200, v19  }
0x23e: {  	v58 =	vshll.u32 v23, $0x7;
	v19 =	vand.u32 $0x10, v62;
	v20 =	vshll.u32 v20, $0x1  }
0x23f: {  	v21 =	vshll.u32 v21, $0x2;
	v23 =	vshrl.u32 v32, v8;
	v35 =	vshll.u32 v26, $0x7  }
0x240: {  	v41 =	vand.u32 $0x8, v22;
	v22 =	vshrl.u32 v45, v13;
	v26 =	vshrl.u32 v49, v6  }
0x241: {  	v15 =	vor.u32 v16, v15;
	v14 =	vand.u32 $0x100, v14;
	v16 =	vand.u32 $0x40, v59  }
0x242: {  	v20 =	vand.u32 $0x2, v20;
	v21 =	vand.u32 $0x4, v21;
	v15 =	vor.u32 v17, v15  }
0x243: {  	v23 =	vshll.u32 v23, $0x4;
	v22 =	vshll.u32 v22, $0x2;
	v15 =	vor.u32 v57, v15  }
0x244: {  	v56 =	vshll.u32 v26, $0x6;
	v17 =	vand.u32 $0x80, v58;
	v14 =	vor.u32 v14, v15  }
0x245: {  	v59 =	vshll.u32 v24, $0x4;
	v23 =	vand.u32 $0x10, v23;
	v14 =	vor.u32 v17, v14  }
0x246: {  	v22 =	vand.u32 $0x4, v22;
	v15 =	vand.u32 $0x20, v60;
	v14 =	vor.u32 v16, v14  }
0x247: {  	v58 =	vld [tilespmem:$0x1540];
	v57 =	vshll.u32 v25, $0x5;
	v16 =	vsel vm0, v61, v63;
	v14 =	vor.u32 v15, v14  }
0x248: {  	v60 =	vld [tilespmem:$0x15C0];
	v15 =	vshll.u32 v27, $0xA;
	v27 =	vsel vm3, v61, v63;
	v16 =	vshrl.u32 v16, v5  }
0x249: {  	v14 =	vor.u32 v19, v14;
	v19 =	vshrl.u32 v28, v7;
	v34 =	vshrl.u32 v27, v11  }
0x24a: {  	v16 =	vshll.u32 v16, $0x8;
	v28 =	vsel vm3, v39, v40;
	v27 =	vshrl.u32 v50, v10  }
0x24b: {  	v18 =	vor.u32 v18, v14;
	v14 =	vshll.u32 v3, s28;
	v19 =	vand.u32 $0x1, v19  }
0x24c: {  	v17 =	vshll.u32 v34, $0x9;
	v16 =	vand.u32 $0x100, v16;
	v51 =	vshrl.u32 v28, v11  }
0x24d: {  	v54 =	vshll.u32 v27, $0x7;
	v31 =	vsel vm7, v58, v60;
	v32 =	vsel vm8, v58, v60  }
0x24e: {  	v33 =	vsel vm9, v58, v60;
	v34 =	vsel vm6, v58, v60;
	v18 =	vor.u32 v15, v18  }
0x24f: {  	v19 =	vor.u32 v20, v19;
	v17 =	vand.u32 $0x200, v17;
	v20 =	vand.u32 $0x80, v35  }
0x250: {  	v35 =	vsel vm4, v58, v60;
	v19 =	vor.u32 v21, v19;
	v21 =	vand.u32 $0x40, v37  }
0x251: {  	v24 =	vshrl.u32 v35, v8;
	v37 =	vsel vm2, v58, v60;
	v17 =	vor.u32 v17, v19  }
0x252: {  	v19 =	vshrl.u32 v44, v12;
	v26 =	vshrl.u32 v37, v6;
	v48 =	vshll.u32 v24, $0x4  }
0x253: {  	v16 =	vor.u32 v16, v17;
	v17 =	vand.u32 $0x20, v38;
	v19 =	vshll.u32 v19, $0x1  }
0x254: {  	v47 =	vld [tilespmem:$0x1550];
	v38 =	vsel vm1, v58, v60;
	v45 =	vshll.u32 v26, $0x6;
	v16 =	vor.u32 v20, v16  }
0x255: {  	v49 =	vld [tilespmem:$0x15D0];
	v19 =	vand.u32 $0x2, v19;
	v20 =	vsel vm0, v39, v40;
	v39 =	vsel vm3, v58, v60  }
0x256: {  	v27 =	vshrl.u32 v38, v10;
	v16 =	vor.u32 v21, v16;
	v20 =	vshrl.u32 v20, v5  }
0x257: {  	v18 =	vld.idx.msk [tilespmem:v18+s16+$0x0], $0xffff;
	v21 =	vshll.u32 v51, $0x9;
	v40 =	vshrl.u32 v39, v11;
	v16 =	vor.u32 v17, v16  }
0x258: {  	v52 =	vshll.u32 v20, $0x8;
	v53 =	vand.u32 $0x200, v21;
	v20 =	vand.u32 $0x80, v54  }
0x259: {  	v36 =	vld [tilespmem:$0x9810];
	v21 =	vand.u32 $0x40, v56;
	v16 =	vor.u32 v23, v16;
	v23 =	vshrl.u32 v46, v4  }
0x25a: {  	v54 =	vsel vm8, v47, v49;
	v56 =	vsel vm6, v47, v49;
	v23 =	vshll.u32 v23, $0x3  }
0x25b: {  	v17 =	vand.u32 $0x100, v52;
	v61 =	vand.u32 $0x8, v23;
	v23 =	vshrl.u32 v34, v4  }
0x25c: {  	v16 =	vor.u32 v41, v16;
	vm10 =	vgt.f32 v18, $5.000000000e-01;
	v23 =	vshll.u32 v23, $0x3  }
0x25d: {  	v16 =	vor.u32 v15, v16;
	v18 =	vnsel vm10, $0x0, v14;
	v50 =	vand.u32 $0x8, v23  }
0x25e: {  	v23 =	vshrl.u32 v56, v4;
	v42 =	vor.u32 v36, v18;
	v18 =	vshrl.u32 v43, v7  }
0x25f: {  	v36 =	vsel vm5, v58, v60;
	v43 =	vshll.u32 v27, $0x7;
	v18 =	vand.u32 $0x1, v18  }
0x260: {  	v34 =	vshll.u32 v23, $0x3;
	v25 =	vshrl.u32 v36, v9;
	v18 =	vor.u32 v19, v18  }
0x261: {  	v37 =	vld [tilespmem:$0x15E0];
	v19 =	vshrl.u32 v32, v12;
	v46 =	vshll.u32 v25, $0x5;
	v18 =	vor.u32 v22, v18  }
0x262: {  	[tilespmem:$0x9810] =	vst v42;
	v36 =	vld [tilespmem:$0x1560];
	v22 =	vand.u32 $0x10, v59;
	v19 =	vshll.u32 v19, $0x1;
	v59 =	vsel vm2, v47, v49  }
0x263: {  	v16 =	vld.idx.msk [tilespmem:v16+s16+$0x0], $0xffff;
	v18 =	vor.u32 v53, v18;
	v19 =	vand.u32 $0x2, v19;
	v53 =	vsel vm7, v47, v49  }
0x264: {  	v26 =	vshrl.u32 v59, v6;
	v17 =	vor.u32 v17, v18;
	v18 =	vand.u32 $0x20, v57  }
0x265: {  	v57 =	vsel vm4, v47, v49;
	v30 =	vshll.u32 v26, $0x6;
	v17 =	vor.u32 v20, v17  }
0x266: {  	v20 =	vsel vm0, v58, v60;
	v58 =	vsel vm5, v47, v49;
	v24 =	vshrl.u32 v57, v8  }
0x267: {  	v60 =	vsel vm1, v47, v49;
	v32 =	vand.u32 $0x40, v30;
	v38 =	vsel vm7, v36, v37  }
0x268: {  	v39 =	vsel vm8, v36, v37;
	v17 =	vor.u32 v21, v17;
	vm13 =	vgt.f32 v16, $5.000000000e-01  }
0x269: {  	v55 =	vld [tilespmem:$0x9820];
	v20 =	vshrl.u32 v20, v5;
	v21 =	vshll.u32 v40, $0x9;
	v25 =	vshrl.u32 v58, v9  }
0x26a: {  	v27 =	vshrl.u32 v60, v10;
	v40 =	vsel vm9, v36, v37;
	v17 =	vor.u32 v18, v17  }
0x26b: {  	v62 =	vnsel vm13, $0x0, v14;
	v18 =	vshrl.u32 v31, v7;
	v41 =	vshll.u32 v20, $0x8  }
0x26c: {  	v42 =	vand.u32 $0x200, v21;
	v20 =	vand.u32 $0x80, v43;
	v21 =	vand.u32 $0x40, v45  }
0x26d: {  	v29 =	vshll.u32 v27, $0x7;
	v31 =	vshll.u32 v25, $0x5;
	v43 =	vsel vm5, v36, v37  }
0x26e: {  	v45 =	vsel vm1, v36, v37;
	v17 =	vor.u32 v22, v17;
	v63 =	vor.u32 v55, v62  }
0x26f: {  	v22 =	vshrl.u32 v33, v13;
	v18 =	vand.u32 $0x1, v18;
	v55 =	vsel vm9, v47, v49  }
0x270: {  	v33 =	vshll.u32 v24, $0x4;
	v23 =	vshrl.u32 v43, v9;
	v25 =	vshrl.u32 v45, v10  }
0x271: {  	v16 =	vor.u32 v61, v17;
	v22 =	vshll.u32 v22, $0x2;
	v18 =	vor.u32 v19, v18  }
0x272: {  	v17 =	vand.u32 $0x100, v41;
	v19 =	vshrl.u32 v54, v12;
	v61 =	vsel vm3, v47, v49  }
0x273: {  	v41 =	vsel vm6, v36, v37;
	v23 =	vshll.u32 v23, $0x5;
	v22 =	vand.u32 $0x4, v22  }
0x274: {  	v16 =	vor.u32 v15, v16;
	v19 =	vshll.u32 v19, $0x1;
	v18 =	vor.u32 v22, v18  }
0x275: {  	v62 =	vshrl.u32 v61, v11;
	v22 =	vand.u32 $0x10, v48;
	v18 =	vor.u32 v42, v18  }
0x276: {  	v19 =	vand.u32 $0x2, v19;
	v42 =	vsel vm4, v36, v37;
	v17 =	vor.u32 v17, v18  }
0x277: {  	v18 =	vand.u32 $0x20, v46;
	v46 =	vsel vm3, v36, v37;
	v17 =	vor.u32 v20, v17  }
0x278: {  	[tilespmem:$0x9820] =	vst v63;
	v20 =	vsel vm0, v47, v49;
	v47 =	vshrl.u32 v46, v11;
	v49 =	vshll.u32 v25, $0x7  }
0x279: {  	v16 =	vld.idx.msk [tilespmem:v16+s16+$0x0], $0xffff;
	v17 =	vor.u32 v21, v17;
	v20 =	vshrl.u32 v20, v5;
	v21 =	vshll.u32 v62, $0x9  }
0x27a: {  	v17 =	vor.u32 v18, v17;
	v18 =	vshrl.u32 v53, v7;
	v63 =	vshll.u32 v20, $0x8  }
0x27b: {  	v28 =	vand.u32 $0x200, v21;
	v21 =	vand.u32 $0x80, v29;
	v20 =	vand.u32 $0x10, v33  }
0x27c: {  	v44 =	vld [tilespmem:$0x9830];
	v17 =	vor.u32 v22, v17;
	v22 =	vshrl.u32 v55, v13;
	v18 =	vand.u32 $0x1, v18  }
0x27d: {  	v53 =	vand.u32 $0x20, v23;
	v22 =	vshll.u32 v22, $0x2;
	v18 =	vor.u32 v19, v18  }
0x27e: {  	v19 =	vand.u32 $0x100, v63;
	v22 =	vand.u32 $0x4, v22;
	vm14 =	vgt.f32 v16, $5.000000000e-01  }
0x27f: {  	v16 =	vor.u32 v50, v17;
	v18 =	vor.u32 v22, v18;
	v17 =	vand.u32 $0x20, v31  }
0x280: {  	v22 =	vshrl.u32 v42, v8;
	v51 =	vnsel vm14, $0x0, v14;
	v18 =	vor.u32 v28, v18  }
0x281: {  	v16 =	vor.u32 v15, v16;
	v52 =	vor.u32 v44, v51;
	v18 =	vor.u32 v19, v18  }
0x282: {  	v50 =	vld [tilespmem:$0x1570];
	v19 =	vand.u32 $0x8, v34;
	v44 =	vsel vm2, v36, v37;
	v18 =	vor.u32 v21, v18  }
0x283: {  	v51 =	vld [tilespmem:$0x15F0];
	[tilespmem:$0x9830] =	vst v52;
	v21 =	vshrl.u32 v41, v4;
	v24 =	vshrl.u32 v44, v6;
	v52 =	vshll.u32 v22, $0x4  }
0x284: {  	v18 =	vor.u32 v32, v18;
	v24 =	vshll.u32 v24, $0x6;
	v21 =	vshll.u32 v21, $0x3  }
0x285: {  	v17 =	vor.u32 v17, v18;
	v18 =	vshll.u32 v47, $0x9;
	v24 =	vand.u32 $0x40, v24  }
0x286: {  	v35 =	vld [tilespmem:$0x9840];
	v21 =	vand.u32 $0x8, v21;
	v17 =	vor.u32 v20, v17;
	v20 =	vshrl.u32 v40, v13  }
0x287: {  	v16 =	vld.idx.msk [tilespmem:v16+s16+$0x0], $0xffff;
	v18 =	vand.u32 $0x200, v18;
	v17 =	vor.u32 v19, v17;
	v19 =	vshrl.u32 v39, v12  }
0x288: {  	v45 =	vld [tilespmem:$0x1580];
	v20 =	vshll.u32 v20, $0x2;
	v55 =	vsel vm8, v50, v51;
	v56 =	vsel vm7, v50, v51  }
0x289: {  	v46 =	vld [tilespmem:$0x1600];
	v57 =	vsel vm9, v50, v51;
	v58 =	vsel vm6, v50, v51;
	v59 =	vsel vm4, v50, v51  }
0x28a: {  	v60 =	vsel vm5, v50, v51;
	v61 =	vsel vm2, v50, v51;
	v62 =	vsel vm1, v50, v51  }
0x28b: {  	v63 =	vsel vm0, v50, v51;
	v17 =	vor.u32 v15, v17;
	v19 =	vshll.u32 v19, $0x1  }
0x28c: {  	v20 =	vand.u32 $0x4, v20;
	v31 =	vshrl.u32 v56, v7;
	vm15 =	vgt.f32 v16, $5.000000000e-01  }
0x28d: {  	v32 =	vshrl.u32 v57, v13;
	v34 =	vshrl.u32 v58, v4;
	v16 =	vnsel vm15, $0x0, v14  }
0x28e: {  	v39 =	vshrl.u32 v63, v5;
	v56 =	vsel vm2, v45, v46;
	v16 =	vor.u32 v35, v16  }
0x28f: {  	v57 =	vsel vm1, v45, v46;
	v58 =	vsel vm3, v45, v46;
	v19 =	vand.u32 $0x2, v19;
	[tilespmem:$0x9840] =	vst v16  }
0x290: {  	v33 =	vshll.u32 v32, $0x2;
	v40 =	vshll.u32 v39, $0x8;
	v35 =	vshrl.u32 v59, v8;
	v16 =	vld.idx.msk [tilespmem:v17+s16+$0x0], $0xffff  }
0x291: {  	v59 =	vsel vm0, v45, v46;
	v22 =	vshll.u32 v35, $0x4;
	v17 =	vsel vm0, v36, v37  }
0x292: {  	v36 =	vshrl.u32 v60, v9;
	v37 =	vshrl.u32 v61, v6;
	v22 =	vand.u32 $0x10, v22  }
0x293: {  	v6 =	vshrl.u32 v56, v6;
	v17 =	vshrl.u32 v17, v5;
	v43 =	vshll.u32 v36, $0x5  }
0x294: {  	v5 =	vshrl.u32 v59, v5;
	v6 =	vshll.u32 v6, $0x6;
	v17 =	vshll.u32 v17, $0x8  }
0x295: {  	v48 =	vld [tilespmem:$0x9850];
	v5 =	vshll.u32 v5, $0x8;
	vm12 =	vgt.f32 v16, $5.000000000e-01;
	v16 =	vshrl.u32 v38, v7  }
0x296: {  	v6 =	vand.u32 $0x40, v6;
	v17 =	vand.u32 $0x100, v17;
	v16 =	vand.u32 $0x1, v16  }
0x297: {  	v5 =	vand.u32 $0x100, v5;
	v38 =	vshrl.u32 v62, v10;
	v16 =	vor.u32 v19, v16  }
0x298: {  	v10 =	vshrl.u32 v57, v10;
	v54 =	vnsel vm12, $0x0, v14;
	v16 =	vor.u32 v20, v16  }
0x299: {  	v41 =	vshll.u32 v38, $0x7;
	v10 =	vshll.u32 v10, $0x7;
	v16 =	vor.u32 v18, v16  }
0x29a: {  	v19 =	vor.u32 v48, v54;
	v20 =	vand.u32 $0x80, v49;
	v16 =	vor.u32 v17, v16  }
0x29b: {  	v54 =	vsel vm4, v45, v46;
	v10 =	vand.u32 $0x80, v10;
	v16 =	vor.u32 v20, v16  }
0x29c: {  	[tilespmem:$0x9850] =	vst v19;
	v19 =	vand.u32 $0x100, v40;
	v8 =	vshrl.u32 v54, v8;
	v16 =	vor.u32 v24, v16  }
0x29d: {  	v18 =	vand.u32 $0x1, v31;
	v20 =	vand.u32 $0x10, v52;
	v16 =	vor.u32 v53, v16  }
0x29e: {  	v17 =	vsel vm3, v50, v51;
	v50 =	vsel vm7, v45, v46;
	v16 =	vor.u32 v20, v16  }
0x29f: {  	v51 =	vsel vm8, v45, v46;
	v20 =	vshrl.u32 v55, v12;
	v16 =	vor.u32 v21, v16  }
0x2a0: {  	v17 =	vshrl.u32 v17, v11;
	v20 =	vshll.u32 v20, $0x1;
	v16 =	vor.u32 v15, v16  }
0x2a1: {  	v52 =	vsel vm9, v45, v46;
	v7 =	vshrl.u32 v50, v7;
	v20 =	vand.u32 $0x2, v20  }
0x2a2: {  	v17 =	vshll.u32 v17, $0x9;
	v18 =	vor.u32 v20, v18;
	v20 =	vand.u32 $0x4, v33  }
0x2a3: {  	v11 =	vshrl.u32 v58, v11;
	v17 =	vand.u32 $0x200, v17;
	v18 =	vor.u32 v20, v18  }
0x2a4: {  	v24 =	vshll.u32 v37, $0x6;
	v13 =	vshrl.u32 v52, v13;
	v17 =	vor.u32 v17, v18  }
0x2a5: {  	v7 =	vand.u32 $0x1, v7;
	v20 =	vand.u32 $0x80, v41;
	v17 =	vor.u32 v19, v17;
	v16 =	vld.idx.msk [tilespmem:v16+s16+$0x0], $0xffff  }
0x2a6: {  	v11 =	vshll.u32 v11, $0x9;
	v44 =	vand.u32 $0x40, v24;
	v17 =	vor.u32 v20, v17  }
0x2a7: {  	v13 =	vshll.u32 v13, $0x2;
	v19 =	vand.u32 $0x20, v43;
	v17 =	vor.u32 v44, v17  }
0x2a8: {  	v12 =	vshrl.u32 v51, v12;
	v21 =	vshll.u32 v34, $0x3;
	v17 =	vor.u32 v19, v17  }
0x2a9: {  	v42 =	vld [tilespmem:$0x9860];
	v12 =	vshll.u32 v12, $0x1;
	v47 =	vand.u32 $0x8, v21;
	v17 =	vor.u32 v22, v17  }
0x2aa: {  	v12 =	vand.u32 $0x2, v12;
	vm13 =	vgt.f32 v16, $5.000000000e-01;
	v16 =	vor.u32 v47, v17  }
0x2ab: {  	v13 =	vand.u32 $0x4, v13;
	v7 =	vor.u32 v12, v7;
	v16 =	vor.u32 v15, v16  }
0x2ac: {  	v8 =	vshll.u32 v8, $0x4;
	v11 =	vand.u32 $0x200, v11;
	v7 =	vor.u32 v13, v7  }
0x2ad: {  	v55 =	vsel vm5, v45, v46;
	v7 =	vor.u32 v11, v7;
	v48 =	vnsel vm13, $0x0, v14  }
0x2ae: {  	v9 =	vshrl.u32 v55, v9;
	v5 =	vor.u32 v5, v7;
	v49 =	vor.u32 v42, v48  }
0x2af: {  	v53 =	vsel vm6, v45, v46;
	v60 =	vshll.u32 v9, $0x5;
	v5 =	vor.u32 v10, v5;
	[tilespmem:$0x9860] =	vst v49  }
0x2b0: {  	v4 =	vshrl.u32 v53, v4;
	v7 =	vand.u32 $0x20, v60;
	v5 =	vor.u32 v6, v5;
	v61 =	vld.idx.msk [tilespmem:v16+s16+$0x0], $0xffff  }
0x2b1: {  	v62 =	vand.u32 $0x10, v8;
	v4 =	vshll.u32 v4, $0x3;
	v5 =	vor.u32 v7, v5  }
0x2b2: {  	v63 =	vld [tilespmem:$0x9870];
	v4 =	vand.u32 $0x8, v4;
	v5 =	vor.u32 v62, v5  }
0x2b3: {  	v4 =	vor.u32 v4, v5  }
0x2b4: {  	v4 =	vor.u32 v15, v4  }
0x2b5: {  	vm14 =	vgt.f32 v61, $5.000000000e-01  }
0x2b6: {  	v5 =	vnsel vm14, $0x0, v14  }
0x2b7: {  	v5 =	vor.u32 v63, v5  }
0x2b8: {  	[tilespmem:$0x9870] =	vst v5  }
0x2b9: {  	v4 =	vld.idx.msk [tilespmem:v4+s16+$0x0], $0xffff;
	_ =	sdelay $0x1  }
0x2ba: {  	v5 =	vld [tilespmem:$0x9880]  }
0x2bb: {  	p0 =	sne.s32 s28, $0x1F  }
.Ltmp4:
0x2bc: {  	_ = 	snop;
	(pc) =	sbr.rel @p0 .LBB2_6-.Ltmp4, $4  }
0x2bd: {  	vm15 =	vgt.f32 v4, $5.000000000e-01  }
0x2be: {  	v4 =	vnsel vm15, $0x0, v14  }
0x2bf: {  	v4 =	vor.u32 v5, v4  }
0x2c0: {  	s26 =	sadd.s32 $0x10, s26;
	s28 =	sadd.s32 $0x1, s28;
	[tilespmem:$0x9880] =	vst v4  }
0x2c1: {  	s26 =	rddreg [dreg:$0xa];
	s28 =	simm.s32 $0x9810;
	s29 =	simm.s32 $0x3  }
0x2c2: {  	[hbm4b:s26+s2] =	stream.linear.scatter [tilespmem:s28], [sflag:$0x3], $0x80, $0x38;
	[tilespmem:$0x9890] =	vst v63  }
0x2c3: {  	_ =	swait.ge [sflag:s29], $0x80  }
0x2c4: {  	s28 =	rddreg [dreg:$0xc]  }
0x2c5: {  	s30 =	rddreg [dreg:$0xb];
	s28 =	sadd.s32 $0x1, s28  }
0x2c6: {  	p0 =	sne.s32 s28, s30  }
.Ltmp5:
0x2c7: {  	_ = 	snop;
	(pc) =	sbr.rel @p0 .LBB2_1-.Ltmp5, $3  }
0x2c8: {  	_ =	sdelay $0x1  }
0x2c9: {  	[sflag:s29] =	ssyncset.done $0x0  }
0x2ca: {  	[sflag:s29] =	ssyncadd.s32 $0xFFFFFF80  }
0x2cb: {  	_ =	sfence.sel $0x180000  }
0x2cc: {  	[bflag:$0x0] =	sbarrier.arrive $0xFFFF  }
0x2cd: {  	_ =	strace $0x9000004A  }
0x2ce: {  	s0 =	stileid.u32;
	[bflag:$0x2] =	sbarrier.arrive $0xFFFF  }
0x2cf: {  	p0 =	sne.s32 s0, $0x0;
	s0 =	rddreg [dreg:$0x2]  }
0x2d0: {  	s0 =	sadd.s32 @!p0 $0x100000, s0  }
0x2d1: {  	[sflag:s0] =	ssyncadd.tile.s32 @!p0 $0x1;
	_ =	shalt  }
.Lfunc_end2:
_tile_overlayer_lowered:
.L_overlay_start_2:
0x2d2: {  	(tag) =	ssettag $0x2  }
0x2d3: {  	s0 =	rddreg [dreg:$0x0];
	s2 =	stileid.u32  }
0x2d4: {  	s1 =	rddreg [dreg:$0x1];
	p0 =	sne.s32 s2, $0x0  }
0x2d5: {  	s3 =	rddreg [dreg:$0x2];
	[bflag:$0x3] =	sbarrier.arrive $0xFFFF;
	s2 =	simm.s32 @!p0 $0x1C03  }
0x2d6: {  	[timem:s3], [sflag:s2] =	dma.local @!p0 [hbm:s0], s1  }
0x2d7: {  	s0 =	simm.s32 @!p0 $0x3  }
0x2d8: {  	_ =	swait.ge @!p0 [sflag:s0], s1  }
0x2d9: {  	s1 =	ssub.s32 @!p0 $0x0, s1;
	[sflag:s0] =	ssyncset.done @!p0 $0x0  }
0x2da: {  	[sflag:s0] =	ssyncadd.s32 @!p0 s1  }
0x2db: {  	[bflag:$0x3] =	sbarrier.arrive $0xFFFF  }
0x2dc: {  	_ =	shalt  }

// kernel: kernel.7.cloned.1.call-start
scs
__scs_entry_jumppad:
0x0: {  	(pc) =	sbr.rel $0x88, $3  }
0x1: {  	(tag) =	ssettag $0x0;
	lr =	simm.s32 $0x1  }
0x2: {  	[smem:$0x3F9A] =	sst lr;
	_ =	strace $0xD0000000  }
0x3: {  	_ = 	snop  }
0x4: {  	_ = 	snop  }
0x5: {  	_ = 	snop  }
0x6: {  	_ = 	snop  }
0x7: {  	_ = 	snop  }
__scs_overlays_trampoline_lowered:
0x8: {  	[smem:$0x3FA9] =	sst s0  }
0x9: {  	[smem:$0x3FAA] =	sst s1  }
0xa: {  	[smem:$0x3FAB] =	sst s2  }
0xb: {  	[smem:$0x3FAC] =	sst s3  }
0xc: {  	[smem:$0x3FAD] =	sst s4  }
0xd: {  	[smem:$0x3FAE] =	sst s5  }
0xe: {  	[smem:$0x3FAF] =	sst s6  }
0xf: {  	[smem:$0x3FB0] =	sst s7  }
0x10: {  	[smem:$0x3FB1] =	sst s8  }
0x11: {  	[smem:$0x3FB2] =	sst s9;
	s0 =	simm.s32 @!p0 $0x0  }
0x12: {  	s1 =	sld [smem:$0x3F98];
	s0 =	simm.s32 @p0 $0x1  }
0x13: {  	[smem:$0x3FB3] =	sst s0;
	s0 =	simm.s32 @!p1 $0x0  }
0x14: {  	s2 =	sld [smem:$0x3F97];
	s0 =	simm.s32 @p1 $0x1  }
0x15: {  	[smem:$0x3FB4] =	sst s0;
	s0 =	simm.s32 @!p2 $0x0  }
0x16: {  	s3 =	sld [smem:$0x3FDB];
	s0 =	simm.s32 @p2 $0x1  }
0x17: {  	s4 =	simm.s32 $0x1BF5;
	[smem:$0x3FB6] =	sst s0  }
0x18: {  	s0 =	sld [smem:$0x3F99];
	_ =	swait.ge [sflag:s4], $0x0  }
0x19: {  	s7 =	sld [smem:$0x3F9A]  }
0x1a: {  	s8 =	sadd.s32 $0xFFFFE003, lr  }
0x1b: {  	s9 =	sadd.s32 $0xFFFFFEF7, lr;
	s5 =	simm.s32 $0xFFFFFFFF;
	p2 =	slt.u32 s8, $0xFFFFF086  }
0x1c: {  	p1 =	slt.u32 s9, $0xF7A;
	s5 =	simm.s32 @!p2 $0x0  }
0x1d: {  	s5 =	simm.s32 @p1 $0x1;
	p0 =	seq.s32 s7, s2  }
0x1e: {  	s7 =	smul.u32 @!p0 $0xF7A, s2;
	p2 =	seq.s32 @!p0 s5, $0x0  }
0x1f: {  	s9 =	smul.u32 $0xF7A, s1;
	s8 =	simm.s32 @!p0 $0x1BF5;
	p2 =	por !p2, p0  }
0x20: {  	[sflag:s8] =	ssyncset.s32 @!p0 $0xFFFFF086;
	s6 =	sadd.s32 @!p0 s3, s7;
	s7 =	simm.s32 @!p0 $0x108  }
0x21: {  	s3 =	sadd.s32 s3, s9;
	s6 =	sadd.s32 @!p0 $0x88, s6;
	s7 =	simm.s32 @p2 $0x1082  }
0x22: {  	[simem:s7], [sflag:s8] =	dma.local @!p0 [hbm:s6], $0xF7A  }
0x23: {  	s9 =	sor.u32 $0xD0000000, s2;
	s6 =	simm.s32 $0x108;
	_ =	swait.ge @!p0 [sflag:s8], $0x0  }
0x24: {  	s3 =	sadd.s32 $0x88, s3;
	s6 =	simm.s32 @!p1 $0x1082;
	[sflag:s4] =	ssyncset.s32 $0xFFFFF086  }
0x25: {  	[simem:s6], [sflag:s4] =	dma.local [hbm:s3], $0xF7A  }
0x26: {  	[smem:$0x3F9A] =	sst s1;
	(tag) =	ssettag s2;
	_ =	strace s9  }
0x27: {  	s1 =	sld [smem:$0x3FAA]  }
0x28: {  	s2 =	sld [smem:$0x3FAB]  }
0x29: {  	s4 =	sld [smem:$0x3FAD]  }
0x2a: {  	p0 =	seq.s32 s5, $0x0;
	s5 =	sld [smem:$0x3FAE]  }
0x2b: {  	s6 =	sld [smem:$0x3FAF]  }
0x2c: {  	s7 =	sld [smem:$0x3FB0]  }
0x2d: {  	s3 =	simm.s32 $0x108;
	s8 =	sld [smem:$0x3FB1]  }
0x2e: {  	s3 =	simm.s32 @!p0 $0x1082;
	s9 =	sld [smem:$0x3FB2]  }
0x2f: {  	lr =	sadd.s32 s0, s3;
	s0 =	sld [smem:$0x3FA9]  }
0x30: {  	s3 =	sld [smem:$0x3FAC]  }
0x31: {  	[smem:$0x3FB5] =	sst s10  }
0x32: {  	s10 =	sld [smem:$0x3FB3];
	_ =	sdelay $0x3  }
0x33: {  	p0 =	seq.s32 s10, $0x1;
	s10 =	sld [smem:$0x3FB5];
	_ =	sdelay $0x3  }
0x34: {  	[smem:$0x3FB5] =	sst s10  }
0x35: {  	s10 =	sld [smem:$0x3FB4];
	_ =	sdelay $0x3  }
0x36: {  	p1 =	seq.s32 s10, $0x1;
	s10 =	sld [smem:$0x3FB5];
	_ =	sdelay $0x3  }
0x37: {  	[smem:$0x3FB5] =	sst s10  }
0x38: {  	s10 =	sld [smem:$0x3FB6]  }
0x39: {  	_ = 	snop;
	(pc) =	sbr.ind lr, $3  }
0x3a: {  	_ = 	snop  }
0x3b: {  	_ = 	snop  }
0x3c: {  	p2 =	seq.s32 s10, $0x1;
	s10 =	sld [smem:$0x3FB5]  }
0x3d: {  	_ =	shalt  }
0x3e: {  	_ =	shalt  }
0x3f: {  	_ =	shalt  }
0x40: {  	_ =	shalt  }
0x41: {  	_ =	shalt  }
0x42: {  	_ =	shalt  }
0x43: {  	_ =	shalt  }
0x44: {  	_ =	shalt  }
0x45: {  	_ =	shalt  }
0x46: {  	_ =	shalt  }
0x47: {  	_ =	shalt  }
0x48: {  	_ =	shalt  }
0x49: {  	_ =	shalt  }
0x4a: {  	_ =	shalt  }
0x4b: {  	_ =	shalt  }
0x4c: {  	_ =	shalt  }
0x4d: {  	_ =	shalt  }
0x4e: {  	_ =	shalt  }
0x4f: {  	_ =	shalt  }
0x50: {  	_ =	shalt  }
0x51: {  	_ =	shalt  }
0x52: {  	_ =	shalt  }
0x53: {  	_ =	shalt  }
0x54: {  	_ =	shalt  }
0x55: {  	_ =	shalt  }
0x56: {  	_ =	shalt  }
0x57: {  	_ =	shalt  }
0x58: {  	_ =	shalt  }
0x59: {  	_ =	shalt  }
0x5a: {  	_ =	shalt  }
0x5b: {  	_ =	shalt  }
0x5c: {  	_ =	shalt  }
0x5d: {  	_ =	shalt  }
0x5e: {  	_ =	shalt  }
0x5f: {  	_ =	shalt  }
0x60: {  	_ =	shalt  }
0x61: {  	_ =	shalt  }
0x62: {  	_ =	shalt  }
0x63: {  	_ =	shalt  }
0x64: {  	_ =	shalt  }
0x65: {  	_ =	shalt  }
0x66: {  	_ =	shalt  }
0x67: {  	_ =	shalt  }
0x68: {  	_ =	shalt  }
0x69: {  	_ =	shalt  }
0x6a: {  	_ =	shalt  }
0x6b: {  	_ =	shalt  }
0x6c: {  	_ =	shalt  }
0x6d: {  	_ =	shalt  }
0x6e: {  	_ =	shalt  }
0x6f: {  	_ =	shalt  }
0x70: {  	_ =	shalt  }
0x71: {  	_ =	shalt  }
0x72: {  	_ =	shalt  }
0x73: {  	_ =	shalt  }
0x74: {  	_ =	shalt  }
0x75: {  	_ =	shalt  }
0x76: {  	_ =	shalt  }
0x77: {  	_ =	shalt  }
0x78: {  	_ =	shalt  }
0x79: {  	_ =	shalt  }
0x7a: {  	_ =	shalt  }
0x7b: {  	_ =	shalt  }
0x7c: {  	_ =	shalt  }
0x7d: {  	_ =	shalt  }
0x7e: {  	_ =	shalt  }
0x7f: {  	_ =	shalt  }
0x80: {  	_ =	shalt  }
0x81: {  	_ =	shalt  }
0x82: {  	_ =	shalt  }
0x83: {  	_ =	shalt  }
0x84: {  	_ =	shalt  }
0x85: {  	_ =	shalt  }
0x86: {  	_ =	shalt  }
0x87: {  	_ =	shalt  }
.Lfunc_end0:
.L_simem_size_0:
called_computation.2_lowered:
.L_overlay_start_0:
0x88: {  	s2 =	sld [smem:$0x3FD9]  }
0x89: {  	s3 =	sld [smem:$0x3FFE];
	_ =	sdelay $0x1  }
0x8a: {  	s1 =	srdreg.scid  }
0x8b: {  	s0 =	sand.u32 $0x1, s1  }
0x8c: {  	s16 =	sshll.u32 s0, $0xA;
	s2 =	sadd.s32 s3, s2  }
0x8d: {  	s2 =	sadd.s32 s2, s16  }
0x8e: {  	[smem:$0x3FC1] =	sst s2  }
0x8f: {  	_ = 	snop  }
0x90: {  	(tm) =	ssettm $0x1  }
0x91: {  	s17 =	sld [smem:$0x3FFB];
	_ =	sdelay $0x3  }
0x92: {  	_ =	strace s17  }
0x93: {  	s2 =	sld [smem:$0x3FFC];
	_ =	sdelay $0x3  }
0x94: {  	_ =	strace s2  }
0x95: {  	s2 =	sld [smem:$0x3FFD];
	_ =	sdelay $0x3  }
0x96: {  	_ =	strace s2  }
0x97: {  	_ =	strace $0x8FFFFFFF  }
0x98: {  	s18 =	sld [smem:$0x3FDB];
	_ =	sdelay $0x1  }
0x99: {  	s19 =	simm.s32 $_scs_section_size  }
0x9a: {  	s4 =	simm.s32 $_size__tile_overlayer_lowered;
	s5 =	simm.s32 $_tile_overlayer_lowered  }
0x9b: {  	s22 =	simm.s32 $0x1BFF;
	s21 =	sshll.u32 s5, $0x1;
	s2 =	sadd.s32 s19, s18  }
0x9c: {  	s6 =	simm.s32 $0x0;
	s20 =	sshll.u32 s4, $0x1;
	s4 =	sadd.s32 s21, s2  }
0x9d: {  	[timem:s6], [sflag:s22] =	dma.local [hbm:s4], s20  }
0x9e: {  	_ =	swait.ge [sflag:s22], s20  }
0x9f: {  	s3 =	ssub.s32 $0x0, s20;
	[sflag:s22] =	ssyncset.done $0x0  }
0xa0: {  	[sflag:s22] =	ssyncadd.s32 s3;
	_ =	sdelay $0x1  }
0xa1: {  	s23 =	simm.s32 $0x1B8B  }
0xa2: {  	_ =	swait.ge [sflag:s23], $0x1  }
0xa3: {  	[sflag:s23] =	ssyncset.done $0x0  }
0xa4: {  	s25 =	simm.s32 $0x1B8E;
	s24 =	sld [smem:$0x3FFE];
	[sflag:s23] =	ssyncadd.s32 $0xFFFFFFFF  }
0xa5: {  	s26 =	simm.s32 $execute0_lowered;
	[smem:$0x3FD2] =	sst s25  }
0xa6: {  	s4 =	sshll.u32 s26, $0x1;
	_ =	strace $0x8000004C;
	[dreg:$0x1] =	wrdreg $0xFFFFFFFF  }
0xa7: {  	s28 =	simm.s32 $_size_execute0_lowered;
	s2 =	sadd.s32 s2, s4;
	[dreg:$0x0] =	wrdreg $0x0  }
0xa8: {  	s4 =	sshll.u32 s28, $0x1;
	[dreg:$0x2] =	wrdreg s2  }
0xa9: {  	[dreg:$0x3] =	wrdreg s4  }
0xaa: {  	[dreg:$0x4] =	wrdreg $0xC0  }
0xab: {  	_ =	task [dreg:s6], $0x5FFFF  }
0xac: {  	[dreg:$0x1] =	wrdreg $0xFFFFFFFF  }
0xad: {  	[dreg:$0x0] =	wrdreg $0x60  }
0xae: {  	[dreg:$0x2] =	wrdreg s24  }
0xaf: {  	[dreg:$0x3] =	wrdreg $0x9  }
0xb0: {  	_ =	task.clear_ibuf [dreg:s6], $0x4FFFF;
	_ =	strace $0x9000004C  }
0xb1: {  	s29 =	simm.s32 $0x9;
	_ =	strace $0x8000004E  }
0xb2: {  	_ =	swait.ge [sflag:s29], $0x1  }
0xb3: {  	[sflag:s29] =	ssyncadd.s32 $0xFFFFFFFF  }
0xb4: {  	_ =	strace $0x9000004E  }
0xb5: {  	_ =	sfence  }
0xb6: {  	s30 =	sld [smem:$0x0];
	_ =	sdelay $0x2  }
0xb7: {  	s31 =	sshll.u32 s1, $0xD;
	s1 =	sshrl.u32 s1, $0x2  }
0xb8: {  	s3 =	sand.u32 $0x4000, s31;
	s1 =	sadd.s32 s1, s30  }
0xb9: {  	s0 =	sor.u32 s3, s0;
	s1 =	sshll.u32 s1, $0x11  }
0xba: {  	s0 =	sor.u32 s1, s0  }
0xbb: {  	s0 =	sadd.s32 $0x8F2B, s0  }
0xbc: {  	[sflag:s0] =	ssyncadd.remote.s32 $0x1  }
0xbd: {  	_ =	sfence.sel $0xFFFF  }
0xbe: {  	[dreg:$0x0] =	wrdreg $0xFFFFFFFF;
	(pc) =	sbr.abs _section_cstart, $3  }
0xbf: {  	[dreg:$0x1] =	wrdreg $0xFFFFFFFF  }
0xc0: {  	_ =	task.clear_ibuf [dreg:s6], $0x2FFFF;
	_ =	strace $0x9FFFFFFF  }
0xc1: {  	(tm) =	ssettm $0x7FFFFFFF  }
tec
execute0_lowered:
.L_overlay_start_1:
0x0: {  	(tag) =	ssettag $0x1  }
0x1: {  	s1 =	srdreg.scid;
	s0 =	stileid.u32  }
0x2: {  	s6 =	sand.u32 $0x1, s1;
	s28 =	sshll.u32 s0, $0x1  }
0x3: {  	s7 =	sor.u32 s6, s28  }
0x4: {  	s8 =	sshll.u32 s7, $0x4  }
0x5: {  	v1 =	vimm.s32 $0x0;
	vm0 =	vcmask $0x300;
	v0 =	vmov s8;
	s3 =	sor.u32 $0x8, s8  }
0x6: {  	v9 =	vsel vm0, $0x3, v1;
	s10 =	sor.u32 $0x9, s8;
	s29 =	sor.u32 $0xA, s8;
	s8 =	sor.u32 $0xB, s8;
	v0 =	vshrl.u32 v0, $0x3  }
0x7: {  	v6 =	vmov s3;
	v11 =	vmov s29;
	v12 =	vmov s8  }
0x8: {  	v7 =	vshll.u32 v0, v9;
	v10 =	vshrl.u32 v6, $0x3;
	v11 =	vshrl.u32 v11, $0x3  }
0x9: {  	v12 =	vshrl.u32 v12, $0x3;
	v0 =	vbroadcast v7, $0x0;
	v1 =	vor.u32 $0x1, v7  }
0xa: {  	v2 =	vadd.s32 $0x2, v7;
	v3 =	vadd.s32 $0x3, v7;
	v4 =	vadd.s32 $0x4, v7  }
0xb: {  	s9 =	rddreg [dreg:$0x0];
	s2 =	simm.s32 $0x0;
	s13 =	simm.s32 $0x3200;
	v5 =	vadd.s32 $0x5, v7;
	v8 =	vadd.s32 $0x6, v7;
	v7 =	vadd.s32 $0x7, v7  }
0xc: {  	s14 =	simm.s32 $0x0;
	[smem:$0x7FF] =	sst s2;
	s4 =	sadd.s32 $0x205800, s9;
	v11 =	vshll.u32 v11, v9;
	v12 =	vshll.u32 v12, v9;
	v1 =	vbroadcast v1, $0x0  }
0xd: {  	s1 =	rddreg [dreg:$0x1];
	s5 =	sadd.s32 $0x209A00, s9;
	_ =	strace $0x8000004D;
	v6 =	vbroadcast v8, $0x0;
	v8 =	vshll.u32 v10, v9;
	v10 =	vmov s10  }
0xe: {  	s6 =	ssub.s32 $0x2, s6;
	s11 =	sshll.u32 s7, $0x9;
	s7 =	sshll.u32 s7, $0x7;
	v2 =	vbroadcast v2, $0x0;
	v3 =	vbroadcast v3, $0x0;
	v10 =	vshrl.u32 v10, $0x3  }
0xf: {  	s12 =	sshrl.u32 s6, $0x1;
	s30 =	sadd.s32 s11, s9;
	s7 =	sadd.s32 s7, s9;
	v4 =	vbroadcast v4, $0x0;
	v5 =	vbroadcast v5, $0x0;
	v10 =	vshll.u32 v10, v9  }
0x10: {  	s31 =	ssub.s32 s6, s12;
	s11 =	simm.s32 $0x2000;
	s3 =	sadd.s32 $0x205600, s9;
	v7 =	vbroadcast v7, $0x0;
	v8 =	vbroadcast v8, $0x0;
	v10 =	vadd.s32 $0x1, v10  }
0x11: {  	s12 =	simm.s32 $0x2200;
	s6 =	sadd.s32 $0x205A00, s30;
	s7 =	sadd.s32 $0xE00, s7;
	v9 =	vbroadcast v10, $0x0;
	v10 =	vadd.s32 $0x2, v11;
	v11 =	vadd.s32 $0x3, v12  }
0x12: {  	s8 =	smax.u32 s31, $0x1;
	s9 =	simm.s32 $0x1;
	s10 =	simm.s32 $0x1000;
	v10 =	vbroadcast v10, $0x0;
	v11 =	vbroadcast v11, $0x0  }
.LBB2_1:
0x13: {  	[tilespmem:s2], [sflag:$0x1] =	stream.linear.gather [hbm4b:s3+s2], $0x1000, $0x38;
	[tilespmem:$0x3600] =	vst v63  }
0x14: {  	_ =	swait.ge [sflag:s9], $0x1000  }
0x15: {  	[sflag:s9] =	ssyncset.done $0x0  }
0x16: {  	[sflag:s9] =	ssyncadd.s32 $0xFFFFF000  }
0x17: {  	[tilespmem:s10], [sflag:$0x1] =	stream.linear.gather [hbm4b:s4+s2], $0x1000, $0x38;
	[tilespmem:$0x3600] =	vst v63  }
0x18: {  	_ =	swait.ge [sflag:s9], $0x1000  }
0x19: {  	[sflag:s9] =	ssyncset.done $0x0  }
0x1a: {  	[sflag:s9] =	ssyncadd.s32 $0xFFFFF000  }
0x1b: {  	[tilespmem:s11], [sflag:$0x1] =	stream.linear.gather [hbm4b:s5+s2], $0x200, $0x38;
	[tilespmem:$0x3600] =	vst v63  }
0x1c: {  	_ =	swait.ge [sflag:s9], $0x200  }
0x1d: {  	[sflag:s9] =	ssyncset.done $0x0  }
0x1e: {  	[sflag:s9] =	ssyncadd.s32 $0xFFFFFE00  }
0x1f: {  	[tilespmem:s12], [sflag:$0x1] =	stream.linear.gather [hbm4b:s6+s2], $0x1000, $0x38;
	[tilespmem:$0x3600] =	vst v63  }
0x20: {  	_ =	swait.ge [sflag:s9], $0x1000  }
0x21: {  	[sflag:s9] =	ssyncset.done $0x0  }
0x22: {  	[sflag:s9] =	ssyncadd.s32 $0xFFFFF000  }
0x23: {  	v13 =	vld.idx.msk [tilespmem:v1+s11+$0x0], $0xffff  }
0x24: {  	v15 =	vld.idx.msk [tilespmem:v2+s11+$0x0], $0xffff  }
0x25: {  	v16 =	vld.idx.msk [tilespmem:v3+s11+$0x0], $0xffff  }
0x26: {  	v27 =	vld.idx.msk [tilespmem:v11+s11+$0x0], $0xffff;
	_ =	sdelay $0x3  }
0x27: {  	v25 =	vshra.s32 v13, $0x5;
	v30 =	vshra.s32 v15, $0x5;
	v29 =	vshra.s32 v16, $0x5  }
0x28: {  	v36 =	vshra.s32 v27, $0x5;
	v14 =	vand.u32 $0x1F, v13;
	v13 =	vand.u32 $0x1F, v15  }
0x29: {  	v26 =	vld.idx.msk [tilespmem:v10+s11+$0x0], $0xffff;
	v15 =	vand.u32 $0x1F, v16;
	v16 =	vimm.s32 $0x0;
	vm0 =	vlt.s32 v36, $0x2  }
0x2a: {  	v16 =	vsel vm0, $0xFFFFFFFF, v16  }
0x2b: {  	vm0 =	vlt.s32 v36, $0x3;
	[tilespmem:$0x1FE80] =	vst v16;
	v16 =	vimm.s32 $0x0  }
0x2c: {  	v16 =	vsel vm0, $0xFFFFFFFF, v16  }
0x2d: {  	v12 =	vld.idx.msk [tilespmem:v0+s11+$0x0], $0xffff;
	vm0 =	vlt.s32 v36, $0x1;
	[tilespmem:$0x1FE90] =	vst v16;
	v16 =	vimm.s32 $0x0  }
0x2e: {  	v17 =	vld.idx.msk [tilespmem:v4+s11+$0x0], $0xffff;
	v35 =	vshra.s32 v26, $0x5;
	v16 =	vsel vm0, $0xFFFFFFFF, v16  }
0x2f: {  	v23 =	vld.idx.msk [tilespmem:v9+s11+$0x0], $0xffff;
	vm0 =	vlt.s32 v35, $0x2;
	[tilespmem:$0x1FEA0] =	vst v16;
	v16 =	vimm.s32 $0x0  }
0x30: {  	v58 =	vimm.s32 $0x0;
	v59 =	vimm.s32 $0x0;
	v19 =	vld.idx.msk [tilespmem:v5+s11+$0x0], $0xffff;
	v16 =	vsel vm0, $0xFFFFFFFF, v16  }
0x31: {  	v60 =	vimm.s32 $0x0;
	v20 =	vld.idx.msk [tilespmem:v6+s11+$0x0], $0xffff;
	vm0 =	vlt.s32 v35, $0x3;
	[tilespmem:$0x1FEB0] =	vst v16;
	v16 =	vimm.s32 $0x0  }
0x32: {  	v61 =	vimm.s32 $0x0;
	v62 =	vimm.s32 $0x0;
	v21 =	vld.idx.msk [tilespmem:v7+s11+$0x0], $0xffff;
	v16 =	vsel vm0, $0xFFFFFFFF, v16  }
0x33: {  	v63 =	vimm.s32 $0x0;
	v22 =	vld.idx.msk [tilespmem:v8+s11+$0x0], $0xffff;
	vm0 =	vlt.s32 v35, $0x1;
	[tilespmem:$0x1FEC0] =	vst v16;
	v16 =	vimm.s32 $0x0  }
0x34: {  	v24 =	vshra.s32 v12, $0x5;
	v34 =	vshra.s32 v23, $0x5;
	v16 =	vsel vm0, $0xFFFFFFFF, v16  }
0x35: {  	s15 =	simm.s32 $0x0;
	v28 =	vshra.s32 v17, $0x5;
	vm0 =	vlt.s32 v34, $0x2;
	[tilespmem:$0x1FED0] =	vst v16;
	v16 =	vimm.s32 $0x0  }
0x36: {  	v54 =	vld [tilespmem:s15+$0x400];
	v31 =	vshra.s32 v19, $0x5;
	v32 =	vshra.s32 v20, $0x5;
	v16 =	vsel vm0, $0xFFFFFFFF, v16  }
0x37: {  	v55 =	vld [tilespmem:s15+$0x0];
	v33 =	vshra.s32 v21, $0x5;
	vm0 =	vlt.s32 v34, $0x3;
	[tilespmem:$0x1FEE0] =	vst v16;
	v16 =	vimm.s32 $0x0  }
0x38: {  	v56 =	vld [tilespmem:s15+$0xC00];
	v18 =	vshra.s32 v22, $0x5;
	v12 =	vand.u32 $0x1F, v12;
	v16 =	vsel vm0, $0xFFFFFFFF, v16  }
0x39: {  	v37 =	vld [tilespmem:s15+$0x800];
	v19 =	vand.u32 $0x1F, v19;
	vm0 =	vlt.s32 v34, $0x1;
	[tilespmem:$0x1FEF0] =	vst v16;
	v16 =	vimm.s32 $0x0  }
0x3a: {  	v20 =	vand.u32 $0x1F, v20;
	v21 =	vand.u32 $0x1F, v21;
	v16 =	vsel vm0, $0xFFFFFFFF, v16  }
0x3b: {  	v22 =	vand.u32 $0x1F, v22;
	vm0 =	vlt.s32 v18, $0x2;
	[tilespmem:$0x1FF00] =	vst v16;
	v16 =	vimm.s32 $0x0  }
0x3c: {  	v23 =	vand.u32 $0x1F, v23;
	vm6 =	vlt.s32 v54, $0x400;
	v16 =	vsel vm0, $0xFFFFFFFF, v16  }
0x3d: {  	vm7 =	vlt.s32 v55, $0x400;
	vm0 =	vlt.s32 v18, $0x3;
	[tilespmem:$0x1FF10] =	vst v16;
	v16 =	vimm.s32 $0x0  }
0x3e: {  	vm4 =	vlt.s32 v56, $0x400;
	vm5 =	vlt.s32 v37, $0x400;
	v16 =	vsel vm0, $0xFFFFFFFF, v16  }
0x3f: {  	v57 =	vnsel vm7, $0x0, v55;
	vm0 =	vlt.s32 v18, $0x1;
	[tilespmem:$0x1FF20] =	vst v16;
	v16 =	vimm.s32 $0x0  }
0x40: {  	vm8 =	vlt.s32 v33, $0x1;
	v16 =	vsel vm0, $0xFFFFFFFF, v16;
	vm0 =	vlt.s32 v33, $0x2  }
0x41: {  	vm12 =	vlt.s32 v32, $0x1;
	v35 =	vsel vm0, $0xFFFFFFFF, v58;
	vm0 =	vlt.s32 v33, $0x3  }
0x42: {  	vm13 =	vlt.s32 v31, $0x1;
	[tilespmem:$0x1FF40] =	vst v35;
	v35 =	vsel vm0, $0xFFFFFFFF, v59;
	vm0 =	vlt.s32 v32, $0x2  }
0x43: {  	vm15 =	vlt.s32 v28, $0x1;
	v33 =	vsel vm0, $0xFFFFFFFF, v60;
	vm0 =	vlt.s32 v32, $0x3  }
0x44: {  	vm10 =	vlt.s32 v29, $0x3;
	[tilespmem:$0x1FF60] =	vst v33;
	v33 =	vsel vm0, $0xFFFFFFFF, v61;
	vm0 =	vlt.s32 v31, $0x2  }
0x45: {  	vm1 =	vlt.s32 v29, $0x1;
	[tilespmem:$0x1FF30] =	vst v16;
	v32 =	vsel vm0, $0xFFFFFFFF, v62;
	vm0 =	vlt.s32 v31, $0x3  }
0x46: {  	v31 =	vimm.s32 $0x0;
	[tilespmem:$0x1FF80] =	vst v32;
	v32 =	vsel vm0, $0xFFFFFFFF, v63;
	vm0 =	vlt.s32 v28, $0x2  }
0x47: {  	v16 =	vand.u32 $0x1F, v26;
	v26 =	vnsel vm6, $0x0, v54;
	[tilespmem:$0x1FF50] =	vst v35;
	v31 =	vsel vm0, $0xFFFFFFFF, v31  }
0x48: {  	v36 =	vadd.s32 $0x400, v26;
	vm0 =	vlt.s32 v28, $0x3;
	[tilespmem:$0x1FFA0] =	vst v31;
	v31 =	vimm.s32 $0x0  }
0x49: {  	[tilespmem:$0x1FF70] =	vst v33;
	v28 =	vimm.s32 $0x0;
	v31 =	vsel vm0, $0xFFFFFFFF, v31;
	vm0 =	vlt.s32 v29, $0x2  }
0x4a: {  	[tilespmem:$0x1FF90] =	vst v32;
	v29 =	vimm.s32 $0x0;
	v28 =	vsel vm0, $0xFFFFFFFF, v28;
	vm0 =	vlt.s32 v30, $0x2  }
0x4b: {  	vm14 =	vlt.s32 v30, $0x1;
	v18 =	vand.u32 $0x1F, v17;
	[tilespmem:$0x1FFB0] =	vst v31;
	v29 =	vsel vm0, $0xFFFFFFFF, v29  }
0x4c: {  	v17 =	vand.u32 $0x1F, v27;
	vm0 =	vlt.s32 v30, $0x3;
	[tilespmem:$0x1FFD0] =	vst v29;
	v29 =	vimm.s32 $0x0  }
0x4d: {  	[tilespmem:$0x1FFC0] =	vst v28;
	v30 =	vimm.s32 $0x0;
	v29 =	vsel vm0, $0xFFFFFFFF, v29;
	vm0 =	vlt.s32 v25, $0x2  }
0x4e: {  	v27 =	vnsel vm5, $0x0, v37;
	v26 =	vnsel vm4, $0x0, v56;
	v28 =	vld.idx.msk [tilespmem:v36+s10+$0x0], $0xffff;
	[tilespmem:$0x1FFE0] =	vst v29;
	v30 =	vsel vm0, $0xFFFFFFFF, v30  }
0x4f: {  	s16 =	simm.s32 $0x40;
	vm9 =	vlt.s32 v25, $0x3;
	v27 =	vadd.s32 $0x800, v27;
	v26 =	vadd.s32 $0xC00, v26;
	v29 =	vld.idx.msk [tilespmem:v57+s10+$0x0], $0xffff;
	[tilespmem:$0x1FFF0] =	vst v30  }
.LBB2_2:
0x50: {  	_ =	sdelay $0x3  }
0x51: {  	v26 =	vld.idx.msk [tilespmem:v26+s10+$0x0], $0xffff  }
0x52: {  	v27 =	vld.idx.msk [tilespmem:v27+s10+$0x0], $0xffff  }
0x53: {  	v35 =	vld [tilespmem:$0x1FF30]  }
0x54: {  	v36 =	vld [tilespmem:$0x1FF00]  }
0x55: {  	v37 =	vld [tilespmem:$0x1FED0]  }
0x56: {  	v38 =	vld [tilespmem:$0x1FEA0]  }
0x57: {  	vm0 =	vlt.s32 v24, $0x3;
	vm2 =	vlt.s32 v24, $0x1;
	v41 =	vld [tilespmem:$0x1FFB0]  }
0x58: {  	vm3 =	vlt.s32 v25, $0x1;
	v42 =	vld [tilespmem:$0x1FF90];
	v29 =	vnsel vm7, $0x0, v29;
	v28 =	vnsel vm6, $0x0, v28  }
0x59: {  	v43 =	vld [tilespmem:$0x1FF70];
	v30 =	vsel vm1, v29, v28;
	v31 =	vsel vm15, v29, v28;
	v32 =	vsel vm13, v29, v28  }
0x5a: {  	v44 =	vld [tilespmem:$0x1FF50];
	v33 =	vsel vm12, v29, v28;
	v34 =	vsel vm8, v29, v28;
	vm6 =	vnez.u8 v35  }
0x5b: {  	v45 =	vld [tilespmem:$0x1FF20];
	v27 =	vnsel vm5, $0x0, v27;
	v26 =	vnsel vm4, $0x0, v26;
	v39 =	vsel vm2, v29, v28  }
0x5c: {  	v46 =	vld [tilespmem:$0x1FEF0];
	v40 =	vsel vm3, v29, v28;
	vm4 =	vnez.u8 v41;
	v35 =	vsel vm6, v29, v28  }
0x5d: {  	v48 =	vld [tilespmem:$0x1FEC0];
	vm6 =	vnez.u8 v36;
	v41 =	vsel vm4, v27, v26;
	vm4 =	vnez.u8 v42  }
0x5e: {  	v49 =	vld [tilespmem:$0x1FE90];
	v47 =	vsel vm0, v27, v26;
	v42 =	vsel vm4, v27, v26;
	vm4 =	vnez.u8 v43  }
0x5f: {  	v51 =	vld [tilespmem:$0x1FFE0];
	v50 =	vsel vm9, v27, v26;
	v43 =	vsel vm4, v27, v26;
	vm4 =	vnez.u8 v44  }
0x60: {  	v36 =	vsel vm6, v29, v28;
	v44 =	vsel vm4, v27, v26;
	vm4 =	vnez.u8 v45  }
0x61: {  	vm6 =	vnez.u8 v37;
	v45 =	vsel vm4, v27, v26;
	vm4 =	vnez.u8 v46  }
0x62: {  	v37 =	vsel vm6, v29, v28;
	v46 =	vsel vm4, v27, v26;
	vm4 =	vnez.u8 v48  }
0x63: {  	vm6 =	vnez.u8 v38;
	v48 =	vsel vm4, v27, v26;
	vm4 =	vnez.u8 v49  }
0x64: {  	v38 =	vsel vm6, v29, v28;
	v49 =	vsel vm4, v27, v26;
	vm4 =	vnez.u8 v51  }
0x65: {  	v28 =	vsel vm14, v29, v28;
	v29 =	vsel vm10, v27, v26;
	v26 =	vsel vm4, v27, v26;
	v27 =	vld [tilespmem:$0x1FFC0];
	_ =	sdelay $0x4  }
0x66: {  	vm4 =	vnez.u8 v27  }
0x67: {  	v27 =	vsel vm4, v30, v29;
	v29 =	vld [tilespmem:$0x1FFA0];
	_ =	sdelay $0x4  }
0x68: {  	v30 =	vld [tilespmem:$0x1FF80];
	vm4 =	vnez.u8 v29  }
0x69: {  	v29 =	vsel vm4, v31, v41;
	v31 =	vld [tilespmem:$0x1FF60];
	_ =	sdelay $0x3  }
0x6a: {  	vm4 =	vnez.u8 v30  }
0x6b: {  	v30 =	vsel vm4, v32, v42;
	vm4 =	vnez.u8 v31  }
0x6c: {  	v31 =	vsel vm4, v33, v43;
	v43 =	vld [tilespmem:$0x1FF40];
	_ =	sdelay $0x4  }
0x6d: {  	vm4 =	vnez.u8 v43  }
0x6e: {  	v32 =	vsel vm4, v34, v44;
	v44 =	vld [tilespmem:$0x1FF10]  }
0x6f: {  	v51 =	vld [tilespmem:$0x1FEE0]  }
0x70: {  	v53 =	vld [tilespmem:$0x1FEB0]  }
0x71: {  	v54 =	vld [tilespmem:$0x1FE80]  }
0x72: {  	vm11 =	vlt.s32 v24, $0x2  }
0x73: {  	v55 =	vld [tilespmem:$0x1FFF0];
	v52 =	vsel vm11, v39, v47;
	vm4 =	vnez.u8 v44  }
0x74: {  	v56 =	vld [tilespmem:$0x1FFD0];
	v27 =	vshrl.u32 v27, v15;
	v33 =	vsel vm4, v35, v45;
	vm4 =	vnez.u8 v51  }
0x75: {  	v35 =	vshrl.u32 v52, v12;
	v34 =	vsel vm4, v36, v46;
	vm4 =	vnez.u8 v53  }
0x76: {  	v57 =	vshrl.u32 v33, v22;
	v36 =	vsel vm4, v37, v48;
	vm4 =	vnez.u8 v54  }
0x77: {  	v35 =	vand.u32 $0x1, v35;
	v58 =	vshrl.u32 v34, v23;
	v37 =	vsel vm4, v38, v49  }
0x78: {  	vm4 =	vnez.u8 v55;
	v36 =	vshrl.u32 v36, v16;
	v33 =	vshll.u32 v58, $0x9  }
0x79: {  	v38 =	vsel vm4, v40, v50;
	vm4 =	vnez.u8 v56;
	v37 =	vshrl.u32 v37, v17  }
0x7a: {  	v60 =	vshll.u32 v36, $0xA;
	v26 =	vsel vm4, v28, v26;
	v59 =	vshrl.u32 v38, v14  }
0x7b: {  	v33 =	vand.u32 $0x200, v33;
	v34 =	vshll.u32 v59, $0x1;
	v26 =	vshrl.u32 v26, v13  }
0x7c: {  	v28 =	vshrl.u32 v29, v18;
	v34 =	vand.u32 $0x2, v34;
	v26 =	vshll.u32 v26, $0x2  }
0x7d: {  	v37 =	vshll.u32 v37, $0xB;
	v26 =	vand.u32 $0x4, v26;
	v34 =	vor.u32 v35, v34  }
0x7e: {  	v29 =	vshrl.u32 v30, v19;
	v61 =	vand.u32 $0x800, v37;
	v26 =	vor.u32 v26, v34  }
0x7f: {  	v30 =	vshrl.u32 v31, v20;
	v62 =	vand.u32 $0x400, v60;
	v26 =	vor.u32 v61, v26  }
0x80: {  	v31 =	vshrl.u32 v32, v21;
	v32 =	vshll.u32 v57, $0x8;
	v26 =	vor.u32 v62, v26  }
0x81: {  	v31 =	vshll.u32 v31, $0x7;
	v32 =	vand.u32 $0x100, v32;
	v26 =	vor.u32 v33, v26  }
0x82: {  	v30 =	vshll.u32 v30, $0x6;
	v31 =	vand.u32 $0x80, v31;
	v26 =	vor.u32 v32, v26  }
0x83: {  	v29 =	vshll.u32 v29, $0x5;
	v30 =	vand.u32 $0x40, v30;
	v26 =	vor.u32 v31, v26  }
0x84: {  	v28 =	vshll.u32 v28, $0x4;
	v29 =	vand.u32 $0x20, v29;
	v26 =	vor.u32 v30, v26  }
0x85: {  	s17 =	sshra.s32 s16, $0x2;
	v27 =	vshll.u32 v27, $0x3;
	v28 =	vand.u32 $0x10, v28;
	v26 =	vor.u32 v29, v26  }
0x86: {  	v27 =	vand.u32 $0x8, v27;
	v26 =	vor.u32 v28, v26;
	v28 =	vld [tilespmem:s17+$0x400]  }
0x87: {  	v26 =	vor.u32 v27, v26  }
0x88: {  	v27 =	vld [tilespmem:s17+$0x0];
	_ =	sdelay $0x1  }
0x89: {  	v30 =	vld [tilespmem:s17+$0xC00]  }
0x8a: {  	v29 =	vld [tilespmem:s17+$0x800];
	vm6 =	vlt.s32 v28, $0x400  }
0x8b: {  	v31 =	vld.idx.msk [tilespmem:v26+s12+$0x0], $0xffff;
	v26 =	vnsel vm6, $0x0, v28  }
0x8c: {  	vm7 =	vlt.s32 v27, $0x400;
	v28 =	vadd.s32 $0x400, v26  }
0x8d: {  	p0 =	sne.s32 s16, $0xFC0;
	v63 =	vnsel vm7, $0x0, v27  }
.Ltmp0:
0x8e: {  	_ = 	snop;
	(pc) =	sbr.rel @p0 .LBB2_2-.Ltmp0, $4  }
0x8f: {  	_ = 	snop  }
0x90: {  	vm4 =	vlt.s32 v30, $0x400;
	vm5 =	vlt.s32 v29, $0x400;
	[tilespmem:s15+$0x3200] =	vst v31  }
0x91: {  	v26 =	vnsel vm4, $0x0, v30;
	v27 =	vnsel vm5, $0x0, v29;
	v28 =	vld.idx.msk [tilespmem:v28+s10+$0x0], $0xffff  }
0x92: {  	s16 =	sadd.s32 $0x40, s16;
	v26 =	vadd.s32 $0xC00, v26;
	v27 =	vadd.s32 $0x800, v27;
	s15 =	smov.u32 s17;
	v29 =	vld.idx.msk [tilespmem:v63+s10+$0x0], $0xffff  }
0x93: {  	_ =	sdelay $0x3  }
0x94: {  	v24 =	vld.idx.msk [tilespmem:v26+s10+$0x0], $0xffff  }
0x95: {  	v25 =	vld.idx.msk [tilespmem:v27+s10+$0x0], $0xffff  }
0x96: {  	v33 =	vld [tilespmem:$0x1FF30]  }
0x97: {  	v34 =	vld [tilespmem:$0x1FF00]  }
0x98: {  	v35 =	vld [tilespmem:$0x1FED0]  }
0x99: {  	v36 =	vld [tilespmem:$0x1FEA0]  }
0x9a: {  	v39 =	vld [tilespmem:$0x1FFB0]  }
0x9b: {  	v40 =	vld [tilespmem:$0x1FF90]  }
0x9c: {  	v41 =	vld [tilespmem:$0x1FF70];
	v60 =	vnsel vm6, $0x0, v28;
	v59 =	vnsel vm7, $0x0, v29  }
0x9d: {  	v47 =	vld [tilespmem:$0x1FE90];
	v28 =	vsel vm1, v59, v60  }
0x9e: {  	v62 =	vld [tilespmem:$0x1FFC0];
	v29 =	vsel vm15, v59, v60;
	v30 =	vsel vm13, v59, v60;
	v31 =	vsel vm12, v59, v60  }
0x9f: {  	v63 =	vld [tilespmem:$0x1FFA0];
	v32 =	vsel vm8, v59, v60;
	vm8 =	vnez.u8 v33;
	vm12 =	vnez.u8 v34  }
0xa0: {  	v42 =	vld [tilespmem:$0x1FF50];
	vm13 =	vnez.u8 v35;
	vm15 =	vnez.u8 v36;
	v25 =	vnsel vm5, $0x0, v25  }
0xa1: {  	v43 =	vld [tilespmem:$0x1FF20];
	v24 =	vnsel vm4, $0x0, v24;
	v26 =	vsel vm14, v59, v60;
	vm5 =	vnez.u8 v39  }
0xa2: {  	v44 =	vld [tilespmem:$0x1FEF0];
	vm6 =	vnez.u8 v40;
	vm7 =	vnez.u8 v41;
	vm14 =	vnez.u8 v47  }
0xa3: {  	v46 =	vld [tilespmem:$0x1FEC0];
	vm4 =	vnez.u8 v62;
	v33 =	vsel vm8, v59, v60;
	v34 =	vsel vm12, v59, v60  }
0xa4: {  	v49 =	vld [tilespmem:$0x1FFE0];
	v35 =	vsel vm13, v59, v60;
	v39 =	vsel vm5, v25, v24;
	vm5 =	vnez.u8 v63  }
0xa5: {  	v36 =	vsel vm15, v59, v60;
	v61 =	vsel vm10, v25, v24;
	v27 =	vsel vm5, v29, v39;
	v39 =	vld [tilespmem:$0x1FF80]  }
0xa6: {  	v40 =	vsel vm6, v25, v24;
	v41 =	vsel vm7, v25, v24;
	vm8 =	vnez.u8 v42  }
0xa7: {  	vm10 =	vnez.u8 v43;
	vm12 =	vnez.u8 v44;
	v45 =	vsel vm0, v25, v24  }
0xa8: {  	vm13 =	vnez.u8 v46;
	v47 =	vsel vm14, v25, v24;
	v48 =	vsel vm9, v25, v24  }
0xa9: {  	vm15 =	vnez.u8 v49;
	v42 =	vsel vm8, v25, v24;
	v43 =	vsel vm10, v25, v24  }
0xaa: {  	v51 =	vld [tilespmem:$0x1FEB0];
	v44 =	vsel vm12, v25, v24;
	v46 =	vsel vm13, v25, v24;
	vm6 =	vnez.u8 v39  }
0xab: {  	v24 =	vsel vm15, v25, v24;
	v25 =	vsel vm4, v28, v61;
	v28 =	vsel vm6, v30, v40;
	v40 =	vld [tilespmem:$0x1FF60]  }
0xac: {  	v53 =	vld [tilespmem:$0x1FFF0]  }
0xad: {  	v54 =	vld [tilespmem:$0x1FFD0]  }
0xae: {  	v52 =	vld [tilespmem:$0x1FE80];
	_ =	sdelay $0x1  }
0xaf: {  	v37 =	vsel vm2, v59, v60;
	v49 =	vld [tilespmem:$0x1FEE0];
	vm7 =	vnez.u8 v40  }
0xb0: {  	v38 =	vsel vm3, v59, v60;
	vm14 =	vnez.u8 v53;
	v29 =	vsel vm7, v31, v41;
	v41 =	vld [tilespmem:$0x1FF40]  }
0xb1: {  	v50 =	vsel vm11, v37, v45;
	vm12 =	vnez.u8 v51;
	vm15 =	vnez.u8 v54  }
0xb2: {  	vm13 =	vnez.u8 v52;
	v24 =	vsel vm15, v26, v24;
	v15 =	vshrl.u32 v25, v15  }
0xb3: {  	v18 =	vshrl.u32 v27, v18;
	v12 =	vshrl.u32 v50, v12;
	v13 =	vshrl.u32 v24, v13  }
0xb4: {  	v12 =	vand.u32 $0x1, v12;
	v13 =	vshll.u32 v13, $0x2;
	vm10 =	vnez.u8 v49  }
0xb5: {  	v13 =	vand.u32 $0x4, v13;
	v19 =	vshrl.u32 v28, v19;
	vm8 =	vnez.u8 v41  }
0xb6: {  	v20 =	vshrl.u32 v29, v20;
	v30 =	vsel vm8, v32, v42;
	v42 =	vld [tilespmem:$0x1FF10];
	v32 =	vsel vm10, v34, v44  }
0xb7: {  	v34 =	vsel vm12, v35, v46;
	v35 =	vsel vm13, v36, v47;
	v36 =	vsel vm14, v38, v48  }
0xb8: {  	v21 =	vshrl.u32 v30, v21;
	v23 =	vshrl.u32 v32, v23;
	v14 =	vshrl.u32 v36, v14  }
0xb9: {  	v16 =	vshrl.u32 v34, v16;
	v17 =	vshrl.u32 v35, v17;
	v14 =	vshll.u32 v14, $0x1  }
0xba: {  	v17 =	vshll.u32 v17, $0xB;
	v55 =	vshll.u32 v16, $0xA;
	v14 =	vand.u32 $0x2, v14  }
0xbb: {  	v57 =	vshll.u32 v23, $0x9;
	v12 =	vor.u32 v12, v14;
	vm9 =	vnez.u8 v42  }
0xbc: {  	v56 =	vand.u32 $0x800, v17;
	v12 =	vor.u32 v13, v12;
	v31 =	vsel vm9, v33, v43  }
0xbd: {  	v14 =	vand.u32 $0x400, v55;
	v12 =	vor.u32 v56, v12;
	v22 =	vshrl.u32 v31, v22  }
0xbe: {  	v13 =	vand.u32 $0x200, v57;
	v12 =	vor.u32 v14, v12;
	v58 =	vshll.u32 v22, $0x8  }
0xbf: {  	v59 =	vshll.u32 v21, $0x7;
	v12 =	vor.u32 v13, v12;
	v16 =	vand.u32 $0x100, v58  }
0xc0: {  	v60 =	vshll.u32 v20, $0x6;
	v14 =	vand.u32 $0x80, v59;
	v12 =	vor.u32 v16, v12  }
0xc1: {  	v61 =	vshll.u32 v19, $0x5;
	v13 =	vand.u32 $0x40, v60;
	v12 =	vor.u32 v14, v12  }
0xc2: {  	v62 =	vshll.u32 v18, $0x4;
	v16 =	vand.u32 $0x20, v61;
	v12 =	vor.u32 v13, v12  }
0xc3: {  	v63 =	vshll.u32 v15, $0x3;
	v14 =	vand.u32 $0x10, v62;
	v12 =	vor.u32 v16, v12  }
0xc4: {  	v13 =	vand.u32 $0x8, v63;
	v12 =	vor.u32 v14, v12  }
0xc5: {  	v12 =	vor.u32 v13, v12;
	_ =	sdelay $0x4  }
0xc6: {  	v12 =	vld.idx.msk [tilespmem:v12+s12+$0x0], $0xffff;
	_ =	sdelay $0x2  }
0xc7: {  	s14 =	sadd.s32 $0x1, s14  }
0xc8: {  	p0 =	sne.s32 s14, s8  }
.Ltmp1:
0xc9: {  	[tilespmem:s15+$0x3200] =	vst v12;
	(pc) =	sbr.rel @p0 .LBB2_1-.Ltmp1, $4  }
0xca: {  	[hbm4b:s7+s2] =	stream.linear.scatter [tilespmem:s13], [sflag:$0x1], $0x400, $0x38;
	[tilespmem:$0x3600] =	vst v63  }
0xcb: {  	_ =	swait.ge [sflag:s9], $0x400  }
0xcc: {  	[sflag:s9] =	ssyncset.done $0x0  }
0xcd: {  	[sflag:s9] =	ssyncadd.s32 $0xFFFFFC00  }
0xce: {  	_ =	sfence.sel $0x180000  }
0xcf: {  	[bflag:$0x0] =	sbarrier.arrive $0xFFFF  }
0xd0: {  	p0 =	sne.s32 s0, $0x0;
	_ =	strace $0x9000004D  }
0xd1: {  	s0 =	sadd.s32 @!p0 $0x100000, s1;
	[bflag:$0x2] =	sbarrier.arrive $0xFFFF  }
0xd2: {  	[sflag:s0] =	ssyncadd.tile.s32 @!p0 $0x1;
	_ =	shalt  }
.Lfunc_end2:
_tile_overlayer_lowered:
.L_overlay_start_2:
0xd3: {  	(tag) =	ssettag $0x2  }
0xd4: {  	s0 =	rddreg [dreg:$0x0];
	s2 =	stileid.u32  }
0xd5: {  	s1 =	rddreg [dreg:$0x1];
	p0 =	sne.s32 s2, $0x0  }
0xd6: {  	s3 =	rddreg [dreg:$0x2];
	[bflag:$0x3] =	sbarrier.arrive $0xFFFF;
	s2 =	simm.s32 @!p0 $0x1C01  }
0xd7: {  	[timem:s3], [sflag:s2] =	dma.local @!p0 [hbm:s0], s1  }
0xd8: {  	s0 =	simm.s32 @!p0 $0x1  }
0xd9: {  	_ =	swait.ge @!p0 [sflag:s0], s1  }
0xda: {  	s1 =	ssub.s32 @!p0 $0x0, s1;
	[sflag:s0] =	ssyncset.done @!p0 $0x0  }
0xdb: {  	[sflag:s0] =	ssyncadd.s32 @!p0 s1  }
0xdc: {  	[bflag:$0x3] =	sbarrier.arrive $0xFFFF  }
0xdd: {  	_ =	shalt  }

// kernel: sparse-core-data-format-call.cloned.1.call-start
scs
called_computation_lowered:
.L_overlay_start_0:
0x0: {  	s2 =	sld [smem:$0x3FD9]  }
0x1: {  	s3 =	sld [smem:$0x3FFE];
	_ =	sdelay $0x1  }
0x2: {  	s1 =	srdreg.scid  }
0x3: {  	s0 =	sand.u32 $0x1, s1  }
0x4: {  	s18 =	sshll.u32 s0, $0xA;
	s2 =	sadd.s32 s3, s2  }
0x5: {  	s2 =	sadd.s32 s2, s18  }
0x6: {  	[smem:$0x3FC1] =	sst s2  }
0x7: {  	_ = 	snop  }
0x8: {  	s2 =	sld [smem:$0x3FC8];
	(tm) =	ssettm $0x1  }
0x9: {  	s19 =	sld [smem:$0x3FFB];
	_ =	sdelay $0x3  }
0xa: {  	_ =	strace s19  }
0xb: {  	s3 =	sld [smem:$0x3FFC];
	_ =	sdelay $0x3  }
0xc: {  	_ =	strace s3  }
0xd: {  	s3 =	sld [smem:$0x3FFD];
	_ =	sdelay $0x3  }
0xe: {  	_ =	strace s3  }
0xf: {  	_ =	strace $0x8FFFFFFF  }
0x10: {  	s20 =	sld [smem:$0x3FDB];
	_ =	sdelay $0x1  }
0x11: {  	s4 =	simm.s32 $_scs_section_size  }
0x12: {  	s5 =	simm.s32 $_size__tile_overlayer_lowered;
	s6 =	simm.s32 $_tile_overlayer_lowered  }
0x13: {  	s23 =	simm.s32 $0x1BFF;
	s22 =	sshll.u32 s6, $0x1;
	s3 =	sadd.s32 s4, s20  }
0x14: {  	s7 =	simm.s32 $0x0;
	s21 =	sshll.u32 s5, $0x1;
	s5 =	sadd.s32 s22, s3  }
0x15: {  	[timem:s7], [sflag:s23] =	dma.local [hbm:s5], s21  }
0x16: {  	_ =	swait.ge [sflag:s23], s21  }
0x17: {  	s4 =	ssub.s32 $0x0, s21;
	[sflag:s23] =	ssyncset.done $0x0  }
0x18: {  	[sflag:s23] =	ssyncadd.s32 s4;
	_ =	sdelay $0x1  }
0x19: {  	s24 =	simm.s32 $0x1B8B  }
0x1a: {  	_ =	swait.ge [sflag:s24], $0x1  }
0x1b: {  	[sflag:s24] =	ssyncset.done $0x0  }
0x1c: {  	s26 =	simm.s32 $0x1B8E;
	s25 =	sld [smem:$0x3FFE];
	[sflag:s24] =	ssyncadd.s32 $0xFFFFFFFF  }
0x1d: {  	s27 =	simm.s32 $execute0_lowered;
	[smem:$0x3FD2] =	sst s26  }
0x1e: {  	s5 =	sshll.u32 s27, $0x1;
	_ =	strace $0x80000046;
	[dreg:$0x1] =	wrdreg $0xFFFFFFFF  }
0x1f: {  	s28 =	simm.s32 $_size_execute0_lowered;
	s3 =	sadd.s32 s3, s5;
	[dreg:$0x0] =	wrdreg $0x0  }
0x20: {  	s5 =	sshll.u32 s28, $0x1;
	[dreg:$0x2] =	wrdreg s3  }
0x21: {  	[dreg:$0x3] =	wrdreg s5  }
0x22: {  	[dreg:$0x4] =	wrdreg $0xC0  }
0x23: {  	_ =	task [dreg:s7], $0x5FFFF  }
0x24: {  	[dreg:$0x1] =	wrdreg $0xFFFFFFFF  }
0x25: {  	[dreg:$0x0] =	wrdreg $0x60  }
0x26: {  	[dreg:$0x2] =	wrdreg s2  }
0x27: {  	[dreg:$0x3] =	wrdreg s25  }
0x28: {  	[dreg:$0x4] =	wrdreg $0x9  }
0x29: {  	_ =	task.clear_ibuf [dreg:s7], $0x5FFFF;
	_ =	strace $0x90000046  }
0x2a: {  	s29 =	simm.s32 $0x9;
	_ =	strace $0x80000048  }
0x2b: {  	_ =	swait.ge [sflag:s29], $0x1  }
0x2c: {  	[sflag:s29] =	ssyncadd.s32 $0xFFFFFFFF  }
0x2d: {  	_ =	strace $0x90000048  }
0x2e: {  	_ =	sfence  }
0x2f: {  	s30 =	sld [smem:$0x0];
	_ =	sdelay $0x2  }
0x30: {  	s31 =	sshll.u32 s1, $0xD;
	s1 =	sshrl.u32 s1, $0x2  }
0x31: {  	s3 =	sand.u32 $0x4000, s31;
	s1 =	sadd.s32 s1, s30  }
0x32: {  	s0 =	sor.u32 s3, s0;
	s1 =	sshll.u32 s1, $0x11  }
0x33: {  	s0 =	sor.u32 s1, s0  }
0x34: {  	s0 =	sadd.s32 $0x8F2B, s0  }
0x35: {  	[sflag:s0] =	ssyncadd.remote.s32 $0x1  }
0x36: {  	_ =	sfence.sel $0xFFFF  }
0x37: {  	[dreg:$0x0] =	wrdreg $0xFFFFFFFF;
	(pc) =	sbr.abs _section_cstart, $3  }
0x38: {  	[dreg:$0x1] =	wrdreg $0xFFFFFFFF  }
0x39: {  	_ =	task.clear_ibuf [dreg:s7], $0x2FFFF;
	_ =	strace $0x9FFFFFFF  }
0x3a: {  	(tm) =	ssettm $0x7FFFFFFF  }
0x3b: {  	_ =	shalt  }
tec
execute0_lowered:
.L_overlay_start_1:
0x0: {  	(tag) =	ssettag $0x1  }
0x1: {  	s0 =	srdreg.scid  }
0x2: {  	s2 =	rddreg [dreg:$0x0];
	s1 =	sshll.u32 s0, $0x4  }
0x3: {  	s5 =	rddreg [dreg:$0x1];
	s0 =	stileid.u32;
	s1 =	sand.u32 $0x10, s1  }
0x4: {  	s4 =	simm.s32 $0x1;
	s8 =	simm.s32 $0x2;
	s1 =	sor.u32 s0, s1  }
0x5: {  	s13 =	simm.s32 $0x0;
	s9 =	simm.s32 $0x400000;
	s3 =	sshll.u32 s1, $0x5  }
0x6: {  	s10 =	simm.s32 $0x0;
	s12 =	simm.s32 $0x0;
	s6 =	ssub.s32 $0x8000, s3  }
.Ltmp0:
0x7: {  	s5 =	sadd.s32 $0xE00, s5;
	s7 =	sand.u32 $0x3E0, s6;
	(pc) =	sbr.rel .LBB1_1-.Ltmp0, $4  }
0x8: {  	s1 =	rddreg [dreg:$0x2];
	p0 =	sne.s32 s7, $0x0;
	s7 =	simm.s32 $0x1  }
0x9: {  	_ =	strace $0x80000047;
	s6 =	sshrl.u32 s6, $0xA;
	s7 =	simm.s32 @!p0 $0x0  }
0xa: {  	[sflag:s4] =	ssyncpa.u1 $0x0;
	s11 =	smov.u32 s3;
	s6 =	sadd.s32 s7, s6  }
0xb: {  	[sflag:s8] =	ssyncpa.u1 $0x0;
	s8 =	simm.s32 $0x1000;
	s7 =	sadd.s32 $0x1, s6  }
.LBB1_7:
0xc: {  	s15 =	sadd.s32 $0x400, s11  }
0xd: {  	p1 =	sgt.s32 s15, $0x7FFF  }
0xe: {  	s15 =	smov.u32 @p1 s3;
	p1 =	sne.s32 s12, s7  }
.Ltmp1:
0xf: {  	p0 =	slt.u32 s12, $0x2;
	(pc) =	sbr.rel @!p1 .LBB1_8-.Ltmp1, $4  }
0x10: {  	s14 =	simm.s32 @!p0 $0x2  }
0x11: {  	s16 =	sadd.s32 $0x1, s12;
	_ =	swait.ge @!p0 [sflag:s14], $0x4000  }
0x12: {  	s13 =	smov.u32 s11;
	s10 =	sadd.s32 $0x4000, s10;
	[sflag:s14] =	ssyncset.done @!p0 $0x0  }
0x13: {  	s12 =	smov.u32 s16;
	s11 =	smov.u32 s15;
	[sflag:s14] =	ssyncadd.s32 @!p0 $0xFFFFC000  }
.LBB1_1:
0x14: {  	p0 =	sge.u32 s12, s6  }
0x15: {  	s14 =	sxor.u32 @!p0 $0xFFFFFFFF, s12  }
0x16: {  	s31 =	sadd.s32 $0xFFFFFFFF, s12;
	s15 =	sshll.u32 @!p0 s11, $0x6;
	s14 =	sshll.u32 @!p0 s14, $0xE  }
0x17: {  	s16 =	simm.s32 @!p0 $0x0;
	s15 =	sadd.s32 @!p0 s2, s15;
	s14 =	sand.u32 @!p0 $0x4000, s14  }
0x18: {  	[tilespmem:s14], [sflag:$0x1] =	stream.linear.gather @!p0 [hbm4b:s15+s16], $0x4000, $0x38;
	[tilespmem:$0x10000] =	vst v63  }
0x19: {  	p0 =	sge.u32 s31, s6  }
.Ltmp2:
0x1a: {  	_ = 	snop;
	(pc) =	sbr.rel @p0 .LBB1_7-.Ltmp2, $1  }
0x1b: {  	_ =	sdelay $0x3  }
0x1c: {  	s15 =	sand.u32 $0x4000, s10  }
0x1d: {  	_ =	swait.ge [sflag:s4], $0x4000;
	s17 =	sshll.u32 s12, $0xE;
	s14 =	sor.u32 $0x8040, s15  }
0x1e: {  	s16 =	sor.u32 $0x40, s15;
	[sflag:s4] =	ssyncset.done $0x0;
	s31 =	sand.u32 $0x4000, s17  }
0x1f: {  	s17 =	simm.s32 $0x0;
	[sflag:s4] =	ssyncadd.s32 $0xFFFFC000;
	s15 =	sor.u32 $0x8000, s31  }
.LBB1_3:
0x20: {  	v0 =	vmov s16;
	_ =	sdelay $0x3  }
0x21: {  	s19 =	simm.s32 $0x0  }
0x22: {  	v6 =	vld.idx.msk [tilespmem:v0+s19+$0x30 ss:$0x1], $0xffff  }
0x23: {  	v7 =	vld.idx.msk [tilespmem:v0+s19+$0xFFFFFFC0 ss:$0x1], $0xffff  }
0x24: {  	v5 =	vld.idx.msk [tilespmem:v0+s19+$0xFFFFFFD0 ss:$0x1], $0xffff  }
0x25: {  	v4 =	vld.idx.msk [tilespmem:v0+s19+$0xFFFFFFE0 ss:$0x1], $0xffff  }
0x26: {  	v3 =	vld.idx.msk [tilespmem:v0+s19+$0xFFFFFFF0 ss:$0x1], $0xffff  }
0x27: {  	v1 =	vld.idx.msk [tilespmem:v0+s19+$0x0 ss:$0x1], $0xffff  }
0x28: {  	v2 =	vld.idx.msk [tilespmem:v0+s19+$0x10 ss:$0x1], $0xffff;
	[tilespmem:s14+$0x30] =	vst v6  }
0x29: {  	s18 =	simm.s32 $0x80;
	s20 =	simm.s32 $0x400;
	[tilespmem:s14+$0xFFFFFFC0] =	vst v7;
	v6 =	vld.idx.msk [tilespmem:v0+s19+$0x20 ss:$0x1], $0xffff;
	s19 =	smov.u32 s14  }
.LBB1_4:
0x2a: {  	p0 =	sne.s32 s20, $0x600;
	v7 =	vld.idx.msk [tilespmem:v0+s18+$0x30 ss:$0x1], $0xffff;
	[tilespmem:s19+$0xFFFFFFD0] =	vst v5  }
0x2b: {  	v8 =	vld.idx.msk [tilespmem:v0+s18+$0xFFFFFFC0 ss:$0x1], $0xffff;
	[tilespmem:s19+$0xFFFFFFE0] =	vst v4  }
0x2c: {  	v5 =	vld.idx.msk [tilespmem:v0+s18+$0xFFFFFFD0 ss:$0x1], $0xffff;
	[tilespmem:s19+$0xFFFFFFF0] =	vst v3  }
.Ltmp3:
0x2d: {  	v4 =	vld.idx.msk [tilespmem:v0+s18+$0xFFFFFFE0 ss:$0x1], $0xffff;
	[tilespmem:s19+$0x0] =	vst v1;
	(pc) =	sbr.rel @p0 .LBB1_4-.Ltmp3, $4  }
0x2e: {  	v3 =	vld.idx.msk [tilespmem:v0+s18+$0xFFFFFFF0 ss:$0x1], $0xffff;
	[tilespmem:s19+$0x10] =	vst v2  }
0x2f: {  	v1 =	vld.idx.msk [tilespmem:v0+s18+$0x0 ss:$0x1], $0xffff;
	[tilespmem:s19+$0x20] =	vst v6;
	s19 =	sadd.s32 $0x1000, s19  }
0x30: {  	v2 =	vld.idx.msk [tilespmem:v0+s18+$0x10 ss:$0x1], $0xffff;
	[tilespmem:s19+$0x30] =	vst v7  }
0x31: {  	[tilespmem:s19+$0xFFFFFFC0] =	vst v8;
	v6 =	vld.idx.msk [tilespmem:v0+s18+$0x20 ss:$0x1], $0xffff;
	s18 =	sshra.s32 s20, $0x2;
	s20 =	sadd.s32 $0x200, s20  }
0x32: {  	_ =	sdelay $0x2  }
0x33: {  	[tilespmem:s19+$0xFFFFFFD0] =	vst v5  }
0x34: {  	v56 =	vld.idx.msk [tilespmem:v0+s18+$0x30 ss:$0x1], $0xffff;
	[tilespmem:s19+$0xFFFFFFE0] =	vst v4  }
0x35: {  	v57 =	vld.idx.msk [tilespmem:v0+s18+$0xFFFFFFC0 ss:$0x1], $0xffff;
	[tilespmem:s19+$0xFFFFFFF0] =	vst v3  }
0x36: {  	v58 =	vld.idx.msk [tilespmem:v0+s18+$0xFFFFFFD0 ss:$0x1], $0xffff;
	[tilespmem:s19+$0x0] =	vst v1  }
0x37: {  	v59 =	vld.idx.msk [tilespmem:v0+s18+$0xFFFFFFE0 ss:$0x1], $0xffff;
	[tilespmem:s19+$0x10] =	vst v2  }
0x38: {  	v60 =	vld.idx.msk [tilespmem:v0+s18+$0xFFFFFFF0 ss:$0x1], $0xffff;
	s31 =	sadd.s32 $0x1000, s19;
	[tilespmem:s19+$0x20] =	vst v6  }
0x39: {  	v61 =	vld.idx.msk [tilespmem:v0+s18+$0x0 ss:$0x1], $0xffff;
	[tilespmem:s31+$0x30] =	vst v56  }
0x3a: {  	v62 =	vld.idx.msk [tilespmem:v0+s18+$0x10 ss:$0x1], $0xffff;
	s17 =	sadd.s32 $0x1, s17;
	[tilespmem:s31+$0xFFFFFFC0] =	vst v57  }
0x3b: {  	v63 =	vld.idx.msk [tilespmem:v0+s18+$0x20 ss:$0x1], $0xffff;
	p0 =	sne.s32 s17, $0x20;
	[tilespmem:s31+$0xFFFFFFD0] =	vst v58  }
.Ltmp4:
0x3c: {  	[tilespmem:s31+$0xFFFFFFE0] =	vst v59;
	(pc) =	sbr.rel @p0 .LBB1_3-.Ltmp4, $4  }
0x3d: {  	[tilespmem:s31+$0xFFFFFFF0] =	vst v60  }
0x3e: {  	[tilespmem:s31+$0x0] =	vst v61  }
0x3f: {  	[tilespmem:s31+$0x10] =	vst v62  }
0x40: {  	s14 =	sadd.s32 $0x80, s14;
	s16 =	sadd.s32 $0x200, s16;
	[tilespmem:s31+$0x20] =	vst v63  }
.Ltmp5:
0x41: {  	(pc) =	sbr.rel .LBB1_7-.Ltmp5, $4  }
0x42: {  	s13 =	sshll.u32 s13, $0x4  }
0x43: {  	s13 =	sand.u32 $0x7FFF0, s13  }
0x44: {  	s13 =	sadd.s32 s5, s13  }
0x45: {  	[hbm4b:s13+s8] =	stream.strided.scatter [tilespmem:s15], [sflag:$0x2], $0x4000, s9, s8, $0x38;
	[tilespmem:$0x10000] =	vst v63  }
.LBB1_8:
0x46: {  	_ =	sfence.sel $0x180000  }
0x47: {  	s2 =	simm.s32 $0x1;
	[bflag:$0x0] =	sbarrier.arrive $0xFFFF  }
0x48: {  	s31 =	simm.s32 $0x2;
	[sflag:s2] =	ssyncpa.u1 $0x1  }
0x49: {  	[sflag:s31] =	ssyncpa.u1 $0x1  }
0x4a: {  	p0 =	sne.s32 s0, $0x0;
	_ =	strace $0x90000047  }
0x4b: {  	s0 =	sadd.s32 @!p0 $0x100000, s1;
	[bflag:$0x2] =	sbarrier.arrive $0xFFFF  }
0x4c: {  	[sflag:s0] =	ssyncadd.tile.s32 @!p0 $0x1;
	_ =	shalt  }
.Lfunc_end1:
_tile_overlayer_lowered:
.L_overlay_start_2:
0x4d: {  	(tag) =	ssettag $0x2  }
0x4e: {  	s0 =	rddreg [dreg:$0x0];
	s2 =	stileid.u32  }
0x4f: {  	s1 =	rddreg [dreg:$0x1];
	p0 =	sne.s32 s2, $0x0  }
0x50: {  	s3 =	rddreg [dreg:$0x2];
	[bflag:$0x3] =	sbarrier.arrive $0xFFFF;
	s2 =	simm.s32 @!p0 $0x1C01  }
0x51: {  	[timem:s3], [sflag:s2] =	dma.local @!p0 [hbm:s0], s1  }
0x52: {  	s0 =	simm.s32 @!p0 $0x1  }
0x53: {  	_ =	swait.ge @!p0 [sflag:s0], s1  }
0x54: {  	s1 =	ssub.s32 @!p0 $0x0, s1;
	[sflag:s0] =	ssyncset.done @!p0 $0x0  }
0x55: {  	[sflag:s0] =	ssyncadd.s32 @!p0 s1  }
0x56: {  	[bflag:$0x3] =	sbarrier.arrive $0xFFFF  }
0x57: {  	_ =	shalt  }

</sc_bundles>
